<compile_context>
chip_gen: v7x
topology: tpu7x:2x2x1
jax: 0.10.2.dev20260603
libtpu: 0.0.44.dev20260713+nightly
codegen_flags: <defaults>
</compile_context>

<pallas_src>
import functools

import jax
import jax.numpy as jnp
from jax import lax
from jax.experimental import pallas as pl
from jax.experimental.pallas import tpu as pltpu
from jax.experimental.pallas import tpu_sc as plsc

EMB = 32
L = 200
SROW = 256
NC = 2
NS = 16
NW = NC * NS
BS = 16
IDXB = BS * SROW
G = 32
GCOV = 224
NG = GCOV // G
LANES = 16
PREPB = 256


def _prep_body(x_ref, idx_ref, len_ref):
    x = x_ref[...]
    idx_ref[...] = jnp.pad(x * 4, ((0, 0), (0, SROW - L)),
                           constant_values=1)
    len_ref[...] = jnp.sum((x != 0).astype(jnp.float32), axis=1)


def kernel(input_x, table):
    B = input_x.shape[0]
    assert input_x.shape[1] == L and table.shape[1] == EMB
    assert B % (NW * BS) == 0
    tbl4 = jnp.pad(table, ((0, 0), (0, 128 - EMB))).reshape(-1, EMB)

    idx4, lens = pl.pallas_call(
        _prep_body,
        grid=(B // PREPB,),
        in_specs=[pl.BlockSpec((PREPB, L), lambda i: (i, 0))],
        out_specs=[pl.BlockSpec((PREPB, SROW), lambda i: (i, 0)),
                   pl.BlockSpec((PREPB,), lambda i: (i,))],
        out_shape=[jax.ShapeDtypeStruct((B, SROW), jnp.int32),
                   jax.ShapeDtypeStruct((B,), jnp.float32)],
    )(input_x.astype(jnp.int32))
    idx_flat = idx4.reshape(-1)
    lens_flat = lens

    S = B // NW
    NBLK = S // BS

    mesh = plsc.VectorSubcoreMesh(core_axis_name="c", subcore_axis_name="s")

    @functools.partial(
        pl.kernel,
        out_type=jax.ShapeDtypeStruct((B * EMB,), jnp.float32),
        mesh=mesh,
        scratch_types=[
            pltpu.VMEM((4, IDXB), jnp.int32),
            pltpu.VMEM((3, BS, G, EMB), jnp.float32),
            pltpu.VMEM((2, BS * EMB), jnp.float32),
            pltpu.VMEM((4, LANES), jnp.float32),
            pltpu.SemaphoreType.DMA,
            pltpu.SemaphoreType.DMA,
            pltpu.SemaphoreType.DMA,
            pltpu.SemaphoreType.DMA,
            pltpu.SemaphoreType.DMA,
            pltpu.SemaphoreType.DMA,
        ],
        compiler_params=pltpu.CompilerParams(
            needs_layout_passes=False, use_tc_tiling_on_sc=False),
    )
    def run(idx_hbm, lens_hbm, table_hbm, out_hbm, idx_v, acc_v, res_v, cnt_v,
            sem_idx, semA0, semA1, semB0, semB1, sem_out):
        wid = lax.axis_index("s") * NC + lax.axis_index("c")
        base = wid * S
        lane = lax.broadcasted_iota(jnp.int32, (LANES,), 0)
        zeros = jnp.zeros((LANES,), jnp.float32)

        def stage(b):
            pltpu.async_copy(
                idx_hbm.at[pl.ds((base + b * BS) * SROW, IDXB)],
                idx_v.at[b % 4], sem_idx)
            pltpu.async_copy(
                lens_hbm.at[pl.ds(base + b * BS, BS)],
                cnt_v.at[b % 4], sem_idx)

        def fireA(b):
            ib = idx_v.at[b % 4]
            ab = acc_v.at[b % 3]
            pltpu.make_async_copy(
                idx_hbm.at[pl.ds((base + b * BS) * SROW, IDXB)],
                ib, sem_idx).wait()
            pltpu.make_async_copy(
                lens_hbm.at[pl.ds(base + b * BS, BS)],
                cnt_v.at[b % 4], sem_idx).wait()

            def phaseA(sem):
                def body(s, c):
                    pltpu.async_copy(
                        table_hbm.at[ib.at[pl.ds(s * SROW, G)]], ab.at[s],
                        sem)
                    return c
                lax.fori_loop(0, BS, body, 0)

            @pl.when(b % 2 == 0)
            def _():
                phaseA(semA0)

            @pl.when(b % 2 == 1)
            def _():
                phaseA(semA1)

        def fireB(b):
            ib = idx_v.at[b % 4]
            ab = acc_v.at[b % 3]

            def drainA(sem):
                def body(s, c):
                    pltpu.make_async_copy(
                        table_hbm.at[ib.at[pl.ds(s * SROW, G)]], ab.at[s],
                        sem).wait()
                    return c
                lax.fori_loop(0, BS, body, 0)

            @pl.when(b % 2 == 0)
            def _():
                drainA(semA0)

            @pl.when(b % 2 == 1)
            def _():
                drainA(semA1)

            def phaseB(sem):
                def body(s, c):
                    for k in range(1, NG):
                        pltpu.async_copy(
                            table_hbm.at[ib.at[pl.ds(s * SROW + k * G, G)]],
                            ab.at[s], sem, add=True)
                    return c
                lax.fori_loop(0, BS, body, 0)

            @pl.when(b % 2 == 0)
            def _():
                phaseB(semB0)

            @pl.when(b % 2 == 1)
            def _():
                phaseB(semB1)

        def compute(b):
            ib = idx_v.at[b % 4]
            ab = acc_v.at[b % 3]
            rb = res_v.at[b % 2]

            def drainB(sem):
                def body(s, c):
                    for k in range(1, NG):
                        pltpu.make_async_copy(
                            table_hbm.at[ib.at[pl.ds(s * SROW + k * G, G)]],
                            ab.at[s], sem).wait()
                    return c
                lax.fori_loop(0, BS, body, 0)

            @pl.when(b % 2 == 0)
            def _():
                drainB(semB0)

            @pl.when(b % 2 == 1)
            def _():
                drainB(semB1)

            @pl.when(b >= 2)
            def _():
                pltpu.make_async_copy(
                    res_v.at[b % 2],
                    out_hbm.at[pl.ds((base + (b - 2) * BS) * EMB, BS * EMB)],
                    sem_out).wait()

            def sample_body(s, c):
                a0, a1, b0, b1 = zeros, zeros, zeros, zeros
                for r in range(0, G, 2):
                    a0 = a0 + ab[s, r, pl.ds(0, LANES)]
                    a1 = a1 + ab[s, r, pl.ds(LANES, LANES)]
                    b0 = b0 + ab[s, r + 1, pl.ds(0, LANES)]
                    b1 = b1 + ab[s, r + 1, pl.ds(LANES, LANES)]
                rb[pl.ds(s * EMB, LANES)] = a0 + b0
                rb[pl.ds(s * EMB + LANES, LANES)] = a1 + b1
                return c
            lax.fori_loop(0, BS, sample_body, 0)

            cntf = cnt_v[b % 4, pl.ds(0, LANES)]
            tcol = lane * EMB
            for e in range(EMB):
                col = plsc.load_gather(rb, [tcol + e])
                plsc.store_scatter(rb, [tcol + e], col / cntf)

            pltpu.async_copy(
                rb, out_hbm.at[pl.ds((base + b * BS) * EMB, BS * EMB)],
                sem_out)

        stage(0)
        stage(1)
        stage(2)
        fireA(0)
        fireA(1)
        fireB(0)

        def iter_body(b, c):
            @pl.when(b + 3 < NBLK)
            def _():
                stage(b + 3)

            @pl.when(b + 2 < NBLK)
            def _():
                fireA(b + 2)

            @pl.when(b + 1 < NBLK)
            def _():
                fireB(b + 1)
            compute(b)
            return c
        lax.fori_loop(0, NBLK, iter_body, 0)

        pltpu.make_async_copy(
            res_v.at[0],
            out_hbm.at[pl.ds((base + (NBLK - 2) * BS) * EMB, BS * EMB)],
            sem_out).wait()
        pltpu.make_async_copy(
            res_v.at[0],
            out_hbm.at[pl.ds((base + (NBLK - 1) * BS) * EMB, BS * EMB)],
            sem_out).wait()

    return run(idx_flat, lens_flat, tbl4).reshape(B, EMB)

# --- scband reference (transcript-rebuilt; emitter-appended) ---
"""Pipeline reference for scband-ave-emb-encoder-24893630448160 (READ-ONLY COPY).

The authoritative reference and input builder live on the scoring server;
editing this copy changes nothing except your own understanding.
"""

import jax, jax.numpy as jnp
import numpy as np

VOCAB = 1000000
EMB = 32
B = 16384
L = 200

def setup_inputs(seed: int = 0) -> dict:
    key = jax.random.key(seed)
    k1, k2 = jax.random.split(key)
    input_x = jax.random.randint(k1, (B, L), 0, VOCAB, dtype=jnp.int64)
    # xavier_uniform for embedding table [vocab, emb]
    bound = float(np.sqrt(6.0 / (VOCAB + EMB)))
    table = jax.random.uniform(k2, (VOCAB, EMB), dtype=jnp.float32, minval=-bound, maxval=bound)
    return {"input_x": input_x, "table": table}

def reference(input_x, table):
    # inputs_len = (input_x != 0).sum(dim=1, keepdim=True).float()
    inputs_len = (input_x != 0).sum(axis=1, keepdims=True).astype(jnp.float32)
    # x_wrd = self.lookup(input_x)  -> gather rows
    x_wrd = jnp.take(table, input_x, axis=0)  # [B, L, EMB]
    # x_wrd.sum(1) / inputs_len
    return x_wrd.sum(axis=1) / inputs_len

if __name__ == "__main__":
    import jax
    _d = setup_inputs()
    print(jax.jit(kernel)(*tuple(_d.values())))

</pallas_src>

<mosaic_0001>
#map = affine_map<(d0, d1) -> (0)>
#map1 = affine_map<(d0, d1) -> (0, 0)>
module attributes {stable_mosaic.version = 14 : i64} {
  func.func @run(%arg0: i32, %arg1: i32, %arg2: memref<4194304xi32, #tpu.memory_space<hbm>>, %arg3: memref<16384xf32, #tpu.memory_space<hbm>>, %arg4: memref<4000000x32xf32, #tpu.memory_space<hbm>>, %arg5: memref<524288xf32, #tpu.memory_space<hbm>>, %arg6: memref<4x4096xi32, #tpu.memory_space<vmem>>, %arg7: memref<3x16x32x32xf32, #tpu.memory_space<vmem>>, %arg8: memref<2x512xf32, #tpu.memory_space<vmem>>, %arg9: memref<4x16xf32, #tpu.memory_space<vmem>>, %arg10: memref<!tpu.dma_semaphore, #tpu.memory_space<semaphore_mem>>, %arg11: memref<!tpu.dma_semaphore, #tpu.memory_space<semaphore_mem>>, %arg12: memref<!tpu.dma_semaphore, #tpu.memory_space<semaphore_mem>>, %arg13: memref<!tpu.dma_semaphore, #tpu.memory_space<semaphore_mem>>, %arg14: memref<!tpu.dma_semaphore, #tpu.memory_space<semaphore_mem>>, %arg15: memref<!tpu.dma_semaphore, #tpu.memory_space<semaphore_mem>>) attributes {dimension_semantics = [#tpu.dimension_semantics<core_parallel>, #tpu.dimension_semantics<subcore_parallel>], iteration_bounds = array<i64: 2, 16>, scalar_prefetch = 0 : i64, scratch_operands = 10 : i64, tpu.core_type = #tpu.core_type<sc_vector_subcore>, window_params = [{transform_indices = #map}, {transform_indices = #map}, {transform_indices = #map1}, {transform_indices = #map}]} {
    %mul3A = arith.constant 2 : i32
    %mul3A_0 = arith.muli %arg1, %mul3A : i32
    %add3A = arith.addi %mul3A_0, %arg0 : i32
    %mul3A_1 = arith.constant 512 : i32
    %mul3A_2 = arith.muli %add3A, %mul3A_1 : i32
    %iota3A = tpu.iota {dimensions = array<i32: 0>} : vector<16xi32>
    %broadcast_in_dim3A = arith.constant 0.000000e+00 : f32
    %broadcast_in_dim3A_3 = vector.broadcast %broadcast_in_dim3A : f32 to vector<16xf32>
    %add3A_4 = arith.constant 0 : i32
    %add3A_5 = arith.addi %mul3A_2, %add3A_4 : i32
    %mul3A_6 = arith.constant 256 : i32
    %mul3A_7 = arith.muli %add3A_5, %mul3A_6 : i32
    %dma_start3A = arith.constant 0 : i32
    %dma_start3A_8 = arith.constant 0 : i32
    %dma_start3A_9 = tpu.memref_slice %arg6[%dma_start3A, %dma_start3A_8] : memref<4x4096xi32, #tpu.memory_space<vmem>> -> memref<1x4096xi32, #tpu.memory_space<vmem>>
    %dma_start3A_10 = tpu.memref_squeeze %dma_start3A_9 : memref<1x4096xi32, #tpu.memory_space<vmem>> -> memref<4096xi32, #tpu.memory_space<vmem>>
    %dma_start3A_11 = tpu.memref_slice %arg2[%mul3A_7] : memref<4194304xi32, #tpu.memory_space<hbm>> -> memref<4096xi32, #tpu.memory_space<hbm>>
    %dma_start3A_12 = arith.constant 0 : i32
    %dma_start3A_13 = tpu.memref_slice %arg6[%dma_start3A, %dma_start3A_12] : memref<4x4096xi32, #tpu.memory_space<vmem>> -> memref<1x4096xi32, #tpu.memory_space<vmem>>
    %dma_start3A_14 = tpu.memref_squeeze %dma_start3A_13 : memref<1x4096xi32, #tpu.memory_space<vmem>> -> memref<4096xi32, #tpu.memory_space<vmem>>
    %dma_start3A_15 = tpu.memref_slice %arg2[%mul3A_7] : memref<4194304xi32, #tpu.memory_space<hbm>> -> memref<4096xi32, #tpu.memory_space<hbm>>
    tpu.enqueue_dma source(%dma_start3A_15 : memref<4096xi32, #tpu.memory_space<hbm>>) target(%dma_start3A_14 : memref<4096xi32, #tpu.memory_space<vmem>>) target_semaphore(%arg10 : memref<!tpu.dma_semaphore, #tpu.memory_space<semaphore_mem>>)
    %add3A_16 = arith.constant 0 : i32
    %add3A_17 = arith.addi %mul3A_2, %add3A_16 : i32
    %dma_start3A_18 = arith.constant 0 : i32
    %dma_start3A_19 = arith.constant 0 : i32
    %dma_start3A_20 = tpu.memref_slice %arg9[%dma_start3A_18, %dma_start3A_19] : memref<4x16xf32, #tpu.memory_space<vmem>> -> memref<1x16xf32, #tpu.memory_space<vmem>>
    %dma_start3A_21 = tpu.memref_squeeze %dma_start3A_20 : memref<1x16xf32, #tpu.memory_space<vmem>> -> memref<16xf32, #tpu.memory_space<vmem>>
    %dma_start3A_22 = tpu.memref_slice %arg3[%add3A_17] : memref<16384xf32, #tpu.memory_space<hbm>> -> memref<16xf32, #tpu.memory_space<hbm>>
    %dma_start3A_23 = arith.constant 0 : i32
    %dma_start3A_24 = tpu.memref_slice %arg9[%dma_start3A_18, %dma_start3A_23] : memref<4x16xf32, #tpu.memory_space<vmem>> -> memref<1x16xf32, #tpu.memory_space<vmem>>
    %dma_start3A_25 = tpu.memref_squeeze %dma_start3A_24 : memref<1x16xf32, #tpu.memory_space<vmem>> -> memref<16xf32, #tpu.memory_space<vmem>>
    %dma_start3A_26 = tpu.memref_slice %arg3[%add3A_17] : memref<16384xf32, #tpu.memory_space<hbm>> -> memref<16xf32, #tpu.memory_space<hbm>>
    tpu.enqueue_dma source(%dma_start3A_26 : memref<16xf32, #tpu.memory_space<hbm>>) target(%dma_start3A_25 : memref<16xf32, #tpu.memory_space<vmem>>) target_semaphore(%arg10 : memref<!tpu.dma_semaphore, #tpu.memory_space<semaphore_mem>>)
    %add3A_27 = arith.constant 16 : i32
    %add3A_28 = arith.addi %mul3A_2, %add3A_27 : i32
    %mul3A_29 = arith.constant 256 : i32
    %mul3A_30 = arith.muli %add3A_28, %mul3A_29 : i32
    %dma_start3A_31 = arith.constant 1 : i32
    %dma_start3A_32 = arith.constant 0 : i32
    %dma_start3A_33 = tpu.memref_slice %arg6[%dma_start3A_31, %dma_start3A_32] : memref<4x4096xi32, #tpu.memory_space<vmem>> -> memref<1x4096xi32, #tpu.memory_space<vmem>>
    %dma_start3A_34 = tpu.memref_squeeze %dma_start3A_33 : memref<1x4096xi32, #tpu.memory_space<vmem>> -> memref<4096xi32, #tpu.memory_space<vmem>>
    %dma_start3A_35 = tpu.memref_slice %arg2[%mul3A_30] : memref<4194304xi32, #tpu.memory_space<hbm>> -> memref<4096xi32, #tpu.memory_space<hbm>>
    %dma_start3A_36 = arith.constant 0 : i32
    %dma_start3A_37 = tpu.memref_slice %arg6[%dma_start3A_31, %dma_start3A_36] : memref<4x4096xi32, #tpu.memory_space<vmem>> -> memref<1x4096xi32, #tpu.memory_space<vmem>>
    %dma_start3A_38 = tpu.memref_squeeze %dma_start3A_37 : memref<1x4096xi32, #tpu.memory_space<vmem>> -> memref<4096xi32, #tpu.memory_space<vmem>>
    %dma_start3A_39 = tpu.memref_slice %arg2[%mul3A_30] : memref<4194304xi32, #tpu.memory_space<hbm>> -> memref<4096xi32, #tpu.memory_space<hbm>>
    tpu.enqueue_dma source(%dma_start3A_39 : memref<4096xi32, #tpu.memory_space<hbm>>) target(%dma_start3A_38 : memref<4096xi32, #tpu.memory_space<vmem>>) target_semaphore(%arg10 : memref<!tpu.dma_semaphore, #tpu.memory_space<semaphore_mem>>)
    %add3A_40 = arith.constant 16 : i32
    %add3A_41 = arith.addi %mul3A_2, %add3A_40 : i32
    %dma_start3A_42 = arith.constant 1 : i32
    %dma_start3A_43 = arith.constant 0 : i32
    %dma_start3A_44 = tpu.memref_slice %arg9[%dma_start3A_42, %dma_start3A_43] : memref<4x16xf32, #tpu.memory_space<vmem>> -> memref<1x16xf32, #tpu.memory_space<vmem>>
    %dma_start3A_45 = tpu.memref_squeeze %dma_start3A_44 : memref<1x16xf32, #tpu.memory_space<vmem>> -> memref<16xf32, #tpu.memory_space<vmem>>
    %dma_start3A_46 = tpu.memref_slice %arg3[%add3A_41] : memref<16384xf32, #tpu.memory_space<hbm>> -> memref<16xf32, #tpu.memory_space<hbm>>
    %dma_start3A_47 = arith.constant 0 : i32
    %dma_start3A_48 = tpu.memref_slice %arg9[%dma_start3A_42, %dma_start3A_47] : memref<4x16xf32, #tpu.memory_space<vmem>> -> memref<1x16xf32, #tpu.memory_space<vmem>>
    %dma_start3A_49 = tpu.memref_squeeze %dma_start3A_48 : memref<1x16xf32, #tpu.memory_space<vmem>> -> memref<16xf32, #tpu.memory_space<vmem>>
    %dma_start3A_50 = tpu.memref_slice %arg3[%add3A_41] : memref<16384xf32, #tpu.memory_space<hbm>> -> memref<16xf32, #tpu.memory_space<hbm>>
    tpu.enqueue_dma source(%dma_start3A_50 : memref<16xf32, #tpu.memory_space<hbm>>) target(%dma_start3A_49 : memref<16xf32, #tpu.memory_space<vmem>>) target_semaphore(%arg10 : memref<!tpu.dma_semaphore, #tpu.memory_space<semaphore_mem>>)
    %add3A_51 = arith.constant 32 : i32
    %add3A_52 = arith.addi %mul3A_2, %add3A_51 : i32
    %mul3A_53 = arith.constant 256 : i32
    %mul3A_54 = arith.muli %add3A_52, %mul3A_53 : i32
    %dma_start3A_55 = arith.constant 2 : i32
    %dma_start3A_56 = arith.constant 0 : i32
    %dma_start3A_57 = tpu.memref_slice %arg6[%dma_start3A_55, %dma_start3A_56] : memref<4x4096xi32, #tpu.memory_space<vmem>> -> memref<1x4096xi32, #tpu.memory_space<vmem>>
    %dma_start3A_58 = tpu.memref_squeeze %dma_start3A_57 : memref<1x4096xi32, #tpu.memory_space<vmem>> -> memref<4096xi32, #tpu.memory_space<vmem>>
    %dma_start3A_59 = tpu.memref_slice %arg2[%mul3A_54] : memref<4194304xi32, #tpu.memory_space<hbm>> -> memref<4096xi32, #tpu.memory_space<hbm>>
    %dma_start3A_60 = arith.constant 0 : i32
    %dma_start3A_61 = tpu.memref_slice %arg6[%dma_start3A_55, %dma_start3A_60] : memref<4x4096xi32, #tpu.memory_space<vmem>> -> memref<1x4096xi32, #tpu.memory_space<vmem>>
    %dma_start3A_62 = tpu.memref_squeeze %dma_start3A_61 : memref<1x4096xi32, #tpu.memory_space<vmem>> -> memref<4096xi32, #tpu.memory_space<vmem>>
    %dma_start3A_63 = tpu.memref_slice %arg2[%mul3A_54] : memref<4194304xi32, #tpu.memory_space<hbm>> -> memref<4096xi32, #tpu.memory_space<hbm>>
    tpu.enqueue_dma source(%dma_start3A_63 : memref<4096xi32, #tpu.memory_space<hbm>>) target(%dma_start3A_62 : memref<4096xi32, #tpu.memory_space<vmem>>) target_semaphore(%arg10 : memref<!tpu.dma_semaphore, #tpu.memory_space<semaphore_mem>>)
    %add3A_64 = arith.constant 32 : i32
    %add3A_65 = arith.addi %mul3A_2, %add3A_64 : i32
    %dma_start3A_66 = arith.constant 2 : i32
    %dma_start3A_67 = arith.constant 0 : i32
    %dma_start3A_68 = tpu.memref_slice %arg9[%dma_start3A_66, %dma_start3A_67] : memref<4x16xf32, #tpu.memory_space<vmem>> -> memref<1x16xf32, #tpu.memory_space<vmem>>
    %dma_start3A_69 = tpu.memref_squeeze %dma_start3A_68 : memref<1x16xf32, #tpu.memory_space<vmem>> -> memref<16xf32, #tpu.memory_space<vmem>>
    %dma_start3A_70 = tpu.memref_slice %arg3[%add3A_65] : memref<16384xf32, #tpu.memory_space<hbm>> -> memref<16xf32, #tpu.memory_space<hbm>>
    %dma_start3A_71 = arith.constant 0 : i32
    %dma_start3A_72 = tpu.memref_slice %arg9[%dma_start3A_66, %dma_start3A_71] : memref<4x16xf32, #tpu.memory_space<vmem>> -> memref<1x16xf32, #tpu.memory_space<vmem>>
    %dma_start3A_73 = tpu.memref_squeeze %dma_start3A_72 : memref<1x16xf32, #tpu.memory_space<vmem>> -> memref<16xf32, #tpu.memory_space<vmem>>
    %dma_start3A_74 = tpu.memref_slice %arg3[%add3A_65] : memref<16384xf32, #tpu.memory_space<hbm>> -> memref<16xf32, #tpu.memory_space<hbm>>
    tpu.enqueue_dma source(%dma_start3A_74 : memref<16xf32, #tpu.memory_space<hbm>>) target(%dma_start3A_73 : memref<16xf32, #tpu.memory_space<vmem>>) target_semaphore(%arg10 : memref<!tpu.dma_semaphore, #tpu.memory_space<semaphore_mem>>)
    %add3A_75 = arith.constant 0 : i32
    %add3A_76 = arith.addi %mul3A_2, %add3A_75 : i32
    %mul3A_77 = arith.constant 256 : i32
    %mul3A_78 = arith.muli %add3A_76, %mul3A_77 : i32
    %dma_wait3A = arith.constant 0 : i32
    %dma_wait3A_79 = arith.constant 0 : i32
    %dma_wait3A_80 = tpu.memref_slice %arg6[%dma_wait3A, %dma_wait3A_79] : memref<4x4096xi32, #tpu.memory_space<vmem>> -> memref<1x4096xi32, #tpu.memory_space<vmem>>
    %dma_wait3A_81 = tpu.memref_squeeze %dma_wait3A_80 : memref<1x4096xi32, #tpu.memory_space<vmem>> -> memref<4096xi32, #tpu.memory_space<vmem>>
    %dma_wait3A_82 = tpu.memref_slice %arg2[%mul3A_78] : memref<4194304xi32, #tpu.memory_space<hbm>> -> memref<4096xi32, #tpu.memory_space<hbm>>
    %dma_wait3A_83 = arith.constant 0 : i32
    %dma_wait3A_84 = tpu.memref_slice %arg6[%dma_wait3A, %dma_wait3A_83] : memref<4x4096xi32, #tpu.memory_space<vmem>> -> memref<1x4096xi32, #tpu.memory_space<vmem>>
    %dma_wait3A_85 = tpu.memref_squeeze %dma_wait3A_84 : memref<1x4096xi32, #tpu.memory_space<vmem>> -> memref<4096xi32, #tpu.memory_space<vmem>>
    %dma_wait3A_86 = tpu.memref_slice %arg2[%mul3A_78] : memref<4194304xi32, #tpu.memory_space<hbm>> -> memref<4096xi32, #tpu.memory_space<hbm>>
    tpu.wait_dma2 semaphore(%arg10 : memref<!tpu.dma_semaphore, #tpu.memory_space<semaphore_mem>>) src(%dma_wait3A_86 : memref<4096xi32, #tpu.memory_space<hbm>>) dst(%dma_wait3A_85 : memref<4096xi32, #tpu.memory_space<vmem>>)
    %add3A_87 = arith.constant 0 : i32
    %add3A_88 = arith.addi %mul3A_2, %add3A_87 : i32
    %dma_wait3A_89 = arith.constant 0 : i32
    %dma_wait3A_90 = arith.constant 0 : i32
    %dma_wait3A_91 = tpu.memref_slice %arg9[%dma_wait3A_89, %dma_wait3A_90] : memref<4x16xf32, #tpu.memory_space<vmem>> -> memref<1x16xf32, #tpu.memory_space<vmem>>
    %dma_wait3A_92 = tpu.memref_squeeze %dma_wait3A_91 : memref<1x16xf32, #tpu.memory_space<vmem>> -> memref<16xf32, #tpu.memory_space<vmem>>
    %dma_wait3A_93 = tpu.memref_slice %arg3[%add3A_88] : memref<16384xf32, #tpu.memory_space<hbm>> -> memref<16xf32, #tpu.memory_space<hbm>>
    %dma_wait3A_94 = arith.constant 0 : i32
    %dma_wait3A_95 = tpu.memref_slice %arg9[%dma_wait3A_89, %dma_wait3A_94] : memref<4x16xf32, #tpu.memory_space<vmem>> -> memref<1x16xf32, #tpu.memory_space<vmem>>
    %dma_wait3A_96 = tpu.memref_squeeze %dma_wait3A_95 : memref<1x16xf32, #tpu.memory_space<vmem>> -> memref<16xf32, #tpu.memory_space<vmem>>
    %dma_wait3A_97 = tpu.memref_slice %arg3[%add3A_88] : memref<16384xf32, #tpu.memory_space<hbm>> -> memref<16xf32, #tpu.memory_space<hbm>>
    tpu.wait_dma2 semaphore(%arg10 : memref<!tpu.dma_semaphore, #tpu.memory_space<semaphore_mem>>) src(%dma_wait3A_97 : memref<16xf32, #tpu.memory_space<hbm>>) dst(%dma_wait3A_96 : memref<16xf32, #tpu.memory_space<vmem>>)
    %scan3A = arith.constant 0 : i32
    %scan3A_98 = arith.constant 0 : i32
    %scan3A_99 = arith.constant 0 : i32
    %scan3A_100 = arith.constant 0 : i32
    %scan3A_101 = arith.constant 16 : i32
    %scan3A_102 = arith.addi %scan3A_100, %scan3A_101 : i32
    %scan3A_103 = arith.constant 1 : i32
    scf.for %scan3A_185 = %scan3A_100 to %scan3A_102 step %scan3A_103  : i32 {
      %mul3A_186 = arith.constant 256 : i32
      %mul3A_187 = arith.muli %scan3A_185, %mul3A_186 : i32
      %dma_start3A_188 = arith.constant 0 : i32
      %dma_start3A_189 = arith.constant 0 : i32
      %dma_start3A_190 = arith.constant 0 : i32
      %dma_start3A_191 = tpu.memref_slice %arg7[%scan3A_99, %dma_start3A_188, %dma_start3A_189, %dma_start3A_190] : memref<3x16x32x32xf32, #tpu.memory_space<vmem>> -> memref<1x16x32x32xf32, #tpu.memory_space<vmem>>
      %dma_start3A_192 = tpu.memref_squeeze %dma_start3A_191 : memref<1x16x32x32xf32, #tpu.memory_space<vmem>> -> memref<16x32x32xf32, #tpu.memory_space<vmem>>
      %dma_start3A_193 = arith.constant 0 : i32
      %dma_start3A_194 = arith.constant 0 : i32
      %dma_start3A_195 = tpu.memref_slice %dma_start3A_192[%scan3A_185, %dma_start3A_193, %dma_start3A_194] : memref<16x32x32xf32, #tpu.memory_space<vmem>> -> memref<1x32x32xf32, #tpu.memory_space<vmem>>
      %dma_start3A_196 = tpu.memref_squeeze %dma_start3A_195 : memref<1x32x32xf32, #tpu.memory_space<vmem>> -> memref<32x32xf32, #tpu.memory_space<vmem>>
      %dma_start3A_197 = arith.constant 0 : i32
      %dma_start3A_198 = tpu.memref_slice %arg6[%scan3A_98, %dma_start3A_197] : memref<4x4096xi32, #tpu.memory_space<vmem>> -> memref<1x4096xi32, #tpu.memory_space<vmem>>
      %dma_start3A_199 = tpu.memref_squeeze %dma_start3A_198 : memref<1x4096xi32, #tpu.memory_space<vmem>> -> memref<4096xi32, #tpu.memory_space<vmem>>
      %dma_start3A_200 = tpu.memref_slice %dma_start3A_199[%mul3A_187] : memref<4096xi32, #tpu.memory_space<vmem>> -> memref<32xi32, #tpu.memory_space<vmem>>
      %dma_start3A_201 = arith.constant 0 : i32
      %dma_start3A_202 = arith.constant 0 : i32
      %dma_start3A_203 = tpu.memref_slice %arg4[%dma_start3A_201, %dma_start3A_202] : memref<4000000x32xf32, #tpu.memory_space<hbm>> -> memref<4000000x32xf32, #tpu.memory_space<hbm>>
      tpu.enqueue_indirect_dma source(%dma_start3A_203 : memref<4000000x32xf32, #tpu.memory_space<hbm>>) target(%dma_start3A_196 : memref<32x32xf32, #tpu.memory_space<vmem>>) offsets(%dma_start3A_200 : memref<32xi32, #tpu.memory_space<vmem>>) semaphore(%arg11 : memref<!tpu.dma_semaphore, #tpu.memory_space<semaphore_mem>>)
    }
    %scan3A_104 = arith.constant 16 : i32
    %add3A_105 = arith.constant 16 : i32
    %add3A_106 = arith.addi %mul3A_2, %add3A_105 : i32
    %mul3A_107 = arith.constant 256 : i32
    %mul3A_108 = arith.muli %add3A_106, %mul3A_107 : i32
    %dma_wait3A_109 = arith.constant 1 : i32
    %dma_wait3A_110 = arith.constant 0 : i32
    %dma_wait3A_111 = tpu.memref_slice %arg6[%dma_wait3A_109, %dma_wait3A_110] : memref<4x4096xi32, #tpu.memory_space<vmem>> -> memref<1x4096xi32, #tpu.memory_space<vmem>>
    %dma_wait3A_112 = tpu.memref_squeeze %dma_wait3A_111 : memref<1x4096xi32, #tpu.memory_space<vmem>> -> memref<4096xi32, #tpu.memory_space<vmem>>
    %dma_wait3A_113 = tpu.memref_slice %arg2[%mul3A_108] : memref<4194304xi32, #tpu.memory_space<hbm>> -> memref<4096xi32, #tpu.memory_space<hbm>>
    %dma_wait3A_114 = arith.constant 0 : i32
    %dma_wait3A_115 = tpu.memref_slice %arg6[%dma_wait3A_109, %dma_wait3A_114] : memref<4x4096xi32, #tpu.memory_space<vmem>> -> memref<1x4096xi32, #tpu.memory_space<vmem>>
    %dma_wait3A_116 = tpu.memref_squeeze %dma_wait3A_115 : memref<1x4096xi32, #tpu.memory_space<vmem>> -> memref<4096xi32, #tpu.memory_space<vmem>>
    %dma_wait3A_117 = tpu.memref_slice %arg2[%mul3A_108] : memref<4194304xi32, #tpu.memory_space<hbm>> -> memref<4096xi32, #tpu.memory_space<hbm>>
    tpu.wait_dma2 semaphore(%arg10 : memref<!tpu.dma_semaphore, #tpu.memory_space<semaphore_mem>>) src(%dma_wait3A_117 : memref<4096xi32, #tpu.memory_space<hbm>>) dst(%dma_wait3A_116 : memref<4096xi32, #tpu.memory_space<vmem>>)
    %add3A_118 = arith.constant 16 : i32
    %add3A_119 = arith.addi %mul3A_2, %add3A_118 : i32
    %dma_wait3A_120 = arith.constant 1 : i32
    %dma_wait3A_121 = arith.constant 0 : i32
    %dma_wait3A_122 = tpu.memref_slice %arg9[%dma_wait3A_120, %dma_wait3A_121] : memref<4x16xf32, #tpu.memory_space<vmem>> -> memref<1x16xf32, #tpu.memory_space<vmem>>
    %dma_wait3A_123 = tpu.memref_squeeze %dma_wait3A_122 : memref<1x16xf32, #tpu.memory_space<vmem>> -> memref<16xf32, #tpu.memory_space<vmem>>
    %dma_wait3A_124 = tpu.memref_slice %arg3[%add3A_119] : memref<16384xf32, #tpu.memory_space<hbm>> -> memref<16xf32, #tpu.memory_space<hbm>>
    %dma_wait3A_125 = arith.constant 0 : i32
    %dma_wait3A_126 = tpu.memref_slice %arg9[%dma_wait3A_120, %dma_wait3A_125] : memref<4x16xf32, #tpu.memory_space<vmem>> -> memref<1x16xf32, #tpu.memory_space<vmem>>
    %dma_wait3A_127 = tpu.memref_squeeze %dma_wait3A_126 : memref<1x16xf32, #tpu.memory_space<vmem>> -> memref<16xf32, #tpu.memory_space<vmem>>
    %dma_wait3A_128 = tpu.memref_slice %arg3[%add3A_119] : memref<16384xf32, #tpu.memory_space<hbm>> -> memref<16xf32, #tpu.memory_space<hbm>>
    tpu.wait_dma2 semaphore(%arg10 : memref<!tpu.dma_semaphore, #tpu.memory_space<semaphore_mem>>) src(%dma_wait3A_128 : memref<16xf32, #tpu.memory_space<hbm>>) dst(%dma_wait3A_127 : memref<16xf32, #tpu.memory_space<vmem>>)
    %scan3A_129 = arith.constant 0 : i32
    %scan3A_130 = arith.constant 1 : i32
    %scan3A_131 = arith.constant 1 : i32
    %scan3A_132 = arith.constant 0 : i32
    %scan3A_133 = arith.constant 16 : i32
    %scan3A_134 = arith.addi %scan3A_132, %scan3A_133 : i32
    %scan3A_135 = arith.constant 1 : i32
    scf.for %scan3A_185 = %scan3A_132 to %scan3A_134 step %scan3A_135  : i32 {
      %mul3A_186 = arith.constant 256 : i32
      %mul3A_187 = arith.muli %scan3A_185, %mul3A_186 : i32
      %dma_start3A_188 = arith.constant 0 : i32
      %dma_start3A_189 = arith.constant 0 : i32
      %dma_start3A_190 = arith.constant 0 : i32
      %dma_start3A_191 = tpu.memref_slice %arg7[%scan3A_131, %dma_start3A_188, %dma_start3A_189, %dma_start3A_190] : memref<3x16x32x32xf32, #tpu.memory_space<vmem>> -> memref<1x16x32x32xf32, #tpu.memory_space<vmem>>
      %dma_start3A_192 = tpu.memref_squeeze %dma_start3A_191 : memref<1x16x32x32xf32, #tpu.memory_space<vmem>> -> memref<16x32x32xf32, #tpu.memory_space<vmem>>
      %dma_start3A_193 = arith.constant 0 : i32
      %dma_start3A_194 = arith.constant 0 : i32
      %dma_start3A_195 = tpu.memref_slice %dma_start3A_192[%scan3A_185, %dma_start3A_193, %dma_start3A_194] : memref<16x32x32xf32, #tpu.memory_space<vmem>> -> memref<1x32x32xf32, #tpu.memory_space<vmem>>
      %dma_start3A_196 = tpu.memref_squeeze %dma_start3A_195 : memref<1x32x32xf32, #tpu.memory_space<vmem>> -> memref<32x32xf32, #tpu.memory_space<vmem>>
      %dma_start3A_197 = arith.constant 0 : i32
      %dma_start3A_198 = tpu.memref_slice %arg6[%scan3A_130, %dma_start3A_197] : memref<4x4096xi32, #tpu.memory_space<vmem>> -> memref<1x4096xi32, #tpu.memory_space<vmem>>
      %dma_start3A_199 = tpu.memref_squeeze %dma_start3A_198 : memref<1x4096xi32, #tpu.memory_space<vmem>> -> memref<4096xi32, #tpu.memory_space<vmem>>
      %dma_start3A_200 = tpu.memref_slice %dma_start3A_199[%mul3A_187] : memref<4096xi32, #tpu.memory_space<vmem>> -> memref<32xi32, #tpu.memory_space<vmem>>
      %dma_start3A_201 = arith.constant 0 : i32
      %dma_start3A_202 = arith.constant 0 : i32
      %dma_start3A_203 = tpu.memref_slice %arg4[%dma_start3A_201, %dma_start3A_202] : memref<4000000x32xf32, #tpu.memory_space<hbm>> -> memref<4000000x32xf32, #tpu.memory_space<hbm>>
      tpu.enqueue_indirect_dma source(%dma_start3A_203 : memref<4000000x32xf32, #tpu.memory_space<hbm>>) target(%dma_start3A_196 : memref<32x32xf32, #tpu.memory_space<vmem>>) offsets(%dma_start3A_200 : memref<32xi32, #tpu.memory_space<vmem>>) semaphore(%arg12 : memref<!tpu.dma_semaphore, #tpu.memory_space<semaphore_mem>>)
    }
    %scan3A_136 = arith.constant 16 : i32
    %scan3A_137 = arith.constant 0 : i32
    %scan3A_138 = arith.constant 0 : i32
    %scan3A_139 = arith.constant 0 : i32
    %scan3A_140 = arith.constant 0 : i32
    %scan3A_141 = arith.constant 16 : i32
    %scan3A_142 = arith.addi %scan3A_140, %scan3A_141 : i32
    %scan3A_143 = arith.constant 1 : i32
    scf.for %scan3A_185 = %scan3A_140 to %scan3A_142 step %scan3A_143  : i32 {
      %mul3A_186 = arith.constant 256 : i32
      %mul3A_187 = arith.muli %scan3A_185, %mul3A_186 : i32
      %dma_wait3A_188 = arith.constant 0 : i32
      %dma_wait3A_189 = arith.constant 0 : i32
      %dma_wait3A_190 = arith.constant 0 : i32
      %dma_wait3A_191 = tpu.memref_slice %arg7[%scan3A_139, %dma_wait3A_188, %dma_wait3A_189, %dma_wait3A_190] : memref<3x16x32x32xf32, #tpu.memory_space<vmem>> -> memref<1x16x32x32xf32, #tpu.memory_space<vmem>>
      %dma_wait3A_192 = tpu.memref_squeeze %dma_wait3A_191 : memref<1x16x32x32xf32, #tpu.memory_space<vmem>> -> memref<16x32x32xf32, #tpu.memory_space<vmem>>
      %dma_wait3A_193 = arith.constant 0 : i32
      %dma_wait3A_194 = arith.constant 0 : i32
      %dma_wait3A_195 = tpu.memref_slice %dma_wait3A_192[%scan3A_185, %dma_wait3A_193, %dma_wait3A_194] : memref<16x32x32xf32, #tpu.memory_space<vmem>> -> memref<1x32x32xf32, #tpu.memory_space<vmem>>
      %dma_wait3A_196 = tpu.memref_squeeze %dma_wait3A_195 : memref<1x32x32xf32, #tpu.memory_space<vmem>> -> memref<32x32xf32, #tpu.memory_space<vmem>>
      %dma_wait3A_197 = arith.constant 0 : i32
      %dma_wait3A_198 = tpu.memref_slice %arg6[%scan3A_138, %dma_wait3A_197] : memref<4x4096xi32, #tpu.memory_space<vmem>> -> memref<1x4096xi32, #tpu.memory_space<vmem>>
      %dma_wait3A_199 = tpu.memref_squeeze %dma_wait3A_198 : memref<1x4096xi32, #tpu.memory_space<vmem>> -> memref<4096xi32, #tpu.memory_space<vmem>>
      %dma_wait3A_200 = tpu.memref_slice %dma_wait3A_199[%mul3A_187] : memref<4096xi32, #tpu.memory_space<vmem>> -> memref<32xi32, #tpu.memory_space<vmem>>
      %dma_wait3A_201 = arith.constant 0 : i32
      %dma_wait3A_202 = arith.constant 0 : i32
      %dma_wait3A_203 = tpu.memref_slice %arg4[%dma_wait3A_201, %dma_wait3A_202] : memref<4000000x32xf32, #tpu.memory_space<hbm>> -> memref<4000000x32xf32, #tpu.memory_space<hbm>>
      tpu.wait_indirect_dma semaphore(%arg11 : memref<!tpu.dma_semaphore, #tpu.memory_space<semaphore_mem>>) src(%dma_wait3A_203 : memref<4000000x32xf32, #tpu.memory_space<hbm>>) dst(%dma_wait3A_196 : memref<32x32xf32, #tpu.memory_space<vmem>>)
    }
    %scan3A_144 = arith.constant 16 : i32
    %scan3A_145 = arith.constant 0 : i32
    %scan3A_146 = arith.constant 0 : i32
    %scan3A_147 = arith.constant 0 : i32
    %scan3A_148 = arith.constant 0 : i32
    %scan3A_149 = arith.constant 16 : i32
    %scan3A_150 = arith.addi %scan3A_148, %scan3A_149 : i32
    %scan3A_151 = arith.constant 1 : i32
    scf.for %scan3A_185 = %scan3A_148 to %scan3A_150 step %scan3A_151  : i32 {
      %mul3A_186 = arith.constant 256 : i32
      %mul3A_187 = arith.muli %scan3A_185, %mul3A_186 : i32
      %add3A_188 = arith.constant 32 : i32
      %add3A_189 = arith.addi %mul3A_187, %add3A_188 : i32
      %dma_start3A_190 = arith.constant 0 : i32
      %dma_start3A_191 = arith.constant 0 : i32
      %dma_start3A_192 = arith.constant 0 : i32
      %dma_start3A_193 = tpu.memref_slice %arg7[%scan3A_147, %dma_start3A_190, %dma_start3A_191, %dma_start3A_192] : memref<3x16x32x32xf32, #tpu.memory_space<vmem>> -> memref<1x16x32x32xf32, #tpu.memory_space<vmem>>
      %dma_start3A_194 = tpu.memref_squeeze %dma_start3A_193 : memref<1x16x32x32xf32, #tpu.memory_space<vmem>> -> memref<16x32x32xf32, #tpu.memory_space<vmem>>
      %dma_start3A_195 = arith.constant 0 : i32
      %dma_start3A_196 = arith.constant 0 : i32
      %dma_start3A_197 = tpu.memref_slice %dma_start3A_194[%scan3A_185, %dma_start3A_195, %dma_start3A_196] : memref<16x32x32xf32, #tpu.memory_space<vmem>> -> memref<1x32x32xf32, #tpu.memory_space<vmem>>
      %dma_start3A_198 = tpu.memref_squeeze %dma_start3A_197 : memref<1x32x32xf32, #tpu.memory_space<vmem>> -> memref<32x32xf32, #tpu.memory_space<vmem>>
      %dma_start3A_199 = arith.constant 0 : i32
      %dma_start3A_200 = tpu.memref_slice %arg6[%scan3A_146, %dma_start3A_199] : memref<4x4096xi32, #tpu.memory_space<vmem>> -> memref<1x4096xi32, #tpu.memory_space<vmem>>
      %dma_start3A_201 = tpu.memref_squeeze %dma_start3A_200 : memref<1x4096xi32, #tpu.memory_space<vmem>> -> memref<4096xi32, #tpu.memory_space<vmem>>
      %dma_start3A_202 = tpu.memref_slice %dma_start3A_201[%add3A_189] : memref<4096xi32, #tpu.memory_space<vmem>> -> memref<32xi32, #tpu.memory_space<vmem>>
      %dma_start3A_203 = arith.constant 0 : i32
      %dma_start3A_204 = arith.constant 0 : i32
      %dma_start3A_205 = tpu.memref_slice %arg4[%dma_start3A_203, %dma_start3A_204] : memref<4000000x32xf32, #tpu.memory_space<hbm>> -> memref<4000000x32xf32, #tpu.memory_space<hbm>>
      tpu.enqueue_indirect_dma source(%dma_start3A_205 : memref<4000000x32xf32, #tpu.memory_space<hbm>>) target(%dma_start3A_198 : memref<32x32xf32, #tpu.memory_space<vmem>>) offsets(%dma_start3A_202 : memref<32xi32, #tpu.memory_space<vmem>>) semaphore(%arg13 : memref<!tpu.dma_semaphore, #tpu.memory_space<semaphore_mem>>) {add = true}
      %mul3A_206 = arith.constant 256 : i32
      %mul3A_207 = arith.muli %scan3A_185, %mul3A_206 : i32
      %add3A_208 = arith.constant 64 : i32
      %add3A_209 = arith.addi %mul3A_207, %add3A_208 : i32
      %dma_start3A_210 = arith.constant 0 : i32
      %dma_start3A_211 = arith.constant 0 : i32
      %dma_start3A_212 = arith.constant 0 : i32
      %dma_start3A_213 = tpu.memref_slice %arg7[%scan3A_147, %dma_start3A_210, %dma_start3A_211, %dma_start3A_212] : memref<3x16x32x32xf32, #tpu.memory_space<vmem>> -> memref<1x16x32x32xf32, #tpu.memory_space<vmem>>
      %dma_start3A_214 = tpu.memref_squeeze %dma_start3A_213 : memref<1x16x32x32xf32, #tpu.memory_space<vmem>> -> memref<16x32x32xf32, #tpu.memory_space<vmem>>
      %dma_start3A_215 = arith.constant 0 : i32
      %dma_start3A_216 = arith.constant 0 : i32
      %dma_start3A_217 = tpu.memref_slice %dma_start3A_214[%scan3A_185, %dma_start3A_215, %dma_start3A_216] : memref<16x32x32xf32, #tpu.memory_space<vmem>> -> memref<1x32x32xf32, #tpu.memory_space<vmem>>
      %dma_start3A_218 = tpu.memref_squeeze %dma_start3A_217 : memref<1x32x32xf32, #tpu.memory_space<vmem>> -> memref<32x32xf32, #tpu.memory_space<vmem>>
      %dma_start3A_219 = arith.constant 0 : i32
      %dma_start3A_220 = tpu.memref_slice %arg6[%scan3A_146, %dma_start3A_219] : memref<4x4096xi32, #tpu.memory_space<vmem>> -> memref<1x4096xi32, #tpu.memory_space<vmem>>
      %dma_start3A_221 = tpu.memref_squeeze %dma_start3A_220 : memref<1x4096xi32, #tpu.memory_space<vmem>> -> memref<4096xi32, #tpu.memory_space<vmem>>
      %dma_start3A_222 = tpu.memref_slice %dma_start3A_221[%add3A_209] : memref<4096xi32, #tpu.memory_space<vmem>> -> memref<32xi32, #tpu.memory_space<vmem>>
      %dma_start3A_223 = arith.constant 0 : i32
      %dma_start3A_224 = arith.constant 0 : i32
      %dma_start3A_225 = tpu.memref_slice %arg4[%dma_start3A_223, %dma_start3A_224] : memref<4000000x32xf32, #tpu.memory_space<hbm>> -> memref<4000000x32xf32, #tpu.memory_space<hbm>>
      tpu.enqueue_indirect_dma source(%dma_start3A_225 : memref<4000000x32xf32, #tpu.memory_space<hbm>>) target(%dma_start3A_218 : memref<32x32xf32, #tpu.memory_space<vmem>>) offsets(%dma_start3A_222 : memref<32xi32, #tpu.memory_space<vmem>>) semaphore(%arg13 : memref<!tpu.dma_semaphore, #tpu.memory_space<semaphore_mem>>) {add = true}
      %mul3A_226 = arith.constant 256 : i32
      %mul3A_227 = arith.muli %scan3A_185, %mul3A_226 : i32
      %add3A_228 = arith.constant 96 : i32
      %add3A_229 = arith.addi %mul3A_227, %add3A_228 : i32
      %dma_start3A_230 = arith.constant 0 : i32
      %dma_start3A_231 = arith.constant 0 : i32
      %dma_start3A_232 = arith.constant 0 : i32
      %dma_start3A_233 = tpu.memref_slice %arg7[%scan3A_147, %dma_start3A_230, %dma_start3A_231, %dma_start3A_232] : memref<3x16x32x32xf32, #tpu.memory_space<vmem>> -> memref<1x16x32x32xf32, #tpu.memory_space<vmem>>
      %dma_start3A_234 = tpu.memref_squeeze %dma_start3A_233 : memref<1x16x32x32xf32, #tpu.memory_space<vmem>> -> memref<16x32x32xf32, #tpu.memory_space<vmem>>
      %dma_start3A_235 = arith.constant 0 : i32
      %dma_start3A_236 = arith.constant 0 : i32
      %dma_start3A_237 = tpu.memref_slice %dma_start3A_234[%scan3A_185, %dma_start3A_235, %dma_start3A_236] : memref<16x32x32xf32, #tpu.memory_space<vmem>> -> memref<1x32x32xf32, #tpu.memory_space<vmem>>
      %dma_start3A_238 = tpu.memref_squeeze %dma_start3A_237 : memref<1x32x32xf32, #tpu.memory_space<vmem>> -> memref<32x32xf32, #tpu.memory_space<vmem>>
      %dma_start3A_239 = arith.constant 0 : i32
      %dma_start3A_240 = tpu.memref_slice %arg6[%scan3A_146, %dma_start3A_239] : memref<4x4096xi32, #tpu.memory_space<vmem>> -> memref<1x4096xi32, #tpu.memory_space<vmem>>
      %dma_start3A_241 = tpu.memref_squeeze %dma_start3A_240 : memref<1x4096xi32, #tpu.memory_space<vmem>> -> memref<4096xi32, #tpu.memory_space<vmem>>
      %dma_start3A_242 = tpu.memref_slice %dma_start3A_241[%add3A_229] : memref<4096xi32, #tpu.memory_space<vmem>> -> memref<32xi32, #tpu.memory_space<vmem>>
      %dma_start3A_243 = arith.constant 0 : i32
      %dma_start3A_244 = arith.constant 0 : i32
      %dma_start3A_245 = tpu.memref_slice %arg4[%dma_start3A_243, %dma_start3A_244] : memref<4000000x32xf32, #tpu.memory_space<hbm>> -> memref<4000000x32xf32, #tpu.memory_space<hbm>>
      tpu.enqueue_indirect_dma source(%dma_start3A_245 : memref<4000000x32xf32, #tpu.memory_space<hbm>>) target(%dma_start3A_238 : memref<32x32xf32, #tpu.memory_space<vmem>>) offsets(%dma_start3A_242 : memref<32xi32, #tpu.memory_space<vmem>>) semaphore(%arg13 : memref<!tpu.dma_semaphore, #tpu.memory_space<semaphore_mem>>) {add = true}
      %mul3A_246 = arith.constant 256 : i32
      %mul3A_247 = arith.muli %scan3A_185, %mul3A_246 : i32
      %add3A_248 = arith.constant 128 : i32
      %add3A_249 = arith.addi %mul3A_247, %add3A_248 : i32
      %dma_start3A_250 = arith.constant 0 : i32
      %dma_start3A_251 = arith.constant 0 : i32
      %dma_start3A_252 = arith.constant 0 : i32
      %dma_start3A_253 = tpu.memref_slice %arg7[%scan3A_147, %dma_start3A_250, %dma_start3A_251, %dma_start3A_252] : memref<3x16x32x32xf32, #tpu.memory_space<vmem>> -> memref<1x16x32x32xf32, #tpu.memory_space<vmem>>
      %dma_start3A_254 = tpu.memref_squeeze %dma_start3A_253 : memref<1x16x32x32xf32, #tpu.memory_space<vmem>> -> memref<16x32x32xf32, #tpu.memory_space<vmem>>
      %dma_start3A_255 = arith.constant 0 : i32
      %dma_start3A_256 = arith.constant 0 : i32
      %dma_start3A_257 = tpu.memref_slice %dma_start3A_254[%scan3A_185, %dma_start3A_255, %dma_start3A_256] : memref<16x32x32xf32, #tpu.memory_space<vmem>> -> memref<1x32x32xf32, #tpu.memory_space<vmem>>
      %dma_start3A_258 = tpu.memref_squeeze %dma_start3A_257 : memref<1x32x32xf32, #tpu.memory_space<vmem>> -> memref<32x32xf32, #tpu.memory_space<vmem>>
      %dma_start3A_259 = arith.constant 0 : i32
      %dma_start3A_260 = tpu.memref_slice %arg6[%scan3A_146, %dma_start3A_259] : memref<4x4096xi32, #tpu.memory_space<vmem>> -> memref<1x4096xi32, #tpu.memory_space<vmem>>
      %dma_start3A_261 = tpu.memref_squeeze %dma_start3A_260 : memref<1x4096xi32, #tpu.memory_space<vmem>> -> memref<4096xi32, #tpu.memory_space<vmem>>
      %dma_start3A_262 = tpu.memref_slice %dma_start3A_261[%add3A_249] : memref<4096xi32, #tpu.memory_space<vmem>> -> memref<32xi32, #tpu.memory_space<vmem>>
      %dma_start3A_263 = arith.constant 0 : i32
      %dma_start3A_264 = arith.constant 0 : i32
      %dma_start3A_265 = tpu.memref_slice %arg4[%dma_start3A_263, %dma_start3A_264] : memref<4000000x32xf32, #tpu.memory_space<hbm>> -> memref<4000000x32xf32, #tpu.memory_space<hbm>>
      tpu.enqueue_indirect_dma source(%dma_start3A_265 : memref<4000000x32xf32, #tpu.memory_space<hbm>>) target(%dma_start3A_258 : memref<32x32xf32, #tpu.memory_space<vmem>>) offsets(%dma_start3A_262 : memref<32xi32, #tpu.memory_space<vmem>>) semaphore(%arg13 : memref<!tpu.dma_semaphore, #tpu.memory_space<semaphore_mem>>) {add = true}
      %mul3A_266 = arith.constant 256 : i32
      %mul3A_267 = arith.muli %scan3A_185, %mul3A_266 : i32
      %add3A_268 = arith.constant 160 : i32
      %add3A_269 = arith.addi %mul3A_267, %add3A_268 : i32
      %dma_start3A_270 = arith.constant 0 : i32
      %dma_start3A_271 = arith.constant 0 : i32
      %dma_start3A_272 = arith.constant 0 : i32
      %dma_start3A_273 = tpu.memref_slice %arg7[%scan3A_147, %dma_start3A_270, %dma_start3A_271, %dma_start3A_272] : memref<3x16x32x32xf32, #tpu.memory_space<vmem>> -> memref<1x16x32x32xf32, #tpu.memory_space<vmem>>
      %dma_start3A_274 = tpu.memref_squeeze %dma_start3A_273 : memref<1x16x32x32xf32, #tpu.memory_space<vmem>> -> memref<16x32x32xf32, #tpu.memory_space<vmem>>
      %dma_start3A_275 = arith.constant 0 : i32
      %dma_start3A_276 = arith.constant 0 : i32
      %dma_start3A_277 = tpu.memref_slice %dma_start3A_274[%scan3A_185, %dma_start3A_275, %dma_start3A_276] : memref<16x32x32xf32, #tpu.memory_space<vmem>> -> memref<1x32x32xf32, #tpu.memory_space<vmem>>
      %dma_start3A_278 = tpu.memref_squeeze %dma_start3A_277 : memref<1x32x32xf32, #tpu.memory_space<vmem>> -> memref<32x32xf32, #tpu.memory_space<vmem>>
      %dma_start3A_279 = arith.constant 0 : i32
      %dma_start3A_280 = tpu.memref_slice %arg6[%scan3A_146, %dma_start3A_279] : memref<4x4096xi32, #tpu.memory_space<vmem>> -> memref<1x4096xi32, #tpu.memory_space<vmem>>
      %dma_start3A_281 = tpu.memref_squeeze %dma_start3A_280 : memref<1x4096xi32, #tpu.memory_space<vmem>> -> memref<4096xi32, #tpu.memory_space<vmem>>
      %dma_start3A_282 = tpu.memref_slice %dma_start3A_281[%add3A_269] : memref<4096xi32, #tpu.memory_space<vmem>> -> memref<32xi32, #tpu.memory_space<vmem>>
      %dma_start3A_283 = arith.constant 0 : i32
      %dma_start3A_284 = arith.constant 0 : i32
      %dma_start3A_285 = tpu.memref_slice %arg4[%dma_start3A_283, %dma_start3A_284] : memref<4000000x32xf32, #tpu.memory_space<hbm>> -> memref<4000000x32xf32, #tpu.memory_space<hbm>>
      tpu.enqueue_indirect_dma source(%dma_start3A_285 : memref<4000000x32xf32, #tpu.memory_space<hbm>>) target(%dma_start3A_278 : memref<32x32xf32, #tpu.memory_space<vmem>>) offsets(%dma_start3A_282 : memref<32xi32, #tpu.memory_space<vmem>>) semaphore(%arg13 : memref<!tpu.dma_semaphore, #tpu.memory_space<semaphore_mem>>) {add = true}
      %mul3A_286 = arith.constant 256 : i32
      %mul3A_287 = arith.muli %scan3A_185, %mul3A_286 : i32
      %add3A_288 = arith.constant 192 : i32
      %add3A_289 = arith.addi %mul3A_287, %add3A_288 : i32
      %dma_start3A_290 = arith.constant 0 : i32
      %dma_start3A_291 = arith.constant 0 : i32
      %dma_start3A_292 = arith.constant 0 : i32
      %dma_start3A_293 = tpu.memref_slice %arg7[%scan3A_147, %dma_start3A_290, %dma_start3A_291, %dma_start3A_292] : memref<3x16x32x32xf32, #tpu.memory_space<vmem>> -> memref<1x16x32x32xf32, #tpu.memory_space<vmem>>
      %dma_start3A_294 = tpu.memref_squeeze %dma_start3A_293 : memref<1x16x32x32xf32, #tpu.memory_space<vmem>> -> memref<16x32x32xf32, #tpu.memory_space<vmem>>
      %dma_start3A_295 = arith.constant 0 : i32
      %dma_start3A_296 = arith.constant 0 : i32
      %dma_start3A_297 = tpu.memref_slice %dma_start3A_294[%scan3A_185, %dma_start3A_295, %dma_start3A_296] : memref<16x32x32xf32, #tpu.memory_space<vmem>> -> memref<1x32x32xf32, #tpu.memory_space<vmem>>
      %dma_start3A_298 = tpu.memref_squeeze %dma_start3A_297 : memref<1x32x32xf32, #tpu.memory_space<vmem>> -> memref<32x32xf32, #tpu.memory_space<vmem>>
      %dma_start3A_299 = arith.constant 0 : i32
      %dma_start3A_300 = tpu.memref_slice %arg6[%scan3A_146, %dma_start3A_299] : memref<4x4096xi32, #tpu.memory_space<vmem>> -> memref<1x4096xi32, #tpu.memory_space<vmem>>
      %dma_start3A_301 = tpu.memref_squeeze %dma_start3A_300 : memref<1x4096xi32, #tpu.memory_space<vmem>> -> memref<4096xi32, #tpu.memory_space<vmem>>
      %dma_start3A_302 = tpu.memref_slice %dma_start3A_301[%add3A_289] : memref<4096xi32, #tpu.memory_space<vmem>> -> memref<32xi32, #tpu.memory_space<vmem>>
      %dma_start3A_303 = arith.constant 0 : i32
      %dma_start3A_304 = arith.constant 0 : i32
      %dma_start3A_305 = tpu.memref_slice %arg4[%dma_start3A_303, %dma_start3A_304] : memref<4000000x32xf32, #tpu.memory_space<hbm>> -> memref<4000000x32xf32, #tpu.memory_space<hbm>>
      tpu.enqueue_indirect_dma source(%dma_start3A_305 : memref<4000000x32xf32, #tpu.memory_space<hbm>>) target(%dma_start3A_298 : memref<32x32xf32, #tpu.memory_space<vmem>>) offsets(%dma_start3A_302 : memref<32xi32, #tpu.memory_space<vmem>>) semaphore(%arg13 : memref<!tpu.dma_semaphore, #tpu.memory_space<semaphore_mem>>) {add = true}
    }
    %scan3A_152 = arith.constant 16 : i32
    %scan3A_153 = arith.constant 0 : i32
    %scan3A_154 = arith.constant 0 : i32
    %scan3A_155 = arith.constant 32 : i32
    %scan3A_156 = arith.addi %scan3A_154, %scan3A_155 : i32
    %scan3A_157 = arith.constant 1 : i32
    scf.for %scan3A_185 = %scan3A_154 to %scan3A_156 step %scan3A_157  : i32 {
      %add3A_186 = arith.constant 3 : i32
      %add3A_187 = arith.addi %scan3A_185, %add3A_186 : i32
      %lt3A = arith.constant 32 : i32
      %lt3A_188 = arith.cmpi slt, %add3A_187, %lt3A : i32
      %convert_element_type3A = arith.extui %lt3A_188 : i1 to i32
      %cond3A = arith.constant 0 : i32
      %cond3A_189 = arith.cmpi ne, %convert_element_type3A, %cond3A : i32
      scf.if %cond3A_189 {
        %add3A_777 = arith.constant 3 : i32
        %add3A_778 = arith.addi %scan3A_185, %add3A_777 : i32
        %mul3A_779 = arith.constant 16 : i32
        %mul3A_780 = arith.muli %add3A_778, %mul3A_779 : i32
        %add3A_781 = arith.addi %mul3A_2, %mul3A_780 : i32
        %mul3A_782 = arith.constant 256 : i32
        %mul3A_783 = arith.muli %add3A_781, %mul3A_782 : i32
        %jit3A_784 = arith.constant 4 : i32
        %eq3A_785 = arith.constant 0 : i32
        %eq3A_786 = arith.cmpi eq, %jit3A_784, %eq3A_785 : i32
        %jit3A_787 = arith.constant 1 : i32
        %select_n3A_788 = arith.select %eq3A_786, %jit3A_787, %jit3A_784 : i32
        %rem3A_789 = arith.remsi %add3A_778, %select_n3A_788 : i32
        %ne3A_790 = arith.constant 0 : i32
        %ne3A_791 = arith.cmpi ne, %rem3A_789, %ne3A_790 : i32
        %lt3A_792 = arith.constant 0 : i32
        %lt3A_793 = arith.cmpi slt, %rem3A_789, %lt3A_792 : i32
        %lt3A_794 = arith.constant 0 : i32
        %lt3A_795 = arith.cmpi slt, %select_n3A_788, %lt3A_794 : i32
        %ne3A_796 = arith.xori %lt3A_793, %lt3A_795 : i1
        %and3A_797 = arith.andi %ne3A_796, %ne3A_791 : i1
        %add3A_798 = arith.addi %rem3A_789, %select_n3A_788 : i32
        %select_n3A_799 = arith.select %and3A_797, %add3A_798, %rem3A_789 : i32
        %dma_start3A_800 = arith.constant 0 : i32
        %dma_start3A_801 = tpu.memref_slice %arg6[%select_n3A_799, %dma_start3A_800] : memref<4x4096xi32, #tpu.memory_space<vmem>> -> memref<1x4096xi32, #tpu.memory_space<vmem>>
        %dma_start3A_802 = tpu.memref_squeeze %dma_start3A_801 : memref<1x4096xi32, #tpu.memory_space<vmem>> -> memref<4096xi32, #tpu.memory_space<vmem>>
        %dma_start3A_803 = tpu.memref_slice %arg2[%mul3A_783] : memref<4194304xi32, #tpu.memory_space<hbm>> -> memref<4096xi32, #tpu.memory_space<hbm>>
        %dma_start3A_804 = arith.constant 0 : i32
        %dma_start3A_805 = tpu.memref_slice %arg6[%select_n3A_799, %dma_start3A_804] : memref<4x4096xi32, #tpu.memory_space<vmem>> -> memref<1x4096xi32, #tpu.memory_space<vmem>>
        %dma_start3A_806 = tpu.memref_squeeze %dma_start3A_805 : memref<1x4096xi32, #tpu.memory_space<vmem>> -> memref<4096xi32, #tpu.memory_space<vmem>>
        %dma_start3A_807 = tpu.memref_slice %arg2[%mul3A_783] : memref<4194304xi32, #tpu.memory_space<hbm>> -> memref<4096xi32, #tpu.memory_space<hbm>>
        tpu.enqueue_dma source(%dma_start3A_807 : memref<4096xi32, #tpu.memory_space<hbm>>) target(%dma_start3A_806 : memref<4096xi32, #tpu.memory_space<vmem>>) target_semaphore(%arg10 : memref<!tpu.dma_semaphore, #tpu.memory_space<semaphore_mem>>)
        %mul3A_808 = arith.constant 16 : i32
        %mul3A_809 = arith.muli %add3A_778, %mul3A_808 : i32
        %add3A_810 = arith.addi %mul3A_2, %mul3A_809 : i32
        %jit3A_811 = arith.constant 4 : i32
        %eq3A_812 = arith.constant 0 : i32
        %eq3A_813 = arith.cmpi eq, %jit3A_811, %eq3A_812 : i32
        %jit3A_814 = arith.constant 1 : i32
        %select_n3A_815 = arith.select %eq3A_813, %jit3A_814, %jit3A_811 : i32
        %rem3A_816 = arith.remsi %add3A_778, %select_n3A_815 : i32
        %ne3A_817 = arith.constant 0 : i32
        %ne3A_818 = arith.cmpi ne, %rem3A_816, %ne3A_817 : i32
        %lt3A_819 = arith.constant 0 : i32
        %lt3A_820 = arith.cmpi slt, %rem3A_816, %lt3A_819 : i32
        %lt3A_821 = arith.constant 0 : i32
        %lt3A_822 = arith.cmpi slt, %select_n3A_815, %lt3A_821 : i32
        %ne3A_823 = arith.xori %lt3A_820, %lt3A_822 : i1
        %and3A_824 = arith.andi %ne3A_823, %ne3A_818 : i1
        %add3A_825 = arith.addi %rem3A_816, %select_n3A_815 : i32
        %select_n3A_826 = arith.select %and3A_824, %add3A_825, %rem3A_816 : i32
        %dma_start3A_827 = arith.constant 0 : i32
        %dma_start3A_828 = tpu.memref_slice %arg9[%select_n3A_826, %dma_start3A_827] : memref<4x16xf32, #tpu.memory_space<vmem>> -> memref<1x16xf32, #tpu.memory_space<vmem>>
        %dma_start3A_829 = tpu.memref_squeeze %dma_start3A_828 : memref<1x16xf32, #tpu.memory_space<vmem>> -> memref<16xf32, #tpu.memory_space<vmem>>
        %dma_start3A_830 = tpu.memref_slice %arg3[%add3A_810] : memref<16384xf32, #tpu.memory_space<hbm>> -> memref<16xf32, #tpu.memory_space<hbm>>
        %dma_start3A_831 = arith.constant 0 : i32
        %dma_start3A_832 = tpu.memref_slice %arg9[%select_n3A_826, %dma_start3A_831] : memref<4x16xf32, #tpu.memory_space<vmem>> -> memref<1x16xf32, #tpu.memory_space<vmem>>
        %dma_start3A_833 = tpu.memref_squeeze %dma_start3A_832 : memref<1x16xf32, #tpu.memory_space<vmem>> -> memref<16xf32, #tpu.memory_space<vmem>>
        %dma_start3A_834 = tpu.memref_slice %arg3[%add3A_810] : memref<16384xf32, #tpu.memory_space<hbm>> -> memref<16xf32, #tpu.memory_space<hbm>>
        tpu.enqueue_dma source(%dma_start3A_834 : memref<16xf32, #tpu.memory_space<hbm>>) target(%dma_start3A_833 : memref<16xf32, #tpu.memory_space<vmem>>) target_semaphore(%arg10 : memref<!tpu.dma_semaphore, #tpu.memory_space<semaphore_mem>>)
      } else {
      }
      %add3A_190 = arith.constant 2 : i32
      %add3A_191 = arith.addi %scan3A_185, %add3A_190 : i32
      %lt3A_192 = arith.constant 32 : i32
      %lt3A_193 = arith.cmpi slt, %add3A_191, %lt3A_192 : i32
      %convert_element_type3A_194 = arith.extui %lt3A_193 : i1 to i32
      %cond3A_195 = arith.constant 0 : i32
      %cond3A_196 = arith.cmpi ne, %convert_element_type3A_194, %cond3A_195 : i32
      scf.if %cond3A_196 {
        %add3A_777 = arith.constant 2 : i32
        %add3A_778 = arith.addi %scan3A_185, %add3A_777 : i32
        %jit3A_779 = arith.constant 4 : i32
        %eq3A_780 = arith.constant 0 : i32
        %eq3A_781 = arith.cmpi eq, %jit3A_779, %eq3A_780 : i32
        %jit3A_782 = arith.constant 1 : i32
        %select_n3A_783 = arith.select %eq3A_781, %jit3A_782, %jit3A_779 : i32
        %rem3A_784 = arith.remsi %add3A_778, %select_n3A_783 : i32
        %ne3A_785 = arith.constant 0 : i32
        %ne3A_786 = arith.cmpi ne, %rem3A_784, %ne3A_785 : i32
        %lt3A_787 = arith.constant 0 : i32
        %lt3A_788 = arith.cmpi slt, %rem3A_784, %lt3A_787 : i32
        %lt3A_789 = arith.constant 0 : i32
        %lt3A_790 = arith.cmpi slt, %select_n3A_783, %lt3A_789 : i32
        %ne3A_791 = arith.xori %lt3A_788, %lt3A_790 : i1
        %and3A_792 = arith.andi %ne3A_791, %ne3A_786 : i1
        %add3A_793 = arith.addi %rem3A_784, %select_n3A_783 : i32
        %select_n3A_794 = arith.select %and3A_792, %add3A_793, %rem3A_784 : i32
        %jit3A_795 = arith.constant 3 : i32
        %eq3A_796 = arith.constant 0 : i32
        %eq3A_797 = arith.cmpi eq, %jit3A_795, %eq3A_796 : i32
        %jit3A_798 = arith.constant 1 : i32
        %select_n3A_799 = arith.select %eq3A_797, %jit3A_798, %jit3A_795 : i32
        %rem3A_800 = arith.remsi %add3A_778, %select_n3A_799 : i32
        %ne3A_801 = arith.constant 0 : i32
        %ne3A_802 = arith.cmpi ne, %rem3A_800, %ne3A_801 : i32
        %lt3A_803 = arith.constant 0 : i32
        %lt3A_804 = arith.cmpi slt, %rem3A_800, %lt3A_803 : i32
        %lt3A_805 = arith.constant 0 : i32
        %lt3A_806 = arith.cmpi slt, %select_n3A_799, %lt3A_805 : i32
        %ne3A_807 = arith.xori %lt3A_804, %lt3A_806 : i1
        %and3A_808 = arith.andi %ne3A_807, %ne3A_802 : i1
        %add3A_809 = arith.addi %rem3A_800, %select_n3A_799 : i32
        %select_n3A_810 = arith.select %and3A_808, %add3A_809, %rem3A_800 : i32
        %mul3A_811 = arith.constant 16 : i32
        %mul3A_812 = arith.muli %add3A_778, %mul3A_811 : i32
        %add3A_813 = arith.addi %mul3A_2, %mul3A_812 : i32
        %mul3A_814 = arith.constant 256 : i32
        %mul3A_815 = arith.muli %add3A_813, %mul3A_814 : i32
        %dma_wait3A_816 = arith.constant 0 : i32
        %dma_wait3A_817 = tpu.memref_slice %arg6[%select_n3A_794, %dma_wait3A_816] : memref<4x4096xi32, #tpu.memory_space<vmem>> -> memref<1x4096xi32, #tpu.memory_space<vmem>>
        %dma_wait3A_818 = tpu.memref_squeeze %dma_wait3A_817 : memref<1x4096xi32, #tpu.memory_space<vmem>> -> memref<4096xi32, #tpu.memory_space<vmem>>
        %dma_wait3A_819 = tpu.memref_slice %arg2[%mul3A_815] : memref<4194304xi32, #tpu.memory_space<hbm>> -> memref<4096xi32, #tpu.memory_space<hbm>>
        %dma_wait3A_820 = arith.constant 0 : i32
        %dma_wait3A_821 = tpu.memref_slice %arg6[%select_n3A_794, %dma_wait3A_820] : memref<4x4096xi32, #tpu.memory_space<vmem>> -> memref<1x4096xi32, #tpu.memory_space<vmem>>
        %dma_wait3A_822 = tpu.memref_squeeze %dma_wait3A_821 : memref<1x4096xi32, #tpu.memory_space<vmem>> -> memref<4096xi32, #tpu.memory_space<vmem>>
        %dma_wait3A_823 = tpu.memref_slice %arg2[%mul3A_815] : memref<4194304xi32, #tpu.memory_space<hbm>> -> memref<4096xi32, #tpu.memory_space<hbm>>
        tpu.wait_dma2 semaphore(%arg10 : memref<!tpu.dma_semaphore, #tpu.memory_space<semaphore_mem>>) src(%dma_wait3A_823 : memref<4096xi32, #tpu.memory_space<hbm>>) dst(%dma_wait3A_822 : memref<4096xi32, #tpu.memory_space<vmem>>)
        %mul3A_824 = arith.constant 16 : i32
        %mul3A_825 = arith.muli %add3A_778, %mul3A_824 : i32
        %add3A_826 = arith.addi %mul3A_2, %mul3A_825 : i32
        %jit3A_827 = arith.constant 4 : i32
        %eq3A_828 = arith.constant 0 : i32
        %eq3A_829 = arith.cmpi eq, %jit3A_827, %eq3A_828 : i32
        %jit3A_830 = arith.constant 1 : i32
        %select_n3A_831 = arith.select %eq3A_829, %jit3A_830, %jit3A_827 : i32
        %rem3A_832 = arith.remsi %add3A_778, %select_n3A_831 : i32
        %ne3A_833 = arith.constant 0 : i32
        %ne3A_834 = arith.cmpi ne, %rem3A_832, %ne3A_833 : i32
        %lt3A_835 = arith.constant 0 : i32
        %lt3A_836 = arith.cmpi slt, %rem3A_832, %lt3A_835 : i32
        %lt3A_837 = arith.constant 0 : i32
        %lt3A_838 = arith.cmpi slt, %select_n3A_831, %lt3A_837 : i32
        %ne3A_839 = arith.xori %lt3A_836, %lt3A_838 : i1
        %and3A_840 = arith.andi %ne3A_839, %ne3A_834 : i1
        %add3A_841 = arith.addi %rem3A_832, %select_n3A_831 : i32
        %select_n3A_842 = arith.select %and3A_840, %add3A_841, %rem3A_832 : i32
        %dma_wait3A_843 = arith.constant 0 : i32
        %dma_wait3A_844 = tpu.memref_slice %arg9[%select_n3A_842, %dma_wait3A_843] : memref<4x16xf32, #tpu.memory_space<vmem>> -> memref<1x16xf32, #tpu.memory_space<vmem>>
        %dma_wait3A_845 = tpu.memref_squeeze %dma_wait3A_844 : memref<1x16xf32, #tpu.memory_space<vmem>> -> memref<16xf32, #tpu.memory_space<vmem>>
        %dma_wait3A_846 = tpu.memref_slice %arg3[%add3A_826] : memref<16384xf32, #tpu.memory_space<hbm>> -> memref<16xf32, #tpu.memory_space<hbm>>
        %dma_wait3A_847 = arith.constant 0 : i32
        %dma_wait3A_848 = tpu.memref_slice %arg9[%select_n3A_842, %dma_wait3A_847] : memref<4x16xf32, #tpu.memory_space<vmem>> -> memref<1x16xf32, #tpu.memory_space<vmem>>
        %dma_wait3A_849 = tpu.memref_squeeze %dma_wait3A_848 : memref<1x16xf32, #tpu.memory_space<vmem>> -> memref<16xf32, #tpu.memory_space<vmem>>
        %dma_wait3A_850 = tpu.memref_slice %arg3[%add3A_826] : memref<16384xf32, #tpu.memory_space<hbm>> -> memref<16xf32, #tpu.memory_space<hbm>>
        tpu.wait_dma2 semaphore(%arg10 : memref<!tpu.dma_semaphore, #tpu.memory_space<semaphore_mem>>) src(%dma_wait3A_850 : memref<16xf32, #tpu.memory_space<hbm>>) dst(%dma_wait3A_849 : memref<16xf32, #tpu.memory_space<vmem>>)
        %jit3A_851 = arith.constant 2 : i32
        %eq3A_852 = arith.constant 0 : i32
        %eq3A_853 = arith.cmpi eq, %jit3A_851, %eq3A_852 : i32
        %jit3A_854 = arith.constant 1 : i32
        %select_n3A_855 = arith.select %eq3A_853, %jit3A_854, %jit3A_851 : i32
        %rem3A_856 = arith.remsi %add3A_778, %select_n3A_855 : i32
        %ne3A_857 = arith.constant 0 : i32
        %ne3A_858 = arith.cmpi ne, %rem3A_856, %ne3A_857 : i32
        %lt3A_859 = arith.constant 0 : i32
        %lt3A_860 = arith.cmpi slt, %rem3A_856, %lt3A_859 : i32
        %lt3A_861 = arith.constant 0 : i32
        %lt3A_862 = arith.cmpi slt, %select_n3A_855, %lt3A_861 : i32
        %ne3A_863 = arith.xori %lt3A_860, %lt3A_862 : i1
        %and3A_864 = arith.andi %ne3A_863, %ne3A_858 : i1
        %add3A_865 = arith.addi %rem3A_856, %select_n3A_855 : i32
        %select_n3A_866 = arith.select %and3A_864, %add3A_865, %rem3A_856 : i32
        %eq3A_867 = arith.constant 0 : i32
        %eq3A_868 = arith.cmpi eq, %select_n3A_866, %eq3A_867 : i32
        %convert_element_type3A_869 = arith.extui %eq3A_868 : i1 to i32
        %cond3A_870 = arith.constant 0 : i32
        %cond3A_871 = arith.cmpi ne, %convert_element_type3A_869, %cond3A_870 : i32
        scf.if %cond3A_871 {
          %scan3A_893 = arith.constant 0 : i32
          %scan3A_894 = arith.constant 0 : i32
          %scan3A_895 = arith.constant 16 : i32
          %scan3A_896 = arith.addi %scan3A_894, %scan3A_895 : i32
          %scan3A_897 = arith.constant 1 : i32
          scf.for %scan3A_899 = %scan3A_894 to %scan3A_896 step %scan3A_897  : i32 {
            %mul3A_900 = arith.constant 256 : i32
            %mul3A_901 = arith.muli %scan3A_899, %mul3A_900 : i32
            %dma_start3A_902 = arith.constant 0 : i32
            %dma_start3A_903 = arith.constant 0 : i32
            %dma_start3A_904 = arith.constant 0 : i32
            %dma_start3A_905 = tpu.memref_slice %arg7[%select_n3A_810, %dma_start3A_902, %dma_start3A_903, %dma_start3A_904] : memref<3x16x32x32xf32, #tpu.memory_space<vmem>> -> memref<1x16x32x32xf32, #tpu.memory_space<vmem>>
            %dma_start3A_906 = tpu.memref_squeeze %dma_start3A_905 : memref<1x16x32x32xf32, #tpu.memory_space<vmem>> -> memref<16x32x32xf32, #tpu.memory_space<vmem>>
            %dma_start3A_907 = arith.constant 0 : i32
            %dma_start3A_908 = arith.constant 0 : i32
            %dma_start3A_909 = tpu.memref_slice %dma_start3A_906[%scan3A_899, %dma_start3A_907, %dma_start3A_908] : memref<16x32x32xf32, #tpu.memory_space<vmem>> -> memref<1x32x32xf32, #tpu.memory_space<vmem>>
            %dma_start3A_910 = tpu.memref_squeeze %dma_start3A_909 : memref<1x32x32xf32, #tpu.memory_space<vmem>> -> memref<32x32xf32, #tpu.memory_space<vmem>>
            %dma_start3A_911 = arith.constant 0 : i32
            %dma_start3A_912 = tpu.memref_slice %arg6[%select_n3A_794, %dma_start3A_911] : memref<4x4096xi32, #tpu.memory_space<vmem>> -> memref<1x4096xi32, #tpu.memory_space<vmem>>
            %dma_start3A_913 = tpu.memref_squeeze %dma_start3A_912 : memref<1x4096xi32, #tpu.memory_space<vmem>> -> memref<4096xi32, #tpu.memory_space<vmem>>
            %dma_start3A_914 = tpu.memref_slice %dma_start3A_913[%mul3A_901] : memref<4096xi32, #tpu.memory_space<vmem>> -> memref<32xi32, #tpu.memory_space<vmem>>
            %dma_start3A_915 = arith.constant 0 : i32
            %dma_start3A_916 = arith.constant 0 : i32
            %dma_start3A_917 = tpu.memref_slice %arg4[%dma_start3A_915, %dma_start3A_916] : memref<4000000x32xf32, #tpu.memory_space<hbm>> -> memref<4000000x32xf32, #tpu.memory_space<hbm>>
            tpu.enqueue_indirect_dma source(%dma_start3A_917 : memref<4000000x32xf32, #tpu.memory_space<hbm>>) target(%dma_start3A_910 : memref<32x32xf32, #tpu.memory_space<vmem>>) offsets(%dma_start3A_914 : memref<32xi32, #tpu.memory_space<vmem>>) semaphore(%arg11 : memref<!tpu.dma_semaphore, #tpu.memory_space<semaphore_mem>>)
          }
          %scan3A_898 = arith.constant 16 : i32
        } else {
        }
        %jit3A_872 = arith.constant 2 : i32
        %eq3A_873 = arith.constant 0 : i32
        %eq3A_874 = arith.cmpi eq, %jit3A_872, %eq3A_873 : i32
        %jit3A_875 = arith.constant 1 : i32
        %select_n3A_876 = arith.select %eq3A_874, %jit3A_875, %jit3A_872 : i32
        %rem3A_877 = arith.remsi %add3A_778, %select_n3A_876 : i32
        %ne3A_878 = arith.constant 0 : i32
        %ne3A_879 = arith.cmpi ne, %rem3A_877, %ne3A_878 : i32
        %lt3A_880 = arith.constant 0 : i32
        %lt3A_881 = arith.cmpi slt, %rem3A_877, %lt3A_880 : i32
        %lt3A_882 = arith.constant 0 : i32
        %lt3A_883 = arith.cmpi slt, %select_n3A_876, %lt3A_882 : i32
        %ne3A_884 = arith.xori %lt3A_881, %lt3A_883 : i1
        %and3A_885 = arith.andi %ne3A_884, %ne3A_879 : i1
        %add3A_886 = arith.addi %rem3A_877, %select_n3A_876 : i32
        %select_n3A_887 = arith.select %and3A_885, %add3A_886, %rem3A_877 : i32
        %eq3A_888 = arith.constant 1 : i32
        %eq3A_889 = arith.cmpi eq, %select_n3A_887, %eq3A_888 : i32
        %convert_element_type3A_890 = arith.extui %eq3A_889 : i1 to i32
        %cond3A_891 = arith.constant 0 : i32
        %cond3A_892 = arith.cmpi ne, %convert_element_type3A_890, %cond3A_891 : i32
        scf.if %cond3A_892 {
          %scan3A_893 = arith.constant 0 : i32
          %scan3A_894 = arith.constant 0 : i32
          %scan3A_895 = arith.constant 16 : i32
          %scan3A_896 = arith.addi %scan3A_894, %scan3A_895 : i32
          %scan3A_897 = arith.constant 1 : i32
          scf.for %scan3A_899 = %scan3A_894 to %scan3A_896 step %scan3A_897  : i32 {
            %mul3A_900 = arith.constant 256 : i32
            %mul3A_901 = arith.muli %scan3A_899, %mul3A_900 : i32
            %dma_start3A_902 = arith.constant 0 : i32
            %dma_start3A_903 = arith.constant 0 : i32
            %dma_start3A_904 = arith.constant 0 : i32
            %dma_start3A_905 = tpu.memref_slice %arg7[%select_n3A_810, %dma_start3A_902, %dma_start3A_903, %dma_start3A_904] : memref<3x16x32x32xf32, #tpu.memory_space<vmem>> -> memref<1x16x32x32xf32, #tpu.memory_space<vmem>>
            %dma_start3A_906 = tpu.memref_squeeze %dma_start3A_905 : memref<1x16x32x32xf32, #tpu.memory_space<vmem>> -> memref<16x32x32xf32, #tpu.memory_space<vmem>>
            %dma_start3A_907 = arith.constant 0 : i32
            %dma_start3A_908 = arith.constant 0 : i32
            %dma_start3A_909 = tpu.memref_slice %dma_start3A_906[%scan3A_899, %dma_start3A_907, %dma_start3A_908] : memref<16x32x32xf32, #tpu.memory_space<vmem>> -> memref<1x32x32xf32, #tpu.memory_space<vmem>>
            %dma_start3A_910 = tpu.memref_squeeze %dma_start3A_909 : memref<1x32x32xf32, #tpu.memory_space<vmem>> -> memref<32x32xf32, #tpu.memory_space<vmem>>
            %dma_start3A_911 = arith.constant 0 : i32
            %dma_start3A_912 = tpu.memref_slice %arg6[%select_n3A_794, %dma_start3A_911] : memref<4x4096xi32, #tpu.memory_space<vmem>> -> memref<1x4096xi32, #tpu.memory_space<vmem>>
            %dma_start3A_913 = tpu.memref_squeeze %dma_start3A_912 : memref<1x4096xi32, #tpu.memory_space<vmem>> -> memref<4096xi32, #tpu.memory_space<vmem>>
            %dma_start3A_914 = tpu.memref_slice %dma_start3A_913[%mul3A_901] : memref<4096xi32, #tpu.memory_space<vmem>> -> memref<32xi32, #tpu.memory_space<vmem>>
            %dma_start3A_915 = arith.constant 0 : i32
            %dma_start3A_916 = arith.constant 0 : i32
            %dma_start3A_917 = tpu.memref_slice %arg4[%dma_start3A_915, %dma_start3A_916] : memref<4000000x32xf32, #tpu.memory_space<hbm>> -> memref<4000000x32xf32, #tpu.memory_space<hbm>>
            tpu.enqueue_indirect_dma source(%dma_start3A_917 : memref<4000000x32xf32, #tpu.memory_space<hbm>>) target(%dma_start3A_910 : memref<32x32xf32, #tpu.memory_space<vmem>>) offsets(%dma_start3A_914 : memref<32xi32, #tpu.memory_space<vmem>>) semaphore(%arg12 : memref<!tpu.dma_semaphore, #tpu.memory_space<semaphore_mem>>)
          }
          %scan3A_898 = arith.constant 16 : i32
        } else {
        }
      } else {
      }
      %add3A_197 = arith.constant 1 : i32
      %add3A_198 = arith.addi %scan3A_185, %add3A_197 : i32
      %lt3A_199 = arith.constant 32 : i32
      %lt3A_200 = arith.cmpi slt, %add3A_198, %lt3A_199 : i32
      %convert_element_type3A_201 = arith.extui %lt3A_200 : i1 to i32
      %cond3A_202 = arith.constant 0 : i32
      %cond3A_203 = arith.cmpi ne, %convert_element_type3A_201, %cond3A_202 : i32
      scf.if %cond3A_203 {
        %add3A_777 = arith.constant 1 : i32
        %add3A_778 = arith.addi %scan3A_185, %add3A_777 : i32
        %jit3A_779 = arith.constant 4 : i32
        %eq3A_780 = arith.constant 0 : i32
        %eq3A_781 = arith.cmpi eq, %jit3A_779, %eq3A_780 : i32
        %jit3A_782 = arith.constant 1 : i32
        %select_n3A_783 = arith.select %eq3A_781, %jit3A_782, %jit3A_779 : i32
        %rem3A_784 = arith.remsi %add3A_778, %select_n3A_783 : i32
        %ne3A_785 = arith.constant 0 : i32
        %ne3A_786 = arith.cmpi ne, %rem3A_784, %ne3A_785 : i32
        %lt3A_787 = arith.constant 0 : i32
        %lt3A_788 = arith.cmpi slt, %rem3A_784, %lt3A_787 : i32
        %lt3A_789 = arith.constant 0 : i32
        %lt3A_790 = arith.cmpi slt, %select_n3A_783, %lt3A_789 : i32
        %ne3A_791 = arith.xori %lt3A_788, %lt3A_790 : i1
        %and3A_792 = arith.andi %ne3A_791, %ne3A_786 : i1
        %add3A_793 = arith.addi %rem3A_784, %select_n3A_783 : i32
        %select_n3A_794 = arith.select %and3A_792, %add3A_793, %rem3A_784 : i32
        %jit3A_795 = arith.constant 3 : i32
        %eq3A_796 = arith.constant 0 : i32
        %eq3A_797 = arith.cmpi eq, %jit3A_795, %eq3A_796 : i32
        %jit3A_798 = arith.constant 1 : i32
        %select_n3A_799 = arith.select %eq3A_797, %jit3A_798, %jit3A_795 : i32
        %rem3A_800 = arith.remsi %add3A_778, %select_n3A_799 : i32
        %ne3A_801 = arith.constant 0 : i32
        %ne3A_802 = arith.cmpi ne, %rem3A_800, %ne3A_801 : i32
        %lt3A_803 = arith.constant 0 : i32
        %lt3A_804 = arith.cmpi slt, %rem3A_800, %lt3A_803 : i32
        %lt3A_805 = arith.constant 0 : i32
        %lt3A_806 = arith.cmpi slt, %select_n3A_799, %lt3A_805 : i32
        %ne3A_807 = arith.xori %lt3A_804, %lt3A_806 : i1
        %and3A_808 = arith.andi %ne3A_807, %ne3A_802 : i1
        %add3A_809 = arith.addi %rem3A_800, %select_n3A_799 : i32
        %select_n3A_810 = arith.select %and3A_808, %add3A_809, %rem3A_800 : i32
        %jit3A_811 = arith.constant 2 : i32
        %eq3A_812 = arith.constant 0 : i32
        %eq3A_813 = arith.cmpi eq, %jit3A_811, %eq3A_812 : i32
        %jit3A_814 = arith.constant 1 : i32
        %select_n3A_815 = arith.select %eq3A_813, %jit3A_814, %jit3A_811 : i32
        %rem3A_816 = arith.remsi %add3A_778, %select_n3A_815 : i32
        %ne3A_817 = arith.constant 0 : i32
        %ne3A_818 = arith.cmpi ne, %rem3A_816, %ne3A_817 : i32
        %lt3A_819 = arith.constant 0 : i32
        %lt3A_820 = arith.cmpi slt, %rem3A_816, %lt3A_819 : i32
        %lt3A_821 = arith.constant 0 : i32
        %lt3A_822 = arith.cmpi slt, %select_n3A_815, %lt3A_821 : i32
        %ne3A_823 = arith.xori %lt3A_820, %lt3A_822 : i1
        %and3A_824 = arith.andi %ne3A_823, %ne3A_818 : i1
        %add3A_825 = arith.addi %rem3A_816, %select_n3A_815 : i32
        %select_n3A_826 = arith.select %and3A_824, %add3A_825, %rem3A_816 : i32
        %eq3A_827 = arith.constant 0 : i32
        %eq3A_828 = arith.cmpi eq, %select_n3A_826, %eq3A_827 : i32
        %convert_element_type3A_829 = arith.extui %eq3A_828 : i1 to i32
        %cond3A_830 = arith.constant 0 : i32
        %cond3A_831 = arith.cmpi ne, %convert_element_type3A_829, %cond3A_830 : i32
        scf.if %cond3A_831 {
          %scan3A_895 = arith.constant 0 : i32
          %scan3A_896 = arith.constant 0 : i32
          %scan3A_897 = arith.constant 16 : i32
          %scan3A_898 = arith.addi %scan3A_896, %scan3A_897 : i32
          %scan3A_899 = arith.constant 1 : i32
          scf.for %scan3A_901 = %scan3A_896 to %scan3A_898 step %scan3A_899  : i32 {
            %mul3A_902 = arith.constant 256 : i32
            %mul3A_903 = arith.muli %scan3A_901, %mul3A_902 : i32
            %dma_wait3A_904 = arith.constant 0 : i32
            %dma_wait3A_905 = arith.constant 0 : i32
            %dma_wait3A_906 = arith.constant 0 : i32
            %dma_wait3A_907 = tpu.memref_slice %arg7[%select_n3A_810, %dma_wait3A_904, %dma_wait3A_905, %dma_wait3A_906] : memref<3x16x32x32xf32, #tpu.memory_space<vmem>> -> memref<1x16x32x32xf32, #tpu.memory_space<vmem>>
            %dma_wait3A_908 = tpu.memref_squeeze %dma_wait3A_907 : memref<1x16x32x32xf32, #tpu.memory_space<vmem>> -> memref<16x32x32xf32, #tpu.memory_space<vmem>>
            %dma_wait3A_909 = arith.constant 0 : i32
            %dma_wait3A_910 = arith.constant 0 : i32
            %dma_wait3A_911 = tpu.memref_slice %dma_wait3A_908[%scan3A_901, %dma_wait3A_909, %dma_wait3A_910] : memref<16x32x32xf32, #tpu.memory_space<vmem>> -> memref<1x32x32xf32, #tpu.memory_space<vmem>>
            %dma_wait3A_912 = tpu.memref_squeeze %dma_wait3A_911 : memref<1x32x32xf32, #tpu.memory_space<vmem>> -> memref<32x32xf32, #tpu.memory_space<vmem>>
            %dma_wait3A_913 = arith.constant 0 : i32
            %dma_wait3A_914 = tpu.memref_slice %arg6[%select_n3A_794, %dma_wait3A_913] : memref<4x4096xi32, #tpu.memory_space<vmem>> -> memref<1x4096xi32, #tpu.memory_space<vmem>>
            %dma_wait3A_915 = tpu.memref_squeeze %dma_wait3A_914 : memref<1x4096xi32, #tpu.memory_space<vmem>> -> memref<4096xi32, #tpu.memory_space<vmem>>
            %dma_wait3A_916 = tpu.memref_slice %dma_wait3A_915[%mul3A_903] : memref<4096xi32, #tpu.memory_space<vmem>> -> memref<32xi32, #tpu.memory_space<vmem>>
            %dma_wait3A_917 = arith.constant 0 : i32
            %dma_wait3A_918 = arith.constant 0 : i32
            %dma_wait3A_919 = tpu.memref_slice %arg4[%dma_wait3A_917, %dma_wait3A_918] : memref<4000000x32xf32, #tpu.memory_space<hbm>> -> memref<4000000x32xf32, #tpu.memory_space<hbm>>
            tpu.wait_indirect_dma semaphore(%arg11 : memref<!tpu.dma_semaphore, #tpu.memory_space<semaphore_mem>>) src(%dma_wait3A_919 : memref<4000000x32xf32, #tpu.memory_space<hbm>>) dst(%dma_wait3A_912 : memref<32x32xf32, #tpu.memory_space<vmem>>)
          }
          %scan3A_900 = arith.constant 16 : i32
        } else {
        }
        %jit3A_832 = arith.constant 2 : i32
        %eq3A_833 = arith.constant 0 : i32
        %eq3A_834 = arith.cmpi eq, %jit3A_832, %eq3A_833 : i32
        %jit3A_835 = arith.constant 1 : i32
        %select_n3A_836 = arith.select %eq3A_834, %jit3A_835, %jit3A_832 : i32
        %rem3A_837 = arith.remsi %add3A_778, %select_n3A_836 : i32
        %ne3A_838 = arith.constant 0 : i32
        %ne3A_839 = arith.cmpi ne, %rem3A_837, %ne3A_838 : i32
        %lt3A_840 = arith.constant 0 : i32
        %lt3A_841 = arith.cmpi slt, %rem3A_837, %lt3A_840 : i32
        %lt3A_842 = arith.constant 0 : i32
        %lt3A_843 = arith.cmpi slt, %select_n3A_836, %lt3A_842 : i32
        %ne3A_844 = arith.xori %lt3A_841, %lt3A_843 : i1
        %and3A_845 = arith.andi %ne3A_844, %ne3A_839 : i1
        %add3A_846 = arith.addi %rem3A_837, %select_n3A_836 : i32
        %select_n3A_847 = arith.select %and3A_845, %add3A_846, %rem3A_837 : i32
        %eq3A_848 = arith.constant 1 : i32
        %eq3A_849 = arith.cmpi eq, %select_n3A_847, %eq3A_848 : i32
        %convert_element_type3A_850 = arith.extui %eq3A_849 : i1 to i32
        %cond3A_851 = arith.constant 0 : i32
        %cond3A_852 = arith.cmpi ne, %convert_element_type3A_850, %cond3A_851 : i32
        scf.if %cond3A_852 {
          %scan3A_895 = arith.constant 0 : i32
          %scan3A_896 = arith.constant 0 : i32
          %scan3A_897 = arith.constant 16 : i32
          %scan3A_898 = arith.addi %scan3A_896, %scan3A_897 : i32
          %scan3A_899 = arith.constant 1 : i32
          scf.for %scan3A_901 = %scan3A_896 to %scan3A_898 step %scan3A_899  : i32 {
            %mul3A_902 = arith.constant 256 : i32
            %mul3A_903 = arith.muli %scan3A_901, %mul3A_902 : i32
            %dma_wait3A_904 = arith.constant 0 : i32
            %dma_wait3A_905 = arith.constant 0 : i32
            %dma_wait3A_906 = arith.constant 0 : i32
            %dma_wait3A_907 = tpu.memref_slice %arg7[%select_n3A_810, %dma_wait3A_904, %dma_wait3A_905, %dma_wait3A_906] : memref<3x16x32x32xf32, #tpu.memory_space<vmem>> -> memref<1x16x32x32xf32, #tpu.memory_space<vmem>>
            %dma_wait3A_908 = tpu.memref_squeeze %dma_wait3A_907 : memref<1x16x32x32xf32, #tpu.memory_space<vmem>> -> memref<16x32x32xf32, #tpu.memory_space<vmem>>
            %dma_wait3A_909 = arith.constant 0 : i32
            %dma_wait3A_910 = arith.constant 0 : i32
            %dma_wait3A_911 = tpu.memref_slice %dma_wait3A_908[%scan3A_901, %dma_wait3A_909, %dma_wait3A_910] : memref<16x32x32xf32, #tpu.memory_space<vmem>> -> memref<1x32x32xf32, #tpu.memory_space<vmem>>
            %dma_wait3A_912 = tpu.memref_squeeze %dma_wait3A_911 : memref<1x32x32xf32, #tpu.memory_space<vmem>> -> memref<32x32xf32, #tpu.memory_space<vmem>>
            %dma_wait3A_913 = arith.constant 0 : i32
            %dma_wait3A_914 = tpu.memref_slice %arg6[%select_n3A_794, %dma_wait3A_913] : memref<4x4096xi32, #tpu.memory_space<vmem>> -> memref<1x4096xi32, #tpu.memory_space<vmem>>
            %dma_wait3A_915 = tpu.memref_squeeze %dma_wait3A_914 : memref<1x4096xi32, #tpu.memory_space<vmem>> -> memref<4096xi32, #tpu.memory_space<vmem>>
            %dma_wait3A_916 = tpu.memref_slice %dma_wait3A_915[%mul3A_903] : memref<4096xi32, #tpu.memory_space<vmem>> -> memref<32xi32, #tpu.memory_space<vmem>>
            %dma_wait3A_917 = arith.constant 0 : i32
            %dma_wait3A_918 = arith.constant 0 : i32
            %dma_wait3A_919 = tpu.memref_slice %arg4[%dma_wait3A_917, %dma_wait3A_918] : memref<4000000x32xf32, #tpu.memory_space<hbm>> -> memref<4000000x32xf32, #tpu.memory_space<hbm>>
            tpu.wait_indirect_dma semaphore(%arg12 : memref<!tpu.dma_semaphore, #tpu.memory_space<semaphore_mem>>) src(%dma_wait3A_919 : memref<4000000x32xf32, #tpu.memory_space<hbm>>) dst(%dma_wait3A_912 : memref<32x32xf32, #tpu.memory_space<vmem>>)
          }
          %scan3A_900 = arith.constant 16 : i32
        } else {
        }
        %jit3A_853 = arith.constant 2 : i32
        %eq3A_854 = arith.constant 0 : i32
        %eq3A_855 = arith.cmpi eq, %jit3A_853, %eq3A_854 : i32
        %jit3A_856 = arith.constant 1 : i32
        %select_n3A_857 = arith.select %eq3A_855, %jit3A_856, %jit3A_853 : i32
        %rem3A_858 = arith.remsi %add3A_778, %select_n3A_857 : i32
        %ne3A_859 = arith.constant 0 : i32
        %ne3A_860 = arith.cmpi ne, %rem3A_858, %ne3A_859 : i32
        %lt3A_861 = arith.constant 0 : i32
        %lt3A_862 = arith.cmpi slt, %rem3A_858, %lt3A_861 : i32
        %lt3A_863 = arith.constant 0 : i32
        %lt3A_864 = arith.cmpi slt, %select_n3A_857, %lt3A_863 : i32
        %ne3A_865 = arith.xori %lt3A_862, %lt3A_864 : i1
        %and3A_866 = arith.andi %ne3A_865, %ne3A_860 : i1
        %add3A_867 = arith.addi %rem3A_858, %select_n3A_857 : i32
        %select_n3A_868 = arith.select %and3A_866, %add3A_867, %rem3A_858 : i32
        %eq3A_869 = arith.constant 0 : i32
        %eq3A_870 = arith.cmpi eq, %select_n3A_868, %eq3A_869 : i32
        %convert_element_type3A_871 = arith.extui %eq3A_870 : i1 to i32
        %cond3A_872 = arith.constant 0 : i32
        %cond3A_873 = arith.cmpi ne, %convert_element_type3A_871, %cond3A_872 : i32
        scf.if %cond3A_873 {
          %scan3A_895 = arith.constant 0 : i32
          %scan3A_896 = arith.constant 0 : i32
          %scan3A_897 = arith.constant 16 : i32
          %scan3A_898 = arith.addi %scan3A_896, %scan3A_897 : i32
          %scan3A_899 = arith.constant 1 : i32
          scf.for %scan3A_901 = %scan3A_896 to %scan3A_898 step %scan3A_899  : i32 {
            %mul3A_902 = arith.constant 256 : i32
            %mul3A_903 = arith.muli %scan3A_901, %mul3A_902 : i32
            %add3A_904 = arith.constant 32 : i32
            %add3A_905 = arith.addi %mul3A_903, %add3A_904 : i32
            %dma_start3A_906 = arith.constant 0 : i32
            %dma_start3A_907 = arith.constant 0 : i32
            %dma_start3A_908 = arith.constant 0 : i32
            %dma_start3A_909 = tpu.memref_slice %arg7[%select_n3A_810, %dma_start3A_906, %dma_start3A_907, %dma_start3A_908] : memref<3x16x32x32xf32, #tpu.memory_space<vmem>> -> memref<1x16x32x32xf32, #tpu.memory_space<vmem>>
            %dma_start3A_910 = tpu.memref_squeeze %dma_start3A_909 : memref<1x16x32x32xf32, #tpu.memory_space<vmem>> -> memref<16x32x32xf32, #tpu.memory_space<vmem>>
            %dma_start3A_911 = arith.constant 0 : i32
            %dma_start3A_912 = arith.constant 0 : i32
            %dma_start3A_913 = tpu.memref_slice %dma_start3A_910[%scan3A_901, %dma_start3A_911, %dma_start3A_912] : memref<16x32x32xf32, #tpu.memory_space<vmem>> -> memref<1x32x32xf32, #tpu.memory_space<vmem>>
            %dma_start3A_914 = tpu.memref_squeeze %dma_start3A_913 : memref<1x32x32xf32, #tpu.memory_space<vmem>> -> memref<32x32xf32, #tpu.memory_space<vmem>>
            %dma_start3A_915 = arith.constant 0 : i32
            %dma_start3A_916 = tpu.memref_slice %arg6[%select_n3A_794, %dma_start3A_915] : memref<4x4096xi32, #tpu.memory_space<vmem>> -> memref<1x4096xi32, #tpu.memory_space<vmem>>
            %dma_start3A_917 = tpu.memref_squeeze %dma_start3A_916 : memref<1x4096xi32, #tpu.memory_space<vmem>> -> memref<4096xi32, #tpu.memory_space<vmem>>
            %dma_start3A_918 = tpu.memref_slice %dma_start3A_917[%add3A_905] : memref<4096xi32, #tpu.memory_space<vmem>> -> memref<32xi32, #tpu.memory_space<vmem>>
            %dma_start3A_919 = arith.constant 0 : i32
            %dma_start3A_920 = arith.constant 0 : i32
            %dma_start3A_921 = tpu.memref_slice %arg4[%dma_start3A_919, %dma_start3A_920] : memref<4000000x32xf32, #tpu.memory_space<hbm>> -> memref<4000000x32xf32, #tpu.memory_space<hbm>>
            tpu.enqueue_indirect_dma source(%dma_start3A_921 : memref<4000000x32xf32, #tpu.memory_space<hbm>>) target(%dma_start3A_914 : memref<32x32xf32, #tpu.memory_space<vmem>>) offsets(%dma_start3A_918 : memref<32xi32, #tpu.memory_space<vmem>>) semaphore(%arg13 : memref<!tpu.dma_semaphore, #tpu.memory_space<semaphore_mem>>) {add = true}
            %mul3A_922 = arith.constant 256 : i32
            %mul3A_923 = arith.muli %scan3A_901, %mul3A_922 : i32
            %add3A_924 = arith.constant 64 : i32
            %add3A_925 = arith.addi %mul3A_923, %add3A_924 : i32
            %dma_start3A_926 = arith.constant 0 : i32
            %dma_start3A_927 = arith.constant 0 : i32
            %dma_start3A_928 = arith.constant 0 : i32
            %dma_start3A_929 = tpu.memref_slice %arg7[%select_n3A_810, %dma_start3A_926, %dma_start3A_927, %dma_start3A_928] : memref<3x16x32x32xf32, #tpu.memory_space<vmem>> -> memref<1x16x32x32xf32, #tpu.memory_space<vmem>>
            %dma_start3A_930 = tpu.memref_squeeze %dma_start3A_929 : memref<1x16x32x32xf32, #tpu.memory_space<vmem>> -> memref<16x32x32xf32, #tpu.memory_space<vmem>>
            %dma_start3A_931 = arith.constant 0 : i32
            %dma_start3A_932 = arith.constant 0 : i32
            %dma_start3A_933 = tpu.memref_slice %dma_start3A_930[%scan3A_901, %dma_start3A_931, %dma_start3A_932] : memref<16x32x32xf32, #tpu.memory_space<vmem>> -> memref<1x32x32xf32, #tpu.memory_space<vmem>>
            %dma_start3A_934 = tpu.memref_squeeze %dma_start3A_933 : memref<1x32x32xf32, #tpu.memory_space<vmem>> -> memref<32x32xf32, #tpu.memory_space<vmem>>
            %dma_start3A_935 = arith.constant 0 : i32
            %dma_start3A_936 = tpu.memref_slice %arg6[%select_n3A_794, %dma_start3A_935] : memref<4x4096xi32, #tpu.memory_space<vmem>> -> memref<1x4096xi32, #tpu.memory_space<vmem>>
            %dma_start3A_937 = tpu.memref_squeeze %dma_start3A_936 : memref<1x4096xi32, #tpu.memory_space<vmem>> -> memref<4096xi32, #tpu.memory_space<vmem>>
            %dma_start3A_938 = tpu.memref_slice %dma_start3A_937[%add3A_925] : memref<4096xi32, #tpu.memory_space<vmem>> -> memref<32xi32, #tpu.memory_space<vmem>>
            %dma_start3A_939 = arith.constant 0 : i32
            %dma_start3A_940 = arith.constant 0 : i32
            %dma_start3A_941 = tpu.memref_slice %arg4[%dma_start3A_939, %dma_start3A_940] : memref<4000000x32xf32, #tpu.memory_space<hbm>> -> memref<4000000x32xf32, #tpu.memory_space<hbm>>
            tpu.enqueue_indirect_dma source(%dma_start3A_941 : memref<4000000x32xf32, #tpu.memory_space<hbm>>) target(%dma_start3A_934 : memref<32x32xf32, #tpu.memory_space<vmem>>) offsets(%dma_start3A_938 : memref<32xi32, #tpu.memory_space<vmem>>) semaphore(%arg13 : memref<!tpu.dma_semaphore, #tpu.memory_space<semaphore_mem>>) {add = true}
            %mul3A_942 = arith.constant 256 : i32
            %mul3A_943 = arith.muli %scan3A_901, %mul3A_942 : i32
            %add3A_944 = arith.constant 96 : i32
            %add3A_945 = arith.addi %mul3A_943, %add3A_944 : i32
            %dma_start3A_946 = arith.constant 0 : i32
            %dma_start3A_947 = arith.constant 0 : i32
            %dma_start3A_948 = arith.constant 0 : i32
            %dma_start3A_949 = tpu.memref_slice %arg7[%select_n3A_810, %dma_start3A_946, %dma_start3A_947, %dma_start3A_948] : memref<3x16x32x32xf32, #tpu.memory_space<vmem>> -> memref<1x16x32x32xf32, #tpu.memory_space<vmem>>
            %dma_start3A_950 = tpu.memref_squeeze %dma_start3A_949 : memref<1x16x32x32xf32, #tpu.memory_space<vmem>> -> memref<16x32x32xf32, #tpu.memory_space<vmem>>
            %dma_start3A_951 = arith.constant 0 : i32
            %dma_start3A_952 = arith.constant 0 : i32
            %dma_start3A_953 = tpu.memref_slice %dma_start3A_950[%scan3A_901, %dma_start3A_951, %dma_start3A_952] : memref<16x32x32xf32, #tpu.memory_space<vmem>> -> memref<1x32x32xf32, #tpu.memory_space<vmem>>
            %dma_start3A_954 = tpu.memref_squeeze %dma_start3A_953 : memref<1x32x32xf32, #tpu.memory_space<vmem>> -> memref<32x32xf32, #tpu.memory_space<vmem>>
            %dma_start3A_955 = arith.constant 0 : i32
            %dma_start3A_956 = tpu.memref_slice %arg6[%select_n3A_794, %dma_start3A_955] : memref<4x4096xi32, #tpu.memory_space<vmem>> -> memref<1x4096xi32, #tpu.memory_space<vmem>>
            %dma_start3A_957 = tpu.memref_squeeze %dma_start3A_956 : memref<1x4096xi32, #tpu.memory_space<vmem>> -> memref<4096xi32, #tpu.memory_space<vmem>>
            %dma_start3A_958 = tpu.memref_slice %dma_start3A_957[%add3A_945] : memref<4096xi32, #tpu.memory_space<vmem>> -> memref<32xi32, #tpu.memory_space<vmem>>
            %dma_start3A_959 = arith.constant 0 : i32
            %dma_start3A_960 = arith.constant 0 : i32
            %dma_start3A_961 = tpu.memref_slice %arg4[%dma_start3A_959, %dma_start3A_960] : memref<4000000x32xf32, #tpu.memory_space<hbm>> -> memref<4000000x32xf32, #tpu.memory_space<hbm>>
            tpu.enqueue_indirect_dma source(%dma_start3A_961 : memref<4000000x32xf32, #tpu.memory_space<hbm>>) target(%dma_start3A_954 : memref<32x32xf32, #tpu.memory_space<vmem>>) offsets(%dma_start3A_958 : memref<32xi32, #tpu.memory_space<vmem>>) semaphore(%arg13 : memref<!tpu.dma_semaphore, #tpu.memory_space<semaphore_mem>>) {add = true}
            %mul3A_962 = arith.constant 256 : i32
            %mul3A_963 = arith.muli %scan3A_901, %mul3A_962 : i32
            %add3A_964 = arith.constant 128 : i32
            %add3A_965 = arith.addi %mul3A_963, %add3A_964 : i32
            %dma_start3A_966 = arith.constant 0 : i32
            %dma_start3A_967 = arith.constant 0 : i32
            %dma_start3A_968 = arith.constant 0 : i32
            %dma_start3A_969 = tpu.memref_slice %arg7[%select_n3A_810, %dma_start3A_966, %dma_start3A_967, %dma_start3A_968] : memref<3x16x32x32xf32, #tpu.memory_space<vmem>> -> memref<1x16x32x32xf32, #tpu.memory_space<vmem>>
            %dma_start3A_970 = tpu.memref_squeeze %dma_start3A_969 : memref<1x16x32x32xf32, #tpu.memory_space<vmem>> -> memref<16x32x32xf32, #tpu.memory_space<vmem>>
            %dma_start3A_971 = arith.constant 0 : i32
            %dma_start3A_972 = arith.constant 0 : i32
            %dma_start3A_973 = tpu.memref_slice %dma_start3A_970[%scan3A_901, %dma_start3A_971, %dma_start3A_972] : memref<16x32x32xf32, #tpu.memory_space<vmem>> -> memref<1x32x32xf32, #tpu.memory_space<vmem>>
            %dma_start3A_974 = tpu.memref_squeeze %dma_start3A_973 : memref<1x32x32xf32, #tpu.memory_space<vmem>> -> memref<32x32xf32, #tpu.memory_space<vmem>>
            %dma_start3A_975 = arith.constant 0 : i32
            %dma_start3A_976 = tpu.memref_slice %arg6[%select_n3A_794, %dma_start3A_975] : memref<4x4096xi32, #tpu.memory_space<vmem>> -> memref<1x4096xi32, #tpu.memory_space<vmem>>
            %dma_start3A_977 = tpu.memref_squeeze %dma_start3A_976 : memref<1x4096xi32, #tpu.memory_space<vmem>> -> memref<4096xi32, #tpu.memory_space<vmem>>
            %dma_start3A_978 = tpu.memref_slice %dma_start3A_977[%add3A_965] : memref<4096xi32, #tpu.memory_space<vmem>> -> memref<32xi32, #tpu.memory_space<vmem>>
            %dma_start3A_979 = arith.constant 0 : i32
            %dma_start3A_980 = arith.constant 0 : i32
            %dma_start3A_981 = tpu.memref_slice %arg4[%dma_start3A_979, %dma_start3A_980] : memref<4000000x32xf32, #tpu.memory_space<hbm>> -> memref<4000000x32xf32, #tpu.memory_space<hbm>>
            tpu.enqueue_indirect_dma source(%dma_start3A_981 : memref<4000000x32xf32, #tpu.memory_space<hbm>>) target(%dma_start3A_974 : memref<32x32xf32, #tpu.memory_space<vmem>>) offsets(%dma_start3A_978 : memref<32xi32, #tpu.memory_space<vmem>>) semaphore(%arg13 : memref<!tpu.dma_semaphore, #tpu.memory_space<semaphore_mem>>) {add = true}
            %mul3A_982 = arith.constant 256 : i32
            %mul3A_983 = arith.muli %scan3A_901, %mul3A_982 : i32
            %add3A_984 = arith.constant 160 : i32
            %add3A_985 = arith.addi %mul3A_983, %add3A_984 : i32
            %dma_start3A_986 = arith.constant 0 : i32
            %dma_start3A_987 = arith.constant 0 : i32
            %dma_start3A_988 = arith.constant 0 : i32
            %dma_start3A_989 = tpu.memref_slice %arg7[%select_n3A_810, %dma_start3A_986, %dma_start3A_987, %dma_start3A_988] : memref<3x16x32x32xf32, #tpu.memory_space<vmem>> -> memref<1x16x32x32xf32, #tpu.memory_space<vmem>>
            %dma_start3A_990 = tpu.memref_squeeze %dma_start3A_989 : memref<1x16x32x32xf32, #tpu.memory_space<vmem>> -> memref<16x32x32xf32, #tpu.memory_space<vmem>>
            %dma_start3A_991 = arith.constant 0 : i32
            %dma_start3A_992 = arith.constant 0 : i32
            %dma_start3A_993 = tpu.memref_slice %dma_start3A_990[%scan3A_901, %dma_start3A_991, %dma_start3A_992] : memref<16x32x32xf32, #tpu.memory_space<vmem>> -> memref<1x32x32xf32, #tpu.memory_space<vmem>>
            %dma_start3A_994 = tpu.memref_squeeze %dma_start3A_993 : memref<1x32x32xf32, #tpu.memory_space<vmem>> -> memref<32x32xf32, #tpu.memory_space<vmem>>
            %dma_start3A_995 = arith.constant 0 : i32
            %dma_start3A_996 = tpu.memref_slice %arg6[%select_n3A_794, %dma_start3A_995] : memref<4x4096xi32, #tpu.memory_space<vmem>> -> memref<1x4096xi32, #tpu.memory_space<vmem>>
            %dma_start3A_997 = tpu.memref_squeeze %dma_start3A_996 : memref<1x4096xi32, #tpu.memory_space<vmem>> -> memref<4096xi32, #tpu.memory_space<vmem>>
            %dma_start3A_998 = tpu.memref_slice %dma_start3A_997[%add3A_985] : memref<4096xi32, #tpu.memory_space<vmem>> -> memref<32xi32, #tpu.memory_space<vmem>>
            %dma_start3A_999 = arith.constant 0 : i32
            %dma_start3A_1000 = arith.constant 0 : i32
            %dma_start3A_1001 = tpu.memref_slice %arg4[%dma_start3A_999, %dma_start3A_1000] : memref<4000000x32xf32, #tpu.memory_space<hbm>> -> memref<4000000x32xf32, #tpu.memory_space<hbm>>
            tpu.enqueue_indirect_dma source(%dma_start3A_1001 : memref<4000000x32xf32, #tpu.memory_space<hbm>>) target(%dma_start3A_994 : memref<32x32xf32, #tpu.memory_space<vmem>>) offsets(%dma_start3A_998 : memref<32xi32, #tpu.memory_space<vmem>>) semaphore(%arg13 : memref<!tpu.dma_semaphore, #tpu.memory_space<semaphore_mem>>) {add = true}
            %mul3A_1002 = arith.constant 256 : i32
            %mul3A_1003 = arith.muli %scan3A_901, %mul3A_1002 : i32
            %add3A_1004 = arith.constant 192 : i32
            %add3A_1005 = arith.addi %mul3A_1003, %add3A_1004 : i32
            %dma_start3A_1006 = arith.constant 0 : i32
            %dma_start3A_1007 = arith.constant 0 : i32
            %dma_start3A_1008 = arith.constant 0 : i32
            %dma_start3A_1009 = tpu.memref_slice %arg7[%select_n3A_810, %dma_start3A_1006, %dma_start3A_1007, %dma_start3A_1008] : memref<3x16x32x32xf32, #tpu.memory_space<vmem>> -> memref<1x16x32x32xf32, #tpu.memory_space<vmem>>
            %dma_start3A_1010 = tpu.memref_squeeze %dma_start3A_1009 : memref<1x16x32x32xf32, #tpu.memory_space<vmem>> -> memref<16x32x32xf32, #tpu.memory_space<vmem>>
            %dma_start3A_1011 = arith.constant 0 : i32
            %dma_start3A_1012 = arith.constant 0 : i32
            %dma_start3A_1013 = tpu.memref_slice %dma_start3A_1010[%scan3A_901, %dma_start3A_1011, %dma_start3A_1012] : memref<16x32x32xf32, #tpu.memory_space<vmem>> -> memref<1x32x32xf32, #tpu.memory_space<vmem>>
            %dma_start3A_1014 = tpu.memref_squeeze %dma_start3A_1013 : memref<1x32x32xf32, #tpu.memory_space<vmem>> -> memref<32x32xf32, #tpu.memory_space<vmem>>
            %dma_start3A_1015 = arith.constant 0 : i32
            %dma_start3A_1016 = tpu.memref_slice %arg6[%select_n3A_794, %dma_start3A_1015] : memref<4x4096xi32, #tpu.memory_space<vmem>> -> memref<1x4096xi32, #tpu.memory_space<vmem>>
            %dma_start3A_1017 = tpu.memref_squeeze %dma_start3A_1016 : memref<1x4096xi32, #tpu.memory_space<vmem>> -> memref<4096xi32, #tpu.memory_space<vmem>>
            %dma_start3A_1018 = tpu.memref_slice %dma_start3A_1017[%add3A_1005] : memref<4096xi32, #tpu.memory_space<vmem>> -> memref<32xi32, #tpu.memory_space<vmem>>
            %dma_start3A_1019 = arith.constant 0 : i32
            %dma_start3A_1020 = arith.constant 0 : i32
            %dma_start3A_1021 = tpu.memref_slice %arg4[%dma_start3A_1019, %dma_start3A_1020] : memref<4000000x32xf32, #tpu.memory_space<hbm>> -> memref<4000000x32xf32, #tpu.memory_space<hbm>>
            tpu.enqueue_indirect_dma source(%dma_start3A_1021 : memref<4000000x32xf32, #tpu.memory_space<hbm>>) target(%dma_start3A_1014 : memref<32x32xf32, #tpu.memory_space<vmem>>) offsets(%dma_start3A_1018 : memref<32xi32, #tpu.memory_space<vmem>>) semaphore(%arg13 : memref<!tpu.dma_semaphore, #tpu.memory_space<semaphore_mem>>) {add = true}
          }
          %scan3A_900 = arith.constant 16 : i32
        } else {
        }
        %jit3A_874 = arith.constant 2 : i32
        %eq3A_875 = arith.constant 0 : i32
        %eq3A_876 = arith.cmpi eq, %jit3A_874, %eq3A_875 : i32
        %jit3A_877 = arith.constant 1 : i32
        %select_n3A_878 = arith.select %eq3A_876, %jit3A_877, %jit3A_874 : i32
        %rem3A_879 = arith.remsi %add3A_778, %select_n3A_878 : i32
        %ne3A_880 = arith.constant 0 : i32
        %ne3A_881 = arith.cmpi ne, %rem3A_879, %ne3A_880 : i32
        %lt3A_882 = arith.constant 0 : i32
        %lt3A_883 = arith.cmpi slt, %rem3A_879, %lt3A_882 : i32
        %lt3A_884 = arith.constant 0 : i32
        %lt3A_885 = arith.cmpi slt, %select_n3A_878, %lt3A_884 : i32
        %ne3A_886 = arith.xori %lt3A_883, %lt3A_885 : i1
        %and3A_887 = arith.andi %ne3A_886, %ne3A_881 : i1
        %add3A_888 = arith.addi %rem3A_879, %select_n3A_878 : i32
        %select_n3A_889 = arith.select %and3A_887, %add3A_888, %rem3A_879 : i32
        %eq3A_890 = arith.constant 1 : i32
        %eq3A_891 = arith.cmpi eq, %select_n3A_889, %eq3A_890 : i32
        %convert_element_type3A_892 = arith.extui %eq3A_891 : i1 to i32
        %cond3A_893 = arith.constant 0 : i32
        %cond3A_894 = arith.cmpi ne, %convert_element_type3A_892, %cond3A_893 : i32
        scf.if %cond3A_894 {
          %scan3A_895 = arith.constant 0 : i32
          %scan3A_896 = arith.constant 0 : i32
          %scan3A_897 = arith.constant 16 : i32
          %scan3A_898 = arith.addi %scan3A_896, %scan3A_897 : i32
          %scan3A_899 = arith.constant 1 : i32
          scf.for %scan3A_901 = %scan3A_896 to %scan3A_898 step %scan3A_899  : i32 {
            %mul3A_902 = arith.constant 256 : i32
            %mul3A_903 = arith.muli %scan3A_901, %mul3A_902 : i32
            %add3A_904 = arith.constant 32 : i32
            %add3A_905 = arith.addi %mul3A_903, %add3A_904 : i32
            %dma_start3A_906 = arith.constant 0 : i32
            %dma_start3A_907 = arith.constant 0 : i32
            %dma_start3A_908 = arith.constant 0 : i32
            %dma_start3A_909 = tpu.memref_slice %arg7[%select_n3A_810, %dma_start3A_906, %dma_start3A_907, %dma_start3A_908] : memref<3x16x32x32xf32, #tpu.memory_space<vmem>> -> memref<1x16x32x32xf32, #tpu.memory_space<vmem>>
            %dma_start3A_910 = tpu.memref_squeeze %dma_start3A_909 : memref<1x16x32x32xf32, #tpu.memory_space<vmem>> -> memref<16x32x32xf32, #tpu.memory_space<vmem>>
            %dma_start3A_911 = arith.constant 0 : i32
            %dma_start3A_912 = arith.constant 0 : i32
            %dma_start3A_913 = tpu.memref_slice %dma_start3A_910[%scan3A_901, %dma_start3A_911, %dma_start3A_912] : memref<16x32x32xf32, #tpu.memory_space<vmem>> -> memref<1x32x32xf32, #tpu.memory_space<vmem>>
            %dma_start3A_914 = tpu.memref_squeeze %dma_start3A_913 : memref<1x32x32xf32, #tpu.memory_space<vmem>> -> memref<32x32xf32, #tpu.memory_space<vmem>>
            %dma_start3A_915 = arith.constant 0 : i32
            %dma_start3A_916 = tpu.memref_slice %arg6[%select_n3A_794, %dma_start3A_915] : memref<4x4096xi32, #tpu.memory_space<vmem>> -> memref<1x4096xi32, #tpu.memory_space<vmem>>
            %dma_start3A_917 = tpu.memref_squeeze %dma_start3A_916 : memref<1x4096xi32, #tpu.memory_space<vmem>> -> memref<4096xi32, #tpu.memory_space<vmem>>
            %dma_start3A_918 = tpu.memref_slice %dma_start3A_917[%add3A_905] : memref<4096xi32, #tpu.memory_space<vmem>> -> memref<32xi32, #tpu.memory_space<vmem>>
            %dma_start3A_919 = arith.constant 0 : i32
            %dma_start3A_920 = arith.constant 0 : i32
            %dma_start3A_921 = tpu.memref_slice %arg4[%dma_start3A_919, %dma_start3A_920] : memref<4000000x32xf32, #tpu.memory_space<hbm>> -> memref<4000000x32xf32, #tpu.memory_space<hbm>>
            tpu.enqueue_indirect_dma source(%dma_start3A_921 : memref<4000000x32xf32, #tpu.memory_space<hbm>>) target(%dma_start3A_914 : memref<32x32xf32, #tpu.memory_space<vmem>>) offsets(%dma_start3A_918 : memref<32xi32, #tpu.memory_space<vmem>>) semaphore(%arg14 : memref<!tpu.dma_semaphore, #tpu.memory_space<semaphore_mem>>) {add = true}
            %mul3A_922 = arith.constant 256 : i32
            %mul3A_923 = arith.muli %scan3A_901, %mul3A_922 : i32
            %add3A_924 = arith.constant 64 : i32
            %add3A_925 = arith.addi %mul3A_923, %add3A_924 : i32
            %dma_start3A_926 = arith.constant 0 : i32
            %dma_start3A_927 = arith.constant 0 : i32
            %dma_start3A_928 = arith.constant 0 : i32
            %dma_start3A_929 = tpu.memref_slice %arg7[%select_n3A_810, %dma_start3A_926, %dma_start3A_927, %dma_start3A_928] : memref<3x16x32x32xf32, #tpu.memory_space<vmem>> -> memref<1x16x32x32xf32, #tpu.memory_space<vmem>>
            %dma_start3A_930 = tpu.memref_squeeze %dma_start3A_929 : memref<1x16x32x32xf32, #tpu.memory_space<vmem>> -> memref<16x32x32xf32, #tpu.memory_space<vmem>>
            %dma_start3A_931 = arith.constant 0 : i32
            %dma_start3A_932 = arith.constant 0 : i32
            %dma_start3A_933 = tpu.memref_slice %dma_start3A_930[%scan3A_901, %dma_start3A_931, %dma_start3A_932] : memref<16x32x32xf32, #tpu.memory_space<vmem>> -> memref<1x32x32xf32, #tpu.memory_space<vmem>>
            %dma_start3A_934 = tpu.memref_squeeze %dma_start3A_933 : memref<1x32x32xf32, #tpu.memory_space<vmem>> -> memref<32x32xf32, #tpu.memory_space<vmem>>
            %dma_start3A_935 = arith.constant 0 : i32
            %dma_start3A_936 = tpu.memref_slice %arg6[%select_n3A_794, %dma_start3A_935] : memref<4x4096xi32, #tpu.memory_space<vmem>> -> memref<1x4096xi32, #tpu.memory_space<vmem>>
            %dma_start3A_937 = tpu.memref_squeeze %dma_start3A_936 : memref<1x4096xi32, #tpu.memory_space<vmem>> -> memref<4096xi32, #tpu.memory_space<vmem>>
            %dma_start3A_938 = tpu.memref_slice %dma_start3A_937[%add3A_925] : memref<4096xi32, #tpu.memory_space<vmem>> -> memref<32xi32, #tpu.memory_space<vmem>>
            %dma_start3A_939 = arith.constant 0 : i32
            %dma_start3A_940 = arith.constant 0 : i32
            %dma_start3A_941 = tpu.memref_slice %arg4[%dma_start3A_939, %dma_start3A_940] : memref<4000000x32xf32, #tpu.memory_space<hbm>> -> memref<4000000x32xf32, #tpu.memory_space<hbm>>
            tpu.enqueue_indirect_dma source(%dma_start3A_941 : memref<4000000x32xf32, #tpu.memory_space<hbm>>) target(%dma_start3A_934 : memref<32x32xf32, #tpu.memory_space<vmem>>) offsets(%dma_start3A_938 : memref<32xi32, #tpu.memory_space<vmem>>) semaphore(%arg14 : memref<!tpu.dma_semaphore, #tpu.memory_space<semaphore_mem>>) {add = true}
            %mul3A_942 = arith.constant 256 : i32
            %mul3A_943 = arith.muli %scan3A_901, %mul3A_942 : i32
            %add3A_944 = arith.constant 96 : i32
            %add3A_945 = arith.addi %mul3A_943, %add3A_944 : i32
            %dma_start3A_946 = arith.constant 0 : i32
            %dma_start3A_947 = arith.constant 0 : i32
            %dma_start3A_948 = arith.constant 0 : i32
            %dma_start3A_949 = tpu.memref_slice %arg7[%select_n3A_810, %dma_start3A_946, %dma_start3A_947, %dma_start3A_948] : memref<3x16x32x32xf32, #tpu.memory_space<vmem>> -> memref<1x16x32x32xf32, #tpu.memory_space<vmem>>
            %dma_start3A_950 = tpu.memref_squeeze %dma_start3A_949 : memref<1x16x32x32xf32, #tpu.memory_space<vmem>> -> memref<16x32x32xf32, #tpu.memory_space<vmem>>
            %dma_start3A_951 = arith.constant 0 : i32
            %dma_start3A_952 = arith.constant 0 : i32
            %dma_start3A_953 = tpu.memref_slice %dma_start3A_950[%scan3A_901, %dma_start3A_951, %dma_start3A_952] : memref<16x32x32xf32, #tpu.memory_space<vmem>> -> memref<1x32x32xf32, #tpu.memory_space<vmem>>
            %dma_start3A_954 = tpu.memref_squeeze %dma_start3A_953 : memref<1x32x32xf32, #tpu.memory_space<vmem>> -> memref<32x32xf32, #tpu.memory_space<vmem>>
            %dma_start3A_955 = arith.constant 0 : i32
            %dma_start3A_956 = tpu.memref_slice %arg6[%select_n3A_794, %dma_start3A_955] : memref<4x4096xi32, #tpu.memory_space<vmem>> -> memref<1x4096xi32, #tpu.memory_space<vmem>>
            %dma_start3A_957 = tpu.memref_squeeze %dma_start3A_956 : memref<1x4096xi32, #tpu.memory_space<vmem>> -> memref<4096xi32, #tpu.memory_space<vmem>>
            %dma_start3A_958 = tpu.memref_slice %dma_start3A_957[%add3A_945] : memref<4096xi32, #tpu.memory_space<vmem>> -> memref<32xi32, #tpu.memory_space<vmem>>
            %dma_start3A_959 = arith.constant 0 : i32
            %dma_start3A_960 = arith.constant 0 : i32
            %dma_start3A_961 = tpu.memref_slice %arg4[%dma_start3A_959, %dma_start3A_960] : memref<4000000x32xf32, #tpu.memory_space<hbm>> -> memref<4000000x32xf32, #tpu.memory_space<hbm>>
            tpu.enqueue_indirect_dma source(%dma_start3A_961 : memref<4000000x32xf32, #tpu.memory_space<hbm>>) target(%dma_start3A_954 : memref<32x32xf32, #tpu.memory_space<vmem>>) offsets(%dma_start3A_958 : memref<32xi32, #tpu.memory_space<vmem>>) semaphore(%arg14 : memref<!tpu.dma_semaphore, #tpu.memory_space<semaphore_mem>>) {add = true}
            %mul3A_962 = arith.constant 256 : i32
            %mul3A_963 = arith.muli %scan3A_901, %mul3A_962 : i32
            %add3A_964 = arith.constant 128 : i32
            %add3A_965 = arith.addi %mul3A_963, %add3A_964 : i32
            %dma_start3A_966 = arith.constant 0 : i32
            %dma_start3A_967 = arith.constant 0 : i32
            %dma_start3A_968 = arith.constant 0 : i32
            %dma_start3A_969 = tpu.memref_slice %arg7[%select_n3A_810, %dma_start3A_966, %dma_start3A_967, %dma_start3A_968] : memref<3x16x32x32xf32, #tpu.memory_space<vmem>> -> memref<1x16x32x32xf32, #tpu.memory_space<vmem>>
            %dma_start3A_970 = tpu.memref_squeeze %dma_start3A_969 : memref<1x16x32x32xf32, #tpu.memory_space<vmem>> -> memref<16x32x32xf32, #tpu.memory_space<vmem>>
            %dma_start3A_971 = arith.constant 0 : i32
            %dma_start3A_972 = arith.constant 0 : i32
            %dma_start3A_973 = tpu.memref_slice %dma_start3A_970[%scan3A_901, %dma_start3A_971, %dma_start3A_972] : memref<16x32x32xf32, #tpu.memory_space<vmem>> -> memref<1x32x32xf32, #tpu.memory_space<vmem>>
            %dma_start3A_974 = tpu.memref_squeeze %dma_start3A_973 : memref<1x32x32xf32, #tpu.memory_space<vmem>> -> memref<32x32xf32, #tpu.memory_space<vmem>>
            %dma_start3A_975 = arith.constant 0 : i32
            %dma_start3A_976 = tpu.memref_slice %arg6[%select_n3A_794, %dma_start3A_975] : memref<4x4096xi32, #tpu.memory_space<vmem>> -> memref<1x4096xi32, #tpu.memory_space<vmem>>
            %dma_start3A_977 = tpu.memref_squeeze %dma_start3A_976 : memref<1x4096xi32, #tpu.memory_space<vmem>> -> memref<4096xi32, #tpu.memory_space<vmem>>
            %dma_start3A_978 = tpu.memref_slice %dma_start3A_977[%add3A_965] : memref<4096xi32, #tpu.memory_space<vmem>> -> memref<32xi32, #tpu.memory_space<vmem>>
            %dma_start3A_979 = arith.constant 0 : i32
            %dma_start3A_980 = arith.constant 0 : i32
            %dma_start3A_981 = tpu.memref_slice %arg4[%dma_start3A_979, %dma_start3A_980] : memref<4000000x32xf32, #tpu.memory_space<hbm>> -> memref<4000000x32xf32, #tpu.memory_space<hbm>>
            tpu.enqueue_indirect_dma source(%dma_start3A_981 : memref<4000000x32xf32, #tpu.memory_space<hbm>>) target(%dma_start3A_974 : memref<32x32xf32, #tpu.memory_space<vmem>>) offsets(%dma_start3A_978 : memref<32xi32, #tpu.memory_space<vmem>>) semaphore(%arg14 : memref<!tpu.dma_semaphore, #tpu.memory_space<semaphore_mem>>) {add = true}
            %mul3A_982 = arith.constant 256 : i32
            %mul3A_983 = arith.muli %scan3A_901, %mul3A_982 : i32
            %add3A_984 = arith.constant 160 : i32
            %add3A_985 = arith.addi %mul3A_983, %add3A_984 : i32
            %dma_start3A_986 = arith.constant 0 : i32
            %dma_start3A_987 = arith.constant 0 : i32
            %dma_start3A_988 = arith.constant 0 : i32
            %dma_start3A_989 = tpu.memref_slice %arg7[%select_n3A_810, %dma_start3A_986, %dma_start3A_987, %dma_start3A_988] : memref<3x16x32x32xf32, #tpu.memory_space<vmem>> -> memref<1x16x32x32xf32, #tpu.memory_space<vmem>>
            %dma_start3A_990 = tpu.memref_squeeze %dma_start3A_989 : memref<1x16x32x32xf32, #tpu.memory_space<vmem>> -> memref<16x32x32xf32, #tpu.memory_space<vmem>>
            %dma_start3A_991 = arith.constant 0 : i32
            %dma_start3A_992 = arith.constant 0 : i32
            %dma_start3A_993 = tpu.memref_slice %dma_start3A_990[%scan3A_901, %dma_start3A_991, %dma_start3A_992] : memref<16x32x32xf32, #tpu.memory_space<vmem>> -> memref<1x32x32xf32, #tpu.memory_space<vmem>>
            %dma_start3A_994 = tpu.memref_squeeze %dma_start3A_993 : memref<1x32x32xf32, #tpu.memory_space<vmem>> -> memref<32x32xf32, #tpu.memory_space<vmem>>
            %dma_start3A_995 = arith.constant 0 : i32
            %dma_start3A_996 = tpu.memref_slice %arg6[%select_n3A_794, %dma_start3A_995] : memref<4x4096xi32, #tpu.memory_space<vmem>> -> memref<1x4096xi32, #tpu.memory_space<vmem>>
            %dma_start3A_997 = tpu.memref_squeeze %dma_start3A_996 : memref<1x4096xi32, #tpu.memory_space<vmem>> -> memref<4096xi32, #tpu.memory_space<vmem>>
            %dma_start3A_998 = tpu.memref_slice %dma_start3A_997[%add3A_985] : memref<4096xi32, #tpu.memory_space<vmem>> -> memref<32xi32, #tpu.memory_space<vmem>>
            %dma_start3A_999 = arith.constant 0 : i32
            %dma_start3A_1000 = arith.constant 0 : i32
            %dma_start3A_1001 = tpu.memref_slice %arg4[%dma_start3A_999, %dma_start3A_1000] : memref<4000000x32xf32, #tpu.memory_space<hbm>> -> memref<4000000x32xf32, #tpu.memory_space<hbm>>
            tpu.enqueue_indirect_dma source(%dma_start3A_1001 : memref<4000000x32xf32, #tpu.memory_space<hbm>>) target(%dma_start3A_994 : memref<32x32xf32, #tpu.memory_space<vmem>>) offsets(%dma_start3A_998 : memref<32xi32, #tpu.memory_space<vmem>>) semaphore(%arg14 : memref<!tpu.dma_semaphore, #tpu.memory_space<semaphore_mem>>) {add = true}
            %mul3A_1002 = arith.constant 256 : i32
            %mul3A_1003 = arith.muli %scan3A_901, %mul3A_1002 : i32
            %add3A_1004 = arith.constant 192 : i32
            %add3A_1005 = arith.addi %mul3A_1003, %add3A_1004 : i32
            %dma_start3A_1006 = arith.constant 0 : i32
            %dma_start3A_1007 = arith.constant 0 : i32
            %dma_start3A_1008 = arith.constant 0 : i32
            %dma_start3A_1009 = tpu.memref_slice %arg7[%select_n3A_810, %dma_start3A_1006, %dma_start3A_1007, %dma_start3A_1008] : memref<3x16x32x32xf32, #tpu.memory_space<vmem>> -> memref<1x16x32x32xf32, #tpu.memory_space<vmem>>
            %dma_start3A_1010 = tpu.memref_squeeze %dma_start3A_1009 : memref<1x16x32x32xf32, #tpu.memory_space<vmem>> -> memref<16x32x32xf32, #tpu.memory_space<vmem>>
            %dma_start3A_1011 = arith.constant 0 : i32
            %dma_start3A_1012 = arith.constant 0 : i32
            %dma_start3A_1013 = tpu.memref_slice %dma_start3A_1010[%scan3A_901, %dma_start3A_1011, %dma_start3A_1012] : memref<16x32x32xf32, #tpu.memory_space<vmem>> -> memref<1x32x32xf32, #tpu.memory_space<vmem>>
            %dma_start3A_1014 = tpu.memref_squeeze %dma_start3A_1013 : memref<1x32x32xf32, #tpu.memory_space<vmem>> -> memref<32x32xf32, #tpu.memory_space<vmem>>
            %dma_start3A_1015 = arith.constant 0 : i32
            %dma_start3A_1016 = tpu.memref_slice %arg6[%select_n3A_794, %dma_start3A_1015] : memref<4x4096xi32, #tpu.memory_space<vmem>> -> memref<1x4096xi32, #tpu.memory_space<vmem>>
            %dma_start3A_1017 = tpu.memref_squeeze %dma_start3A_1016 : memref<1x4096xi32, #tpu.memory_space<vmem>> -> memref<4096xi32, #tpu.memory_space<vmem>>
            %dma_start3A_1018 = tpu.memref_slice %dma_start3A_1017[%add3A_1005] : memref<4096xi32, #tpu.memory_space<vmem>> -> memref<32xi32, #tpu.memory_space<vmem>>
            %dma_start3A_1019 = arith.constant 0 : i32
            %dma_start3A_1020 = arith.constant 0 : i32
            %dma_start3A_1021 = tpu.memref_slice %arg4[%dma_start3A_1019, %dma_start3A_1020] : memref<4000000x32xf32, #tpu.memory_space<hbm>> -> memref<4000000x32xf32, #tpu.memory_space<hbm>>
            tpu.enqueue_indirect_dma source(%dma_start3A_1021 : memref<4000000x32xf32, #tpu.memory_space<hbm>>) target(%dma_start3A_1014 : memref<32x32xf32, #tpu.memory_space<vmem>>) offsets(%dma_start3A_1018 : memref<32xi32, #tpu.memory_space<vmem>>) semaphore(%arg14 : memref<!tpu.dma_semaphore, #tpu.memory_space<semaphore_mem>>) {add = true}
          }
          %scan3A_900 = arith.constant 16 : i32
        } else {
        }
      } else {
      }
      %jit3A = arith.constant 4 : i32
      %eq3A = arith.constant 0 : i32
      %eq3A_204 = arith.cmpi eq, %jit3A, %eq3A : i32
      %jit3A_205 = arith.constant 1 : i32
      %select_n3A = arith.select %eq3A_204, %jit3A_205, %jit3A : i32
      %rem3A = arith.remsi %scan3A_185, %select_n3A : i32
      %ne3A = arith.constant 0 : i32
      %ne3A_206 = arith.cmpi ne, %rem3A, %ne3A : i32
      %lt3A_207 = arith.constant 0 : i32
      %lt3A_208 = arith.cmpi slt, %rem3A, %lt3A_207 : i32
      %lt3A_209 = arith.constant 0 : i32
      %lt3A_210 = arith.cmpi slt, %select_n3A, %lt3A_209 : i32
      %ne3A_211 = arith.xori %lt3A_208, %lt3A_210 : i1
      %and3A = arith.andi %ne3A_211, %ne3A_206 : i1
      %add3A_212 = arith.addi %rem3A, %select_n3A : i32
      %select_n3A_213 = arith.select %and3A, %add3A_212, %rem3A : i32
      %jit3A_214 = arith.constant 3 : i32
      %eq3A_215 = arith.constant 0 : i32
      %eq3A_216 = arith.cmpi eq, %jit3A_214, %eq3A_215 : i32
      %jit3A_217 = arith.constant 1 : i32
      %select_n3A_218 = arith.select %eq3A_216, %jit3A_217, %jit3A_214 : i32
      %rem3A_219 = arith.remsi %scan3A_185, %select_n3A_218 : i32
      %ne3A_220 = arith.constant 0 : i32
      %ne3A_221 = arith.cmpi ne, %rem3A_219, %ne3A_220 : i32
      %lt3A_222 = arith.constant 0 : i32
      %lt3A_223 = arith.cmpi slt, %rem3A_219, %lt3A_222 : i32
      %lt3A_224 = arith.constant 0 : i32
      %lt3A_225 = arith.cmpi slt, %select_n3A_218, %lt3A_224 : i32
      %ne3A_226 = arith.xori %lt3A_223, %lt3A_225 : i1
      %and3A_227 = arith.andi %ne3A_226, %ne3A_221 : i1
      %add3A_228 = arith.addi %rem3A_219, %select_n3A_218 : i32
      %select_n3A_229 = arith.select %and3A_227, %add3A_228, %rem3A_219 : i32
      %jit3A_230 = arith.constant 2 : i32
      %eq3A_231 = arith.constant 0 : i32
      %eq3A_232 = arith.cmpi eq, %jit3A_230, %eq3A_231 : i32
      %jit3A_233 = arith.constant 1 : i32
      %select_n3A_234 = arith.select %eq3A_232, %jit3A_233, %jit3A_230 : i32
      %rem3A_235 = arith.remsi %scan3A_185, %select_n3A_234 : i32
      %ne3A_236 = arith.constant 0 : i32
      %ne3A_237 = arith.cmpi ne, %rem3A_235, %ne3A_236 : i32
      %lt3A_238 = arith.constant 0 : i32
      %lt3A_239 = arith.cmpi slt, %rem3A_235, %lt3A_238 : i32
      %lt3A_240 = arith.constant 0 : i32
      %lt3A_241 = arith.cmpi slt, %select_n3A_234, %lt3A_240 : i32
      %ne3A_242 = arith.xori %lt3A_239, %lt3A_241 : i1
      %and3A_243 = arith.andi %ne3A_242, %ne3A_237 : i1
      %add3A_244 = arith.addi %rem3A_235, %select_n3A_234 : i32
      %select_n3A_245 = arith.select %and3A_243, %add3A_244, %rem3A_235 : i32
      %jit3A_246 = arith.constant 2 : i32
      %eq3A_247 = arith.constant 0 : i32
      %eq3A_248 = arith.cmpi eq, %jit3A_246, %eq3A_247 : i32
      %jit3A_249 = arith.constant 1 : i32
      %select_n3A_250 = arith.select %eq3A_248, %jit3A_249, %jit3A_246 : i32
      %rem3A_251 = arith.remsi %scan3A_185, %select_n3A_250 : i32
      %ne3A_252 = arith.constant 0 : i32
      %ne3A_253 = arith.cmpi ne, %rem3A_251, %ne3A_252 : i32
      %lt3A_254 = arith.constant 0 : i32
      %lt3A_255 = arith.cmpi slt, %rem3A_251, %lt3A_254 : i32
      %lt3A_256 = arith.constant 0 : i32
      %lt3A_257 = arith.cmpi slt, %select_n3A_250, %lt3A_256 : i32
      %ne3A_258 = arith.xori %lt3A_255, %lt3A_257 : i1
      %and3A_259 = arith.andi %ne3A_258, %ne3A_253 : i1
      %add3A_260 = arith.addi %rem3A_251, %select_n3A_250 : i32
      %select_n3A_261 = arith.select %and3A_259, %add3A_260, %rem3A_251 : i32
      %eq3A_262 = arith.constant 0 : i32
      %eq3A_263 = arith.cmpi eq, %select_n3A_261, %eq3A_262 : i32
      %convert_element_type3A_264 = arith.extui %eq3A_263 : i1 to i32
      %cond3A_265 = arith.constant 0 : i32
      %cond3A_266 = arith.cmpi ne, %convert_element_type3A_264, %cond3A_265 : i32
      scf.if %cond3A_266 {
        %scan3A_777 = arith.constant 0 : i32
        %scan3A_778 = arith.constant 0 : i32
        %scan3A_779 = arith.constant 16 : i32
        %scan3A_780 = arith.addi %scan3A_778, %scan3A_779 : i32
        %scan3A_781 = arith.constant 1 : i32
        scf.for %scan3A_783 = %scan3A_778 to %scan3A_780 step %scan3A_781  : i32 {
          %mul3A_784 = arith.constant 256 : i32
          %mul3A_785 = arith.muli %scan3A_783, %mul3A_784 : i32
          %add3A_786 = arith.constant 32 : i32
          %add3A_787 = arith.addi %mul3A_785, %add3A_786 : i32
          %dma_wait3A_788 = arith.constant 0 : i32
          %dma_wait3A_789 = arith.constant 0 : i32
          %dma_wait3A_790 = arith.constant 0 : i32
          %dma_wait3A_791 = tpu.memref_slice %arg7[%select_n3A_229, %dma_wait3A_788, %dma_wait3A_789, %dma_wait3A_790] : memref<3x16x32x32xf32, #tpu.memory_space<vmem>> -> memref<1x16x32x32xf32, #tpu.memory_space<vmem>>
          %dma_wait3A_792 = tpu.memref_squeeze %dma_wait3A_791 : memref<1x16x32x32xf32, #tpu.memory_space<vmem>> -> memref<16x32x32xf32, #tpu.memory_space<vmem>>
          %dma_wait3A_793 = arith.constant 0 : i32
          %dma_wait3A_794 = arith.constant 0 : i32
          %dma_wait3A_795 = tpu.memref_slice %dma_wait3A_792[%scan3A_783, %dma_wait3A_793, %dma_wait3A_794] : memref<16x32x32xf32, #tpu.memory_space<vmem>> -> memref<1x32x32xf32, #tpu.memory_space<vmem>>
          %dma_wait3A_796 = tpu.memref_squeeze %dma_wait3A_795 : memref<1x32x32xf32, #tpu.memory_space<vmem>> -> memref<32x32xf32, #tpu.memory_space<vmem>>
          %dma_wait3A_797 = arith.constant 0 : i32
          %dma_wait3A_798 = tpu.memref_slice %arg6[%select_n3A_213, %dma_wait3A_797] : memref<4x4096xi32, #tpu.memory_space<vmem>> -> memref<1x4096xi32, #tpu.memory_space<vmem>>
          %dma_wait3A_799 = tpu.memref_squeeze %dma_wait3A_798 : memref<1x4096xi32, #tpu.memory_space<vmem>> -> memref<4096xi32, #tpu.memory_space<vmem>>
          %dma_wait3A_800 = tpu.memref_slice %dma_wait3A_799[%add3A_787] : memref<4096xi32, #tpu.memory_space<vmem>> -> memref<32xi32, #tpu.memory_space<vmem>>
          %dma_wait3A_801 = arith.constant 0 : i32
          %dma_wait3A_802 = arith.constant 0 : i32
          %dma_wait3A_803 = tpu.memref_slice %arg4[%dma_wait3A_801, %dma_wait3A_802] : memref<4000000x32xf32, #tpu.memory_space<hbm>> -> memref<4000000x32xf32, #tpu.memory_space<hbm>>
          tpu.wait_indirect_dma semaphore(%arg13 : memref<!tpu.dma_semaphore, #tpu.memory_space<semaphore_mem>>) src(%dma_wait3A_803 : memref<4000000x32xf32, #tpu.memory_space<hbm>>) dst(%dma_wait3A_796 : memref<32x32xf32, #tpu.memory_space<vmem>>)
          %mul3A_804 = arith.constant 256 : i32
          %mul3A_805 = arith.muli %scan3A_783, %mul3A_804 : i32
          %add3A_806 = arith.constant 64 : i32
          %add3A_807 = arith.addi %mul3A_805, %add3A_806 : i32
          %dma_wait3A_808 = arith.constant 0 : i32
          %dma_wait3A_809 = arith.constant 0 : i32
          %dma_wait3A_810 = arith.constant 0 : i32
          %dma_wait3A_811 = tpu.memref_slice %arg7[%select_n3A_229, %dma_wait3A_808, %dma_wait3A_809, %dma_wait3A_810] : memref<3x16x32x32xf32, #tpu.memory_space<vmem>> -> memref<1x16x32x32xf32, #tpu.memory_space<vmem>>
          %dma_wait3A_812 = tpu.memref_squeeze %dma_wait3A_811 : memref<1x16x32x32xf32, #tpu.memory_space<vmem>> -> memref<16x32x32xf32, #tpu.memory_space<vmem>>
          %dma_wait3A_813 = arith.constant 0 : i32
          %dma_wait3A_814 = arith.constant 0 : i32
          %dma_wait3A_815 = tpu.memref_slice %dma_wait3A_812[%scan3A_783, %dma_wait3A_813, %dma_wait3A_814] : memref<16x32x32xf32, #tpu.memory_space<vmem>> -> memref<1x32x32xf32, #tpu.memory_space<vmem>>
          %dma_wait3A_816 = tpu.memref_squeeze %dma_wait3A_815 : memref<1x32x32xf32, #tpu.memory_space<vmem>> -> memref<32x32xf32, #tpu.memory_space<vmem>>
          %dma_wait3A_817 = arith.constant 0 : i32
          %dma_wait3A_818 = tpu.memref_slice %arg6[%select_n3A_213, %dma_wait3A_817] : memref<4x4096xi32, #tpu.memory_space<vmem>> -> memref<1x4096xi32, #tpu.memory_space<vmem>>
          %dma_wait3A_819 = tpu.memref_squeeze %dma_wait3A_818 : memref<1x4096xi32, #tpu.memory_space<vmem>> -> memref<4096xi32, #tpu.memory_space<vmem>>
          %dma_wait3A_820 = tpu.memref_slice %dma_wait3A_819[%add3A_807] : memref<4096xi32, #tpu.memory_space<vmem>> -> memref<32xi32, #tpu.memory_space<vmem>>
          %dma_wait3A_821 = arith.constant 0 : i32
          %dma_wait3A_822 = arith.constant 0 : i32
          %dma_wait3A_823 = tpu.memref_slice %arg4[%dma_wait3A_821, %dma_wait3A_822] : memref<4000000x32xf32, #tpu.memory_space<hbm>> -> memref<4000000x32xf32, #tpu.memory_space<hbm>>
          tpu.wait_indirect_dma semaphore(%arg13 : memref<!tpu.dma_semaphore, #tpu.memory_space<semaphore_mem>>) src(%dma_wait3A_823 : memref<4000000x32xf32, #tpu.memory_space<hbm>>) dst(%dma_wait3A_816 : memref<32x32xf32, #tpu.memory_space<vmem>>)
          %mul3A_824 = arith.constant 256 : i32
          %mul3A_825 = arith.muli %scan3A_783, %mul3A_824 : i32
          %add3A_826 = arith.constant 96 : i32
          %add3A_827 = arith.addi %mul3A_825, %add3A_826 : i32
          %dma_wait3A_828 = arith.constant 0 : i32
          %dma_wait3A_829 = arith.constant 0 : i32
          %dma_wait3A_830 = arith.constant 0 : i32
          %dma_wait3A_831 = tpu.memref_slice %arg7[%select_n3A_229, %dma_wait3A_828, %dma_wait3A_829, %dma_wait3A_830] : memref<3x16x32x32xf32, #tpu.memory_space<vmem>> -> memref<1x16x32x32xf32, #tpu.memory_space<vmem>>
          %dma_wait3A_832 = tpu.memref_squeeze %dma_wait3A_831 : memref<1x16x32x32xf32, #tpu.memory_space<vmem>> -> memref<16x32x32xf32, #tpu.memory_space<vmem>>
          %dma_wait3A_833 = arith.constant 0 : i32
          %dma_wait3A_834 = arith.constant 0 : i32
          %dma_wait3A_835 = tpu.memref_slice %dma_wait3A_832[%scan3A_783, %dma_wait3A_833, %dma_wait3A_834] : memref<16x32x32xf32, #tpu.memory_space<vmem>> -> memref<1x32x32xf32, #tpu.memory_space<vmem>>
          %dma_wait3A_836 = tpu.memref_squeeze %dma_wait3A_835 : memref<1x32x32xf32, #tpu.memory_space<vmem>> -> memref<32x32xf32, #tpu.memory_space<vmem>>
          %dma_wait3A_837 = arith.constant 0 : i32
          %dma_wait3A_838 = tpu.memref_slice %arg6[%select_n3A_213, %dma_wait3A_837] : memref<4x4096xi32, #tpu.memory_space<vmem>> -> memref<1x4096xi32, #tpu.memory_space<vmem>>
          %dma_wait3A_839 = tpu.memref_squeeze %dma_wait3A_838 : memref<1x4096xi32, #tpu.memory_space<vmem>> -> memref<4096xi32, #tpu.memory_space<vmem>>
          %dma_wait3A_840 = tpu.memref_slice %dma_wait3A_839[%add3A_827] : memref<4096xi32, #tpu.memory_space<vmem>> -> memref<32xi32, #tpu.memory_space<vmem>>
          %dma_wait3A_841 = arith.constant 0 : i32
          %dma_wait3A_842 = arith.constant 0 : i32
          %dma_wait3A_843 = tpu.memref_slice %arg4[%dma_wait3A_841, %dma_wait3A_842] : memref<4000000x32xf32, #tpu.memory_space<hbm>> -> memref<4000000x32xf32, #tpu.memory_space<hbm>>
          tpu.wait_indirect_dma semaphore(%arg13 : memref<!tpu.dma_semaphore, #tpu.memory_space<semaphore_mem>>) src(%dma_wait3A_843 : memref<4000000x32xf32, #tpu.memory_space<hbm>>) dst(%dma_wait3A_836 : memref<32x32xf32, #tpu.memory_space<vmem>>)
          %mul3A_844 = arith.constant 256 : i32
          %mul3A_845 = arith.muli %scan3A_783, %mul3A_844 : i32
          %add3A_846 = arith.constant 128 : i32
          %add3A_847 = arith.addi %mul3A_845, %add3A_846 : i32
          %dma_wait3A_848 = arith.constant 0 : i32
          %dma_wait3A_849 = arith.constant 0 : i32
          %dma_wait3A_850 = arith.constant 0 : i32
          %dma_wait3A_851 = tpu.memref_slice %arg7[%select_n3A_229, %dma_wait3A_848, %dma_wait3A_849, %dma_wait3A_850] : memref<3x16x32x32xf32, #tpu.memory_space<vmem>> -> memref<1x16x32x32xf32, #tpu.memory_space<vmem>>
          %dma_wait3A_852 = tpu.memref_squeeze %dma_wait3A_851 : memref<1x16x32x32xf32, #tpu.memory_space<vmem>> -> memref<16x32x32xf32, #tpu.memory_space<vmem>>
          %dma_wait3A_853 = arith.constant 0 : i32
          %dma_wait3A_854 = arith.constant 0 : i32
          %dma_wait3A_855 = tpu.memref_slice %dma_wait3A_852[%scan3A_783, %dma_wait3A_853, %dma_wait3A_854] : memref<16x32x32xf32, #tpu.memory_space<vmem>> -> memref<1x32x32xf32, #tpu.memory_space<vmem>>
          %dma_wait3A_856 = tpu.memref_squeeze %dma_wait3A_855 : memref<1x32x32xf32, #tpu.memory_space<vmem>> -> memref<32x32xf32, #tpu.memory_space<vmem>>
          %dma_wait3A_857 = arith.constant 0 : i32
          %dma_wait3A_858 = tpu.memref_slice %arg6[%select_n3A_213, %dma_wait3A_857] : memref<4x4096xi32, #tpu.memory_space<vmem>> -> memref<1x4096xi32, #tpu.memory_space<vmem>>
          %dma_wait3A_859 = tpu.memref_squeeze %dma_wait3A_858 : memref<1x4096xi32, #tpu.memory_space<vmem>> -> memref<4096xi32, #tpu.memory_space<vmem>>
          %dma_wait3A_860 = tpu.memref_slice %dma_wait3A_859[%add3A_847] : memref<4096xi32, #tpu.memory_space<vmem>> -> memref<32xi32, #tpu.memory_space<vmem>>
          %dma_wait3A_861 = arith.constant 0 : i32
          %dma_wait3A_862 = arith.constant 0 : i32
          %dma_wait3A_863 = tpu.memref_slice %arg4[%dma_wait3A_861, %dma_wait3A_862] : memref<4000000x32xf32, #tpu.memory_space<hbm>> -> memref<4000000x32xf32, #tpu.memory_space<hbm>>
          tpu.wait_indirect_dma semaphore(%arg13 : memref<!tpu.dma_semaphore, #tpu.memory_space<semaphore_mem>>) src(%dma_wait3A_863 : memref<4000000x32xf32, #tpu.memory_space<hbm>>) dst(%dma_wait3A_856 : memref<32x32xf32, #tpu.memory_space<vmem>>)
          %mul3A_864 = arith.constant 256 : i32
          %mul3A_865 = arith.muli %scan3A_783, %mul3A_864 : i32
          %add3A_866 = arith.constant 160 : i32
          %add3A_867 = arith.addi %mul3A_865, %add3A_866 : i32
          %dma_wait3A_868 = arith.constant 0 : i32
          %dma_wait3A_869 = arith.constant 0 : i32
          %dma_wait3A_870 = arith.constant 0 : i32
          %dma_wait3A_871 = tpu.memref_slice %arg7[%select_n3A_229, %dma_wait3A_868, %dma_wait3A_869, %dma_wait3A_870] : memref<3x16x32x32xf32, #tpu.memory_space<vmem>> -> memref<1x16x32x32xf32, #tpu.memory_space<vmem>>
          %dma_wait3A_872 = tpu.memref_squeeze %dma_wait3A_871 : memref<1x16x32x32xf32, #tpu.memory_space<vmem>> -> memref<16x32x32xf32, #tpu.memory_space<vmem>>
          %dma_wait3A_873 = arith.constant 0 : i32
          %dma_wait3A_874 = arith.constant 0 : i32
          %dma_wait3A_875 = tpu.memref_slice %dma_wait3A_872[%scan3A_783, %dma_wait3A_873, %dma_wait3A_874] : memref<16x32x32xf32, #tpu.memory_space<vmem>> -> memref<1x32x32xf32, #tpu.memory_space<vmem>>
          %dma_wait3A_876 = tpu.memref_squeeze %dma_wait3A_875 : memref<1x32x32xf32, #tpu.memory_space<vmem>> -> memref<32x32xf32, #tpu.memory_space<vmem>>
          %dma_wait3A_877 = arith.constant 0 : i32
          %dma_wait3A_878 = tpu.memref_slice %arg6[%select_n3A_213, %dma_wait3A_877] : memref<4x4096xi32, #tpu.memory_space<vmem>> -> memref<1x4096xi32, #tpu.memory_space<vmem>>
          %dma_wait3A_879 = tpu.memref_squeeze %dma_wait3A_878 : memref<1x4096xi32, #tpu.memory_space<vmem>> -> memref<4096xi32, #tpu.memory_space<vmem>>
          %dma_wait3A_880 = tpu.memref_slice %dma_wait3A_879[%add3A_867] : memref<4096xi32, #tpu.memory_space<vmem>> -> memref<32xi32, #tpu.memory_space<vmem>>
          %dma_wait3A_881 = arith.constant 0 : i32
          %dma_wait3A_882 = arith.constant 0 : i32
          %dma_wait3A_883 = tpu.memref_slice %arg4[%dma_wait3A_881, %dma_wait3A_882] : memref<4000000x32xf32, #tpu.memory_space<hbm>> -> memref<4000000x32xf32, #tpu.memory_space<hbm>>
          tpu.wait_indirect_dma semaphore(%arg13 : memref<!tpu.dma_semaphore, #tpu.memory_space<semaphore_mem>>) src(%dma_wait3A_883 : memref<4000000x32xf32, #tpu.memory_space<hbm>>) dst(%dma_wait3A_876 : memref<32x32xf32, #tpu.memory_space<vmem>>)
          %mul3A_884 = arith.constant 256 : i32
          %mul3A_885 = arith.muli %scan3A_783, %mul3A_884 : i32
          %add3A_886 = arith.constant 192 : i32
          %add3A_887 = arith.addi %mul3A_885, %add3A_886 : i32
          %dma_wait3A_888 = arith.constant 0 : i32
          %dma_wait3A_889 = arith.constant 0 : i32
          %dma_wait3A_890 = arith.constant 0 : i32
          %dma_wait3A_891 = tpu.memref_slice %arg7[%select_n3A_229, %dma_wait3A_888, %dma_wait3A_889, %dma_wait3A_890] : memref<3x16x32x32xf32, #tpu.memory_space<vmem>> -> memref<1x16x32x32xf32, #tpu.memory_space<vmem>>
          %dma_wait3A_892 = tpu.memref_squeeze %dma_wait3A_891 : memref<1x16x32x32xf32, #tpu.memory_space<vmem>> -> memref<16x32x32xf32, #tpu.memory_space<vmem>>
          %dma_wait3A_893 = arith.constant 0 : i32
          %dma_wait3A_894 = arith.constant 0 : i32
          %dma_wait3A_895 = tpu.memref_slice %dma_wait3A_892[%scan3A_783, %dma_wait3A_893, %dma_wait3A_894] : memref<16x32x32xf32, #tpu.memory_space<vmem>> -> memref<1x32x32xf32, #tpu.memory_space<vmem>>
          %dma_wait3A_896 = tpu.memref_squeeze %dma_wait3A_895 : memref<1x32x32xf32, #tpu.memory_space<vmem>> -> memref<32x32xf32, #tpu.memory_space<vmem>>
          %dma_wait3A_897 = arith.constant 0 : i32
          %dma_wait3A_898 = tpu.memref_slice %arg6[%select_n3A_213, %dma_wait3A_897] : memref<4x4096xi32, #tpu.memory_space<vmem>> -> memref<1x4096xi32, #tpu.memory_space<vmem>>
          %dma_wait3A_899 = tpu.memref_squeeze %dma_wait3A_898 : memref<1x4096xi32, #tpu.memory_space<vmem>> -> memref<4096xi32, #tpu.memory_space<vmem>>
          %dma_wait3A_900 = tpu.memref_slice %dma_wait3A_899[%add3A_887] : memref<4096xi32, #tpu.memory_space<vmem>> -> memref<32xi32, #tpu.memory_space<vmem>>
          %dma_wait3A_901 = arith.constant 0 : i32
          %dma_wait3A_902 = arith.constant 0 : i32
          %dma_wait3A_903 = tpu.memref_slice %arg4[%dma_wait3A_901, %dma_wait3A_902] : memref<4000000x32xf32, #tpu.memory_space<hbm>> -> memref<4000000x32xf32, #tpu.memory_space<hbm>>
          tpu.wait_indirect_dma semaphore(%arg13 : memref<!tpu.dma_semaphore, #tpu.memory_space<semaphore_mem>>) src(%dma_wait3A_903 : memref<4000000x32xf32, #tpu.memory_space<hbm>>) dst(%dma_wait3A_896 : memref<32x32xf32, #tpu.memory_space<vmem>>)
        }
        %scan3A_782 = arith.constant 16 : i32
      } else {
      }
      %jit3A_267 = arith.constant 2 : i32
      %eq3A_268 = arith.constant 0 : i32
      %eq3A_269 = arith.cmpi eq, %jit3A_267, %eq3A_268 : i32
      %jit3A_270 = arith.constant 1 : i32
      %select_n3A_271 = arith.select %eq3A_269, %jit3A_270, %jit3A_267 : i32
      %rem3A_272 = arith.remsi %scan3A_185, %select_n3A_271 : i32
      %ne3A_273 = arith.constant 0 : i32
      %ne3A_274 = arith.cmpi ne, %rem3A_272, %ne3A_273 : i32
      %lt3A_275 = arith.constant 0 : i32
      %lt3A_276 = arith.cmpi slt, %rem3A_272, %lt3A_275 : i32
      %lt3A_277 = arith.constant 0 : i32
      %lt3A_278 = arith.cmpi slt, %select_n3A_271, %lt3A_277 : i32
      %ne3A_279 = arith.xori %lt3A_276, %lt3A_278 : i1
      %and3A_280 = arith.andi %ne3A_279, %ne3A_274 : i1
      %add3A_281 = arith.addi %rem3A_272, %select_n3A_271 : i32
      %select_n3A_282 = arith.select %and3A_280, %add3A_281, %rem3A_272 : i32
      %eq3A_283 = arith.constant 1 : i32
      %eq3A_284 = arith.cmpi eq, %select_n3A_282, %eq3A_283 : i32
      %convert_element_type3A_285 = arith.extui %eq3A_284 : i1 to i32
      %cond3A_286 = arith.constant 0 : i32
      %cond3A_287 = arith.cmpi ne, %convert_element_type3A_285, %cond3A_286 : i32
      scf.if %cond3A_287 {
        %scan3A_777 = arith.constant 0 : i32
        %scan3A_778 = arith.constant 0 : i32
        %scan3A_779 = arith.constant 16 : i32
        %scan3A_780 = arith.addi %scan3A_778, %scan3A_779 : i32
        %scan3A_781 = arith.constant 1 : i32
        scf.for %scan3A_783 = %scan3A_778 to %scan3A_780 step %scan3A_781  : i32 {
          %mul3A_784 = arith.constant 256 : i32
          %mul3A_785 = arith.muli %scan3A_783, %mul3A_784 : i32
          %add3A_786 = arith.constant 32 : i32
          %add3A_787 = arith.addi %mul3A_785, %add3A_786 : i32
          %dma_wait3A_788 = arith.constant 0 : i32
          %dma_wait3A_789 = arith.constant 0 : i32
          %dma_wait3A_790 = arith.constant 0 : i32
          %dma_wait3A_791 = tpu.memref_slice %arg7[%select_n3A_229, %dma_wait3A_788, %dma_wait3A_789, %dma_wait3A_790] : memref<3x16x32x32xf32, #tpu.memory_space<vmem>> -> memref<1x16x32x32xf32, #tpu.memory_space<vmem>>
          %dma_wait3A_792 = tpu.memref_squeeze %dma_wait3A_791 : memref<1x16x32x32xf32, #tpu.memory_space<vmem>> -> memref<16x32x32xf32, #tpu.memory_space<vmem>>
          %dma_wait3A_793 = arith.constant 0 : i32
          %dma_wait3A_794 = arith.constant 0 : i32
          %dma_wait3A_795 = tpu.memref_slice %dma_wait3A_792[%scan3A_783, %dma_wait3A_793, %dma_wait3A_794] : memref<16x32x32xf32, #tpu.memory_space<vmem>> -> memref<1x32x32xf32, #tpu.memory_space<vmem>>
          %dma_wait3A_796 = tpu.memref_squeeze %dma_wait3A_795 : memref<1x32x32xf32, #tpu.memory_space<vmem>> -> memref<32x32xf32, #tpu.memory_space<vmem>>
          %dma_wait3A_797 = arith.constant 0 : i32
          %dma_wait3A_798 = tpu.memref_slice %arg6[%select_n3A_213, %dma_wait3A_797] : memref<4x4096xi32, #tpu.memory_space<vmem>> -> memref<1x4096xi32, #tpu.memory_space<vmem>>
          %dma_wait3A_799 = tpu.memref_squeeze %dma_wait3A_798 : memref<1x4096xi32, #tpu.memory_space<vmem>> -> memref<4096xi32, #tpu.memory_space<vmem>>
          %dma_wait3A_800 = tpu.memref_slice %dma_wait3A_799[%add3A_787] : memref<4096xi32, #tpu.memory_space<vmem>> -> memref<32xi32, #tpu.memory_space<vmem>>
          %dma_wait3A_801 = arith.constant 0 : i32
          %dma_wait3A_802 = arith.constant 0 : i32
          %dma_wait3A_803 = tpu.memref_slice %arg4[%dma_wait3A_801, %dma_wait3A_802] : memref<4000000x32xf32, #tpu.memory_space<hbm>> -> memref<4000000x32xf32, #tpu.memory_space<hbm>>
          tpu.wait_indirect_dma semaphore(%arg14 : memref<!tpu.dma_semaphore, #tpu.memory_space<semaphore_mem>>) src(%dma_wait3A_803 : memref<4000000x32xf32, #tpu.memory_space<hbm>>) dst(%dma_wait3A_796 : memref<32x32xf32, #tpu.memory_space<vmem>>)
          %mul3A_804 = arith.constant 256 : i32
          %mul3A_805 = arith.muli %scan3A_783, %mul3A_804 : i32
          %add3A_806 = arith.constant 64 : i32
          %add3A_807 = arith.addi %mul3A_805, %add3A_806 : i32
          %dma_wait3A_808 = arith.constant 0 : i32
          %dma_wait3A_809 = arith.constant 0 : i32
          %dma_wait3A_810 = arith.constant 0 : i32
          %dma_wait3A_811 = tpu.memref_slice %arg7[%select_n3A_229, %dma_wait3A_808, %dma_wait3A_809, %dma_wait3A_810] : memref<3x16x32x32xf32, #tpu.memory_space<vmem>> -> memref<1x16x32x32xf32, #tpu.memory_space<vmem>>
          %dma_wait3A_812 = tpu.memref_squeeze %dma_wait3A_811 : memref<1x16x32x32xf32, #tpu.memory_space<vmem>> -> memref<16x32x32xf32, #tpu.memory_space<vmem>>
          %dma_wait3A_813 = arith.constant 0 : i32
          %dma_wait3A_814 = arith.constant 0 : i32
          %dma_wait3A_815 = tpu.memref_slice %dma_wait3A_812[%scan3A_783, %dma_wait3A_813, %dma_wait3A_814] : memref<16x32x32xf32, #tpu.memory_space<vmem>> -> memref<1x32x32xf32, #tpu.memory_space<vmem>>
          %dma_wait3A_816 = tpu.memref_squeeze %dma_wait3A_815 : memref<1x32x32xf32, #tpu.memory_space<vmem>> -> memref<32x32xf32, #tpu.memory_space<vmem>>
          %dma_wait3A_817 = arith.constant 0 : i32
          %dma_wait3A_818 = tpu.memref_slice %arg6[%select_n3A_213, %dma_wait3A_817] : memref<4x4096xi32, #tpu.memory_space<vmem>> -> memref<1x4096xi32, #tpu.memory_space<vmem>>
          %dma_wait3A_819 = tpu.memref_squeeze %dma_wait3A_818 : memref<1x4096xi32, #tpu.memory_space<vmem>> -> memref<4096xi32, #tpu.memory_space<vmem>>
          %dma_wait3A_820 = tpu.memref_slice %dma_wait3A_819[%add3A_807] : memref<4096xi32, #tpu.memory_space<vmem>> -> memref<32xi32, #tpu.memory_space<vmem>>
          %dma_wait3A_821 = arith.constant 0 : i32
          %dma_wait3A_822 = arith.constant 0 : i32
          %dma_wait3A_823 = tpu.memref_slice %arg4[%dma_wait3A_821, %dma_wait3A_822] : memref<4000000x32xf32, #tpu.memory_space<hbm>> -> memref<4000000x32xf32, #tpu.memory_space<hbm>>
          tpu.wait_indirect_dma semaphore(%arg14 : memref<!tpu.dma_semaphore, #tpu.memory_space<semaphore_mem>>) src(%dma_wait3A_823 : memref<4000000x32xf32, #tpu.memory_space<hbm>>) dst(%dma_wait3A_816 : memref<32x32xf32, #tpu.memory_space<vmem>>)
          %mul3A_824 = arith.constant 256 : i32
          %mul3A_825 = arith.muli %scan3A_783, %mul3A_824 : i32
          %add3A_826 = arith.constant 96 : i32
          %add3A_827 = arith.addi %mul3A_825, %add3A_826 : i32
          %dma_wait3A_828 = arith.constant 0 : i32
          %dma_wait3A_829 = arith.constant 0 : i32
          %dma_wait3A_830 = arith.constant 0 : i32
          %dma_wait3A_831 = tpu.memref_slice %arg7[%select_n3A_229, %dma_wait3A_828, %dma_wait3A_829, %dma_wait3A_830] : memref<3x16x32x32xf32, #tpu.memory_space<vmem>> -> memref<1x16x32x32xf32, #tpu.memory_space<vmem>>
          %dma_wait3A_832 = tpu.memref_squeeze %dma_wait3A_831 : memref<1x16x32x32xf32, #tpu.memory_space<vmem>> -> memref<16x32x32xf32, #tpu.memory_space<vmem>>
          %dma_wait3A_833 = arith.constant 0 : i32
          %dma_wait3A_834 = arith.constant 0 : i32
          %dma_wait3A_835 = tpu.memref_slice %dma_wait3A_832[%scan3A_783, %dma_wait3A_833, %dma_wait3A_834] : memref<16x32x32xf32, #tpu.memory_space<vmem>> -> memref<1x32x32xf32, #tpu.memory_space<vmem>>
          %dma_wait3A_836 = tpu.memref_squeeze %dma_wait3A_835 : memref<1x32x32xf32, #tpu.memory_space<vmem>> -> memref<32x32xf32, #tpu.memory_space<vmem>>
          %dma_wait3A_837 = arith.constant 0 : i32
          %dma_wait3A_838 = tpu.memref_slice %arg6[%select_n3A_213, %dma_wait3A_837] : memref<4x4096xi32, #tpu.memory_space<vmem>> -> memref<1x4096xi32, #tpu.memory_space<vmem>>
          %dma_wait3A_839 = tpu.memref_squeeze %dma_wait3A_838 : memref<1x4096xi32, #tpu.memory_space<vmem>> -> memref<4096xi32, #tpu.memory_space<vmem>>
          %dma_wait3A_840 = tpu.memref_slice %dma_wait3A_839[%add3A_827] : memref<4096xi32, #tpu.memory_space<vmem>> -> memref<32xi32, #tpu.memory_space<vmem>>
          %dma_wait3A_841 = arith.constant 0 : i32
          %dma_wait3A_842 = arith.constant 0 : i32
          %dma_wait3A_843 = tpu.memref_slice %arg4[%dma_wait3A_841, %dma_wait3A_842] : memref<4000000x32xf32, #tpu.memory_space<hbm>> -> memref<4000000x32xf32, #tpu.memory_space<hbm>>
          tpu.wait_indirect_dma semaphore(%arg14 : memref<!tpu.dma_semaphore, #tpu.memory_space<semaphore_mem>>) src(%dma_wait3A_843 : memref<4000000x32xf32, #tpu.memory_space<hbm>>) dst(%dma_wait3A_836 : memref<32x32xf32, #tpu.memory_space<vmem>>)
          %mul3A_844 = arith.constant 256 : i32
          %mul3A_845 = arith.muli %scan3A_783, %mul3A_844 : i32
          %add3A_846 = arith.constant 128 : i32
          %add3A_847 = arith.addi %mul3A_845, %add3A_846 : i32
          %dma_wait3A_848 = arith.constant 0 : i32
          %dma_wait3A_849 = arith.constant 0 : i32
          %dma_wait3A_850 = arith.constant 0 : i32
          %dma_wait3A_851 = tpu.memref_slice %arg7[%select_n3A_229, %dma_wait3A_848, %dma_wait3A_849, %dma_wait3A_850] : memref<3x16x32x32xf32, #tpu.memory_space<vmem>> -> memref<1x16x32x32xf32, #tpu.memory_space<vmem>>
          %dma_wait3A_852 = tpu.memref_squeeze %dma_wait3A_851 : memref<1x16x32x32xf32, #tpu.memory_space<vmem>> -> memref<16x32x32xf32, #tpu.memory_space<vmem>>
          %dma_wait3A_853 = arith.constant 0 : i32
          %dma_wait3A_854 = arith.constant 0 : i32
          %dma_wait3A_855 = tpu.memref_slice %dma_wait3A_852[%scan3A_783, %dma_wait3A_853, %dma_wait3A_854] : memref<16x32x32xf32, #tpu.memory_space<vmem>> -> memref<1x32x32xf32, #tpu.memory_space<vmem>>
          %dma_wait3A_856 = tpu.memref_squeeze %dma_wait3A_855 : memref<1x32x32xf32, #tpu.memory_space<vmem>> -> memref<32x32xf32, #tpu.memory_space<vmem>>
          %dma_wait3A_857 = arith.constant 0 : i32
          %dma_wait3A_858 = tpu.memref_slice %arg6[%select_n3A_213, %dma_wait3A_857] : memref<4x4096xi32, #tpu.memory_space<vmem>> -> memref<1x4096xi32, #tpu.memory_space<vmem>>
          %dma_wait3A_859 = tpu.memref_squeeze %dma_wait3A_858 : memref<1x4096xi32, #tpu.memory_space<vmem>> -> memref<4096xi32, #tpu.memory_space<vmem>>
          %dma_wait3A_860 = tpu.memref_slice %dma_wait3A_859[%add3A_847] : memref<4096xi32, #tpu.memory_space<vmem>> -> memref<32xi32, #tpu.memory_space<vmem>>
          %dma_wait3A_861 = arith.constant 0 : i32
          %dma_wait3A_862 = arith.constant 0 : i32
          %dma_wait3A_863 = tpu.memref_slice %arg4[%dma_wait3A_861, %dma_wait3A_862] : memref<4000000x32xf32, #tpu.memory_space<hbm>> -> memref<4000000x32xf32, #tpu.memory_space<hbm>>
          tpu.wait_indirect_dma semaphore(%arg14 : memref<!tpu.dma_semaphore, #tpu.memory_space<semaphore_mem>>) src(%dma_wait3A_863 : memref<4000000x32xf32, #tpu.memory_space<hbm>>) dst(%dma_wait3A_856 : memref<32x32xf32, #tpu.memory_space<vmem>>)
          %mul3A_864 = arith.constant 256 : i32
          %mul3A_865 = arith.muli %scan3A_783, %mul3A_864 : i32
          %add3A_866 = arith.constant 160 : i32
          %add3A_867 = arith.addi %mul3A_865, %add3A_866 : i32
          %dma_wait3A_868 = arith.constant 0 : i32
          %dma_wait3A_869 = arith.constant 0 : i32
          %dma_wait3A_870 = arith.constant 0 : i32
          %dma_wait3A_871 = tpu.memref_slice %arg7[%select_n3A_229, %dma_wait3A_868, %dma_wait3A_869, %dma_wait3A_870] : memref<3x16x32x32xf32, #tpu.memory_space<vmem>> -> memref<1x16x32x32xf32, #tpu.memory_space<vmem>>
          %dma_wait3A_872 = tpu.memref_squeeze %dma_wait3A_871 : memref<1x16x32x32xf32, #tpu.memory_space<vmem>> -> memref<16x32x32xf32, #tpu.memory_space<vmem>>
          %dma_wait3A_873 = arith.constant 0 : i32
          %dma_wait3A_874 = arith.constant 0 : i32
          %dma_wait3A_875 = tpu.memref_slice %dma_wait3A_872[%scan3A_783, %dma_wait3A_873, %dma_wait3A_874] : memref<16x32x32xf32, #tpu.memory_space<vmem>> -> memref<1x32x32xf32, #tpu.memory_space<vmem>>
          %dma_wait3A_876 = tpu.memref_squeeze %dma_wait3A_875 : memref<1x32x32xf32, #tpu.memory_space<vmem>> -> memref<32x32xf32, #tpu.memory_space<vmem>>
          %dma_wait3A_877 = arith.constant 0 : i32
          %dma_wait3A_878 = tpu.memref_slice %arg6[%select_n3A_213, %dma_wait3A_877] : memref<4x4096xi32, #tpu.memory_space<vmem>> -> memref<1x4096xi32, #tpu.memory_space<vmem>>
          %dma_wait3A_879 = tpu.memref_squeeze %dma_wait3A_878 : memref<1x4096xi32, #tpu.memory_space<vmem>> -> memref<4096xi32, #tpu.memory_space<vmem>>
          %dma_wait3A_880 = tpu.memref_slice %dma_wait3A_879[%add3A_867] : memref<4096xi32, #tpu.memory_space<vmem>> -> memref<32xi32, #tpu.memory_space<vmem>>
          %dma_wait3A_881 = arith.constant 0 : i32
          %dma_wait3A_882 = arith.constant 0 : i32
          %dma_wait3A_883 = tpu.memref_slice %arg4[%dma_wait3A_881, %dma_wait3A_882] : memref<4000000x32xf32, #tpu.memory_space<hbm>> -> memref<4000000x32xf32, #tpu.memory_space<hbm>>
          tpu.wait_indirect_dma semaphore(%arg14 : memref<!tpu.dma_semaphore, #tpu.memory_space<semaphore_mem>>) src(%dma_wait3A_883 : memref<4000000x32xf32, #tpu.memory_space<hbm>>) dst(%dma_wait3A_876 : memref<32x32xf32, #tpu.memory_space<vmem>>)
          %mul3A_884 = arith.constant 256 : i32
          %mul3A_885 = arith.muli %scan3A_783, %mul3A_884 : i32
          %add3A_886 = arith.constant 192 : i32
          %add3A_887 = arith.addi %mul3A_885, %add3A_886 : i32
          %dma_wait3A_888 = arith.constant 0 : i32
          %dma_wait3A_889 = arith.constant 0 : i32
          %dma_wait3A_890 = arith.constant 0 : i32
          %dma_wait3A_891 = tpu.memref_slice %arg7[%select_n3A_229, %dma_wait3A_888, %dma_wait3A_889, %dma_wait3A_890] : memref<3x16x32x32xf32, #tpu.memory_space<vmem>> -> memref<1x16x32x32xf32, #tpu.memory_space<vmem>>
          %dma_wait3A_892 = tpu.memref_squeeze %dma_wait3A_891 : memref<1x16x32x32xf32, #tpu.memory_space<vmem>> -> memref<16x32x32xf32, #tpu.memory_space<vmem>>
          %dma_wait3A_893 = arith.constant 0 : i32
          %dma_wait3A_894 = arith.constant 0 : i32
          %dma_wait3A_895 = tpu.memref_slice %dma_wait3A_892[%scan3A_783, %dma_wait3A_893, %dma_wait3A_894] : memref<16x32x32xf32, #tpu.memory_space<vmem>> -> memref<1x32x32xf32, #tpu.memory_space<vmem>>
          %dma_wait3A_896 = tpu.memref_squeeze %dma_wait3A_895 : memref<1x32x32xf32, #tpu.memory_space<vmem>> -> memref<32x32xf32, #tpu.memory_space<vmem>>
          %dma_wait3A_897 = arith.constant 0 : i32
          %dma_wait3A_898 = tpu.memref_slice %arg6[%select_n3A_213, %dma_wait3A_897] : memref<4x4096xi32, #tpu.memory_space<vmem>> -> memref<1x4096xi32, #tpu.memory_space<vmem>>
          %dma_wait3A_899 = tpu.memref_squeeze %dma_wait3A_898 : memref<1x4096xi32, #tpu.memory_space<vmem>> -> memref<4096xi32, #tpu.memory_space<vmem>>
          %dma_wait3A_900 = tpu.memref_slice %dma_wait3A_899[%add3A_887] : memref<4096xi32, #tpu.memory_space<vmem>> -> memref<32xi32, #tpu.memory_space<vmem>>
          %dma_wait3A_901 = arith.constant 0 : i32
          %dma_wait3A_902 = arith.constant 0 : i32
          %dma_wait3A_903 = tpu.memref_slice %arg4[%dma_wait3A_901, %dma_wait3A_902] : memref<4000000x32xf32, #tpu.memory_space<hbm>> -> memref<4000000x32xf32, #tpu.memory_space<hbm>>
          tpu.wait_indirect_dma semaphore(%arg14 : memref<!tpu.dma_semaphore, #tpu.memory_space<semaphore_mem>>) src(%dma_wait3A_903 : memref<4000000x32xf32, #tpu.memory_space<hbm>>) dst(%dma_wait3A_896 : memref<32x32xf32, #tpu.memory_space<vmem>>)
        }
        %scan3A_782 = arith.constant 16 : i32
      } else {
      }
      %ge3A = arith.constant 2 : i32
      %ge3A_288 = arith.cmpi sge, %scan3A_185, %ge3A : i32
      %convert_element_type3A_289 = arith.extui %ge3A_288 : i1 to i32
      %cond3A_290 = arith.constant 0 : i32
      %cond3A_291 = arith.cmpi ne, %convert_element_type3A_289, %cond3A_290 : i32
      scf.if %cond3A_291 {
        %jit3A_777 = arith.constant 2 : i32
        %eq3A_778 = arith.constant 0 : i32
        %eq3A_779 = arith.cmpi eq, %jit3A_777, %eq3A_778 : i32
        %jit3A_780 = arith.constant 1 : i32
        %select_n3A_781 = arith.select %eq3A_779, %jit3A_780, %jit3A_777 : i32
        %rem3A_782 = arith.remsi %scan3A_185, %select_n3A_781 : i32
        %ne3A_783 = arith.constant 0 : i32
        %ne3A_784 = arith.cmpi ne, %rem3A_782, %ne3A_783 : i32
        %lt3A_785 = arith.constant 0 : i32
        %lt3A_786 = arith.cmpi slt, %rem3A_782, %lt3A_785 : i32
        %lt3A_787 = arith.constant 0 : i32
        %lt3A_788 = arith.cmpi slt, %select_n3A_781, %lt3A_787 : i32
        %ne3A_789 = arith.xori %lt3A_786, %lt3A_788 : i1
        %and3A_790 = arith.andi %ne3A_789, %ne3A_784 : i1
        %add3A_791 = arith.addi %rem3A_782, %select_n3A_781 : i32
        %select_n3A_792 = arith.select %and3A_790, %add3A_791, %rem3A_782 : i32
        %sub3A = arith.constant 2 : i32
        %sub3A_793 = arith.subi %scan3A_185, %sub3A : i32
        %mul3A_794 = arith.constant 16 : i32
        %mul3A_795 = arith.muli %sub3A_793, %mul3A_794 : i32
        %add3A_796 = arith.addi %mul3A_2, %mul3A_795 : i32
        %mul3A_797 = arith.constant 32 : i32
        %mul3A_798 = arith.muli %add3A_796, %mul3A_797 : i32
        %dma_wait3A_799 = arith.constant 0 : i32
        %dma_wait3A_800 = tpu.memref_slice %arg8[%select_n3A_792, %dma_wait3A_799] : memref<2x512xf32, #tpu.memory_space<vmem>> -> memref<1x512xf32, #tpu.memory_space<vmem>>
        %dma_wait3A_801 = tpu.memref_squeeze %dma_wait3A_800 : memref<1x512xf32, #tpu.memory_space<vmem>> -> memref<512xf32, #tpu.memory_space<vmem>>
        %dma_wait3A_802 = tpu.memref_slice %arg5[%mul3A_798] : memref<524288xf32, #tpu.memory_space<hbm>> -> memref<512xf32, #tpu.memory_space<hbm>>
        %dma_wait3A_803 = tpu.memref_slice %arg5[%mul3A_798] : memref<524288xf32, #tpu.memory_space<hbm>> -> memref<512xf32, #tpu.memory_space<hbm>>
        %dma_wait3A_804 = arith.constant 0 : i32
        %dma_wait3A_805 = tpu.memref_slice %arg8[%select_n3A_792, %dma_wait3A_804] : memref<2x512xf32, #tpu.memory_space<vmem>> -> memref<1x512xf32, #tpu.memory_space<vmem>>
        %dma_wait3A_806 = tpu.memref_squeeze %dma_wait3A_805 : memref<1x512xf32, #tpu.memory_space<vmem>> -> memref<512xf32, #tpu.memory_space<vmem>>
        tpu.wait_dma2 semaphore(%arg15 : memref<!tpu.dma_semaphore, #tpu.memory_space<semaphore_mem>>) src(%dma_wait3A_806 : memref<512xf32, #tpu.memory_space<vmem>>) dst(%dma_wait3A_803 : memref<512xf32, #tpu.memory_space<hbm>>)
      } else {
      }
      %scan3A_292 = arith.constant 0 : i32
      %scan3A_293 = arith.constant 0 : i32
      %scan3A_294 = arith.constant 16 : i32
      %scan3A_295 = arith.addi %scan3A_293, %scan3A_294 : i32
      %scan3A_296 = arith.constant 1 : i32
      scf.for %scan3A_777 = %scan3A_293 to %scan3A_295 step %scan3A_296  : i32 {
        %get3A_778 = arith.constant 0 : i32
        %get3A_779 = arith.constant 0 : i32
        %get3A_780 = arith.constant 0 : i32
        %get3A_781 = arith.constant 0 : i32
        %get3A_782 = tpu.memref_slice %arg7[%select_n3A_229, %get3A_779, %get3A_780, %get3A_781] : memref<3x16x32x32xf32, #tpu.memory_space<vmem>> -> memref<1x16x32x32xf32, #tpu.memory_space<vmem>>
        %get3A_783 = tpu.memref_squeeze %get3A_782 : memref<1x16x32x32xf32, #tpu.memory_space<vmem>> -> memref<16x32x32xf32, #tpu.memory_space<vmem>>
        %get3A_784 = arith.index_cast %scan3A_777 : i32 to index
        %get3A_785 = arith.index_cast %get3A_778 : i32 to index
        %get3A_786 = arith.constant 0 : index
        %get3A_787 = tpu.vector_load %get3A_783[%get3A_784, %get3A_785, %get3A_786] {strides = array<i32>} : memref<16x32x32xf32, #tpu.memory_space<vmem>>, vector<16xf32>,
        %add3A_788 = arith.addf %broadcast_in_dim3A_3, %get3A_787 : vector<16xf32>
        %get3A_789 = arith.constant 0 : i32
        %get3A_790 = arith.constant 0 : i32
        %get3A_791 = arith.constant 0 : i32
        %get3A_792 = arith.constant 0 : i32
        %get3A_793 = tpu.memref_slice %arg7[%select_n3A_229, %get3A_790, %get3A_791, %get3A_792] : memref<3x16x32x32xf32, #tpu.memory_space<vmem>> -> memref<1x16x32x32xf32, #tpu.memory_space<vmem>>
        %get3A_794 = tpu.memref_squeeze %get3A_793 : memref<1x16x32x32xf32, #tpu.memory_space<vmem>> -> memref<16x32x32xf32, #tpu.memory_space<vmem>>
        %get3A_795 = arith.index_cast %scan3A_777 : i32 to index
        %get3A_796 = arith.index_cast %get3A_789 : i32 to index
        %get3A_797 = arith.constant 16 : index
        %get3A_798 = tpu.vector_load %get3A_794[%get3A_795, %get3A_796, %get3A_797] {strides = array<i32>} : memref<16x32x32xf32, #tpu.memory_space<vmem>>, vector<16xf32>,
        %add3A_799 = arith.addf %broadcast_in_dim3A_3, %get3A_798 : vector<16xf32>
        %get3A_800 = arith.constant 1 : i32
        %get3A_801 = arith.constant 0 : i32
        %get3A_802 = arith.constant 0 : i32
        %get3A_803 = arith.constant 0 : i32
        %get3A_804 = tpu.memref_slice %arg7[%select_n3A_229, %get3A_801, %get3A_802, %get3A_803] : memref<3x16x32x32xf32, #tpu.memory_space<vmem>> -> memref<1x16x32x32xf32, #tpu.memory_space<vmem>>
        %get3A_805 = tpu.memref_squeeze %get3A_804 : memref<1x16x32x32xf32, #tpu.memory_space<vmem>> -> memref<16x32x32xf32, #tpu.memory_space<vmem>>
        %get3A_806 = arith.index_cast %scan3A_777 : i32 to index
        %get3A_807 = arith.index_cast %get3A_800 : i32 to index
        %get3A_808 = arith.constant 0 : index
        %get3A_809 = tpu.vector_load %get3A_805[%get3A_806, %get3A_807, %get3A_808] {strides = array<i32>} : memref<16x32x32xf32, #tpu.memory_space<vmem>>, vector<16xf32>,
        %add3A_810 = arith.addf %broadcast_in_dim3A_3, %get3A_809 : vector<16xf32>
        %get3A_811 = arith.constant 1 : i32
        %get3A_812 = arith.constant 0 : i32
        %get3A_813 = arith.constant 0 : i32
        %get3A_814 = arith.constant 0 : i32
        %get3A_815 = tpu.memref_slice %arg7[%select_n3A_229, %get3A_812, %get3A_813, %get3A_814] : memref<3x16x32x32xf32, #tpu.memory_space<vmem>> -> memref<1x16x32x32xf32, #tpu.memory_space<vmem>>
        %get3A_816 = tpu.memref_squeeze %get3A_815 : memref<1x16x32x32xf32, #tpu.memory_space<vmem>> -> memref<16x32x32xf32, #tpu.memory_space<vmem>>
        %get3A_817 = arith.index_cast %scan3A_777 : i32 to index
        %get3A_818 = arith.index_cast %get3A_811 : i32 to index
        %get3A_819 = arith.constant 16 : index
        %get3A_820 = tpu.vector_load %get3A_816[%get3A_817, %get3A_818, %get3A_819] {strides = array<i32>} : memref<16x32x32xf32, #tpu.memory_space<vmem>>, vector<16xf32>,
        %add3A_821 = arith.addf %broadcast_in_dim3A_3, %get3A_820 : vector<16xf32>
        %get3A_822 = arith.constant 2 : i32
        %get3A_823 = arith.constant 0 : i32
        %get3A_824 = arith.constant 0 : i32
        %get3A_825 = arith.constant 0 : i32
        %get3A_826 = tpu.memref_slice %arg7[%select_n3A_229, %get3A_823, %get3A_824, %get3A_825] : memref<3x16x32x32xf32, #tpu.memory_space<vmem>> -> memref<1x16x32x32xf32, #tpu.memory_space<vmem>>
        %get3A_827 = tpu.memref_squeeze %get3A_826 : memref<1x16x32x32xf32, #tpu.memory_space<vmem>> -> memref<16x32x32xf32, #tpu.memory_space<vmem>>
        %get3A_828 = arith.index_cast %scan3A_777 : i32 to index
        %get3A_829 = arith.index_cast %get3A_822 : i32 to index
        %get3A_830 = arith.constant 0 : index
        %get3A_831 = tpu.vector_load %get3A_827[%get3A_828, %get3A_829, %get3A_830] {strides = array<i32>} : memref<16x32x32xf32, #tpu.memory_space<vmem>>, vector<16xf32>,
        %add3A_832 = arith.addf %add3A_788, %get3A_831 : vector<16xf32>
        %get3A_833 = arith.constant 2 : i32
        %get3A_834 = arith.constant 0 : i32
        %get3A_835 = arith.constant 0 : i32
        %get3A_836 = arith.constant 0 : i32
        %get3A_837 = tpu.memref_slice %arg7[%select_n3A_229, %get3A_834, %get3A_835, %get3A_836] : memref<3x16x32x32xf32, #tpu.memory_space<vmem>> -> memref<1x16x32x32xf32, #tpu.memory_space<vmem>>
        %get3A_838 = tpu.memref_squeeze %get3A_837 : memref<1x16x32x32xf32, #tpu.memory_space<vmem>> -> memref<16x32x32xf32, #tpu.memory_space<vmem>>
        %get3A_839 = arith.index_cast %scan3A_777 : i32 to index
        %get3A_840 = arith.index_cast %get3A_833 : i32 to index
        %get3A_841 = arith.constant 16 : index
        %get3A_842 = tpu.vector_load %get3A_838[%get3A_839, %get3A_840, %get3A_841] {strides = array<i32>} : memref<16x32x32xf32, #tpu.memory_space<vmem>>, vector<16xf32>,
        %add3A_843 = arith.addf %add3A_799, %get3A_842 : vector<16xf32>
        %get3A_844 = arith.constant 3 : i32
        %get3A_845 = arith.constant 0 : i32
        %get3A_846 = arith.constant 0 : i32
        %get3A_847 = arith.constant 0 : i32
        %get3A_848 = tpu.memref_slice %arg7[%select_n3A_229, %get3A_845, %get3A_846, %get3A_847] : memref<3x16x32x32xf32, #tpu.memory_space<vmem>> -> memref<1x16x32x32xf32, #tpu.memory_space<vmem>>
        %get3A_849 = tpu.memref_squeeze %get3A_848 : memref<1x16x32x32xf32, #tpu.memory_space<vmem>> -> memref<16x32x32xf32, #tpu.memory_space<vmem>>
        %get3A_850 = arith.index_cast %scan3A_777 : i32 to index
        %get3A_851 = arith.index_cast %get3A_844 : i32 to index
        %get3A_852 = arith.constant 0 : index
        %get3A_853 = tpu.vector_load %get3A_849[%get3A_850, %get3A_851, %get3A_852] {strides = array<i32>} : memref<16x32x32xf32, #tpu.memory_space<vmem>>, vector<16xf32>,
        %add3A_854 = arith.addf %add3A_810, %get3A_853 : vector<16xf32>
        %get3A_855 = arith.constant 3 : i32
        %get3A_856 = arith.constant 0 : i32
        %get3A_857 = arith.constant 0 : i32
        %get3A_858 = arith.constant 0 : i32
        %get3A_859 = tpu.memref_slice %arg7[%select_n3A_229, %get3A_856, %get3A_857, %get3A_858] : memref<3x16x32x32xf32, #tpu.memory_space<vmem>> -> memref<1x16x32x32xf32, #tpu.memory_space<vmem>>
        %get3A_860 = tpu.memref_squeeze %get3A_859 : memref<1x16x32x32xf32, #tpu.memory_space<vmem>> -> memref<16x32x32xf32, #tpu.memory_space<vmem>>
        %get3A_861 = arith.index_cast %scan3A_777 : i32 to index
        %get3A_862 = arith.index_cast %get3A_855 : i32 to index
        %get3A_863 = arith.constant 16 : index
        %get3A_864 = tpu.vector_load %get3A_860[%get3A_861, %get3A_862, %get3A_863] {strides = array<i32>} : memref<16x32x32xf32, #tpu.memory_space<vmem>>, vector<16xf32>,
        %add3A_865 = arith.addf %add3A_821, %get3A_864 : vector<16xf32>
        %get3A_866 = arith.constant 4 : i32
        %get3A_867 = arith.constant 0 : i32
        %get3A_868 = arith.constant 0 : i32
        %get3A_869 = arith.constant 0 : i32
        %get3A_870 = tpu.memref_slice %arg7[%select_n3A_229, %get3A_867, %get3A_868, %get3A_869] : memref<3x16x32x32xf32, #tpu.memory_space<vmem>> -> memref<1x16x32x32xf32, #tpu.memory_space<vmem>>
        %get3A_871 = tpu.memref_squeeze %get3A_870 : memref<1x16x32x32xf32, #tpu.memory_space<vmem>> -> memref<16x32x32xf32, #tpu.memory_space<vmem>>
        %get3A_872 = arith.index_cast %scan3A_777 : i32 to index
        %get3A_873 = arith.index_cast %get3A_866 : i32 to index
        %get3A_874 = arith.constant 0 : index
        %get3A_875 = tpu.vector_load %get3A_871[%get3A_872, %get3A_873, %get3A_874] {strides = array<i32>} : memref<16x32x32xf32, #tpu.memory_space<vmem>>, vector<16xf32>,
        %add3A_876 = arith.addf %add3A_832, %get3A_875 : vector<16xf32>
        %get3A_877 = arith.constant 4 : i32
        %get3A_878 = arith.constant 0 : i32
        %get3A_879 = arith.constant 0 : i32
        %get3A_880 = arith.constant 0 : i32
        %get3A_881 = tpu.memref_slice %arg7[%select_n3A_229, %get3A_878, %get3A_879, %get3A_880] : memref<3x16x32x32xf32, #tpu.memory_space<vmem>> -> memref<1x16x32x32xf32, #tpu.memory_space<vmem>>
        %get3A_882 = tpu.memref_squeeze %get3A_881 : memref<1x16x32x32xf32, #tpu.memory_space<vmem>> -> memref<16x32x32xf32, #tpu.memory_space<vmem>>
        %get3A_883 = arith.index_cast %scan3A_777 : i32 to index
        %get3A_884 = arith.index_cast %get3A_877 : i32 to index
        %get3A_885 = arith.constant 16 : index
        %get3A_886 = tpu.vector_load %get3A_882[%get3A_883, %get3A_884, %get3A_885] {strides = array<i32>} : memref<16x32x32xf32, #tpu.memory_space<vmem>>, vector<16xf32>,
        %add3A_887 = arith.addf %add3A_843, %get3A_886 : vector<16xf32>
        %get3A_888 = arith.constant 5 : i32
        %get3A_889 = arith.constant 0 : i32
        %get3A_890 = arith.constant 0 : i32
        %get3A_891 = arith.constant 0 : i32
        %get3A_892 = tpu.memref_slice %arg7[%select_n3A_229, %get3A_889, %get3A_890, %get3A_891] : memref<3x16x32x32xf32, #tpu.memory_space<vmem>> -> memref<1x16x32x32xf32, #tpu.memory_space<vmem>>
        %get3A_893 = tpu.memref_squeeze %get3A_892 : memref<1x16x32x32xf32, #tpu.memory_space<vmem>> -> memref<16x32x32xf32, #tpu.memory_space<vmem>>
        %get3A_894 = arith.index_cast %scan3A_777 : i32 to index
        %get3A_895 = arith.index_cast %get3A_888 : i32 to index
        %get3A_896 = arith.constant 0 : index
        %get3A_897 = tpu.vector_load %get3A_893[%get3A_894, %get3A_895, %get3A_896] {strides = array<i32>} : memref<16x32x32xf32, #tpu.memory_space<vmem>>, vector<16xf32>,
        %add3A_898 = arith.addf %add3A_854, %get3A_897 : vector<16xf32>
        %get3A_899 = arith.constant 5 : i32
        %get3A_900 = arith.constant 0 : i32
        %get3A_901 = arith.constant 0 : i32
        %get3A_902 = arith.constant 0 : i32
        %get3A_903 = tpu.memref_slice %arg7[%select_n3A_229, %get3A_900, %get3A_901, %get3A_902] : memref<3x16x32x32xf32, #tpu.memory_space<vmem>> -> memref<1x16x32x32xf32, #tpu.memory_space<vmem>>
        %get3A_904 = tpu.memref_squeeze %get3A_903 : memref<1x16x32x32xf32, #tpu.memory_space<vmem>> -> memref<16x32x32xf32, #tpu.memory_space<vmem>>
        %get3A_905 = arith.index_cast %scan3A_777 : i32 to index
        %get3A_906 = arith.index_cast %get3A_899 : i32 to index
        %get3A_907 = arith.constant 16 : index
        %get3A_908 = tpu.vector_load %get3A_904[%get3A_905, %get3A_906, %get3A_907] {strides = array<i32>} : memref<16x32x32xf32, #tpu.memory_space<vmem>>, vector<16xf32>,
        %add3A_909 = arith.addf %add3A_865, %get3A_908 : vector<16xf32>
        %get3A_910 = arith.constant 6 : i32
        %get3A_911 = arith.constant 0 : i32
        %get3A_912 = arith.constant 0 : i32
        %get3A_913 = arith.constant 0 : i32
        %get3A_914 = tpu.memref_slice %arg7[%select_n3A_229, %get3A_911, %get3A_912, %get3A_913] : memref<3x16x32x32xf32, #tpu.memory_space<vmem>> -> memref<1x16x32x32xf32, #tpu.memory_space<vmem>>
        %get3A_915 = tpu.memref_squeeze %get3A_914 : memref<1x16x32x32xf32, #tpu.memory_space<vmem>> -> memref<16x32x32xf32, #tpu.memory_space<vmem>>
        %get3A_916 = arith.index_cast %scan3A_777 : i32 to index
        %get3A_917 = arith.index_cast %get3A_910 : i32 to index
        %get3A_918 = arith.constant 0 : index
        %get3A_919 = tpu.vector_load %get3A_915[%get3A_916, %get3A_917, %get3A_918] {strides = array<i32>} : memref<16x32x32xf32, #tpu.memory_space<vmem>>, vector<16xf32>,
        %add3A_920 = arith.addf %add3A_876, %get3A_919 : vector<16xf32>
        %get3A_921 = arith.constant 6 : i32
        %get3A_922 = arith.constant 0 : i32
        %get3A_923 = arith.constant 0 : i32
        %get3A_924 = arith.constant 0 : i32
        %get3A_925 = tpu.memref_slice %arg7[%select_n3A_229, %get3A_922, %get3A_923, %get3A_924] : memref<3x16x32x32xf32, #tpu.memory_space<vmem>> -> memref<1x16x32x32xf32, #tpu.memory_space<vmem>>
        %get3A_926 = tpu.memref_squeeze %get3A_925 : memref<1x16x32x32xf32, #tpu.memory_space<vmem>> -> memref<16x32x32xf32, #tpu.memory_space<vmem>>
        %get3A_927 = arith.index_cast %scan3A_777 : i32 to index
        %get3A_928 = arith.index_cast %get3A_921 : i32 to index
        %get3A_929 = arith.constant 16 : index
        %get3A_930 = tpu.vector_load %get3A_926[%get3A_927, %get3A_928, %get3A_929] {strides = array<i32>} : memref<16x32x32xf32, #tpu.memory_space<vmem>>, vector<16xf32>,
        %add3A_931 = arith.addf %add3A_887, %get3A_930 : vector<16xf32>
        %get3A_932 = arith.constant 7 : i32
        %get3A_933 = arith.constant 0 : i32
        %get3A_934 = arith.constant 0 : i32
        %get3A_935 = arith.constant 0 : i32
        %get3A_936 = tpu.memref_slice %arg7[%select_n3A_229, %get3A_933, %get3A_934, %get3A_935] : memref<3x16x32x32xf32, #tpu.memory_space<vmem>> -> memref<1x16x32x32xf32, #tpu.memory_space<vmem>>
        %get3A_937 = tpu.memref_squeeze %get3A_936 : memref<1x16x32x32xf32, #tpu.memory_space<vmem>> -> memref<16x32x32xf32, #tpu.memory_space<vmem>>
        %get3A_938 = arith.index_cast %scan3A_777 : i32 to index
        %get3A_939 = arith.index_cast %get3A_932 : i32 to index
        %get3A_940 = arith.constant 0 : index
        %get3A_941 = tpu.vector_load %get3A_937[%get3A_938, %get3A_939, %get3A_940] {strides = array<i32>} : memref<16x32x32xf32, #tpu.memory_space<vmem>>, vector<16xf32>,
        %add3A_942 = arith.addf %add3A_898, %get3A_941 : vector<16xf32>
        %get3A_943 = arith.constant 7 : i32
        %get3A_944 = arith.constant 0 : i32
        %get3A_945 = arith.constant 0 : i32
        %get3A_946 = arith.constant 0 : i32
        %get3A_947 = tpu.memref_slice %arg7[%select_n3A_229, %get3A_944, %get3A_945, %get3A_946] : memref<3x16x32x32xf32, #tpu.memory_space<vmem>> -> memref<1x16x32x32xf32, #tpu.memory_space<vmem>>
        %get3A_948 = tpu.memref_squeeze %get3A_947 : memref<1x16x32x32xf32, #tpu.memory_space<vmem>> -> memref<16x32x32xf32, #tpu.memory_space<vmem>>
        %get3A_949 = arith.index_cast %scan3A_777 : i32 to index
        %get3A_950 = arith.index_cast %get3A_943 : i32 to index
        %get3A_951 = arith.constant 16 : index
        %get3A_952 = tpu.vector_load %get3A_948[%get3A_949, %get3A_950, %get3A_951] {strides = array<i32>} : memref<16x32x32xf32, #tpu.memory_space<vmem>>, vector<16xf32>,
        %add3A_953 = arith.addf %add3A_909, %get3A_952 : vector<16xf32>
        %get3A_954 = arith.constant 8 : i32
        %get3A_955 = arith.constant 0 : i32
        %get3A_956 = arith.constant 0 : i32
        %get3A_957 = arith.constant 0 : i32
        %get3A_958 = tpu.memref_slice %arg7[%select_n3A_229, %get3A_955, %get3A_956, %get3A_957] : memref<3x16x32x32xf32, #tpu.memory_space<vmem>> -> memref<1x16x32x32xf32, #tpu.memory_space<vmem>>
        %get3A_959 = tpu.memref_squeeze %get3A_958 : memref<1x16x32x32xf32, #tpu.memory_space<vmem>> -> memref<16x32x32xf32, #tpu.memory_space<vmem>>
        %get3A_960 = arith.index_cast %scan3A_777 : i32 to index
        %get3A_961 = arith.index_cast %get3A_954 : i32 to index
        %get3A_962 = arith.constant 0 : index
        %get3A_963 = tpu.vector_load %get3A_959[%get3A_960, %get3A_961, %get3A_962] {strides = array<i32>} : memref<16x32x32xf32, #tpu.memory_space<vmem>>, vector<16xf32>,
        %add3A_964 = arith.addf %add3A_920, %get3A_963 : vector<16xf32>
        %get3A_965 = arith.constant 8 : i32
        %get3A_966 = arith.constant 0 : i32
        %get3A_967 = arith.constant 0 : i32
        %get3A_968 = arith.constant 0 : i32
        %get3A_969 = tpu.memref_slice %arg7[%select_n3A_229, %get3A_966, %get3A_967, %get3A_968] : memref<3x16x32x32xf32, #tpu.memory_space<vmem>> -> memref<1x16x32x32xf32, #tpu.memory_space<vmem>>
        %get3A_970 = tpu.memref_squeeze %get3A_969 : memref<1x16x32x32xf32, #tpu.memory_space<vmem>> -> memref<16x32x32xf32, #tpu.memory_space<vmem>>
        %get3A_971 = arith.index_cast %scan3A_777 : i32 to index
        %get3A_972 = arith.index_cast %get3A_965 : i32 to index
        %get3A_973 = arith.constant 16 : index
        %get3A_974 = tpu.vector_load %get3A_970[%get3A_971, %get3A_972, %get3A_973] {strides = array<i32>} : memref<16x32x32xf32, #tpu.memory_space<vmem>>, vector<16xf32>,
        %add3A_975 = arith.addf %add3A_931, %get3A_974 : vector<16xf32>
        %get3A_976 = arith.constant 9 : i32
        %get3A_977 = arith.constant 0 : i32
        %get3A_978 = arith.constant 0 : i32
        %get3A_979 = arith.constant 0 : i32
        %get3A_980 = tpu.memref_slice %arg7[%select_n3A_229, %get3A_977, %get3A_978, %get3A_979] : memref<3x16x32x32xf32, #tpu.memory_space<vmem>> -> memref<1x16x32x32xf32, #tpu.memory_space<vmem>>
        %get3A_981 = tpu.memref_squeeze %get3A_980 : memref<1x16x32x32xf32, #tpu.memory_space<vmem>> -> memref<16x32x32xf32, #tpu.memory_space<vmem>>
        %get3A_982 = arith.index_cast %scan3A_777 : i32 to index
        %get3A_983 = arith.index_cast %get3A_976 : i32 to index
        %get3A_984 = arith.constant 0 : index
        %get3A_985 = tpu.vector_load %get3A_981[%get3A_982, %get3A_983, %get3A_984] {strides = array<i32>} : memref<16x32x32xf32, #tpu.memory_space<vmem>>, vector<16xf32>,
        %add3A_986 = arith.addf %add3A_942, %get3A_985 : vector<16xf32>
        %get3A_987 = arith.constant 9 : i32
        %get3A_988 = arith.constant 0 : i32
        %get3A_989 = arith.constant 0 : i32
        %get3A_990 = arith.constant 0 : i32
        %get3A_991 = tpu.memref_slice %arg7[%select_n3A_229, %get3A_988, %get3A_989, %get3A_990] : memref<3x16x32x32xf32, #tpu.memory_space<vmem>> -> memref<1x16x32x32xf32, #tpu.memory_space<vmem>>
        %get3A_992 = tpu.memref_squeeze %get3A_991 : memref<1x16x32x32xf32, #tpu.memory_space<vmem>> -> memref<16x32x32xf32, #tpu.memory_space<vmem>>
        %get3A_993 = arith.index_cast %scan3A_777 : i32 to index
        %get3A_994 = arith.index_cast %get3A_987 : i32 to index
        %get3A_995 = arith.constant 16 : index
        %get3A_996 = tpu.vector_load %get3A_992[%get3A_993, %get3A_994, %get3A_995] {strides = array<i32>} : memref<16x32x32xf32, #tpu.memory_space<vmem>>, vector<16xf32>,
        %add3A_997 = arith.addf %add3A_953, %get3A_996 : vector<16xf32>
        %get3A_998 = arith.constant 10 : i32
        %get3A_999 = arith.constant 0 : i32
        %get3A_1000 = arith.constant 0 : i32
        %get3A_1001 = arith.constant 0 : i32
        %get3A_1002 = tpu.memref_slice %arg7[%select_n3A_229, %get3A_999, %get3A_1000, %get3A_1001] : memref<3x16x32x32xf32, #tpu.memory_space<vmem>> -> memref<1x16x32x32xf32, #tpu.memory_space<vmem>>
        %get3A_1003 = tpu.memref_squeeze %get3A_1002 : memref<1x16x32x32xf32, #tpu.memory_space<vmem>> -> memref<16x32x32xf32, #tpu.memory_space<vmem>>
        %get3A_1004 = arith.index_cast %scan3A_777 : i32 to index
        %get3A_1005 = arith.index_cast %get3A_998 : i32 to index
        %get3A_1006 = arith.constant 0 : index
        %get3A_1007 = tpu.vector_load %get3A_1003[%get3A_1004, %get3A_1005, %get3A_1006] {strides = array<i32>} : memref<16x32x32xf32, #tpu.memory_space<vmem>>, vector<16xf32>,
        %add3A_1008 = arith.addf %add3A_964, %get3A_1007 : vector<16xf32>
        %get3A_1009 = arith.constant 10 : i32
        %get3A_1010 = arith.constant 0 : i32
        %get3A_1011 = arith.constant 0 : i32
        %get3A_1012 = arith.constant 0 : i32
        %get3A_1013 = tpu.memref_slice %arg7[%select_n3A_229, %get3A_1010, %get3A_1011, %get3A_1012] : memref<3x16x32x32xf32, #tpu.memory_space<vmem>> -> memref<1x16x32x32xf32, #tpu.memory_space<vmem>>
        %get3A_1014 = tpu.memref_squeeze %get3A_1013 : memref<1x16x32x32xf32, #tpu.memory_space<vmem>> -> memref<16x32x32xf32, #tpu.memory_space<vmem>>
        %get3A_1015 = arith.index_cast %scan3A_777 : i32 to index
        %get3A_1016 = arith.index_cast %get3A_1009 : i32 to index
        %get3A_1017 = arith.constant 16 : index
        %get3A_1018 = tpu.vector_load %get3A_1014[%get3A_1015, %get3A_1016, %get3A_1017] {strides = array<i32>} : memref<16x32x32xf32, #tpu.memory_space<vmem>>, vector<16xf32>,
        %add3A_1019 = arith.addf %add3A_975, %get3A_1018 : vector<16xf32>
        %get3A_1020 = arith.constant 11 : i32
        %get3A_1021 = arith.constant 0 : i32
        %get3A_1022 = arith.constant 0 : i32
        %get3A_1023 = arith.constant 0 : i32
        %get3A_1024 = tpu.memref_slice %arg7[%select_n3A_229, %get3A_1021, %get3A_1022, %get3A_1023] : memref<3x16x32x32xf32, #tpu.memory_space<vmem>> -> memref<1x16x32x32xf32, #tpu.memory_space<vmem>>
        %get3A_1025 = tpu.memref_squeeze %get3A_1024 : memref<1x16x32x32xf32, #tpu.memory_space<vmem>> -> memref<16x32x32xf32, #tpu.memory_space<vmem>>
        %get3A_1026 = arith.index_cast %scan3A_777 : i32 to index
        %get3A_1027 = arith.index_cast %get3A_1020 : i32 to index
        %get3A_1028 = arith.constant 0 : index
        %get3A_1029 = tpu.vector_load %get3A_1025[%get3A_1026, %get3A_1027, %get3A_1028] {strides = array<i32>} : memref<16x32x32xf32, #tpu.memory_space<vmem>>, vector<16xf32>,
        %add3A_1030 = arith.addf %add3A_986, %get3A_1029 : vector<16xf32>
        %get3A_1031 = arith.constant 11 : i32
        %get3A_1032 = arith.constant 0 : i32
        %get3A_1033 = arith.constant 0 : i32
        %get3A_1034 = arith.constant 0 : i32
        %get3A_1035 = tpu.memref_slice %arg7[%select_n3A_229, %get3A_1032, %get3A_1033, %get3A_1034] : memref<3x16x32x32xf32, #tpu.memory_space<vmem>> -> memref<1x16x32x32xf32, #tpu.memory_space<vmem>>
        %get3A_1036 = tpu.memref_squeeze %get3A_1035 : memref<1x16x32x32xf32, #tpu.memory_space<vmem>> -> memref<16x32x32xf32, #tpu.memory_space<vmem>>
        %get3A_1037 = arith.index_cast %scan3A_777 : i32 to index
        %get3A_1038 = arith.index_cast %get3A_1031 : i32 to index
        %get3A_1039 = arith.constant 16 : index
        %get3A_1040 = tpu.vector_load %get3A_1036[%get3A_1037, %get3A_1038, %get3A_1039] {strides = array<i32>} : memref<16x32x32xf32, #tpu.memory_space<vmem>>, vector<16xf32>,
        %add3A_1041 = arith.addf %add3A_997, %get3A_1040 : vector<16xf32>
        %get3A_1042 = arith.constant 12 : i32
        %get3A_1043 = arith.constant 0 : i32
        %get3A_1044 = arith.constant 0 : i32
        %get3A_1045 = arith.constant 0 : i32
        %get3A_1046 = tpu.memref_slice %arg7[%select_n3A_229, %get3A_1043, %get3A_1044, %get3A_1045] : memref<3x16x32x32xf32, #tpu.memory_space<vmem>> -> memref<1x16x32x32xf32, #tpu.memory_space<vmem>>
        %get3A_1047 = tpu.memref_squeeze %get3A_1046 : memref<1x16x32x32xf32, #tpu.memory_space<vmem>> -> memref<16x32x32xf32, #tpu.memory_space<vmem>>
        %get3A_1048 = arith.index_cast %scan3A_777 : i32 to index
        %get3A_1049 = arith.index_cast %get3A_1042 : i32 to index
        %get3A_1050 = arith.constant 0 : index
        %get3A_1051 = tpu.vector_load %get3A_1047[%get3A_1048, %get3A_1049, %get3A_1050] {strides = array<i32>} : memref<16x32x32xf32, #tpu.memory_space<vmem>>, vector<16xf32>,
        %add3A_1052 = arith.addf %add3A_1008, %get3A_1051 : vector<16xf32>
        %get3A_1053 = arith.constant 12 : i32
        %get3A_1054 = arith.constant 0 : i32
        %get3A_1055 = arith.constant 0 : i32
        %get3A_1056 = arith.constant 0 : i32
        %get3A_1057 = tpu.memref_slice %arg7[%select_n3A_229, %get3A_1054, %get3A_1055, %get3A_1056] : memref<3x16x32x32xf32, #tpu.memory_space<vmem>> -> memref<1x16x32x32xf32, #tpu.memory_space<vmem>>
        %get3A_1058 = tpu.memref_squeeze %get3A_1057 : memref<1x16x32x32xf32, #tpu.memory_space<vmem>> -> memref<16x32x32xf32, #tpu.memory_space<vmem>>
        %get3A_1059 = arith.index_cast %scan3A_777 : i32 to index
        %get3A_1060 = arith.index_cast %get3A_1053 : i32 to index
        %get3A_1061 = arith.constant 16 : index
        %get3A_1062 = tpu.vector_load %get3A_1058[%get3A_1059, %get3A_1060, %get3A_1061] {strides = array<i32>} : memref<16x32x32xf32, #tpu.memory_space<vmem>>, vector<16xf32>,
        %add3A_1063 = arith.addf %add3A_1019, %get3A_1062 : vector<16xf32>
        %get3A_1064 = arith.constant 13 : i32
        %get3A_1065 = arith.constant 0 : i32
        %get3A_1066 = arith.constant 0 : i32
        %get3A_1067 = arith.constant 0 : i32
        %get3A_1068 = tpu.memref_slice %arg7[%select_n3A_229, %get3A_1065, %get3A_1066, %get3A_1067] : memref<3x16x32x32xf32, #tpu.memory_space<vmem>> -> memref<1x16x32x32xf32, #tpu.memory_space<vmem>>
        %get3A_1069 = tpu.memref_squeeze %get3A_1068 : memref<1x16x32x32xf32, #tpu.memory_space<vmem>> -> memref<16x32x32xf32, #tpu.memory_space<vmem>>
        %get3A_1070 = arith.index_cast %scan3A_777 : i32 to index
        %get3A_1071 = arith.index_cast %get3A_1064 : i32 to index
        %get3A_1072 = arith.constant 0 : index
        %get3A_1073 = tpu.vector_load %get3A_1069[%get3A_1070, %get3A_1071, %get3A_1072] {strides = array<i32>} : memref<16x32x32xf32, #tpu.memory_space<vmem>>, vector<16xf32>,
        %add3A_1074 = arith.addf %add3A_1030, %get3A_1073 : vector<16xf32>
        %get3A_1075 = arith.constant 13 : i32
        %get3A_1076 = arith.constant 0 : i32
        %get3A_1077 = arith.constant 0 : i32
        %get3A_1078 = arith.constant 0 : i32
        %get3A_1079 = tpu.memref_slice %arg7[%select_n3A_229, %get3A_1076, %get3A_1077, %get3A_1078] : memref<3x16x32x32xf32, #tpu.memory_space<vmem>> -> memref<1x16x32x32xf32, #tpu.memory_space<vmem>>
        %get3A_1080 = tpu.memref_squeeze %get3A_1079 : memref<1x16x32x32xf32, #tpu.memory_space<vmem>> -> memref<16x32x32xf32, #tpu.memory_space<vmem>>
        %get3A_1081 = arith.index_cast %scan3A_777 : i32 to index
        %get3A_1082 = arith.index_cast %get3A_1075 : i32 to index
        %get3A_1083 = arith.constant 16 : index
        %get3A_1084 = tpu.vector_load %get3A_1080[%get3A_1081, %get3A_1082, %get3A_1083] {strides = array<i32>} : memref<16x32x32xf32, #tpu.memory_space<vmem>>, vector<16xf32>,
        %add3A_1085 = arith.addf %add3A_1041, %get3A_1084 : vector<16xf32>
        %get3A_1086 = arith.constant 14 : i32
        %get3A_1087 = arith.constant 0 : i32
        %get3A_1088 = arith.constant 0 : i32
        %get3A_1089 = arith.constant 0 : i32
        %get3A_1090 = tpu.memref_slice %arg7[%select_n3A_229, %get3A_1087, %get3A_1088, %get3A_1089] : memref<3x16x32x32xf32, #tpu.memory_space<vmem>> -> memref<1x16x32x32xf32, #tpu.memory_space<vmem>>
        %get3A_1091 = tpu.memref_squeeze %get3A_1090 : memref<1x16x32x32xf32, #tpu.memory_space<vmem>> -> memref<16x32x32xf32, #tpu.memory_space<vmem>>
        %get3A_1092 = arith.index_cast %scan3A_777 : i32 to index
        %get3A_1093 = arith.index_cast %get3A_1086 : i32 to index
        %get3A_1094 = arith.constant 0 : index
        %get3A_1095 = tpu.vector_load %get3A_1091[%get3A_1092, %get3A_1093, %get3A_1094] {strides = array<i32>} : memref<16x32x32xf32, #tpu.memory_space<vmem>>, vector<16xf32>,
        %add3A_1096 = arith.addf %add3A_1052, %get3A_1095 : vector<16xf32>
        %get3A_1097 = arith.constant 14 : i32
        %get3A_1098 = arith.constant 0 : i32
        %get3A_1099 = arith.constant 0 : i32
        %get3A_1100 = arith.constant 0 : i32
        %get3A_1101 = tpu.memref_slice %arg7[%select_n3A_229, %get3A_1098, %get3A_1099, %get3A_1100] : memref<3x16x32x32xf32, #tpu.memory_space<vmem>> -> memref<1x16x32x32xf32, #tpu.memory_space<vmem>>
        %get3A_1102 = tpu.memref_squeeze %get3A_1101 : memref<1x16x32x32xf32, #tpu.memory_space<vmem>> -> memref<16x32x32xf32, #tpu.memory_space<vmem>>
        %get3A_1103 = arith.index_cast %scan3A_777 : i32 to index
        %get3A_1104 = arith.index_cast %get3A_1097 : i32 to index
        %get3A_1105 = arith.constant 16 : index
        %get3A_1106 = tpu.vector_load %get3A_1102[%get3A_1103, %get3A_1104, %get3A_1105] {strides = array<i32>} : memref<16x32x32xf32, #tpu.memory_space<vmem>>, vector<16xf32>,
        %add3A_1107 = arith.addf %add3A_1063, %get3A_1106 : vector<16xf32>
        %get3A_1108 = arith.constant 15 : i32
        %get3A_1109 = arith.constant 0 : i32
        %get3A_1110 = arith.constant 0 : i32
        %get3A_1111 = arith.constant 0 : i32
        %get3A_1112 = tpu.memref_slice %arg7[%select_n3A_229, %get3A_1109, %get3A_1110, %get3A_1111] : memref<3x16x32x32xf32, #tpu.memory_space<vmem>> -> memref<1x16x32x32xf32, #tpu.memory_space<vmem>>
        %get3A_1113 = tpu.memref_squeeze %get3A_1112 : memref<1x16x32x32xf32, #tpu.memory_space<vmem>> -> memref<16x32x32xf32, #tpu.memory_space<vmem>>
        %get3A_1114 = arith.index_cast %scan3A_777 : i32 to index
        %get3A_1115 = arith.index_cast %get3A_1108 : i32 to index
        %get3A_1116 = arith.constant 0 : index
        %get3A_1117 = tpu.vector_load %get3A_1113[%get3A_1114, %get3A_1115, %get3A_1116] {strides = array<i32>} : memref<16x32x32xf32, #tpu.memory_space<vmem>>, vector<16xf32>,
        %add3A_1118 = arith.addf %add3A_1074, %get3A_1117 : vector<16xf32>
        %get3A_1119 = arith.constant 15 : i32
        %get3A_1120 = arith.constant 0 : i32
        %get3A_1121 = arith.constant 0 : i32
        %get3A_1122 = arith.constant 0 : i32
        %get3A_1123 = tpu.memref_slice %arg7[%select_n3A_229, %get3A_1120, %get3A_1121, %get3A_1122] : memref<3x16x32x32xf32, #tpu.memory_space<vmem>> -> memref<1x16x32x32xf32, #tpu.memory_space<vmem>>
        %get3A_1124 = tpu.memref_squeeze %get3A_1123 : memref<1x16x32x32xf32, #tpu.memory_space<vmem>> -> memref<16x32x32xf32, #tpu.memory_space<vmem>>
        %get3A_1125 = arith.index_cast %scan3A_777 : i32 to index
        %get3A_1126 = arith.index_cast %get3A_1119 : i32 to index
        %get3A_1127 = arith.constant 16 : index
        %get3A_1128 = tpu.vector_load %get3A_1124[%get3A_1125, %get3A_1126, %get3A_1127] {strides = array<i32>} : memref<16x32x32xf32, #tpu.memory_space<vmem>>, vector<16xf32>,
        %add3A_1129 = arith.addf %add3A_1085, %get3A_1128 : vector<16xf32>
        %get3A_1130 = arith.constant 16 : i32
        %get3A_1131 = arith.constant 0 : i32
        %get3A_1132 = arith.constant 0 : i32
        %get3A_1133 = arith.constant 0 : i32
        %get3A_1134 = tpu.memref_slice %arg7[%select_n3A_229, %get3A_1131, %get3A_1132, %get3A_1133] : memref<3x16x32x32xf32, #tpu.memory_space<vmem>> -> memref<1x16x32x32xf32, #tpu.memory_space<vmem>>
        %get3A_1135 = tpu.memref_squeeze %get3A_1134 : memref<1x16x32x32xf32, #tpu.memory_space<vmem>> -> memref<16x32x32xf32, #tpu.memory_space<vmem>>
        %get3A_1136 = arith.index_cast %scan3A_777 : i32 to index
        %get3A_1137 = arith.index_cast %get3A_1130 : i32 to index
        %get3A_1138 = arith.constant 0 : index
        %get3A_1139 = tpu.vector_load %get3A_1135[%get3A_1136, %get3A_1137, %get3A_1138] {strides = array<i32>} : memref<16x32x32xf32, #tpu.memory_space<vmem>>, vector<16xf32>,
        %add3A_1140 = arith.addf %add3A_1096, %get3A_1139 : vector<16xf32>
        %get3A_1141 = arith.constant 16 : i32
        %get3A_1142 = arith.constant 0 : i32
        %get3A_1143 = arith.constant 0 : i32
        %get3A_1144 = arith.constant 0 : i32
        %get3A_1145 = tpu.memref_slice %arg7[%select_n3A_229, %get3A_1142, %get3A_1143, %get3A_1144] : memref<3x16x32x32xf32, #tpu.memory_space<vmem>> -> memref<1x16x32x32xf32, #tpu.memory_space<vmem>>
        %get3A_1146 = tpu.memref_squeeze %get3A_1145 : memref<1x16x32x32xf32, #tpu.memory_space<vmem>> -> memref<16x32x32xf32, #tpu.memory_space<vmem>>
        %get3A_1147 = arith.index_cast %scan3A_777 : i32 to index
        %get3A_1148 = arith.index_cast %get3A_1141 : i32 to index
        %get3A_1149 = arith.constant 16 : index
        %get3A_1150 = tpu.vector_load %get3A_1146[%get3A_1147, %get3A_1148, %get3A_1149] {strides = array<i32>} : memref<16x32x32xf32, #tpu.memory_space<vmem>>, vector<16xf32>,
        %add3A_1151 = arith.addf %add3A_1107, %get3A_1150 : vector<16xf32>
        %get3A_1152 = arith.constant 17 : i32
        %get3A_1153 = arith.constant 0 : i32
        %get3A_1154 = arith.constant 0 : i32
        %get3A_1155 = arith.constant 0 : i32
        %get3A_1156 = tpu.memref_slice %arg7[%select_n3A_229, %get3A_1153, %get3A_1154, %get3A_1155] : memref<3x16x32x32xf32, #tpu.memory_space<vmem>> -> memref<1x16x32x32xf32, #tpu.memory_space<vmem>>
        %get3A_1157 = tpu.memref_squeeze %get3A_1156 : memref<1x16x32x32xf32, #tpu.memory_space<vmem>> -> memref<16x32x32xf32, #tpu.memory_space<vmem>>
        %get3A_1158 = arith.index_cast %scan3A_777 : i32 to index
        %get3A_1159 = arith.index_cast %get3A_1152 : i32 to index
        %get3A_1160 = arith.constant 0 : index
        %get3A_1161 = tpu.vector_load %get3A_1157[%get3A_1158, %get3A_1159, %get3A_1160] {strides = array<i32>} : memref<16x32x32xf32, #tpu.memory_space<vmem>>, vector<16xf32>,
        %add3A_1162 = arith.addf %add3A_1118, %get3A_1161 : vector<16xf32>
        %get3A_1163 = arith.constant 17 : i32
        %get3A_1164 = arith.constant 0 : i32
        %get3A_1165 = arith.constant 0 : i32
        %get3A_1166 = arith.constant 0 : i32
        %get3A_1167 = tpu.memref_slice %arg7[%select_n3A_229, %get3A_1164, %get3A_1165, %get3A_1166] : memref<3x16x32x32xf32, #tpu.memory_space<vmem>> -> memref<1x16x32x32xf32, #tpu.memory_space<vmem>>
        %get3A_1168 = tpu.memref_squeeze %get3A_1167 : memref<1x16x32x32xf32, #tpu.memory_space<vmem>> -> memref<16x32x32xf32, #tpu.memory_space<vmem>>
        %get3A_1169 = arith.index_cast %scan3A_777 : i32 to index
        %get3A_1170 = arith.index_cast %get3A_1163 : i32 to index
        %get3A_1171 = arith.constant 16 : index
        %get3A_1172 = tpu.vector_load %get3A_1168[%get3A_1169, %get3A_1170, %get3A_1171] {strides = array<i32>} : memref<16x32x32xf32, #tpu.memory_space<vmem>>, vector<16xf32>,
        %add3A_1173 = arith.addf %add3A_1129, %get3A_1172 : vector<16xf32>
        %get3A_1174 = arith.constant 18 : i32
        %get3A_1175 = arith.constant 0 : i32
        %get3A_1176 = arith.constant 0 : i32
        %get3A_1177 = arith.constant 0 : i32
        %get3A_1178 = tpu.memref_slice %arg7[%select_n3A_229, %get3A_1175, %get3A_1176, %get3A_1177] : memref<3x16x32x32xf32, #tpu.memory_space<vmem>> -> memref<1x16x32x32xf32, #tpu.memory_space<vmem>>
        %get3A_1179 = tpu.memref_squeeze %get3A_1178 : memref<1x16x32x32xf32, #tpu.memory_space<vmem>> -> memref<16x32x32xf32, #tpu.memory_space<vmem>>
        %get3A_1180 = arith.index_cast %scan3A_777 : i32 to index
        %get3A_1181 = arith.index_cast %get3A_1174 : i32 to index
        %get3A_1182 = arith.constant 0 : index
        %get3A_1183 = tpu.vector_load %get3A_1179[%get3A_1180, %get3A_1181, %get3A_1182] {strides = array<i32>} : memref<16x32x32xf32, #tpu.memory_space<vmem>>, vector<16xf32>,
        %add3A_1184 = arith.addf %add3A_1140, %get3A_1183 : vector<16xf32>
        %get3A_1185 = arith.constant 18 : i32
        %get3A_1186 = arith.constant 0 : i32
        %get3A_1187 = arith.constant 0 : i32
        %get3A_1188 = arith.constant 0 : i32
        %get3A_1189 = tpu.memref_slice %arg7[%select_n3A_229, %get3A_1186, %get3A_1187, %get3A_1188] : memref<3x16x32x32xf32, #tpu.memory_space<vmem>> -> memref<1x16x32x32xf32, #tpu.memory_space<vmem>>
        %get3A_1190 = tpu.memref_squeeze %get3A_1189 : memref<1x16x32x32xf32, #tpu.memory_space<vmem>> -> memref<16x32x32xf32, #tpu.memory_space<vmem>>
        %get3A_1191 = arith.index_cast %scan3A_777 : i32 to index
        %get3A_1192 = arith.index_cast %get3A_1185 : i32 to index
        %get3A_1193 = arith.constant 16 : index
        %get3A_1194 = tpu.vector_load %get3A_1190[%get3A_1191, %get3A_1192, %get3A_1193] {strides = array<i32>} : memref<16x32x32xf32, #tpu.memory_space<vmem>>, vector<16xf32>,
        %add3A_1195 = arith.addf %add3A_1151, %get3A_1194 : vector<16xf32>
        %get3A_1196 = arith.constant 19 : i32
        %get3A_1197 = arith.constant 0 : i32
        %get3A_1198 = arith.constant 0 : i32
        %get3A_1199 = arith.constant 0 : i32
        %get3A_1200 = tpu.memref_slice %arg7[%select_n3A_229, %get3A_1197, %get3A_1198, %get3A_1199] : memref<3x16x32x32xf32, #tpu.memory_space<vmem>> -> memref<1x16x32x32xf32, #tpu.memory_space<vmem>>
        %get3A_1201 = tpu.memref_squeeze %get3A_1200 : memref<1x16x32x32xf32, #tpu.memory_space<vmem>> -> memref<16x32x32xf32, #tpu.memory_space<vmem>>
        %get3A_1202 = arith.index_cast %scan3A_777 : i32 to index
        %get3A_1203 = arith.index_cast %get3A_1196 : i32 to index
        %get3A_1204 = arith.constant 0 : index
        %get3A_1205 = tpu.vector_load %get3A_1201[%get3A_1202, %get3A_1203, %get3A_1204] {strides = array<i32>} : memref<16x32x32xf32, #tpu.memory_space<vmem>>, vector<16xf32>,
        %add3A_1206 = arith.addf %add3A_1162, %get3A_1205 : vector<16xf32>
        %get3A_1207 = arith.constant 19 : i32
        %get3A_1208 = arith.constant 0 : i32
        %get3A_1209 = arith.constant 0 : i32
        %get3A_1210 = arith.constant 0 : i32
        %get3A_1211 = tpu.memref_slice %arg7[%select_n3A_229, %get3A_1208, %get3A_1209, %get3A_1210] : memref<3x16x32x32xf32, #tpu.memory_space<vmem>> -> memref<1x16x32x32xf32, #tpu.memory_space<vmem>>
        %get3A_1212 = tpu.memref_squeeze %get3A_1211 : memref<1x16x32x32xf32, #tpu.memory_space<vmem>> -> memref<16x32x32xf32, #tpu.memory_space<vmem>>
        %get3A_1213 = arith.index_cast %scan3A_777 : i32 to index
        %get3A_1214 = arith.index_cast %get3A_1207 : i32 to index
        %get3A_1215 = arith.constant 16 : index
        %get3A_1216 = tpu.vector_load %get3A_1212[%get3A_1213, %get3A_1214, %get3A_1215] {strides = array<i32>} : memref<16x32x32xf32, #tpu.memory_space<vmem>>, vector<16xf32>,
        %add3A_1217 = arith.addf %add3A_1173, %get3A_1216 : vector<16xf32>
        %get3A_1218 = arith.constant 20 : i32
        %get3A_1219 = arith.constant 0 : i32
        %get3A_1220 = arith.constant 0 : i32
        %get3A_1221 = arith.constant 0 : i32
        %get3A_1222 = tpu.memref_slice %arg7[%select_n3A_229, %get3A_1219, %get3A_1220, %get3A_1221] : memref<3x16x32x32xf32, #tpu.memory_space<vmem>> -> memref<1x16x32x32xf32, #tpu.memory_space<vmem>>
        %get3A_1223 = tpu.memref_squeeze %get3A_1222 : memref<1x16x32x32xf32, #tpu.memory_space<vmem>> -> memref<16x32x32xf32, #tpu.memory_space<vmem>>
        %get3A_1224 = arith.index_cast %scan3A_777 : i32 to index
        %get3A_1225 = arith.index_cast %get3A_1218 : i32 to index
        %get3A_1226 = arith.constant 0 : index
        %get3A_1227 = tpu.vector_load %get3A_1223[%get3A_1224, %get3A_1225, %get3A_1226] {strides = array<i32>} : memref<16x32x32xf32, #tpu.memory_space<vmem>>, vector<16xf32>,
        %add3A_1228 = arith.addf %add3A_1184, %get3A_1227 : vector<16xf32>
        %get3A_1229 = arith.constant 20 : i32
        %get3A_1230 = arith.constant 0 : i32
        %get3A_1231 = arith.constant 0 : i32
        %get3A_1232 = arith.constant 0 : i32
        %get3A_1233 = tpu.memref_slice %arg7[%select_n3A_229, %get3A_1230, %get3A_1231, %get3A_1232] : memref<3x16x32x32xf32, #tpu.memory_space<vmem>> -> memref<1x16x32x32xf32, #tpu.memory_space<vmem>>
        %get3A_1234 = tpu.memref_squeeze %get3A_1233 : memref<1x16x32x32xf32, #tpu.memory_space<vmem>> -> memref<16x32x32xf32, #tpu.memory_space<vmem>>
        %get3A_1235 = arith.index_cast %scan3A_777 : i32 to index
        %get3A_1236 = arith.index_cast %get3A_1229 : i32 to index
        %get3A_1237 = arith.constant 16 : index
        %get3A_1238 = tpu.vector_load %get3A_1234[%get3A_1235, %get3A_1236, %get3A_1237] {strides = array<i32>} : memref<16x32x32xf32, #tpu.memory_space<vmem>>, vector<16xf32>,
        %add3A_1239 = arith.addf %add3A_1195, %get3A_1238 : vector<16xf32>
        %get3A_1240 = arith.constant 21 : i32
        %get3A_1241 = arith.constant 0 : i32
        %get3A_1242 = arith.constant 0 : i32
        %get3A_1243 = arith.constant 0 : i32
        %get3A_1244 = tpu.memref_slice %arg7[%select_n3A_229, %get3A_1241, %get3A_1242, %get3A_1243] : memref<3x16x32x32xf32, #tpu.memory_space<vmem>> -> memref<1x16x32x32xf32, #tpu.memory_space<vmem>>
        %get3A_1245 = tpu.memref_squeeze %get3A_1244 : memref<1x16x32x32xf32, #tpu.memory_space<vmem>> -> memref<16x32x32xf32, #tpu.memory_space<vmem>>
        %get3A_1246 = arith.index_cast %scan3A_777 : i32 to index
        %get3A_1247 = arith.index_cast %get3A_1240 : i32 to index
        %get3A_1248 = arith.constant 0 : index
        %get3A_1249 = tpu.vector_load %get3A_1245[%get3A_1246, %get3A_1247, %get3A_1248] {strides = array<i32>} : memref<16x32x32xf32, #tpu.memory_space<vmem>>, vector<16xf32>,
        %add3A_1250 = arith.addf %add3A_1206, %get3A_1249 : vector<16xf32>
        %get3A_1251 = arith.constant 21 : i32
        %get3A_1252 = arith.constant 0 : i32
        %get3A_1253 = arith.constant 0 : i32
        %get3A_1254 = arith.constant 0 : i32
        %get3A_1255 = tpu.memref_slice %arg7[%select_n3A_229, %get3A_1252, %get3A_1253, %get3A_1254] : memref<3x16x32x32xf32, #tpu.memory_space<vmem>> -> memref<1x16x32x32xf32, #tpu.memory_space<vmem>>
        %get3A_1256 = tpu.memref_squeeze %get3A_1255 : memref<1x16x32x32xf32, #tpu.memory_space<vmem>> -> memref<16x32x32xf32, #tpu.memory_space<vmem>>
        %get3A_1257 = arith.index_cast %scan3A_777 : i32 to index
        %get3A_1258 = arith.index_cast %get3A_1251 : i32 to index
        %get3A_1259 = arith.constant 16 : index
        %get3A_1260 = tpu.vector_load %get3A_1256[%get3A_1257, %get3A_1258, %get3A_1259] {strides = array<i32>} : memref<16x32x32xf32, #tpu.memory_space<vmem>>, vector<16xf32>,
        %add3A_1261 = arith.addf %add3A_1217, %get3A_1260 : vector<16xf32>
        %get3A_1262 = arith.constant 22 : i32
        %get3A_1263 = arith.constant 0 : i32
        %get3A_1264 = arith.constant 0 : i32
        %get3A_1265 = arith.constant 0 : i32
        %get3A_1266 = tpu.memref_slice %arg7[%select_n3A_229, %get3A_1263, %get3A_1264, %get3A_1265] : memref<3x16x32x32xf32, #tpu.memory_space<vmem>> -> memref<1x16x32x32xf32, #tpu.memory_space<vmem>>
        %get3A_1267 = tpu.memref_squeeze %get3A_1266 : memref<1x16x32x32xf32, #tpu.memory_space<vmem>> -> memref<16x32x32xf32, #tpu.memory_space<vmem>>
        %get3A_1268 = arith.index_cast %scan3A_777 : i32 to index
        %get3A_1269 = arith.index_cast %get3A_1262 : i32 to index
        %get3A_1270 = arith.constant 0 : index
        %get3A_1271 = tpu.vector_load %get3A_1267[%get3A_1268, %get3A_1269, %get3A_1270] {strides = array<i32>} : memref<16x32x32xf32, #tpu.memory_space<vmem>>, vector<16xf32>,
        %add3A_1272 = arith.addf %add3A_1228, %get3A_1271 : vector<16xf32>
        %get3A_1273 = arith.constant 22 : i32
        %get3A_1274 = arith.constant 0 : i32
        %get3A_1275 = arith.constant 0 : i32
        %get3A_1276 = arith.constant 0 : i32
        %get3A_1277 = tpu.memref_slice %arg7[%select_n3A_229, %get3A_1274, %get3A_1275, %get3A_1276] : memref<3x16x32x32xf32, #tpu.memory_space<vmem>> -> memref<1x16x32x32xf32, #tpu.memory_space<vmem>>
        %get3A_1278 = tpu.memref_squeeze %get3A_1277 : memref<1x16x32x32xf32, #tpu.memory_space<vmem>> -> memref<16x32x32xf32, #tpu.memory_space<vmem>>
        %get3A_1279 = arith.index_cast %scan3A_777 : i32 to index
        %get3A_1280 = arith.index_cast %get3A_1273 : i32 to index
        %get3A_1281 = arith.constant 16 : index
        %get3A_1282 = tpu.vector_load %get3A_1278[%get3A_1279, %get3A_1280, %get3A_1281] {strides = array<i32>} : memref<16x32x32xf32, #tpu.memory_space<vmem>>, vector<16xf32>,
        %add3A_1283 = arith.addf %add3A_1239, %get3A_1282 : vector<16xf32>
        %get3A_1284 = arith.constant 23 : i32
        %get3A_1285 = arith.constant 0 : i32
        %get3A_1286 = arith.constant 0 : i32
        %get3A_1287 = arith.constant 0 : i32
        %get3A_1288 = tpu.memref_slice %arg7[%select_n3A_229, %get3A_1285, %get3A_1286, %get3A_1287] : memref<3x16x32x32xf32, #tpu.memory_space<vmem>> -> memref<1x16x32x32xf32, #tpu.memory_space<vmem>>
        %get3A_1289 = tpu.memref_squeeze %get3A_1288 : memref<1x16x32x32xf32, #tpu.memory_space<vmem>> -> memref<16x32x32xf32, #tpu.memory_space<vmem>>
        %get3A_1290 = arith.index_cast %scan3A_777 : i32 to index
        %get3A_1291 = arith.index_cast %get3A_1284 : i32 to index
        %get3A_1292 = arith.constant 0 : index
        %get3A_1293 = tpu.vector_load %get3A_1289[%get3A_1290, %get3A_1291, %get3A_1292] {strides = array<i32>} : memref<16x32x32xf32, #tpu.memory_space<vmem>>, vector<16xf32>,
        %add3A_1294 = arith.addf %add3A_1250, %get3A_1293 : vector<16xf32>
        %get3A_1295 = arith.constant 23 : i32
        %get3A_1296 = arith.constant 0 : i32
        %get3A_1297 = arith.constant 0 : i32
        %get3A_1298 = arith.constant 0 : i32
        %get3A_1299 = tpu.memref_slice %arg7[%select_n3A_229, %get3A_1296, %get3A_1297, %get3A_1298] : memref<3x16x32x32xf32, #tpu.memory_space<vmem>> -> memref<1x16x32x32xf32, #tpu.memory_space<vmem>>
        %get3A_1300 = tpu.memref_squeeze %get3A_1299 : memref<1x16x32x32xf32, #tpu.memory_space<vmem>> -> memref<16x32x32xf32, #tpu.memory_space<vmem>>
        %get3A_1301 = arith.index_cast %scan3A_777 : i32 to index
        %get3A_1302 = arith.index_cast %get3A_1295 : i32 to index
        %get3A_1303 = arith.constant 16 : index
        %get3A_1304 = tpu.vector_load %get3A_1300[%get3A_1301, %get3A_1302, %get3A_1303] {strides = array<i32>} : memref<16x32x32xf32, #tpu.memory_space<vmem>>, vector<16xf32>,
        %add3A_1305 = arith.addf %add3A_1261, %get3A_1304 : vector<16xf32>
        %get3A_1306 = arith.constant 24 : i32
        %get3A_1307 = arith.constant 0 : i32
        %get3A_1308 = arith.constant 0 : i32
        %get3A_1309 = arith.constant 0 : i32
        %get3A_1310 = tpu.memref_slice %arg7[%select_n3A_229, %get3A_1307, %get3A_1308, %get3A_1309] : memref<3x16x32x32xf32, #tpu.memory_space<vmem>> -> memref<1x16x32x32xf32, #tpu.memory_space<vmem>>
        %get3A_1311 = tpu.memref_squeeze %get3A_1310 : memref<1x16x32x32xf32, #tpu.memory_space<vmem>> -> memref<16x32x32xf32, #tpu.memory_space<vmem>>
        %get3A_1312 = arith.index_cast %scan3A_777 : i32 to index
        %get3A_1313 = arith.index_cast %get3A_1306 : i32 to index
        %get3A_1314 = arith.constant 0 : index
        %get3A_1315 = tpu.vector_load %get3A_1311[%get3A_1312, %get3A_1313, %get3A_1314] {strides = array<i32>} : memref<16x32x32xf32, #tpu.memory_space<vmem>>, vector<16xf32>,
        %add3A_1316 = arith.addf %add3A_1272, %get3A_1315 : vector<16xf32>
        %get3A_1317 = arith.constant 24 : i32
        %get3A_1318 = arith.constant 0 : i32
        %get3A_1319 = arith.constant 0 : i32
        %get3A_1320 = arith.constant 0 : i32
        %get3A_1321 = tpu.memref_slice %arg7[%select_n3A_229, %get3A_1318, %get3A_1319, %get3A_1320] : memref<3x16x32x32xf32, #tpu.memory_space<vmem>> -> memref<1x16x32x32xf32, #tpu.memory_space<vmem>>
        %get3A_1322 = tpu.memref_squeeze %get3A_1321 : memref<1x16x32x32xf32, #tpu.memory_space<vmem>> -> memref<16x32x32xf32, #tpu.memory_space<vmem>>
        %get3A_1323 = arith.index_cast %scan3A_777 : i32 to index
        %get3A_1324 = arith.index_cast %get3A_1317 : i32 to index
        %get3A_1325 = arith.constant 16 : index
        %get3A_1326 = tpu.vector_load %get3A_1322[%get3A_1323, %get3A_1324, %get3A_1325] {strides = array<i32>} : memref<16x32x32xf32, #tpu.memory_space<vmem>>, vector<16xf32>,
        %add3A_1327 = arith.addf %add3A_1283, %get3A_1326 : vector<16xf32>
        %get3A_1328 = arith.constant 25 : i32
        %get3A_1329 = arith.constant 0 : i32
        %get3A_1330 = arith.constant 0 : i32
        %get3A_1331 = arith.constant 0 : i32
        %get3A_1332 = tpu.memref_slice %arg7[%select_n3A_229, %get3A_1329, %get3A_1330, %get3A_1331] : memref<3x16x32x32xf32, #tpu.memory_space<vmem>> -> memref<1x16x32x32xf32, #tpu.memory_space<vmem>>
        %get3A_1333 = tpu.memref_squeeze %get3A_1332 : memref<1x16x32x32xf32, #tpu.memory_space<vmem>> -> memref<16x32x32xf32, #tpu.memory_space<vmem>>
        %get3A_1334 = arith.index_cast %scan3A_777 : i32 to index
        %get3A_1335 = arith.index_cast %get3A_1328 : i32 to index
        %get3A_1336 = arith.constant 0 : index
        %get3A_1337 = tpu.vector_load %get3A_1333[%get3A_1334, %get3A_1335, %get3A_1336] {strides = array<i32>} : memref<16x32x32xf32, #tpu.memory_space<vmem>>, vector<16xf32>,
        %add3A_1338 = arith.addf %add3A_1294, %get3A_1337 : vector<16xf32>
        %get3A_1339 = arith.constant 25 : i32
        %get3A_1340 = arith.constant 0 : i32
        %get3A_1341 = arith.constant 0 : i32
        %get3A_1342 = arith.constant 0 : i32
        %get3A_1343 = tpu.memref_slice %arg7[%select_n3A_229, %get3A_1340, %get3A_1341, %get3A_1342] : memref<3x16x32x32xf32, #tpu.memory_space<vmem>> -> memref<1x16x32x32xf32, #tpu.memory_space<vmem>>
        %get3A_1344 = tpu.memref_squeeze %get3A_1343 : memref<1x16x32x32xf32, #tpu.memory_space<vmem>> -> memref<16x32x32xf32, #tpu.memory_space<vmem>>
        %get3A_1345 = arith.index_cast %scan3A_777 : i32 to index
        %get3A_1346 = arith.index_cast %get3A_1339 : i32 to index
        %get3A_1347 = arith.constant 16 : index
        %get3A_1348 = tpu.vector_load %get3A_1344[%get3A_1345, %get3A_1346, %get3A_1347] {strides = array<i32>} : memref<16x32x32xf32, #tpu.memory_space<vmem>>, vector<16xf32>,
        %add3A_1349 = arith.addf %add3A_1305, %get3A_1348 : vector<16xf32>
        %get3A_1350 = arith.constant 26 : i32
        %get3A_1351 = arith.constant 0 : i32
        %get3A_1352 = arith.constant 0 : i32
        %get3A_1353 = arith.constant 0 : i32
        %get3A_1354 = tpu.memref_slice %arg7[%select_n3A_229, %get3A_1351, %get3A_1352, %get3A_1353] : memref<3x16x32x32xf32, #tpu.memory_space<vmem>> -> memref<1x16x32x32xf32, #tpu.memory_space<vmem>>
        %get3A_1355 = tpu.memref_squeeze %get3A_1354 : memref<1x16x32x32xf32, #tpu.memory_space<vmem>> -> memref<16x32x32xf32, #tpu.memory_space<vmem>>
        %get3A_1356 = arith.index_cast %scan3A_777 : i32 to index
        %get3A_1357 = arith.index_cast %get3A_1350 : i32 to index
        %get3A_1358 = arith.constant 0 : index
        %get3A_1359 = tpu.vector_load %get3A_1355[%get3A_1356, %get3A_1357, %get3A_1358] {strides = array<i32>} : memref<16x32x32xf32, #tpu.memory_space<vmem>>, vector<16xf32>,
        %add3A_1360 = arith.addf %add3A_1316, %get3A_1359 : vector<16xf32>
        %get3A_1361 = arith.constant 26 : i32
        %get3A_1362 = arith.constant 0 : i32
        %get3A_1363 = arith.constant 0 : i32
        %get3A_1364 = arith.constant 0 : i32
        %get3A_1365 = tpu.memref_slice %arg7[%select_n3A_229, %get3A_1362, %get3A_1363, %get3A_1364] : memref<3x16x32x32xf32, #tpu.memory_space<vmem>> -> memref<1x16x32x32xf32, #tpu.memory_space<vmem>>
        %get3A_1366 = tpu.memref_squeeze %get3A_1365 : memref<1x16x32x32xf32, #tpu.memory_space<vmem>> -> memref<16x32x32xf32, #tpu.memory_space<vmem>>
        %get3A_1367 = arith.index_cast %scan3A_777 : i32 to index
        %get3A_1368 = arith.index_cast %get3A_1361 : i32 to index
        %get3A_1369 = arith.constant 16 : index
        %get3A_1370 = tpu.vector_load %get3A_1366[%get3A_1367, %get3A_1368, %get3A_1369] {strides = array<i32>} : memref<16x32x32xf32, #tpu.memory_space<vmem>>, vector<16xf32>,
        %add3A_1371 = arith.addf %add3A_1327, %get3A_1370 : vector<16xf32>
        %get3A_1372 = arith.constant 27 : i32
        %get3A_1373 = arith.constant 0 : i32
        %get3A_1374 = arith.constant 0 : i32
        %get3A_1375 = arith.constant 0 : i32
        %get3A_1376 = tpu.memref_slice %arg7[%select_n3A_229, %get3A_1373, %get3A_1374, %get3A_1375] : memref<3x16x32x32xf32, #tpu.memory_space<vmem>> -> memref<1x16x32x32xf32, #tpu.memory_space<vmem>>
        %get3A_1377 = tpu.memref_squeeze %get3A_1376 : memref<1x16x32x32xf32, #tpu.memory_space<vmem>> -> memref<16x32x32xf32, #tpu.memory_space<vmem>>
        %get3A_1378 = arith.index_cast %scan3A_777 : i32 to index
        %get3A_1379 = arith.index_cast %get3A_1372 : i32 to index
        %get3A_1380 = arith.constant 0 : index
        %get3A_1381 = tpu.vector_load %get3A_1377[%get3A_1378, %get3A_1379, %get3A_1380] {strides = array<i32>} : memref<16x32x32xf32, #tpu.memory_space<vmem>>, vector<16xf32>,
        %add3A_1382 = arith.addf %add3A_1338, %get3A_1381 : vector<16xf32>
        %get3A_1383 = arith.constant 27 : i32
        %get3A_1384 = arith.constant 0 : i32
        %get3A_1385 = arith.constant 0 : i32
        %get3A_1386 = arith.constant 0 : i32
        %get3A_1387 = tpu.memref_slice %arg7[%select_n3A_229, %get3A_1384, %get3A_1385, %get3A_1386] : memref<3x16x32x32xf32, #tpu.memory_space<vmem>> -> memref<1x16x32x32xf32, #tpu.memory_space<vmem>>
        %get3A_1388 = tpu.memref_squeeze %get3A_1387 : memref<1x16x32x32xf32, #tpu.memory_space<vmem>> -> memref<16x32x32xf32, #tpu.memory_space<vmem>>
        %get3A_1389 = arith.index_cast %scan3A_777 : i32 to index
        %get3A_1390 = arith.index_cast %get3A_1383 : i32 to index
        %get3A_1391 = arith.constant 16 : index
        %get3A_1392 = tpu.vector_load %get3A_1388[%get3A_1389, %get3A_1390, %get3A_1391] {strides = array<i32>} : memref<16x32x32xf32, #tpu.memory_space<vmem>>, vector<16xf32>,
        %add3A_1393 = arith.addf %add3A_1349, %get3A_1392 : vector<16xf32>
        %get3A_1394 = arith.constant 28 : i32
        %get3A_1395 = arith.constant 0 : i32
        %get3A_1396 = arith.constant 0 : i32
        %get3A_1397 = arith.constant 0 : i32
        %get3A_1398 = tpu.memref_slice %arg7[%select_n3A_229, %get3A_1395, %get3A_1396, %get3A_1397] : memref<3x16x32x32xf32, #tpu.memory_space<vmem>> -> memref<1x16x32x32xf32, #tpu.memory_space<vmem>>
        %get3A_1399 = tpu.memref_squeeze %get3A_1398 : memref<1x16x32x32xf32, #tpu.memory_space<vmem>> -> memref<16x32x32xf32, #tpu.memory_space<vmem>>
        %get3A_1400 = arith.index_cast %scan3A_777 : i32 to index
        %get3A_1401 = arith.index_cast %get3A_1394 : i32 to index
        %get3A_1402 = arith.constant 0 : index
        %get3A_1403 = tpu.vector_load %get3A_1399[%get3A_1400, %get3A_1401, %get3A_1402] {strides = array<i32>} : memref<16x32x32xf32, #tpu.memory_space<vmem>>, vector<16xf32>,
        %add3A_1404 = arith.addf %add3A_1360, %get3A_1403 : vector<16xf32>
        %get3A_1405 = arith.constant 28 : i32
        %get3A_1406 = arith.constant 0 : i32
        %get3A_1407 = arith.constant 0 : i32
        %get3A_1408 = arith.constant 0 : i32
        %get3A_1409 = tpu.memref_slice %arg7[%select_n3A_229, %get3A_1406, %get3A_1407, %get3A_1408] : memref<3x16x32x32xf32, #tpu.memory_space<vmem>> -> memref<1x16x32x32xf32, #tpu.memory_space<vmem>>
        %get3A_1410 = tpu.memref_squeeze %get3A_1409 : memref<1x16x32x32xf32, #tpu.memory_space<vmem>> -> memref<16x32x32xf32, #tpu.memory_space<vmem>>
        %get3A_1411 = arith.index_cast %scan3A_777 : i32 to index
        %get3A_1412 = arith.index_cast %get3A_1405 : i32 to index
        %get3A_1413 = arith.constant 16 : index
        %get3A_1414 = tpu.vector_load %get3A_1410[%get3A_1411, %get3A_1412, %get3A_1413] {strides = array<i32>} : memref<16x32x32xf32, #tpu.memory_space<vmem>>, vector<16xf32>,
        %add3A_1415 = arith.addf %add3A_1371, %get3A_1414 : vector<16xf32>
        %get3A_1416 = arith.constant 29 : i32
        %get3A_1417 = arith.constant 0 : i32
        %get3A_1418 = arith.constant 0 : i32
        %get3A_1419 = arith.constant 0 : i32
        %get3A_1420 = tpu.memref_slice %arg7[%select_n3A_229, %get3A_1417, %get3A_1418, %get3A_1419] : memref<3x16x32x32xf32, #tpu.memory_space<vmem>> -> memref<1x16x32x32xf32, #tpu.memory_space<vmem>>
        %get3A_1421 = tpu.memref_squeeze %get3A_1420 : memref<1x16x32x32xf32, #tpu.memory_space<vmem>> -> memref<16x32x32xf32, #tpu.memory_space<vmem>>
        %get3A_1422 = arith.index_cast %scan3A_777 : i32 to index
        %get3A_1423 = arith.index_cast %get3A_1416 : i32 to index
        %get3A_1424 = arith.constant 0 : index
        %get3A_1425 = tpu.vector_load %get3A_1421[%get3A_1422, %get3A_1423, %get3A_1424] {strides = array<i32>} : memref<16x32x32xf32, #tpu.memory_space<vmem>>, vector<16xf32>,
        %add3A_1426 = arith.addf %add3A_1382, %get3A_1425 : vector<16xf32>
        %get3A_1427 = arith.constant 29 : i32
        %get3A_1428 = arith.constant 0 : i32
        %get3A_1429 = arith.constant 0 : i32
        %get3A_1430 = arith.constant 0 : i32
        %get3A_1431 = tpu.memref_slice %arg7[%select_n3A_229, %get3A_1428, %get3A_1429, %get3A_1430] : memref<3x16x32x32xf32, #tpu.memory_space<vmem>> -> memref<1x16x32x32xf32, #tpu.memory_space<vmem>>
        %get3A_1432 = tpu.memref_squeeze %get3A_1431 : memref<1x16x32x32xf32, #tpu.memory_space<vmem>> -> memref<16x32x32xf32, #tpu.memory_space<vmem>>
        %get3A_1433 = arith.index_cast %scan3A_777 : i32 to index
        %get3A_1434 = arith.index_cast %get3A_1427 : i32 to index
        %get3A_1435 = arith.constant 16 : index
        %get3A_1436 = tpu.vector_load %get3A_1432[%get3A_1433, %get3A_1434, %get3A_1435] {strides = array<i32>} : memref<16x32x32xf32, #tpu.memory_space<vmem>>, vector<16xf32>,
        %add3A_1437 = arith.addf %add3A_1393, %get3A_1436 : vector<16xf32>
        %get3A_1438 = arith.constant 30 : i32
        %get3A_1439 = arith.constant 0 : i32
        %get3A_1440 = arith.constant 0 : i32
        %get3A_1441 = arith.constant 0 : i32
        %get3A_1442 = tpu.memref_slice %arg7[%select_n3A_229, %get3A_1439, %get3A_1440, %get3A_1441] : memref<3x16x32x32xf32, #tpu.memory_space<vmem>> -> memref<1x16x32x32xf32, #tpu.memory_space<vmem>>
        %get3A_1443 = tpu.memref_squeeze %get3A_1442 : memref<1x16x32x32xf32, #tpu.memory_space<vmem>> -> memref<16x32x32xf32, #tpu.memory_space<vmem>>
        %get3A_1444 = arith.index_cast %scan3A_777 : i32 to index
        %get3A_1445 = arith.index_cast %get3A_1438 : i32 to index
        %get3A_1446 = arith.constant 0 : index
        %get3A_1447 = tpu.vector_load %get3A_1443[%get3A_1444, %get3A_1445, %get3A_1446] {strides = array<i32>} : memref<16x32x32xf32, #tpu.memory_space<vmem>>, vector<16xf32>,
        %add3A_1448 = arith.addf %add3A_1404, %get3A_1447 : vector<16xf32>
        %get3A_1449 = arith.constant 30 : i32
        %get3A_1450 = arith.constant 0 : i32
        %get3A_1451 = arith.constant 0 : i32
        %get3A_1452 = arith.constant 0 : i32
        %get3A_1453 = tpu.memref_slice %arg7[%select_n3A_229, %get3A_1450, %get3A_1451, %get3A_1452] : memref<3x16x32x32xf32, #tpu.memory_space<vmem>> -> memref<1x16x32x32xf32, #tpu.memory_space<vmem>>
        %get3A_1454 = tpu.memref_squeeze %get3A_1453 : memref<1x16x32x32xf32, #tpu.memory_space<vmem>> -> memref<16x32x32xf32, #tpu.memory_space<vmem>>
        %get3A_1455 = arith.index_cast %scan3A_777 : i32 to index
        %get3A_1456 = arith.index_cast %get3A_1449 : i32 to index
        %get3A_1457 = arith.constant 16 : index
        %get3A_1458 = tpu.vector_load %get3A_1454[%get3A_1455, %get3A_1456, %get3A_1457] {strides = array<i32>} : memref<16x32x32xf32, #tpu.memory_space<vmem>>, vector<16xf32>,
        %add3A_1459 = arith.addf %add3A_1415, %get3A_1458 : vector<16xf32>
        %get3A_1460 = arith.constant 31 : i32
        %get3A_1461 = arith.constant 0 : i32
        %get3A_1462 = arith.constant 0 : i32
        %get3A_1463 = arith.constant 0 : i32
        %get3A_1464 = tpu.memref_slice %arg7[%select_n3A_229, %get3A_1461, %get3A_1462, %get3A_1463] : memref<3x16x32x32xf32, #tpu.memory_space<vmem>> -> memref<1x16x32x32xf32, #tpu.memory_space<vmem>>
        %get3A_1465 = tpu.memref_squeeze %get3A_1464 : memref<1x16x32x32xf32, #tpu.memory_space<vmem>> -> memref<16x32x32xf32, #tpu.memory_space<vmem>>
        %get3A_1466 = arith.index_cast %scan3A_777 : i32 to index
        %get3A_1467 = arith.index_cast %get3A_1460 : i32 to index
        %get3A_1468 = arith.constant 0 : index
        %get3A_1469 = tpu.vector_load %get3A_1465[%get3A_1466, %get3A_1467, %get3A_1468] {strides = array<i32>} : memref<16x32x32xf32, #tpu.memory_space<vmem>>, vector<16xf32>,
        %add3A_1470 = arith.addf %add3A_1426, %get3A_1469 : vector<16xf32>
        %get3A_1471 = arith.constant 31 : i32
        %get3A_1472 = arith.constant 0 : i32
        %get3A_1473 = arith.constant 0 : i32
        %get3A_1474 = arith.constant 0 : i32
        %get3A_1475 = tpu.memref_slice %arg7[%select_n3A_229, %get3A_1472, %get3A_1473, %get3A_1474] : memref<3x16x32x32xf32, #tpu.memory_space<vmem>> -> memref<1x16x32x32xf32, #tpu.memory_space<vmem>>
        %get3A_1476 = tpu.memref_squeeze %get3A_1475 : memref<1x16x32x32xf32, #tpu.memory_space<vmem>> -> memref<16x32x32xf32, #tpu.memory_space<vmem>>
        %get3A_1477 = arith.index_cast %scan3A_777 : i32 to index
        %get3A_1478 = arith.index_cast %get3A_1471 : i32 to index
        %get3A_1479 = arith.constant 16 : index
        %get3A_1480 = tpu.vector_load %get3A_1476[%get3A_1477, %get3A_1478, %get3A_1479] {strides = array<i32>} : memref<16x32x32xf32, #tpu.memory_space<vmem>>, vector<16xf32>,
        %add3A_1481 = arith.addf %add3A_1437, %get3A_1480 : vector<16xf32>
        %add3A_1482 = arith.addf %add3A_1448, %add3A_1470 : vector<16xf32>
        %mul3A_1483 = arith.constant 32 : i32
        %mul3A_1484 = arith.muli %scan3A_777, %mul3A_1483 : i32
        %swap3A = arith.constant 0 : i32
        %swap3A_1485 = tpu.memref_slice %arg8[%select_n3A_245, %swap3A] : memref<2x512xf32, #tpu.memory_space<vmem>> -> memref<1x512xf32, #tpu.memory_space<vmem>>
        %swap3A_1486 = tpu.memref_squeeze %swap3A_1485 : memref<1x512xf32, #tpu.memory_space<vmem>> -> memref<512xf32, #tpu.memory_space<vmem>>
        %swap3A_1487 = arith.index_cast %mul3A_1484 : i32 to index
        %swap3A_1488 = tpu.vector_load %swap3A_1486[%swap3A_1487] {strides = array<i32>} : memref<512xf32, #tpu.memory_space<vmem>>, vector<16xf32>,
        tpu.vector_store %swap3A_1486[%swap3A_1487], %add3A_1482 {strides = array<i32>} : memref<512xf32, #tpu.memory_space<vmem>>, vector<16xf32>,
        %add3A_1489 = arith.addf %add3A_1459, %add3A_1481 : vector<16xf32>
        %mul3A_1490 = arith.constant 32 : i32
        %mul3A_1491 = arith.muli %scan3A_777, %mul3A_1490 : i32
        %add3A_1492 = arith.constant 16 : i32
        %add3A_1493 = arith.addi %mul3A_1491, %add3A_1492 : i32
        %swap3A_1494 = arith.constant 0 : i32
        %swap3A_1495 = tpu.memref_slice %arg8[%select_n3A_245, %swap3A_1494] : memref<2x512xf32, #tpu.memory_space<vmem>> -> memref<1x512xf32, #tpu.memory_space<vmem>>
        %swap3A_1496 = tpu.memref_squeeze %swap3A_1495 : memref<1x512xf32, #tpu.memory_space<vmem>> -> memref<512xf32, #tpu.memory_space<vmem>>
        %swap3A_1497 = arith.index_cast %add3A_1493 : i32 to index
        %swap3A_1498 = tpu.vector_load %swap3A_1496[%swap3A_1497] {strides = array<i32>} : memref<512xf32, #tpu.memory_space<vmem>>, vector<16xf32>,
        tpu.vector_store %swap3A_1496[%swap3A_1497], %add3A_1489 {strides = array<i32>} : memref<512xf32, #tpu.memory_space<vmem>>, vector<16xf32>,
      }
      %scan3A_297 = arith.constant 16 : i32
      %jit3A_298 = arith.constant 4 : i32
      %eq3A_299 = arith.constant 0 : i32
      %eq3A_300 = arith.cmpi eq, %jit3A_298, %eq3A_299 : i32
      %jit3A_301 = arith.constant 1 : i32
      %select_n3A_302 = arith.select %eq3A_300, %jit3A_301, %jit3A_298 : i32
      %rem3A_303 = arith.remsi %scan3A_185, %select_n3A_302 : i32
      %ne3A_304 = arith.constant 0 : i32
      %ne3A_305 = arith.cmpi ne, %rem3A_303, %ne3A_304 : i32
      %lt3A_306 = arith.constant 0 : i32
      %lt3A_307 = arith.cmpi slt, %rem3A_303, %lt3A_306 : i32
      %lt3A_308 = arith.constant 0 : i32
      %lt3A_309 = arith.cmpi slt, %select_n3A_302, %lt3A_308 : i32
      %ne3A_310 = arith.xori %lt3A_307, %lt3A_309 : i1
      %and3A_311 = arith.andi %ne3A_310, %ne3A_305 : i1
      %add3A_312 = arith.addi %rem3A_303, %select_n3A_302 : i32
      %select_n3A_313 = arith.select %and3A_311, %add3A_312, %rem3A_303 : i32
      %get3A = arith.index_cast %select_n3A_313 : i32 to index
      %get3A_314 = arith.constant 0 : index
      %get3A_315 = tpu.vector_load %arg9[%get3A, %get3A_314] {strides = array<i32>} : memref<4x16xf32, #tpu.memory_space<vmem>>, vector<16xf32>,
      %mul3A_316 = arith.constant 32 : i32
      %mul3A_317 = vector.broadcast %mul3A_316 : i32 to vector<16xi32>
      %mul3A_318 = arith.muli %iota3A, %mul3A_317 : vector<16xi32>
      %add3A_319 = arith.constant 0 : i32
      %add3A_320 = vector.broadcast %add3A_319 : i32 to vector<16xi32>
      %add3A_321 = arith.addi %mul3A_318, %add3A_320 : vector<16xi32>
      %gather3A = arith.constant 0 : i32
      %gather3A_322 = tpu.memref_slice %arg8[%select_n3A_245, %gather3A] : memref<2x512xf32, #tpu.memory_space<vmem>> -> memref<1x512xf32, #tpu.memory_space<vmem>>
      %gather3A_323 = tpu.memref_squeeze %gather3A_322 : memref<1x512xf32, #tpu.memory_space<vmem>> -> memref<512xf32, #tpu.memory_space<vmem>>
      %gather3A_324 = tpu.vector_load_idx %gather3A_323[%add3A_321] : memref<512xf32, #tpu.memory_space<vmem>>[vector<16xi32>], vector<16xf32>,
      %add3A_325 = arith.constant 0 : i32
      %add3A_326 = vector.broadcast %add3A_325 : i32 to vector<16xi32>
      %add3A_327 = arith.addi %mul3A_318, %add3A_326 : vector<16xi32>
      %div3A = arith.divf %gather3A_324, %get3A_315 : vector<16xf32>
      %scatter3A = arith.constant 0 : i32
      %scatter3A_328 = tpu.memref_slice %arg8[%select_n3A_245, %scatter3A] : memref<2x512xf32, #tpu.memory_space<vmem>> -> memref<1x512xf32, #tpu.memory_space<vmem>>
      %scatter3A_329 = tpu.memref_squeeze %scatter3A_328 : memref<1x512xf32, #tpu.memory_space<vmem>> -> memref<512xf32, #tpu.memory_space<vmem>>
      tpu.vector_store_idx %scatter3A_329[%add3A_327], %div3A : memref<512xf32, #tpu.memory_space<vmem>>[vector<16xi32>], vector<16xf32>,
      %add3A_330 = arith.constant 1 : i32
      %add3A_331 = vector.broadcast %add3A_330 : i32 to vector<16xi32>
      %add3A_332 = arith.addi %mul3A_318, %add3A_331 : vector<16xi32>
      %gather3A_333 = arith.constant 0 : i32
      %gather3A_334 = tpu.memref_slice %arg8[%select_n3A_245, %gather3A_333] : memref<2x512xf32, #tpu.memory_space<vmem>> -> memref<1x512xf32, #tpu.memory_space<vmem>>
      %gather3A_335 = tpu.memref_squeeze %gather3A_334 : memref<1x512xf32, #tpu.memory_space<vmem>> -> memref<512xf32, #tpu.memory_space<vmem>>
      %gather3A_336 = tpu.vector_load_idx %gather3A_335[%add3A_332] : memref<512xf32, #tpu.memory_space<vmem>>[vector<16xi32>], vector<16xf32>,
      %add3A_337 = arith.constant 1 : i32
      %add3A_338 = vector.broadcast %add3A_337 : i32 to vector<16xi32>
      %add3A_339 = arith.addi %mul3A_318, %add3A_338 : vector<16xi32>
      %div3A_340 = arith.divf %gather3A_336, %get3A_315 : vector<16xf32>
      %scatter3A_341 = arith.constant 0 : i32
      %scatter3A_342 = tpu.memref_slice %arg8[%select_n3A_245, %scatter3A_341] : memref<2x512xf32, #tpu.memory_space<vmem>> -> memref<1x512xf32, #tpu.memory_space<vmem>>
      %scatter3A_343 = tpu.memref_squeeze %scatter3A_342 : memref<1x512xf32, #tpu.memory_space<vmem>> -> memref<512xf32, #tpu.memory_space<vmem>>
      tpu.vector_store_idx %scatter3A_343[%add3A_339], %div3A_340 : memref<512xf32, #tpu.memory_space<vmem>>[vector<16xi32>], vector<16xf32>,
      %add3A_344 = arith.constant 2 : i32
      %add3A_345 = vector.broadcast %add3A_344 : i32 to vector<16xi32>
      %add3A_346 = arith.addi %mul3A_318, %add3A_345 : vector<16xi32>
      %gather3A_347 = arith.constant 0 : i32
      %gather3A_348 = tpu.memref_slice %arg8[%select_n3A_245, %gather3A_347] : memref<2x512xf32, #tpu.memory_space<vmem>> -> memref<1x512xf32, #tpu.memory_space<vmem>>
      %gather3A_349 = tpu.memref_squeeze %gather3A_348 : memref<1x512xf32, #tpu.memory_space<vmem>> -> memref<512xf32, #tpu.memory_space<vmem>>
      %gather3A_350 = tpu.vector_load_idx %gather3A_349[%add3A_346] : memref<512xf32, #tpu.memory_space<vmem>>[vector<16xi32>], vector<16xf32>,
      %add3A_351 = arith.constant 2 : i32
      %add3A_352 = vector.broadcast %add3A_351 : i32 to vector<16xi32>
      %add3A_353 = arith.addi %mul3A_318, %add3A_352 : vector<16xi32>
      %div3A_354 = arith.divf %gather3A_350, %get3A_315 : vector<16xf32>
      %scatter3A_355 = arith.constant 0 : i32
      %scatter3A_356 = tpu.memref_slice %arg8[%select_n3A_245, %scatter3A_355] : memref<2x512xf32, #tpu.memory_space<vmem>> -> memref<1x512xf32, #tpu.memory_space<vmem>>
      %scatter3A_357 = tpu.memref_squeeze %scatter3A_356 : memref<1x512xf32, #tpu.memory_space<vmem>> -> memref<512xf32, #tpu.memory_space<vmem>>
      tpu.vector_store_idx %scatter3A_357[%add3A_353], %div3A_354 : memref<512xf32, #tpu.memory_space<vmem>>[vector<16xi32>], vector<16xf32>,
      %add3A_358 = arith.constant 3 : i32
      %add3A_359 = vector.broadcast %add3A_358 : i32 to vector<16xi32>
      %add3A_360 = arith.addi %mul3A_318, %add3A_359 : vector<16xi32>
      %gather3A_361 = arith.constant 0 : i32
      %gather3A_362 = tpu.memref_slice %arg8[%select_n3A_245, %gather3A_361] : memref<2x512xf32, #tpu.memory_space<vmem>> -> memref<1x512xf32, #tpu.memory_space<vmem>>
      %gather3A_363 = tpu.memref_squeeze %gather3A_362 : memref<1x512xf32, #tpu.memory_space<vmem>> -> memref<512xf32, #tpu.memory_space<vmem>>
      %gather3A_364 = tpu.vector_load_idx %gather3A_363[%add3A_360] : memref<512xf32, #tpu.memory_space<vmem>>[vector<16xi32>], vector<16xf32>,
      %add3A_365 = arith.constant 3 : i32
      %add3A_366 = vector.broadcast %add3A_365 : i32 to vector<16xi32>
      %add3A_367 = arith.addi %mul3A_318, %add3A_366 : vector<16xi32>
      %div3A_368 = arith.divf %gather3A_364, %get3A_315 : vector<16xf32>
      %scatter3A_369 = arith.constant 0 : i32
      %scatter3A_370 = tpu.memref_slice %arg8[%select_n3A_245, %scatter3A_369] : memref<2x512xf32, #tpu.memory_space<vmem>> -> memref<1x512xf32, #tpu.memory_space<vmem>>
      %scatter3A_371 = tpu.memref_squeeze %scatter3A_370 : memref<1x512xf32, #tpu.memory_space<vmem>> -> memref<512xf32, #tpu.memory_space<vmem>>
      tpu.vector_store_idx %scatter3A_371[%add3A_367], %div3A_368 : memref<512xf32, #tpu.memory_space<vmem>>[vector<16xi32>], vector<16xf32>,
      %add3A_372 = arith.constant 4 : i32
      %add3A_373 = vector.broadcast %add3A_372 : i32 to vector<16xi32>
      %add3A_374 = arith.addi %mul3A_318, %add3A_373 : vector<16xi32>
      %gather3A_375 = arith.constant 0 : i32
      %gather3A_376 = tpu.memref_slice %arg8[%select_n3A_245, %gather3A_375] : memref<2x512xf32, #tpu.memory_space<vmem>> -> memref<1x512xf32, #tpu.memory_space<vmem>>
      %gather3A_377 = tpu.memref_squeeze %gather3A_376 : memref<1x512xf32, #tpu.memory_space<vmem>> -> memref<512xf32, #tpu.memory_space<vmem>>
      %gather3A_378 = tpu.vector_load_idx %gather3A_377[%add3A_374] : memref<512xf32, #tpu.memory_space<vmem>>[vector<16xi32>], vector<16xf32>,
      %add3A_379 = arith.constant 4 : i32
      %add3A_380 = vector.broadcast %add3A_379 : i32 to vector<16xi32>
      %add3A_381 = arith.addi %mul3A_318, %add3A_380 : vector<16xi32>
      %div3A_382 = arith.divf %gather3A_378, %get3A_315 : vector<16xf32>
      %scatter3A_383 = arith.constant 0 : i32
      %scatter3A_384 = tpu.memref_slice %arg8[%select_n3A_245, %scatter3A_383] : memref<2x512xf32, #tpu.memory_space<vmem>> -> memref<1x512xf32, #tpu.memory_space<vmem>>
      %scatter3A_385 = tpu.memref_squeeze %scatter3A_384 : memref<1x512xf32, #tpu.memory_space<vmem>> -> memref<512xf32, #tpu.memory_space<vmem>>
      tpu.vector_store_idx %scatter3A_385[%add3A_381], %div3A_382 : memref<512xf32, #tpu.memory_space<vmem>>[vector<16xi32>], vector<16xf32>,
      %add3A_386 = arith.constant 5 : i32
      %add3A_387 = vector.broadcast %add3A_386 : i32 to vector<16xi32>
      %add3A_388 = arith.addi %mul3A_318, %add3A_387 : vector<16xi32>
      %gather3A_389 = arith.constant 0 : i32
      %gather3A_390 = tpu.memref_slice %arg8[%select_n3A_245, %gather3A_389] : memref<2x512xf32, #tpu.memory_space<vmem>> -> memref<1x512xf32, #tpu.memory_space<vmem>>
      %gather3A_391 = tpu.memref_squeeze %gather3A_390 : memref<1x512xf32, #tpu.memory_space<vmem>> -> memref<512xf32, #tpu.memory_space<vmem>>
      %gather3A_392 = tpu.vector_load_idx %gather3A_391[%add3A_388] : memref<512xf32, #tpu.memory_space<vmem>>[vector<16xi32>], vector<16xf32>,
      %add3A_393 = arith.constant 5 : i32
      %add3A_394 = vector.broadcast %add3A_393 : i32 to vector<16xi32>
      %add3A_395 = arith.addi %mul3A_318, %add3A_394 : vector<16xi32>
      %div3A_396 = arith.divf %gather3A_392, %get3A_315 : vector<16xf32>
      %scatter3A_397 = arith.constant 0 : i32
      %scatter3A_398 = tpu.memref_slice %arg8[%select_n3A_245, %scatter3A_397] : memref<2x512xf32, #tpu.memory_space<vmem>> -> memref<1x512xf32, #tpu.memory_space<vmem>>
      %scatter3A_399 = tpu.memref_squeeze %scatter3A_398 : memref<1x512xf32, #tpu.memory_space<vmem>> -> memref<512xf32, #tpu.memory_space<vmem>>
      tpu.vector_store_idx %scatter3A_399[%add3A_395], %div3A_396 : memref<512xf32, #tpu.memory_space<vmem>>[vector<16xi32>], vector<16xf32>,
      %add3A_400 = arith.constant 6 : i32
      %add3A_401 = vector.broadcast %add3A_400 : i32 to vector<16xi32>
      %add3A_402 = arith.addi %mul3A_318, %add3A_401 : vector<16xi32>
      %gather3A_403 = arith.constant 0 : i32
      %gather3A_404 = tpu.memref_slice %arg8[%select_n3A_245, %gather3A_403] : memref<2x512xf32, #tpu.memory_space<vmem>> -> memref<1x512xf32, #tpu.memory_space<vmem>>
      %gather3A_405 = tpu.memref_squeeze %gather3A_404 : memref<1x512xf32, #tpu.memory_space<vmem>> -> memref<512xf32, #tpu.memory_space<vmem>>
      %gather3A_406 = tpu.vector_load_idx %gather3A_405[%add3A_402] : memref<512xf32, #tpu.memory_space<vmem>>[vector<16xi32>], vector<16xf32>,
      %add3A_407 = arith.constant 6 : i32
      %add3A_408 = vector.broadcast %add3A_407 : i32 to vector<16xi32>
      %add3A_409 = arith.addi %mul3A_318, %add3A_408 : vector<16xi32>
      %div3A_410 = arith.divf %gather3A_406, %get3A_315 : vector<16xf32>
      %scatter3A_411 = arith.constant 0 : i32
      %scatter3A_412 = tpu.memref_slice %arg8[%select_n3A_245, %scatter3A_411] : memref<2x512xf32, #tpu.memory_space<vmem>> -> memref<1x512xf32, #tpu.memory_space<vmem>>
      %scatter3A_413 = tpu.memref_squeeze %scatter3A_412 : memref<1x512xf32, #tpu.memory_space<vmem>> -> memref<512xf32, #tpu.memory_space<vmem>>
      tpu.vector_store_idx %scatter3A_413[%add3A_409], %div3A_410 : memref<512xf32, #tpu.memory_space<vmem>>[vector<16xi32>], vector<16xf32>,
      %add3A_414 = arith.constant 7 : i32
      %add3A_415 = vector.broadcast %add3A_414 : i32 to vector<16xi32>
      %add3A_416 = arith.addi %mul3A_318, %add3A_415 : vector<16xi32>
      %gather3A_417 = arith.constant 0 : i32
      %gather3A_418 = tpu.memref_slice %arg8[%select_n3A_245, %gather3A_417] : memref<2x512xf32, #tpu.memory_space<vmem>> -> memref<1x512xf32, #tpu.memory_space<vmem>>
      %gather3A_419 = tpu.memref_squeeze %gather3A_418 : memref<1x512xf32, #tpu.memory_space<vmem>> -> memref<512xf32, #tpu.memory_space<vmem>>
      %gather3A_420 = tpu.vector_load_idx %gather3A_419[%add3A_416] : memref<512xf32, #tpu.memory_space<vmem>>[vector<16xi32>], vector<16xf32>,
      %add3A_421 = arith.constant 7 : i32
      %add3A_422 = vector.broadcast %add3A_421 : i32 to vector<16xi32>
      %add3A_423 = arith.addi %mul3A_318, %add3A_422 : vector<16xi32>
      %div3A_424 = arith.divf %gather3A_420, %get3A_315 : vector<16xf32>
      %scatter3A_425 = arith.constant 0 : i32
      %scatter3A_426 = tpu.memref_slice %arg8[%select_n3A_245, %scatter3A_425] : memref<2x512xf32, #tpu.memory_space<vmem>> -> memref<1x512xf32, #tpu.memory_space<vmem>>
      %scatter3A_427 = tpu.memref_squeeze %scatter3A_426 : memref<1x512xf32, #tpu.memory_space<vmem>> -> memref<512xf32, #tpu.memory_space<vmem>>
      tpu.vector_store_idx %scatter3A_427[%add3A_423], %div3A_424 : memref<512xf32, #tpu.memory_space<vmem>>[vector<16xi32>], vector<16xf32>,
      %add3A_428 = arith.constant 8 : i32
      %add3A_429 = vector.broadcast %add3A_428 : i32 to vector<16xi32>
      %add3A_430 = arith.addi %mul3A_318, %add3A_429 : vector<16xi32>
      %gather3A_431 = arith.constant 0 : i32
      %gather3A_432 = tpu.memref_slice %arg8[%select_n3A_245, %gather3A_431] : memref<2x512xf32, #tpu.memory_space<vmem>> -> memref<1x512xf32, #tpu.memory_space<vmem>>
      %gather3A_433 = tpu.memref_squeeze %gather3A_432 : memref<1x512xf32, #tpu.memory_space<vmem>> -> memref<512xf32, #tpu.memory_space<vmem>>
      %gather3A_434 = tpu.vector_load_idx %gather3A_433[%add3A_430] : memref<512xf32, #tpu.memory_space<vmem>>[vector<16xi32>], vector<16xf32>,
      %add3A_435 = arith.constant 8 : i32
      %add3A_436 = vector.broadcast %add3A_435 : i32 to vector<16xi32>
      %add3A_437 = arith.addi %mul3A_318, %add3A_436 : vector<16xi32>
      %div3A_438 = arith.divf %gather3A_434, %get3A_315 : vector<16xf32>
      %scatter3A_439 = arith.constant 0 : i32
      %scatter3A_440 = tpu.memref_slice %arg8[%select_n3A_245, %scatter3A_439] : memref<2x512xf32, #tpu.memory_space<vmem>> -> memref<1x512xf32, #tpu.memory_space<vmem>>
      %scatter3A_441 = tpu.memref_squeeze %scatter3A_440 : memref<1x512xf32, #tpu.memory_space<vmem>> -> memref<512xf32, #tpu.memory_space<vmem>>
      tpu.vector_store_idx %scatter3A_441[%add3A_437], %div3A_438 : memref<512xf32, #tpu.memory_space<vmem>>[vector<16xi32>], vector<16xf32>,
      %add3A_442 = arith.constant 9 : i32
      %add3A_443 = vector.broadcast %add3A_442 : i32 to vector<16xi32>
      %add3A_444 = arith.addi %mul3A_318, %add3A_443 : vector<16xi32>
      %gather3A_445 = arith.constant 0 : i32
      %gather3A_446 = tpu.memref_slice %arg8[%select_n3A_245, %gather3A_445] : memref<2x512xf32, #tpu.memory_space<vmem>> -> memref<1x512xf32, #tpu.memory_space<vmem>>
      %gather3A_447 = tpu.memref_squeeze %gather3A_446 : memref<1x512xf32, #tpu.memory_space<vmem>> -> memref<512xf32, #tpu.memory_space<vmem>>
      %gather3A_448 = tpu.vector_load_idx %gather3A_447[%add3A_444] : memref<512xf32, #tpu.memory_space<vmem>>[vector<16xi32>], vector<16xf32>,
      %add3A_449 = arith.constant 9 : i32
      %add3A_450 = vector.broadcast %add3A_449 : i32 to vector<16xi32>
      %add3A_451 = arith.addi %mul3A_318, %add3A_450 : vector<16xi32>
      %div3A_452 = arith.divf %gather3A_448, %get3A_315 : vector<16xf32>
      %scatter3A_453 = arith.constant 0 : i32
      %scatter3A_454 = tpu.memref_slice %arg8[%select_n3A_245, %scatter3A_453] : memref<2x512xf32, #tpu.memory_space<vmem>> -> memref<1x512xf32, #tpu.memory_space<vmem>>
      %scatter3A_455 = tpu.memref_squeeze %scatter3A_454 : memref<1x512xf32, #tpu.memory_space<vmem>> -> memref<512xf32, #tpu.memory_space<vmem>>
      tpu.vector_store_idx %scatter3A_455[%add3A_451], %div3A_452 : memref<512xf32, #tpu.memory_space<vmem>>[vector<16xi32>], vector<16xf32>,
      %add3A_456 = arith.constant 10 : i32
      %add3A_457 = vector.broadcast %add3A_456 : i32 to vector<16xi32>
      %add3A_458 = arith.addi %mul3A_318, %add3A_457 : vector<16xi32>
      %gather3A_459 = arith.constant 0 : i32
      %gather3A_460 = tpu.memref_slice %arg8[%select_n3A_245, %gather3A_459] : memref<2x512xf32, #tpu.memory_space<vmem>> -> memref<1x512xf32, #tpu.memory_space<vmem>>
      %gather3A_461 = tpu.memref_squeeze %gather3A_460 : memref<1x512xf32, #tpu.memory_space<vmem>> -> memref<512xf32, #tpu.memory_space<vmem>>
      %gather3A_462 = tpu.vector_load_idx %gather3A_461[%add3A_458] : memref<512xf32, #tpu.memory_space<vmem>>[vector<16xi32>], vector<16xf32>,
      %add3A_463 = arith.constant 10 : i32
      %add3A_464 = vector.broadcast %add3A_463 : i32 to vector<16xi32>
      %add3A_465 = arith.addi %mul3A_318, %add3A_464 : vector<16xi32>
      %div3A_466 = arith.divf %gather3A_462, %get3A_315 : vector<16xf32>
      %scatter3A_467 = arith.constant 0 : i32
      %scatter3A_468 = tpu.memref_slice %arg8[%select_n3A_245, %scatter3A_467] : memref<2x512xf32, #tpu.memory_space<vmem>> -> memref<1x512xf32, #tpu.memory_space<vmem>>
      %scatter3A_469 = tpu.memref_squeeze %scatter3A_468 : memref<1x512xf32, #tpu.memory_space<vmem>> -> memref<512xf32, #tpu.memory_space<vmem>>
      tpu.vector_store_idx %scatter3A_469[%add3A_465], %div3A_466 : memref<512xf32, #tpu.memory_space<vmem>>[vector<16xi32>], vector<16xf32>,
      %add3A_470 = arith.constant 11 : i32
      %add3A_471 = vector.broadcast %add3A_470 : i32 to vector<16xi32>
      %add3A_472 = arith.addi %mul3A_318, %add3A_471 : vector<16xi32>
      %gather3A_473 = arith.constant 0 : i32
      %gather3A_474 = tpu.memref_slice %arg8[%select_n3A_245, %gather3A_473] : memref<2x512xf32, #tpu.memory_space<vmem>> -> memref<1x512xf32, #tpu.memory_space<vmem>>
      %gather3A_475 = tpu.memref_squeeze %gather3A_474 : memref<1x512xf32, #tpu.memory_space<vmem>> -> memref<512xf32, #tpu.memory_space<vmem>>
      %gather3A_476 = tpu.vector_load_idx %gather3A_475[%add3A_472] : memref<512xf32, #tpu.memory_space<vmem>>[vector<16xi32>], vector<16xf32>,
      %add3A_477 = arith.constant 11 : i32
      %add3A_478 = vector.broadcast %add3A_477 : i32 to vector<16xi32>
      %add3A_479 = arith.addi %mul3A_318, %add3A_478 : vector<16xi32>
      %div3A_480 = arith.divf %gather3A_476, %get3A_315 : vector<16xf32>
      %scatter3A_481 = arith.constant 0 : i32
      %scatter3A_482 = tpu.memref_slice %arg8[%select_n3A_245, %scatter3A_481] : memref<2x512xf32, #tpu.memory_space<vmem>> -> memref<1x512xf32, #tpu.memory_space<vmem>>
      %scatter3A_483 = tpu.memref_squeeze %scatter3A_482 : memref<1x512xf32, #tpu.memory_space<vmem>> -> memref<512xf32, #tpu.memory_space<vmem>>
      tpu.vector_store_idx %scatter3A_483[%add3A_479], %div3A_480 : memref<512xf32, #tpu.memory_space<vmem>>[vector<16xi32>], vector<16xf32>,
      %add3A_484 = arith.constant 12 : i32
      %add3A_485 = vector.broadcast %add3A_484 : i32 to vector<16xi32>
      %add3A_486 = arith.addi %mul3A_318, %add3A_485 : vector<16xi32>
      %gather3A_487 = arith.constant 0 : i32
      %gather3A_488 = tpu.memref_slice %arg8[%select_n3A_245, %gather3A_487] : memref<2x512xf32, #tpu.memory_space<vmem>> -> memref<1x512xf32, #tpu.memory_space<vmem>>
      %gather3A_489 = tpu.memref_squeeze %gather3A_488 : memref<1x512xf32, #tpu.memory_space<vmem>> -> memref<512xf32, #tpu.memory_space<vmem>>
      %gather3A_490 = tpu.vector_load_idx %gather3A_489[%add3A_486] : memref<512xf32, #tpu.memory_space<vmem>>[vector<16xi32>], vector<16xf32>,
      %add3A_491 = arith.constant 12 : i32
      %add3A_492 = vector.broadcast %add3A_491 : i32 to vector<16xi32>
      %add3A_493 = arith.addi %mul3A_318, %add3A_492 : vector<16xi32>
      %div3A_494 = arith.divf %gather3A_490, %get3A_315 : vector<16xf32>
      %scatter3A_495 = arith.constant 0 : i32
      %scatter3A_496 = tpu.memref_slice %arg8[%select_n3A_245, %scatter3A_495] : memref<2x512xf32, #tpu.memory_space<vmem>> -> memref<1x512xf32, #tpu.memory_space<vmem>>
      %scatter3A_497 = tpu.memref_squeeze %scatter3A_496 : memref<1x512xf32, #tpu.memory_space<vmem>> -> memref<512xf32, #tpu.memory_space<vmem>>
      tpu.vector_store_idx %scatter3A_497[%add3A_493], %div3A_494 : memref<512xf32, #tpu.memory_space<vmem>>[vector<16xi32>], vector<16xf32>,
      %add3A_498 = arith.constant 13 : i32
      %add3A_499 = vector.broadcast %add3A_498 : i32 to vector<16xi32>
      %add3A_500 = arith.addi %mul3A_318, %add3A_499 : vector<16xi32>
      %gather3A_501 = arith.constant 0 : i32
      %gather3A_502 = tpu.memref_slice %arg8[%select_n3A_245, %gather3A_501] : memref<2x512xf32, #tpu.memory_space<vmem>> -> memref<1x512xf32, #tpu.memory_space<vmem>>
      %gather3A_503 = tpu.memref_squeeze %gather3A_502 : memref<1x512xf32, #tpu.memory_space<vmem>> -> memref<512xf32, #tpu.memory_space<vmem>>
      %gather3A_504 = tpu.vector_load_idx %gather3A_503[%add3A_500] : memref<512xf32, #tpu.memory_space<vmem>>[vector<16xi32>], vector<16xf32>,
      %add3A_505 = arith.constant 13 : i32
      %add3A_506 = vector.broadcast %add3A_505 : i32 to vector<16xi32>
      %add3A_507 = arith.addi %mul3A_318, %add3A_506 : vector<16xi32>
      %div3A_508 = arith.divf %gather3A_504, %get3A_315 : vector<16xf32>
      %scatter3A_509 = arith.constant 0 : i32
      %scatter3A_510 = tpu.memref_slice %arg8[%select_n3A_245, %scatter3A_509] : memref<2x512xf32, #tpu.memory_space<vmem>> -> memref<1x512xf32, #tpu.memory_space<vmem>>
      %scatter3A_511 = tpu.memref_squeeze %scatter3A_510 : memref<1x512xf32, #tpu.memory_space<vmem>> -> memref<512xf32, #tpu.memory_space<vmem>>
      tpu.vector_store_idx %scatter3A_511[%add3A_507], %div3A_508 : memref<512xf32, #tpu.memory_space<vmem>>[vector<16xi32>], vector<16xf32>,
      %add3A_512 = arith.constant 14 : i32
      %add3A_513 = vector.broadcast %add3A_512 : i32 to vector<16xi32>
      %add3A_514 = arith.addi %mul3A_318, %add3A_513 : vector<16xi32>
      %gather3A_515 = arith.constant 0 : i32
      %gather3A_516 = tpu.memref_slice %arg8[%select_n3A_245, %gather3A_515] : memref<2x512xf32, #tpu.memory_space<vmem>> -> memref<1x512xf32, #tpu.memory_space<vmem>>
      %gather3A_517 = tpu.memref_squeeze %gather3A_516 : memref<1x512xf32, #tpu.memory_space<vmem>> -> memref<512xf32, #tpu.memory_space<vmem>>
      %gather3A_518 = tpu.vector_load_idx %gather3A_517[%add3A_514] : memref<512xf32, #tpu.memory_space<vmem>>[vector<16xi32>], vector<16xf32>,
      %add3A_519 = arith.constant 14 : i32
      %add3A_520 = vector.broadcast %add3A_519 : i32 to vector<16xi32>
      %add3A_521 = arith.addi %mul3A_318, %add3A_520 : vector<16xi32>
      %div3A_522 = arith.divf %gather3A_518, %get3A_315 : vector<16xf32>
      %scatter3A_523 = arith.constant 0 : i32
      %scatter3A_524 = tpu.memref_slice %arg8[%select_n3A_245, %scatter3A_523] : memref<2x512xf32, #tpu.memory_space<vmem>> -> memref<1x512xf32, #tpu.memory_space<vmem>>
      %scatter3A_525 = tpu.memref_squeeze %scatter3A_524 : memref<1x512xf32, #tpu.memory_space<vmem>> -> memref<512xf32, #tpu.memory_space<vmem>>
      tpu.vector_store_idx %scatter3A_525[%add3A_521], %div3A_522 : memref<512xf32, #tpu.memory_space<vmem>>[vector<16xi32>], vector<16xf32>,
      %add3A_526 = arith.constant 15 : i32
      %add3A_527 = vector.broadcast %add3A_526 : i32 to vector<16xi32>
      %add3A_528 = arith.addi %mul3A_318, %add3A_527 : vector<16xi32>
      %gather3A_529 = arith.constant 0 : i32
      %gather3A_530 = tpu.memref_slice %arg8[%select_n3A_245, %gather3A_529] : memref<2x512xf32, #tpu.memory_space<vmem>> -> memref<1x512xf32, #tpu.memory_space<vmem>>
      %gather3A_531 = tpu.memref_squeeze %gather3A_530 : memref<1x512xf32, #tpu.memory_space<vmem>> -> memref<512xf32, #tpu.memory_space<vmem>>
      %gather3A_532 = tpu.vector_load_idx %gather3A_531[%add3A_528] : memref<512xf32, #tpu.memory_space<vmem>>[vector<16xi32>], vector<16xf32>,
      %add3A_533 = arith.constant 15 : i32
      %add3A_534 = vector.broadcast %add3A_533 : i32 to vector<16xi32>
      %add3A_535 = arith.addi %mul3A_318, %add3A_534 : vector<16xi32>
      %div3A_536 = arith.divf %gather3A_532, %get3A_315 : vector<16xf32>
      %scatter3A_537 = arith.constant 0 : i32
      %scatter3A_538 = tpu.memref_slice %arg8[%select_n3A_245, %scatter3A_537] : memref<2x512xf32, #tpu.memory_space<vmem>> -> memref<1x512xf32, #tpu.memory_space<vmem>>
      %scatter3A_539 = tpu.memref_squeeze %scatter3A_538 : memref<1x512xf32, #tpu.memory_space<vmem>> -> memref<512xf32, #tpu.memory_space<vmem>>
      tpu.vector_store_idx %scatter3A_539[%add3A_535], %div3A_536 : memref<512xf32, #tpu.memory_space<vmem>>[vector<16xi32>], vector<16xf32>,
      %add3A_540 = arith.constant 16 : i32
      %add3A_541 = vector.broadcast %add3A_540 : i32 to vector<16xi32>
      %add3A_542 = arith.addi %mul3A_318, %add3A_541 : vector<16xi32>
      %gather3A_543 = arith.constant 0 : i32
      %gather3A_544 = tpu.memref_slice %arg8[%select_n3A_245, %gather3A_543] : memref<2x512xf32, #tpu.memory_space<vmem>> -> memref<1x512xf32, #tpu.memory_space<vmem>>
      %gather3A_545 = tpu.memref_squeeze %gather3A_544 : memref<1x512xf32, #tpu.memory_space<vmem>> -> memref<512xf32, #tpu.memory_space<vmem>>
      %gather3A_546 = tpu.vector_load_idx %gather3A_545[%add3A_542] : memref<512xf32, #tpu.memory_space<vmem>>[vector<16xi32>], vector<16xf32>,
      %add3A_547 = arith.constant 16 : i32
      %add3A_548 = vector.broadcast %add3A_547 : i32 to vector<16xi32>
      %add3A_549 = arith.addi %mul3A_318, %add3A_548 : vector<16xi32>
      %div3A_550 = arith.divf %gather3A_546, %get3A_315 : vector<16xf32>
      %scatter3A_551 = arith.constant 0 : i32
      %scatter3A_552 = tpu.memref_slice %arg8[%select_n3A_245, %scatter3A_551] : memref<2x512xf32, #tpu.memory_space<vmem>> -> memref<1x512xf32, #tpu.memory_space<vmem>>
      %scatter3A_553 = tpu.memref_squeeze %scatter3A_552 : memref<1x512xf32, #tpu.memory_space<vmem>> -> memref<512xf32, #tpu.memory_space<vmem>>
      tpu.vector_store_idx %scatter3A_553[%add3A_549], %div3A_550 : memref<512xf32, #tpu.memory_space<vmem>>[vector<16xi32>], vector<16xf32>,
      %add3A_554 = arith.constant 17 : i32
      %add3A_555 = vector.broadcast %add3A_554 : i32 to vector<16xi32>
      %add3A_556 = arith.addi %mul3A_318, %add3A_555 : vector<16xi32>
      %gather3A_557 = arith.constant 0 : i32
      %gather3A_558 = tpu.memref_slice %arg8[%select_n3A_245, %gather3A_557] : memref<2x512xf32, #tpu.memory_space<vmem>> -> memref<1x512xf32, #tpu.memory_space<vmem>>
      %gather3A_559 = tpu.memref_squeeze %gather3A_558 : memref<1x512xf32, #tpu.memory_space<vmem>> -> memref<512xf32, #tpu.memory_space<vmem>>
      %gather3A_560 = tpu.vector_load_idx %gather3A_559[%add3A_556] : memref<512xf32, #tpu.memory_space<vmem>>[vector<16xi32>], vector<16xf32>,
      %add3A_561 = arith.constant 17 : i32
      %add3A_562 = vector.broadcast %add3A_561 : i32 to vector<16xi32>
      %add3A_563 = arith.addi %mul3A_318, %add3A_562 : vector<16xi32>
      %div3A_564 = arith.divf %gather3A_560, %get3A_315 : vector<16xf32>
      %scatter3A_565 = arith.constant 0 : i32
      %scatter3A_566 = tpu.memref_slice %arg8[%select_n3A_245, %scatter3A_565] : memref<2x512xf32, #tpu.memory_space<vmem>> -> memref<1x512xf32, #tpu.memory_space<vmem>>
      %scatter3A_567 = tpu.memref_squeeze %scatter3A_566 : memref<1x512xf32, #tpu.memory_space<vmem>> -> memref<512xf32, #tpu.memory_space<vmem>>
      tpu.vector_store_idx %scatter3A_567[%add3A_563], %div3A_564 : memref<512xf32, #tpu.memory_space<vmem>>[vector<16xi32>], vector<16xf32>,
      %add3A_568 = arith.constant 18 : i32
      %add3A_569 = vector.broadcast %add3A_568 : i32 to vector<16xi32>
      %add3A_570 = arith.addi %mul3A_318, %add3A_569 : vector<16xi32>
      %gather3A_571 = arith.constant 0 : i32
      %gather3A_572 = tpu.memref_slice %arg8[%select_n3A_245, %gather3A_571] : memref<2x512xf32, #tpu.memory_space<vmem>> -> memref<1x512xf32, #tpu.memory_space<vmem>>
      %gather3A_573 = tpu.memref_squeeze %gather3A_572 : memref<1x512xf32, #tpu.memory_space<vmem>> -> memref<512xf32, #tpu.memory_space<vmem>>
      %gather3A_574 = tpu.vector_load_idx %gather3A_573[%add3A_570] : memref<512xf32, #tpu.memory_space<vmem>>[vector<16xi32>], vector<16xf32>,
      %add3A_575 = arith.constant 18 : i32
      %add3A_576 = vector.broadcast %add3A_575 : i32 to vector<16xi32>
      %add3A_577 = arith.addi %mul3A_318, %add3A_576 : vector<16xi32>
      %div3A_578 = arith.divf %gather3A_574, %get3A_315 : vector<16xf32>
      %scatter3A_579 = arith.constant 0 : i32
      %scatter3A_580 = tpu.memref_slice %arg8[%select_n3A_245, %scatter3A_579] : memref<2x512xf32, #tpu.memory_space<vmem>> -> memref<1x512xf32, #tpu.memory_space<vmem>>
      %scatter3A_581 = tpu.memref_squeeze %scatter3A_580 : memref<1x512xf32, #tpu.memory_space<vmem>> -> memref<512xf32, #tpu.memory_space<vmem>>
      tpu.vector_store_idx %scatter3A_581[%add3A_577], %div3A_578 : memref<512xf32, #tpu.memory_space<vmem>>[vector<16xi32>], vector<16xf32>,
      %add3A_582 = arith.constant 19 : i32
      %add3A_583 = vector.broadcast %add3A_582 : i32 to vector<16xi32>
      %add3A_584 = arith.addi %mul3A_318, %add3A_583 : vector<16xi32>
      %gather3A_585 = arith.constant 0 : i32
      %gather3A_586 = tpu.memref_slice %arg8[%select_n3A_245, %gather3A_585] : memref<2x512xf32, #tpu.memory_space<vmem>> -> memref<1x512xf32, #tpu.memory_space<vmem>>
      %gather3A_587 = tpu.memref_squeeze %gather3A_586 : memref<1x512xf32, #tpu.memory_space<vmem>> -> memref<512xf32, #tpu.memory_space<vmem>>
      %gather3A_588 = tpu.vector_load_idx %gather3A_587[%add3A_584] : memref<512xf32, #tpu.memory_space<vmem>>[vector<16xi32>], vector<16xf32>,
      %add3A_589 = arith.constant 19 : i32
      %add3A_590 = vector.broadcast %add3A_589 : i32 to vector<16xi32>
      %add3A_591 = arith.addi %mul3A_318, %add3A_590 : vector<16xi32>
      %div3A_592 = arith.divf %gather3A_588, %get3A_315 : vector<16xf32>
      %scatter3A_593 = arith.constant 0 : i32
      %scatter3A_594 = tpu.memref_slice %arg8[%select_n3A_245, %scatter3A_593] : memref<2x512xf32, #tpu.memory_space<vmem>> -> memref<1x512xf32, #tpu.memory_space<vmem>>
      %scatter3A_595 = tpu.memref_squeeze %scatter3A_594 : memref<1x512xf32, #tpu.memory_space<vmem>> -> memref<512xf32, #tpu.memory_space<vmem>>
      tpu.vector_store_idx %scatter3A_595[%add3A_591], %div3A_592 : memref<512xf32, #tpu.memory_space<vmem>>[vector<16xi32>], vector<16xf32>,
      %add3A_596 = arith.constant 20 : i32
      %add3A_597 = vector.broadcast %add3A_596 : i32 to vector<16xi32>
      %add3A_598 = arith.addi %mul3A_318, %add3A_597 : vector<16xi32>
      %gather3A_599 = arith.constant 0 : i32
      %gather3A_600 = tpu.memref_slice %arg8[%select_n3A_245, %gather3A_599] : memref<2x512xf32, #tpu.memory_space<vmem>> -> memref<1x512xf32, #tpu.memory_space<vmem>>
      %gather3A_601 = tpu.memref_squeeze %gather3A_600 : memref<1x512xf32, #tpu.memory_space<vmem>> -> memref<512xf32, #tpu.memory_space<vmem>>
      %gather3A_602 = tpu.vector_load_idx %gather3A_601[%add3A_598] : memref<512xf32, #tpu.memory_space<vmem>>[vector<16xi32>], vector<16xf32>,
      %add3A_603 = arith.constant 20 : i32
      %add3A_604 = vector.broadcast %add3A_603 : i32 to vector<16xi32>
      %add3A_605 = arith.addi %mul3A_318, %add3A_604 : vector<16xi32>
      %div3A_606 = arith.divf %gather3A_602, %get3A_315 : vector<16xf32>
      %scatter3A_607 = arith.constant 0 : i32
      %scatter3A_608 = tpu.memref_slice %arg8[%select_n3A_245, %scatter3A_607] : memref<2x512xf32, #tpu.memory_space<vmem>> -> memref<1x512xf32, #tpu.memory_space<vmem>>
      %scatter3A_609 = tpu.memref_squeeze %scatter3A_608 : memref<1x512xf32, #tpu.memory_space<vmem>> -> memref<512xf32, #tpu.memory_space<vmem>>
      tpu.vector_store_idx %scatter3A_609[%add3A_605], %div3A_606 : memref<512xf32, #tpu.memory_space<vmem>>[vector<16xi32>], vector<16xf32>,
      %add3A_610 = arith.constant 21 : i32
      %add3A_611 = vector.broadcast %add3A_610 : i32 to vector<16xi32>
      %add3A_612 = arith.addi %mul3A_318, %add3A_611 : vector<16xi32>
      %gather3A_613 = arith.constant 0 : i32
      %gather3A_614 = tpu.memref_slice %arg8[%select_n3A_245, %gather3A_613] : memref<2x512xf32, #tpu.memory_space<vmem>> -> memref<1x512xf32, #tpu.memory_space<vmem>>
      %gather3A_615 = tpu.memref_squeeze %gather3A_614 : memref<1x512xf32, #tpu.memory_space<vmem>> -> memref<512xf32, #tpu.memory_space<vmem>>
      %gather3A_616 = tpu.vector_load_idx %gather3A_615[%add3A_612] : memref<512xf32, #tpu.memory_space<vmem>>[vector<16xi32>], vector<16xf32>,
      %add3A_617 = arith.constant 21 : i32
      %add3A_618 = vector.broadcast %add3A_617 : i32 to vector<16xi32>
      %add3A_619 = arith.addi %mul3A_318, %add3A_618 : vector<16xi32>
      %div3A_620 = arith.divf %gather3A_616, %get3A_315 : vector<16xf32>
      %scatter3A_621 = arith.constant 0 : i32
      %scatter3A_622 = tpu.memref_slice %arg8[%select_n3A_245, %scatter3A_621] : memref<2x512xf32, #tpu.memory_space<vmem>> -> memref<1x512xf32, #tpu.memory_space<vmem>>
      %scatter3A_623 = tpu.memref_squeeze %scatter3A_622 : memref<1x512xf32, #tpu.memory_space<vmem>> -> memref<512xf32, #tpu.memory_space<vmem>>
      tpu.vector_store_idx %scatter3A_623[%add3A_619], %div3A_620 : memref<512xf32, #tpu.memory_space<vmem>>[vector<16xi32>], vector<16xf32>,
      %add3A_624 = arith.constant 22 : i32
      %add3A_625 = vector.broadcast %add3A_624 : i32 to vector<16xi32>
      %add3A_626 = arith.addi %mul3A_318, %add3A_625 : vector<16xi32>
      %gather3A_627 = arith.constant 0 : i32
      %gather3A_628 = tpu.memref_slice %arg8[%select_n3A_245, %gather3A_627] : memref<2x512xf32, #tpu.memory_space<vmem>> -> memref<1x512xf32, #tpu.memory_space<vmem>>
      %gather3A_629 = tpu.memref_squeeze %gather3A_628 : memref<1x512xf32, #tpu.memory_space<vmem>> -> memref<512xf32, #tpu.memory_space<vmem>>
      %gather3A_630 = tpu.vector_load_idx %gather3A_629[%add3A_626] : memref<512xf32, #tpu.memory_space<vmem>>[vector<16xi32>], vector<16xf32>,
      %add3A_631 = arith.constant 22 : i32
      %add3A_632 = vector.broadcast %add3A_631 : i32 to vector<16xi32>
      %add3A_633 = arith.addi %mul3A_318, %add3A_632 : vector<16xi32>
      %div3A_634 = arith.divf %gather3A_630, %get3A_315 : vector<16xf32>
      %scatter3A_635 = arith.constant 0 : i32
      %scatter3A_636 = tpu.memref_slice %arg8[%select_n3A_245, %scatter3A_635] : memref<2x512xf32, #tpu.memory_space<vmem>> -> memref<1x512xf32, #tpu.memory_space<vmem>>
      %scatter3A_637 = tpu.memref_squeeze %scatter3A_636 : memref<1x512xf32, #tpu.memory_space<vmem>> -> memref<512xf32, #tpu.memory_space<vmem>>
      tpu.vector_store_idx %scatter3A_637[%add3A_633], %div3A_634 : memref<512xf32, #tpu.memory_space<vmem>>[vector<16xi32>], vector<16xf32>,
      %add3A_638 = arith.constant 23 : i32
      %add3A_639 = vector.broadcast %add3A_638 : i32 to vector<16xi32>
      %add3A_640 = arith.addi %mul3A_318, %add3A_639 : vector<16xi32>
      %gather3A_641 = arith.constant 0 : i32
      %gather3A_642 = tpu.memref_slice %arg8[%select_n3A_245, %gather3A_641] : memref<2x512xf32, #tpu.memory_space<vmem>> -> memref<1x512xf32, #tpu.memory_space<vmem>>
      %gather3A_643 = tpu.memref_squeeze %gather3A_642 : memref<1x512xf32, #tpu.memory_space<vmem>> -> memref<512xf32, #tpu.memory_space<vmem>>
      %gather3A_644 = tpu.vector_load_idx %gather3A_643[%add3A_640] : memref<512xf32, #tpu.memory_space<vmem>>[vector<16xi32>], vector<16xf32>,
      %add3A_645 = arith.constant 23 : i32
      %add3A_646 = vector.broadcast %add3A_645 : i32 to vector<16xi32>
      %add3A_647 = arith.addi %mul3A_318, %add3A_646 : vector<16xi32>
      %div3A_648 = arith.divf %gather3A_644, %get3A_315 : vector<16xf32>
      %scatter3A_649 = arith.constant 0 : i32
      %scatter3A_650 = tpu.memref_slice %arg8[%select_n3A_245, %scatter3A_649] : memref<2x512xf32, #tpu.memory_space<vmem>> -> memref<1x512xf32, #tpu.memory_space<vmem>>
      %scatter3A_651 = tpu.memref_squeeze %scatter3A_650 : memref<1x512xf32, #tpu.memory_space<vmem>> -> memref<512xf32, #tpu.memory_space<vmem>>
      tpu.vector_store_idx %scatter3A_651[%add3A_647], %div3A_648 : memref<512xf32, #tpu.memory_space<vmem>>[vector<16xi32>], vector<16xf32>,
      %add3A_652 = arith.constant 24 : i32
      %add3A_653 = vector.broadcast %add3A_652 : i32 to vector<16xi32>
      %add3A_654 = arith.addi %mul3A_318, %add3A_653 : vector<16xi32>
      %gather3A_655 = arith.constant 0 : i32
      %gather3A_656 = tpu.memref_slice %arg8[%select_n3A_245, %gather3A_655] : memref<2x512xf32, #tpu.memory_space<vmem>> -> memref<1x512xf32, #tpu.memory_space<vmem>>
      %gather3A_657 = tpu.memref_squeeze %gather3A_656 : memref<1x512xf32, #tpu.memory_space<vmem>> -> memref<512xf32, #tpu.memory_space<vmem>>
      %gather3A_658 = tpu.vector_load_idx %gather3A_657[%add3A_654] : memref<512xf32, #tpu.memory_space<vmem>>[vector<16xi32>], vector<16xf32>,
      %add3A_659 = arith.constant 24 : i32
      %add3A_660 = vector.broadcast %add3A_659 : i32 to vector<16xi32>
      %add3A_661 = arith.addi %mul3A_318, %add3A_660 : vector<16xi32>
      %div3A_662 = arith.divf %gather3A_658, %get3A_315 : vector<16xf32>
      %scatter3A_663 = arith.constant 0 : i32
      %scatter3A_664 = tpu.memref_slice %arg8[%select_n3A_245, %scatter3A_663] : memref<2x512xf32, #tpu.memory_space<vmem>> -> memref<1x512xf32, #tpu.memory_space<vmem>>
      %scatter3A_665 = tpu.memref_squeeze %scatter3A_664 : memref<1x512xf32, #tpu.memory_space<vmem>> -> memref<512xf32, #tpu.memory_space<vmem>>
      tpu.vector_store_idx %scatter3A_665[%add3A_661], %div3A_662 : memref<512xf32, #tpu.memory_space<vmem>>[vector<16xi32>], vector<16xf32>,
      %add3A_666 = arith.constant 25 : i32
      %add3A_667 = vector.broadcast %add3A_666 : i32 to vector<16xi32>
      %add3A_668 = arith.addi %mul3A_318, %add3A_667 : vector<16xi32>
      %gather3A_669 = arith.constant 0 : i32
      %gather3A_670 = tpu.memref_slice %arg8[%select_n3A_245, %gather3A_669] : memref<2x512xf32, #tpu.memory_space<vmem>> -> memref<1x512xf32, #tpu.memory_space<vmem>>
      %gather3A_671 = tpu.memref_squeeze %gather3A_670 : memref<1x512xf32, #tpu.memory_space<vmem>> -> memref<512xf32, #tpu.memory_space<vmem>>
      %gather3A_672 = tpu.vector_load_idx %gather3A_671[%add3A_668] : memref<512xf32, #tpu.memory_space<vmem>>[vector<16xi32>], vector<16xf32>,
      %add3A_673 = arith.constant 25 : i32
      %add3A_674 = vector.broadcast %add3A_673 : i32 to vector<16xi32>
      %add3A_675 = arith.addi %mul3A_318, %add3A_674 : vector<16xi32>
      %div3A_676 = arith.divf %gather3A_672, %get3A_315 : vector<16xf32>
      %scatter3A_677 = arith.constant 0 : i32
      %scatter3A_678 = tpu.memref_slice %arg8[%select_n3A_245, %scatter3A_677] : memref<2x512xf32, #tpu.memory_space<vmem>> -> memref<1x512xf32, #tpu.memory_space<vmem>>
      %scatter3A_679 = tpu.memref_squeeze %scatter3A_678 : memref<1x512xf32, #tpu.memory_space<vmem>> -> memref<512xf32, #tpu.memory_space<vmem>>
      tpu.vector_store_idx %scatter3A_679[%add3A_675], %div3A_676 : memref<512xf32, #tpu.memory_space<vmem>>[vector<16xi32>], vector<16xf32>,
      %add3A_680 = arith.constant 26 : i32
      %add3A_681 = vector.broadcast %add3A_680 : i32 to vector<16xi32>
      %add3A_682 = arith.addi %mul3A_318, %add3A_681 : vector<16xi32>
      %gather3A_683 = arith.constant 0 : i32
      %gather3A_684 = tpu.memref_slice %arg8[%select_n3A_245, %gather3A_683] : memref<2x512xf32, #tpu.memory_space<vmem>> -> memref<1x512xf32, #tpu.memory_space<vmem>>
      %gather3A_685 = tpu.memref_squeeze %gather3A_684 : memref<1x512xf32, #tpu.memory_space<vmem>> -> memref<512xf32, #tpu.memory_space<vmem>>
      %gather3A_686 = tpu.vector_load_idx %gather3A_685[%add3A_682] : memref<512xf32, #tpu.memory_space<vmem>>[vector<16xi32>], vector<16xf32>,
      %add3A_687 = arith.constant 26 : i32
      %add3A_688 = vector.broadcast %add3A_687 : i32 to vector<16xi32>
      %add3A_689 = arith.addi %mul3A_318, %add3A_688 : vector<16xi32>
      %div3A_690 = arith.divf %gather3A_686, %get3A_315 : vector<16xf32>
      %scatter3A_691 = arith.constant 0 : i32
      %scatter3A_692 = tpu.memref_slice %arg8[%select_n3A_245, %scatter3A_691] : memref<2x512xf32, #tpu.memory_space<vmem>> -> memref<1x512xf32, #tpu.memory_space<vmem>>
      %scatter3A_693 = tpu.memref_squeeze %scatter3A_692 : memref<1x512xf32, #tpu.memory_space<vmem>> -> memref<512xf32, #tpu.memory_space<vmem>>
      tpu.vector_store_idx %scatter3A_693[%add3A_689], %div3A_690 : memref<512xf32, #tpu.memory_space<vmem>>[vector<16xi32>], vector<16xf32>,
      %add3A_694 = arith.constant 27 : i32
      %add3A_695 = vector.broadcast %add3A_694 : i32 to vector<16xi32>
      %add3A_696 = arith.addi %mul3A_318, %add3A_695 : vector<16xi32>
      %gather3A_697 = arith.constant 0 : i32
      %gather3A_698 = tpu.memref_slice %arg8[%select_n3A_245, %gather3A_697] : memref<2x512xf32, #tpu.memory_space<vmem>> -> memref<1x512xf32, #tpu.memory_space<vmem>>
      %gather3A_699 = tpu.memref_squeeze %gather3A_698 : memref<1x512xf32, #tpu.memory_space<vmem>> -> memref<512xf32, #tpu.memory_space<vmem>>
      %gather3A_700 = tpu.vector_load_idx %gather3A_699[%add3A_696] : memref<512xf32, #tpu.memory_space<vmem>>[vector<16xi32>], vector<16xf32>,
      %add3A_701 = arith.constant 27 : i32
      %add3A_702 = vector.broadcast %add3A_701 : i32 to vector<16xi32>
      %add3A_703 = arith.addi %mul3A_318, %add3A_702 : vector<16xi32>
      %div3A_704 = arith.divf %gather3A_700, %get3A_315 : vector<16xf32>
      %scatter3A_705 = arith.constant 0 : i32
      %scatter3A_706 = tpu.memref_slice %arg8[%select_n3A_245, %scatter3A_705] : memref<2x512xf32, #tpu.memory_space<vmem>> -> memref<1x512xf32, #tpu.memory_space<vmem>>
      %scatter3A_707 = tpu.memref_squeeze %scatter3A_706 : memref<1x512xf32, #tpu.memory_space<vmem>> -> memref<512xf32, #tpu.memory_space<vmem>>
      tpu.vector_store_idx %scatter3A_707[%add3A_703], %div3A_704 : memref<512xf32, #tpu.memory_space<vmem>>[vector<16xi32>], vector<16xf32>,
      %add3A_708 = arith.constant 28 : i32
      %add3A_709 = vector.broadcast %add3A_708 : i32 to vector<16xi32>
      %add3A_710 = arith.addi %mul3A_318, %add3A_709 : vector<16xi32>
      %gather3A_711 = arith.constant 0 : i32
      %gather3A_712 = tpu.memref_slice %arg8[%select_n3A_245, %gather3A_711] : memref<2x512xf32, #tpu.memory_space<vmem>> -> memref<1x512xf32, #tpu.memory_space<vmem>>
      %gather3A_713 = tpu.memref_squeeze %gather3A_712 : memref<1x512xf32, #tpu.memory_space<vmem>> -> memref<512xf32, #tpu.memory_space<vmem>>
      %gather3A_714 = tpu.vector_load_idx %gather3A_713[%add3A_710] : memref<512xf32, #tpu.memory_space<vmem>>[vector<16xi32>], vector<16xf32>,
      %add3A_715 = arith.constant 28 : i32
      %add3A_716 = vector.broadcast %add3A_715 : i32 to vector<16xi32>
      %add3A_717 = arith.addi %mul3A_318, %add3A_716 : vector<16xi32>
      %div3A_718 = arith.divf %gather3A_714, %get3A_315 : vector<16xf32>
      %scatter3A_719 = arith.constant 0 : i32
      %scatter3A_720 = tpu.memref_slice %arg8[%select_n3A_245, %scatter3A_719] : memref<2x512xf32, #tpu.memory_space<vmem>> -> memref<1x512xf32, #tpu.memory_space<vmem>>
      %scatter3A_721 = tpu.memref_squeeze %scatter3A_720 : memref<1x512xf32, #tpu.memory_space<vmem>> -> memref<512xf32, #tpu.memory_space<vmem>>
      tpu.vector_store_idx %scatter3A_721[%add3A_717], %div3A_718 : memref<512xf32, #tpu.memory_space<vmem>>[vector<16xi32>], vector<16xf32>,
      %add3A_722 = arith.constant 29 : i32
      %add3A_723 = vector.broadcast %add3A_722 : i32 to vector<16xi32>
      %add3A_724 = arith.addi %mul3A_318, %add3A_723 : vector<16xi32>
      %gather3A_725 = arith.constant 0 : i32
      %gather3A_726 = tpu.memref_slice %arg8[%select_n3A_245, %gather3A_725] : memref<2x512xf32, #tpu.memory_space<vmem>> -> memref<1x512xf32, #tpu.memory_space<vmem>>
      %gather3A_727 = tpu.memref_squeeze %gather3A_726 : memref<1x512xf32, #tpu.memory_space<vmem>> -> memref<512xf32, #tpu.memory_space<vmem>>
      %gather3A_728 = tpu.vector_load_idx %gather3A_727[%add3A_724] : memref<512xf32, #tpu.memory_space<vmem>>[vector<16xi32>], vector<16xf32>,
      %add3A_729 = arith.constant 29 : i32
      %add3A_730 = vector.broadcast %add3A_729 : i32 to vector<16xi32>
      %add3A_731 = arith.addi %mul3A_318, %add3A_730 : vector<16xi32>
      %div3A_732 = arith.divf %gather3A_728, %get3A_315 : vector<16xf32>
      %scatter3A_733 = arith.constant 0 : i32
      %scatter3A_734 = tpu.memref_slice %arg8[%select_n3A_245, %scatter3A_733] : memref<2x512xf32, #tpu.memory_space<vmem>> -> memref<1x512xf32, #tpu.memory_space<vmem>>
      %scatter3A_735 = tpu.memref_squeeze %scatter3A_734 : memref<1x512xf32, #tpu.memory_space<vmem>> -> memref<512xf32, #tpu.memory_space<vmem>>
      tpu.vector_store_idx %scatter3A_735[%add3A_731], %div3A_732 : memref<512xf32, #tpu.memory_space<vmem>>[vector<16xi32>], vector<16xf32>,
      %add3A_736 = arith.constant 30 : i32
      %add3A_737 = vector.broadcast %add3A_736 : i32 to vector<16xi32>
      %add3A_738 = arith.addi %mul3A_318, %add3A_737 : vector<16xi32>
      %gather3A_739 = arith.constant 0 : i32
      %gather3A_740 = tpu.memref_slice %arg8[%select_n3A_245, %gather3A_739] : memref<2x512xf32, #tpu.memory_space<vmem>> -> memref<1x512xf32, #tpu.memory_space<vmem>>
      %gather3A_741 = tpu.memref_squeeze %gather3A_740 : memref<1x512xf32, #tpu.memory_space<vmem>> -> memref<512xf32, #tpu.memory_space<vmem>>
      %gather3A_742 = tpu.vector_load_idx %gather3A_741[%add3A_738] : memref<512xf32, #tpu.memory_space<vmem>>[vector<16xi32>], vector<16xf32>,
      %add3A_743 = arith.constant 30 : i32
      %add3A_744 = vector.broadcast %add3A_743 : i32 to vector<16xi32>
      %add3A_745 = arith.addi %mul3A_318, %add3A_744 : vector<16xi32>
      %div3A_746 = arith.divf %gather3A_742, %get3A_315 : vector<16xf32>
      %scatter3A_747 = arith.constant 0 : i32
      %scatter3A_748 = tpu.memref_slice %arg8[%select_n3A_245, %scatter3A_747] : memref<2x512xf32, #tpu.memory_space<vmem>> -> memref<1x512xf32, #tpu.memory_space<vmem>>
      %scatter3A_749 = tpu.memref_squeeze %scatter3A_748 : memref<1x512xf32, #tpu.memory_space<vmem>> -> memref<512xf32, #tpu.memory_space<vmem>>
      tpu.vector_store_idx %scatter3A_749[%add3A_745], %div3A_746 : memref<512xf32, #tpu.memory_space<vmem>>[vector<16xi32>], vector<16xf32>,
      %add3A_750 = arith.constant 31 : i32
      %add3A_751 = vector.broadcast %add3A_750 : i32 to vector<16xi32>
      %add3A_752 = arith.addi %mul3A_318, %add3A_751 : vector<16xi32>
      %gather3A_753 = arith.constant 0 : i32
      %gather3A_754 = tpu.memref_slice %arg8[%select_n3A_245, %gather3A_753] : memref<2x512xf32, #tpu.memory_space<vmem>> -> memref<1x512xf32, #tpu.memory_space<vmem>>
      %gather3A_755 = tpu.memref_squeeze %gather3A_754 : memref<1x512xf32, #tpu.memory_space<vmem>> -> memref<512xf32, #tpu.memory_space<vmem>>
      %gather3A_756 = tpu.vector_load_idx %gather3A_755[%add3A_752] : memref<512xf32, #tpu.memory_space<vmem>>[vector<16xi32>], vector<16xf32>,
      %add3A_757 = arith.constant 31 : i32
      %add3A_758 = vector.broadcast %add3A_757 : i32 to vector<16xi32>
      %add3A_759 = arith.addi %mul3A_318, %add3A_758 : vector<16xi32>
      %div3A_760 = arith.divf %gather3A_756, %get3A_315 : vector<16xf32>
      %scatter3A_761 = arith.constant 0 : i32
      %scatter3A_762 = tpu.memref_slice %arg8[%select_n3A_245, %scatter3A_761] : memref<2x512xf32, #tpu.memory_space<vmem>> -> memref<1x512xf32, #tpu.memory_space<vmem>>
      %scatter3A_763 = tpu.memref_squeeze %scatter3A_762 : memref<1x512xf32, #tpu.memory_space<vmem>> -> memref<512xf32, #tpu.memory_space<vmem>>
      tpu.vector_store_idx %scatter3A_763[%add3A_759], %div3A_760 : memref<512xf32, #tpu.memory_space<vmem>>[vector<16xi32>], vector<16xf32>,
      %mul3A_764 = arith.constant 16 : i32
      %mul3A_765 = arith.muli %scan3A_185, %mul3A_764 : i32
      %add3A_766 = arith.addi %mul3A_2, %mul3A_765 : i32
      %mul3A_767 = arith.constant 32 : i32
      %mul3A_768 = arith.muli %add3A_766, %mul3A_767 : i32
      %dma_start3A_769 = arith.constant 0 : i32
      %dma_start3A_770 = tpu.memref_slice %arg8[%select_n3A_245, %dma_start3A_769] : memref<2x512xf32, #tpu.memory_space<vmem>> -> memref<1x512xf32, #tpu.memory_space<vmem>>
      %dma_start3A_771 = tpu.memref_squeeze %dma_start3A_770 : memref<1x512xf32, #tpu.memory_space<vmem>> -> memref<512xf32, #tpu.memory_space<vmem>>
      %dma_start3A_772 = tpu.memref_slice %arg5[%mul3A_768] : memref<524288xf32, #tpu.memory_space<hbm>> -> memref<512xf32, #tpu.memory_space<hbm>>
      %dma_start3A_773 = tpu.memref_slice %arg5[%mul3A_768] : memref<524288xf32, #tpu.memory_space<hbm>> -> memref<512xf32, #tpu.memory_space<hbm>>
      %dma_start3A_774 = arith.constant 0 : i32
      %dma_start3A_775 = tpu.memref_slice %arg8[%select_n3A_245, %dma_start3A_774] : memref<2x512xf32, #tpu.memory_space<vmem>> -> memref<1x512xf32, #tpu.memory_space<vmem>>
      %dma_start3A_776 = tpu.memref_squeeze %dma_start3A_775 : memref<1x512xf32, #tpu.memory_space<vmem>> -> memref<512xf32, #tpu.memory_space<vmem>>
      tpu.enqueue_dma source(%dma_start3A_776 : memref<512xf32, #tpu.memory_space<vmem>>) target(%dma_start3A_773 : memref<512xf32, #tpu.memory_space<hbm>>) target_semaphore(%arg15 : memref<!tpu.dma_semaphore, #tpu.memory_space<semaphore_mem>>)
    }
    %scan3A_158 = arith.constant 32 : i32
    %add3A_159 = arith.constant 480 : i32
    %add3A_160 = arith.addi %mul3A_2, %add3A_159 : i32
    %mul3A_161 = arith.constant 32 : i32
    %mul3A_162 = arith.muli %add3A_160, %mul3A_161 : i32
    %dma_wait3A_163 = arith.constant 0 : i32
    %dma_wait3A_164 = arith.constant 0 : i32
    %dma_wait3A_165 = tpu.memref_slice %arg8[%dma_wait3A_163, %dma_wait3A_164] : memref<2x512xf32, #tpu.memory_space<vmem>> -> memref<1x512xf32, #tpu.memory_space<vmem>>
    %dma_wait3A_166 = tpu.memref_squeeze %dma_wait3A_165 : memref<1x512xf32, #tpu.memory_space<vmem>> -> memref<512xf32, #tpu.memory_space<vmem>>
    %dma_wait3A_167 = tpu.memref_slice %arg5[%mul3A_162] : memref<524288xf32, #tpu.memory_space<hbm>> -> memref<512xf32, #tpu.memory_space<hbm>>
    %dma_wait3A_168 = tpu.memref_slice %arg5[%mul3A_162] : memref<524288xf32, #tpu.memory_space<hbm>> -> memref<512xf32, #tpu.memory_space<hbm>>
    %dma_wait3A_169 = arith.constant 0 : i32
    %dma_wait3A_170 = tpu.memref_slice %arg8[%dma_wait3A_163, %dma_wait3A_169] : memref<2x512xf32, #tpu.memory_space<vmem>> -> memref<1x512xf32, #tpu.memory_space<vmem>>
    %dma_wait3A_171 = tpu.memref_squeeze %dma_wait3A_170 : memref<1x512xf32, #tpu.memory_space<vmem>> -> memref<512xf32, #tpu.memory_space<vmem>>
    tpu.wait_dma2 semaphore(%arg15 : memref<!tpu.dma_semaphore, #tpu.memory_space<semaphore_mem>>) src(%dma_wait3A_171 : memref<512xf32, #tpu.memory_space<vmem>>) dst(%dma_wait3A_168 : memref<512xf32, #tpu.memory_space<hbm>>)
    %add3A_172 = arith.constant 496 : i32
    %add3A_173 = arith.addi %mul3A_2, %add3A_172 : i32
    %mul3A_174 = arith.constant 32 : i32
    %mul3A_175 = arith.muli %add3A_173, %mul3A_174 : i32
    %dma_wait3A_176 = arith.constant 0 : i32
    %dma_wait3A_177 = arith.constant 0 : i32
    %dma_wait3A_178 = tpu.memref_slice %arg8[%dma_wait3A_176, %dma_wait3A_177] : memref<2x512xf32, #tpu.memory_space<vmem>> -> memref<1x512xf32, #tpu.memory_space<vmem>>
    %dma_wait3A_179 = tpu.memref_squeeze %dma_wait3A_178 : memref<1x512xf32, #tpu.memory_space<vmem>> -> memref<512xf32, #tpu.memory_space<vmem>>
    %dma_wait3A_180 = tpu.memref_slice %arg5[%mul3A_175] : memref<524288xf32, #tpu.memory_space<hbm>> -> memref<512xf32, #tpu.memory_space<hbm>>
    %dma_wait3A_181 = tpu.memref_slice %arg5[%mul3A_175] : memref<524288xf32, #tpu.memory_space<hbm>> -> memref<512xf32, #tpu.memory_space<hbm>>
    %dma_wait3A_182 = arith.constant 0 : i32
    %dma_wait3A_183 = tpu.memref_slice %arg8[%dma_wait3A_176, %dma_wait3A_182] : memref<2x512xf32, #tpu.memory_space<vmem>> -> memref<1x512xf32, #tpu.memory_space<vmem>>
    %dma_wait3A_184 = tpu.memref_squeeze %dma_wait3A_183 : memref<1x512xf32, #tpu.memory_space<vmem>> -> memref<512xf32, #tpu.memory_space<vmem>>
    tpu.wait_dma2 semaphore(%arg15 : memref<!tpu.dma_semaphore, #tpu.memory_space<semaphore_mem>>) src(%dma_wait3A_184 : memref<512xf32, #tpu.memory_space<vmem>>) dst(%dma_wait3A_181 : memref<512xf32, #tpu.memory_space<hbm>>)
    return
  }
}

module attributes {stable_mosaic.version = 14 : i64} {
  func.func @_prep_body(%arg0: i32, %arg1: memref<256x200xi32, #tpu.memory_space<vmem>>, %arg2: memref<256x256xi32, #tpu.memory_space<vmem>>, %arg3: memref<256xf32, #tpu.memory_space<vmem>>) attributes {dimension_semantics = [#tpu.dimension_semantics<arbitrary>], iteration_bounds = array<i64: 64>, scalar_prefetch = 0 : i64, scratch_operands = 0 : i64, tpu.core_type = #tpu.core_type<tc>, window_params = [{transform_indices = @transform_0, window_bounds = array<i64: 256, 200>}, {transform_indices = @transform_1, window_bounds = array<i64: 256, 256>}, {transform_indices = @transform_2, window_bounds = array<i64: 256>}]} {
    %get3A = arith.constant 0 : index
    %get3A_0 = arith.constant 0 : index
    %get3A_1 = vector.load %arg1[%get3A, %get3A_0] : memref<256x200xi32, #tpu.memory_space<vmem>>, vector<256x200xi32>
    %mul3A = arith.constant 4 : i32
    %mul3A_2 = vector.broadcast %mul3A : i32 to vector<256x200xi32>
    %mul3A_3 = arith.muli %get3A_1, %mul3A_2 : vector<256x200xi32>
    %jit3A = arith.constant 1 : i32
    %pad3A = vector.broadcast %jit3A : i32 to vector<256x56xi32>
    %pad3A_4 = tpu.concatenate %mul3A_3, %pad3A in 1 : vector<256x200xi32>, vector<256x56xi32> -> vector<256x256xi32>
    %swap3A = arith.constant 0 : index
    %swap3A_5 = arith.constant 0 : index
    %swap3A_6 = vector.load %arg2[%swap3A, %swap3A_5] : memref<256x256xi32, #tpu.memory_space<vmem>>, vector<256x256xi32>
    tpu.vector_store %arg2[%swap3A, %swap3A_5], %pad3A_4 {strides = array<i32>} : memref<256x256xi32, #tpu.memory_space<vmem>>, vector<256x256xi32>,
    %ne3A = arith.constant 0 : i32
    %ne3A_7 = vector.broadcast %ne3A : i32 to vector<256x200xi32>
    %ne3A_8 = arith.cmpi ne, %get3A_1, %ne3A_7 : vector<256x200xi32>
    %convert_element_type3A = arith.extui %ne3A_8 : vector<256x200xi1> to vector<256x200xi32>
    %convert_element_type3A_9 = arith.sitofp %convert_element_type3A : vector<256x200xi32> to vector<256x200xf32>
    %reduce_sum3A = arith.constant dense<0.000000e+00> : vector<256xf32>
    %reduce_sum3A_10 = vector.multi_reduction <add>, %convert_element_type3A_9, %reduce_sum3A [1] : vector<256x200xf32> to vector<256xf32>
    %swap3A_11 = arith.constant 0 : index
    %swap3A_12 = vector.load %arg3[%swap3A_11] : memref<256xf32, #tpu.memory_space<vmem>>, vector<256xf32>
    tpu.vector_store %arg3[%swap3A_11], %reduce_sum3A_10 {strides = array<i32>} : memref<256xf32, #tpu.memory_space<vmem>>, vector<256xf32>,
    return
  }
  func.func @transform_0(%arg0: i32) -> (i32, i32) {
    %c0_i32 = arith.constant 0 : i32
    %c0_i32_0 = arith.constant 0 : i32
    return %arg0, %c0_i32 : i32, i32
  }
  func.func @transform_1(%arg0: i32) -> (i32, i32) {
    %c0_i32 = arith.constant 0 : i32
    %c0_i32_0 = arith.constant 0 : i32
    return %arg0, %c0_i32 : i32, i32
  }
  func.func @transform_2(%arg0: i32) -> i32 {
    %c0_i32 = arith.constant 0 : i32
    return %arg0 : i32
  }
}

</mosaic_0001>

<sc_bundles>
// kernel: kernel.4.cloned.1.call-start
scs
__scs_entry_jumppad:
0x0: {  	(pc) =	sbr.rel $0x88, $3  }
0x1: {  	(tag) =	ssettag $0x0;
	lr =	simm.s32 $0x1  }
0x2: {  	[smem:$0x3F9F] =	sst lr;
	_ =	strace $0xD0000000  }
0x3: {  	_ = 	snop  }
0x4: {  	_ = 	snop  }
0x5: {  	_ = 	snop  }
0x6: {  	_ = 	snop  }
0x7: {  	_ = 	snop  }
__scs_overlays_trampoline_lowered:
0x8: {  	[smem:$0x3FAE] =	sst s0  }
0x9: {  	[smem:$0x3FAF] =	sst s1  }
0xa: {  	[smem:$0x3FB0] =	sst s2  }
0xb: {  	[smem:$0x3FB1] =	sst s3  }
0xc: {  	[smem:$0x3FB2] =	sst s4  }
0xd: {  	[smem:$0x3FB3] =	sst s5  }
0xe: {  	[smem:$0x3FB4] =	sst s6  }
0xf: {  	[smem:$0x3FB5] =	sst s7  }
0x10: {  	[smem:$0x3FB6] =	sst s8  }
0x11: {  	[smem:$0x3FB7] =	sst s9;
	s0 =	simm.s32 @!p0 $0x0  }
0x12: {  	s1 =	sld [smem:$0x3F9D];
	s0 =	simm.s32 @p0 $0x1  }
0x13: {  	[smem:$0x3FB8] =	sst s0;
	s0 =	simm.s32 @!p1 $0x0  }
0x14: {  	s2 =	sld [smem:$0x3F9C];
	s0 =	simm.s32 @p1 $0x1  }
0x15: {  	[smem:$0x3FB9] =	sst s0;
	s0 =	simm.s32 @!p2 $0x0  }
0x16: {  	s3 =	sld [smem:$0x3FDB];
	s0 =	simm.s32 @p2 $0x1  }
0x17: {  	s4 =	simm.s32 $0x1BF5;
	[smem:$0x3FBB] =	sst s0  }
0x18: {  	s0 =	sld [smem:$0x3F9E];
	_ =	swait.ge [sflag:s4], $0x0  }
0x19: {  	s7 =	sld [smem:$0x3F9F]  }
0x1a: {  	s8 =	sadd.s32 $0xFFFFE003, lr  }
0x1b: {  	s9 =	sadd.s32 $0xFFFFFEF7, lr;
	s5 =	simm.s32 $0xFFFFFFFF;
	p2 =	slt.u32 s8, $0xFFFFF086  }
0x1c: {  	p1 =	slt.u32 s9, $0xF7A;
	s5 =	simm.s32 @!p2 $0x0  }
0x1d: {  	s5 =	simm.s32 @p1 $0x1;
	p0 =	seq.s32 s7, s2  }
0x1e: {  	s7 =	smul.u32 @!p0 $0xF7A, s2;
	p2 =	seq.s32 @!p0 s5, $0x0  }
0x1f: {  	s9 =	smul.u32 $0xF7A, s1;
	s8 =	simm.s32 @!p0 $0x1BF5;
	p2 =	por !p2, p0  }
0x20: {  	[sflag:s8] =	ssyncset.s32 @!p0 $0xFFFFF086;
	s6 =	sadd.s32 @!p0 s3, s7;
	s7 =	simm.s32 @!p0 $0x108  }
0x21: {  	s3 =	sadd.s32 s3, s9;
	s6 =	sadd.s32 @!p0 $0x88, s6;
	s7 =	simm.s32 @p2 $0x1082  }
0x22: {  	[simem:s7], [sflag:s8] =	dma.local @!p0 [hbm:s6], $0xF7A  }
0x23: {  	s9 =	sor.u32 $0xD0000000, s2;
	s6 =	simm.s32 $0x108;
	_ =	swait.ge @!p0 [sflag:s8], $0x0  }
0x24: {  	s3 =	sadd.s32 $0x88, s3;
	s6 =	simm.s32 @!p1 $0x1082;
	[sflag:s4] =	ssyncset.s32 $0xFFFFF086  }
0x25: {  	[simem:s6], [sflag:s4] =	dma.local [hbm:s3], $0xF7A  }
0x26: {  	[smem:$0x3F9F] =	sst s1;
	(tag) =	ssettag s2;
	_ =	strace s9  }
0x27: {  	s1 =	sld [smem:$0x3FAF]  }
0x28: {  	s2 =	sld [smem:$0x3FB0]  }
0x29: {  	s4 =	sld [smem:$0x3FB2]  }
0x2a: {  	p0 =	seq.s32 s5, $0x0;
	s5 =	sld [smem:$0x3FB3]  }
0x2b: {  	s6 =	sld [smem:$0x3FB4]  }
0x2c: {  	s7 =	sld [smem:$0x3FB5]  }
0x2d: {  	s3 =	simm.s32 $0x108;
	s8 =	sld [smem:$0x3FB6]  }
0x2e: {  	s3 =	simm.s32 @!p0 $0x1082;
	s9 =	sld [smem:$0x3FB7]  }
0x2f: {  	lr =	sadd.s32 s0, s3;
	s0 =	sld [smem:$0x3FAE]  }
0x30: {  	s3 =	sld [smem:$0x3FB1]  }
0x31: {  	[smem:$0x3FBA] =	sst s10  }
0x32: {  	s10 =	sld [smem:$0x3FB8];
	_ =	sdelay $0x3  }
0x33: {  	p0 =	seq.s32 s10, $0x1;
	s10 =	sld [smem:$0x3FBA];
	_ =	sdelay $0x3  }
0x34: {  	[smem:$0x3FBA] =	sst s10  }
0x35: {  	s10 =	sld [smem:$0x3FB9];
	_ =	sdelay $0x3  }
0x36: {  	p1 =	seq.s32 s10, $0x1;
	s10 =	sld [smem:$0x3FBA];
	_ =	sdelay $0x3  }
0x37: {  	[smem:$0x3FBA] =	sst s10  }
0x38: {  	s10 =	sld [smem:$0x3FBB]  }
0x39: {  	_ = 	snop;
	(pc) =	sbr.ind lr, $3  }
0x3a: {  	_ = 	snop  }
0x3b: {  	_ = 	snop  }
0x3c: {  	p2 =	seq.s32 s10, $0x1;
	s10 =	sld [smem:$0x3FBA]  }
0x3d: {  	_ =	shalt  }
0x3e: {  	_ =	shalt  }
0x3f: {  	_ =	shalt  }
0x40: {  	_ =	shalt  }
0x41: {  	_ =	shalt  }
0x42: {  	_ =	shalt  }
0x43: {  	_ =	shalt  }
0x44: {  	_ =	shalt  }
0x45: {  	_ =	shalt  }
0x46: {  	_ =	shalt  }
0x47: {  	_ =	shalt  }
0x48: {  	_ =	shalt  }
0x49: {  	_ =	shalt  }
0x4a: {  	_ =	shalt  }
0x4b: {  	_ =	shalt  }
0x4c: {  	_ =	shalt  }
0x4d: {  	_ =	shalt  }
0x4e: {  	_ =	shalt  }
0x4f: {  	_ =	shalt  }
0x50: {  	_ =	shalt  }
0x51: {  	_ =	shalt  }
0x52: {  	_ =	shalt  }
0x53: {  	_ =	shalt  }
0x54: {  	_ =	shalt  }
0x55: {  	_ =	shalt  }
0x56: {  	_ =	shalt  }
0x57: {  	_ =	shalt  }
0x58: {  	_ =	shalt  }
0x59: {  	_ =	shalt  }
0x5a: {  	_ =	shalt  }
0x5b: {  	_ =	shalt  }
0x5c: {  	_ =	shalt  }
0x5d: {  	_ =	shalt  }
0x5e: {  	_ =	shalt  }
0x5f: {  	_ =	shalt  }
0x60: {  	_ =	shalt  }
0x61: {  	_ =	shalt  }
0x62: {  	_ =	shalt  }
0x63: {  	_ =	shalt  }
0x64: {  	_ =	shalt  }
0x65: {  	_ =	shalt  }
0x66: {  	_ =	shalt  }
0x67: {  	_ =	shalt  }
0x68: {  	_ =	shalt  }
0x69: {  	_ =	shalt  }
0x6a: {  	_ =	shalt  }
0x6b: {  	_ =	shalt  }
0x6c: {  	_ =	shalt  }
0x6d: {  	_ =	shalt  }
0x6e: {  	_ =	shalt  }
0x6f: {  	_ =	shalt  }
0x70: {  	_ =	shalt  }
0x71: {  	_ =	shalt  }
0x72: {  	_ =	shalt  }
0x73: {  	_ =	shalt  }
0x74: {  	_ =	shalt  }
0x75: {  	_ =	shalt  }
0x76: {  	_ =	shalt  }
0x77: {  	_ =	shalt  }
0x78: {  	_ =	shalt  }
0x79: {  	_ =	shalt  }
0x7a: {  	_ =	shalt  }
0x7b: {  	_ =	shalt  }
0x7c: {  	_ =	shalt  }
0x7d: {  	_ =	shalt  }
0x7e: {  	_ =	shalt  }
0x7f: {  	_ =	shalt  }
0x80: {  	_ =	shalt  }
0x81: {  	_ =	shalt  }
0x82: {  	_ =	shalt  }
0x83: {  	_ =	shalt  }
0x84: {  	_ =	shalt  }
0x85: {  	_ =	shalt  }
0x86: {  	_ =	shalt  }
0x87: {  	_ =	shalt  }
.Lfunc_end0:
.L_simem_size_0:
called_computation.1_lowered:
.L_overlay_start_0:
0x88: {  	s2 =	sld [smem:$0x3FD9]  }
0x89: {  	s3 =	sld [smem:$0x3FFE];
	_ =	sdelay $0x1  }
0x8a: {  	s1 =	srdreg.scid  }
0x8b: {  	s0 =	sand.u32 $0x1, s1  }
0x8c: {  	s17 =	sshll.u32 s0, $0xA;
	s2 =	sadd.s32 s3, s2  }
0x8d: {  	s2 =	sadd.s32 s2, s17  }
0x8e: {  	[smem:$0x3FC6] =	sst s2  }
0x8f: {  	_ = 	snop  }
0x90: {  	s2 =	sld [smem:$0x3FD0];
	(tm) =	ssettm $0x1  }
0x91: {  	s18 =	sld [smem:$0x3FFB];
	_ =	sdelay $0x3  }
0x92: {  	_ =	strace s18  }
0x93: {  	s3 =	sld [smem:$0x3FFC];
	_ =	sdelay $0x3  }
0x94: {  	_ =	strace s3  }
0x95: {  	s3 =	sld [smem:$0x3FFD];
	_ =	sdelay $0x3  }
0x96: {  	_ =	strace s3  }
0x97: {  	_ =	strace $0x8FFFFFFF  }
0x98: {  	s19 =	sld [smem:$0x3FDB];
	_ =	sdelay $0x1  }
0x99: {  	s4 =	simm.s32 $_scs_section_size  }
0x9a: {  	s5 =	simm.s32 $_size__tile_overlayer_lowered;
	s6 =	simm.s32 $_tile_overlayer_lowered  }
0x9b: {  	s22 =	simm.s32 $0x1BFF;
	s21 =	sshll.u32 s6, $0x1;
	s3 =	sadd.s32 s4, s19  }
0x9c: {  	s7 =	simm.s32 $0x0;
	s20 =	sshll.u32 s5, $0x1;
	s5 =	sadd.s32 s21, s3  }
0x9d: {  	[timem:s7], [sflag:s22] =	dma.local [hbm:s5], s20  }
0x9e: {  	_ =	swait.ge [sflag:s22], s20  }
0x9f: {  	s4 =	ssub.s32 $0x0, s20;
	[sflag:s22] =	ssyncset.done $0x0  }
0xa0: {  	[sflag:s22] =	ssyncadd.s32 s4;
	_ =	sdelay $0x1  }
0xa1: {  	s23 =	simm.s32 $0x1B8B  }
0xa2: {  	_ =	swait.ge [sflag:s23], $0x1  }
0xa3: {  	[sflag:s23] =	ssyncset.done $0x0  }
0xa4: {  	s25 =	simm.s32 $0x1B8E;
	s24 =	sld [smem:$0x3FFE];
	[sflag:s23] =	ssyncadd.s32 $0xFFFFFFFF  }
0xa5: {  	s26 =	simm.s32 $execute0_lowered;
	[smem:$0x3FD2] =	sst s25  }
0xa6: {  	s5 =	sshll.u32 s26, $0x1;
	_ =	strace $0x80000049;
	[dreg:$0x1] =	wrdreg $0xFFFFFFFF  }
0xa7: {  	s28 =	simm.s32 $_size_execute0_lowered;
	s3 =	sadd.s32 s3, s5;
	[dreg:$0x0] =	wrdreg $0x0  }
0xa8: {  	s5 =	sshll.u32 s28, $0x1;
	[dreg:$0x2] =	wrdreg s3  }
0xa9: {  	[dreg:$0x3] =	wrdreg s5  }
0xaa: {  	[dreg:$0x4] =	wrdreg $0xC0  }
0xab: {  	_ =	task [dreg:s7], $0x5FFFF  }
0xac: {  	[dreg:$0x1] =	wrdreg $0xFFFFFFFF  }
0xad: {  	[dreg:$0x0] =	wrdreg $0x60  }
0xae: {  	[dreg:$0x2] =	wrdreg s24  }
0xaf: {  	[dreg:$0x3] =	wrdreg s2  }
0xb0: {  	[dreg:$0x4] =	wrdreg $0x9  }
0xb1: {  	_ =	task.clear_ibuf [dreg:s7], $0x5FFFF;
	_ =	strace $0x90000049  }
0xb2: {  	s29 =	simm.s32 $0x9;
	_ =	strace $0x8000004B  }
0xb3: {  	_ =	swait.ge [sflag:s29], $0x1  }
0xb4: {  	[sflag:s29] =	ssyncadd.s32 $0xFFFFFFFF  }
0xb5: {  	_ =	strace $0x9000004B  }
0xb6: {  	_ =	sfence  }
0xb7: {  	s30 =	sld [smem:$0x0];
	_ =	sdelay $0x2  }
0xb8: {  	s31 =	sshll.u32 s1, $0xD;
	s1 =	sshrl.u32 s1, $0x2  }
0xb9: {  	s3 =	sand.u32 $0x4000, s31;
	s1 =	sadd.s32 s1, s30  }
0xba: {  	s0 =	sor.u32 s3, s0;
	s1 =	sshll.u32 s1, $0x11  }
0xbb: {  	s0 =	sor.u32 s1, s0  }
0xbc: {  	s0 =	sadd.s32 $0x8F2B, s0  }
0xbd: {  	[sflag:s0] =	ssyncadd.remote.s32 $0x1  }
0xbe: {  	_ =	sfence.sel $0xFFFF  }
0xbf: {  	[dreg:$0x0] =	wrdreg $0xFFFFFFFF;
	(pc) =	sbr.abs _section_cstart, $3  }
0xc0: {  	[dreg:$0x1] =	wrdreg $0xFFFFFFFF  }
0xc1: {  	_ =	task.clear_ibuf [dreg:s7], $0x2FFFF;
	_ =	strace $0x9FFFFFFF  }
0xc2: {  	(tm) =	ssettm $0x7FFFFFFF  }
0xc3: {  	_ =	shalt  }
tec
execute0_lowered:
.L_overlay_start_1:
0x0: {  	(tag) =	ssettag $0x1  }
0x1: {  	s0 =	rddreg [dreg:$0x0]  }
0x2: {  	s2 =	rddreg [dreg:$0x1];
	s1 =	simm.s32 $0x0;
	s4 =	srdreg.scid  }
0x3: {  	s5 =	stileid.u32;
	s20 =	simm.s32 $0x1;
	s21 =	simm.s32 $0x20  }
0x4: {  	s17 =	simm.s32 $0x5800;
	s19 =	simm.s32 $0x5C00;
	s30 =	simm.s32 $0x6400  }
0x5: {  	s15 =	simm.s32 $0x6800;
	s28 =	simm.s32 $0x7400;
	s18 =	simm.s32 $0x7800  }
0x6: {  	s16 =	simm.s32 $0x7C00;
	s10 =	simm.s32 $0x5;
	s12 =	simm.s32 $0x0  }
0x7: {  	v0 =	vlaneseq.u32;
	[smem:$0x7FF] =	sst s1;
	s3 =	sadd.s32 $0xF43A00, s0;
	s6 =	sand.u32 $0x1, s4  }
0x8: {  	s4 =	sadd.s32 $0xF43200, s0;
	s8 =	sshll.u32 s5, $0x1;
	s5 =	sadd.s32 $0xFC3A00, s0;
	v0 =	vmul.u32 $0x20, v0  }
0x9: {  	_ =	strace $0x8000004A;
	s7 =	ssub.s32 $0x2, s6;
	s8 =	sor.u32 s6, s8  }
0xa: {  	s22 =	sshrl.u32 s7, $0x1;
	s6 =	sshll.u32 s8, $0x9;
	s23 =	sshll.u32 s8, $0xE;
	v1 =	vor.u32 $0x1, v0  }
0xb: {  	s24 =	sshll.u32 s8, $0x6;
	s8 =	sshll.u32 s8, $0xB;
	v58 =	vor.u32 $0x2, v0;
	v59 =	vor.u32 $0x3, v0;
	v60 =	vor.u32 $0x4, v0;
	s0 =	ssub.s32 s7, s22  }
0xc: {  	v61 =	vor.u32 $0x5, v0;
	v62 =	vor.u32 $0x6, v0;
	v63 =	vor.u32 $0x7, v0;
	s7 =	sadd.s32 s3, s23;
	s9 =	sor.u32 $0x10, s6;
	s29 =	sor.u32 $0x20, s6  }
0xd: {  	v8 =	vor.u32 $0x8, v0;
	v9 =	vor.u32 $0x9, v0;
	v10 =	vor.u32 $0xA, v0;
	[tilespmem:$0x1FFF0] =	vst v0;
	s13 =	sadd.s32 s2, s8;
	s23 =	simm.s32 $0x6C00;
	s8 =	simm.s32 $0x3  }
0xe: {  	v11 =	vor.u32 $0xB, v0;
	v12 =	vor.u32 $0xC, v0;
	v13 =	vor.u32 $0xD, v0;
	[tilespmem:$0x1FF80] =	vst v1;
	[dreg:$0x3] =	wrdreg s7;
	s7 =	sadd.s32 s4, s24;
	s25 =	sshll.u32 s9, $0x5  }
0xf: {  	v14 =	vor.u32 $0xE, v0;
	v15 =	vor.u32 $0xF, v0;
	v16 =	vor.u32 $0x10, v0;
	[tilespmem:$0x1FF90] =	vst v58;
	s9 =	sshrl.u32 s9, $0x3;
	s0 =	smax.u32 s0, $0x1;
	[dreg:$0x4] =	wrdreg s7  }
0x10: {  	v17 =	vor.u32 $0x11, v0;
	v18 =	vor.u32 $0x12, v0;
	v19 =	vor.u32 $0x13, v0;
	[tilespmem:$0x1FFA0] =	vst v59;
	s31 =	sshll.u32 s29, $0x5;
	s7 =	sadd.s32 s3, s25;
	[dreg:$0x9] =	wrdreg s0  }
0x11: {  	v20 =	vor.u32 $0x14, v0;
	v21 =	vor.u32 $0x15, v0;
	v22 =	vor.u32 $0x16, v0;
	[tilespmem:$0x1FFB0] =	vst v60;
	s26 =	sadd.s32 s4, s9;
	s9 =	sadd.s32 s3, s31;
	[dreg:$0x5] =	wrdreg s7  }
0x12: {  	v23 =	vor.u32 $0x17, v0;
	v24 =	vor.u32 $0x18, v0;
	v25 =	vor.u32 $0x19, v0;
	[tilespmem:$0x1FFC0] =	vst v61;
	s25 =	simm.s32 $0x6000;
	[dreg:$0x6] =	wrdreg s26;
	s7 =	sshrl.u32 s29, $0x3  }
0x13: {  	v26 =	vor.u32 $0x1A, v0;
	v27 =	vor.u32 $0x1B, v0;
	v28 =	vor.u32 $0x1C, v0;
	[tilespmem:$0x1FFD0] =	vst v62;
	s0 =	simm.s32 $0x7000;
	[dreg:$0x7] =	wrdreg s9;
	s7 =	sadd.s32 s4, s7  }
0x14: {  	v29 =	vor.u32 $0x1D, v0;
	v30 =	vor.u32 $0x1E, v0;
	v31 =	vor.u32 $0x1F, v0;
	[tilespmem:$0x1FFE0] =	vst v63;
	s9 =	simm.s32 $0x4;
	[dreg:$0x8] =	wrdreg s7;
	s7 =	simm.s32 $0x2  }
.LBB2_1:
0x15: {  	s2 =	rddreg [dreg:$0x3]  }
0x16: {  	[tilespmem:s1], [sflag:$0x1] =	stream.linear.gather [hbm4b:s2+s1], $0x1000, $0x38;
	[tilespmem:$0x10440] =	vst v63  }
0x17: {  	s22 =	rddreg [dreg:$0x4];
	s11 =	simm.s32 $0x10400  }
0x18: {  	[tilespmem:s11], [sflag:$0x1] =	stream.linear.gather [hbm4b:s22+s1], $0x10, $0x38;
	[tilespmem:$0x10440] =	vst v63  }
0x19: {  	s24 =	rddreg [dreg:$0x5];
	s11 =	simm.s32 $0x1000  }
0x1a: {  	[tilespmem:s11], [sflag:$0x1] =	stream.linear.gather [hbm4b:s24+s1], $0x1000, $0x38;
	[tilespmem:$0x10440] =	vst v63  }
0x1b: {  	s26 =	rddreg [dreg:$0x6];
	s14 =	simm.s32 $0x10410  }
0x1c: {  	[tilespmem:s14], [sflag:$0x1] =	stream.linear.gather [hbm4b:s26+s1], $0x10, $0x38;
	[tilespmem:$0x10440] =	vst v63  }
0x1d: {  	s29 =	rddreg [dreg:$0x7];
	s31 =	simm.s32 $0x2000  }
0x1e: {  	[tilespmem:s31], [sflag:$0x1] =	stream.linear.gather [hbm4b:s29+s1], $0x1000, $0x38;
	[tilespmem:$0x10440] =	vst v63  }
0x1f: {  	s22 =	simm.s32 $0x10420;
	s14 =	rddreg [dreg:$0x8]  }
0x20: {  	[tilespmem:s22], [sflag:$0x1] =	stream.linear.gather [hbm4b:s14+s1], $0x10, $0x38;
	[tilespmem:$0x10440] =	vst v63  }
0x21: {  	_ =	swait.ge [sflag:s20], $0x1000  }
0x22: {  	[sflag:s20] =	ssyncset.done $0x0  }
0x23: {  	[sflag:s20] =	ssyncadd.s32 $0xFFFFF000  }
0x24: {  	_ =	swait.ge [sflag:s20], $0x10  }
0x25: {  	[sflag:s20] =	ssyncset.done $0x0  }
0x26: {  	s2 =	simm.s32 $0x4000;
	[sflag:s20] =	ssyncadd.s32 $0xFFFFFFF0  }
0x27: {  	[tilespmem:s2], [sflag:$0x2] =	stream.indirect.gather [hbm4b:s5+s21], $0x20, s1, s21, $0xb8;
	[tilespmem:$0x10440] =	vst v63  }
0x28: {  	s24 =	simm.s32 $0x100;
	s22 =	simm.s32 $0x4400  }
0x29: {  	[tilespmem:s22], [sflag:$0x2] =	stream.indirect.gather [hbm4b:s5+s21], $0x20, s24, s21, $0xb8;
	[tilespmem:$0x10440] =	vst v63  }
0x2a: {  	s26 =	simm.s32 $0x200;
	s24 =	simm.s32 $0x4800  }
0x2b: {  	[tilespmem:s24], [sflag:$0x2] =	stream.indirect.gather [hbm4b:s5+s21], $0x20, s26, s21, $0xb8;
	[tilespmem:$0x10440] =	vst v63  }
0x2c: {  	s29 =	simm.s32 $0x300;
	s26 =	simm.s32 $0x4C00  }
0x2d: {  	[tilespmem:s26], [sflag:$0x2] =	stream.indirect.gather [hbm4b:s5+s21], $0x20, s29, s21, $0xb8;
	[tilespmem:$0x10440] =	vst v63  }
0x2e: {  	s31 =	simm.s32 $0x400;
	s29 =	simm.s32 $0x5000  }
0x2f: {  	[tilespmem:s29], [sflag:$0x2] =	stream.indirect.gather [hbm4b:s5+s21], $0x20, s31, s21, $0xb8;
	[tilespmem:$0x10440] =	vst v63  }
0x30: {  	s14 =	simm.s32 $0x500;
	s31 =	simm.s32 $0x5400  }
0x31: {  	[tilespmem:s31], [sflag:$0x2] =	stream.indirect.gather [hbm4b:s5+s21], $0x20, s14, s21, $0xb8;
	[tilespmem:$0x10440] =	vst v63  }
0x32: {  	s14 =	simm.s32 $0x600  }
0x33: {  	[tilespmem:s17], [sflag:$0x2] =	stream.indirect.gather [hbm4b:s5+s21], $0x20, s14, s21, $0xb8;
	[tilespmem:$0x10440] =	vst v63  }
0x34: {  	s14 =	simm.s32 $0x700  }
0x35: {  	[tilespmem:s19], [sflag:$0x2] =	stream.indirect.gather [hbm4b:s5+s21], $0x20, s14, s21, $0xb8;
	[tilespmem:$0x10440] =	vst v63  }
0x36: {  	s14 =	simm.s32 $0x800  }
0x37: {  	[tilespmem:s25], [sflag:$0x2] =	stream.indirect.gather [hbm4b:s5+s21], $0x20, s14, s21, $0xb8;
	[tilespmem:$0x10440] =	vst v63  }
0x38: {  	s14 =	simm.s32 $0x900  }
0x39: {  	[tilespmem:s30], [sflag:$0x2] =	stream.indirect.gather [hbm4b:s5+s21], $0x20, s14, s21, $0xb8;
	[tilespmem:$0x10440] =	vst v63  }
0x3a: {  	s14 =	simm.s32 $0xA00  }
0x3b: {  	[tilespmem:s15], [sflag:$0x2] =	stream.indirect.gather [hbm4b:s5+s21], $0x20, s14, s21, $0xb8;
	[tilespmem:$0x10440] =	vst v63  }
0x3c: {  	s14 =	simm.s32 $0xB00  }
0x3d: {  	[tilespmem:s23], [sflag:$0x2] =	stream.indirect.gather [hbm4b:s5+s21], $0x20, s14, s21, $0xb8;
	[tilespmem:$0x10440] =	vst v63  }
0x3e: {  	s14 =	simm.s32 $0xC00  }
0x3f: {  	[tilespmem:s0], [sflag:$0x2] =	stream.indirect.gather [hbm4b:s5+s21], $0x20, s14, s21, $0xb8;
	[tilespmem:$0x10440] =	vst v63  }
0x40: {  	s14 =	simm.s32 $0xD00  }
0x41: {  	[tilespmem:s28], [sflag:$0x2] =	stream.indirect.gather [hbm4b:s5+s21], $0x20, s14, s21, $0xb8;
	[tilespmem:$0x10440] =	vst v63  }
0x42: {  	s14 =	simm.s32 $0xE00  }
0x43: {  	[tilespmem:s18], [sflag:$0x2] =	stream.indirect.gather [hbm4b:s5+s21], $0x20, s14, s21, $0xb8;
	[tilespmem:$0x10440] =	vst v63  }
0x44: {  	s14 =	simm.s32 $0xF00  }
0x45: {  	[tilespmem:s16], [sflag:$0x2] =	stream.indirect.gather [hbm4b:s5+s21], $0x20, s14, s21, $0xb8;
	[tilespmem:$0x10440] =	vst v63  }
0x46: {  	_ =	swait.ge [sflag:s20], $0x1000  }
0x47: {  	[sflag:s20] =	ssyncset.done $0x0  }
0x48: {  	[sflag:s20] =	ssyncadd.s32 $0xFFFFF000  }
0x49: {  	_ =	swait.ge [sflag:s20], $0x10  }
0x4a: {  	[sflag:s20] =	ssyncset.done $0x0  }
0x4b: {  	s14 =	simm.s32 $0x8000;
	[sflag:s20] =	ssyncadd.s32 $0xFFFFFFF0  }
0x4c: {  	[tilespmem:s14], [sflag:$0x3] =	stream.indirect.gather [hbm4b:s5+s21], $0x20, s11, s21, $0xb8;
	[tilespmem:$0x10440] =	vst v63  }
0x4d: {  	s11 =	simm.s32 $0x1100;
	s14 =	simm.s32 $0x8400  }
0x4e: {  	[tilespmem:s14], [sflag:$0x3] =	stream.indirect.gather [hbm4b:s5+s21], $0x20, s11, s21, $0xb8;
	[tilespmem:$0x10440] =	vst v63  }
0x4f: {  	s11 =	simm.s32 $0x1200;
	s14 =	simm.s32 $0x8800  }
0x50: {  	[tilespmem:s14], [sflag:$0x3] =	stream.indirect.gather [hbm4b:s5+s21], $0x20, s11, s21, $0xb8;
	[tilespmem:$0x10440] =	vst v63  }
0x51: {  	s11 =	simm.s32 $0x1300;
	s14 =	simm.s32 $0x8C00  }
0x52: {  	[tilespmem:s14], [sflag:$0x3] =	stream.indirect.gather [hbm4b:s5+s21], $0x20, s11, s21, $0xb8;
	[tilespmem:$0x10440] =	vst v63  }
0x53: {  	s11 =	simm.s32 $0x1400;
	s14 =	simm.s32 $0x9000  }
0x54: {  	[tilespmem:s14], [sflag:$0x3] =	stream.indirect.gather [hbm4b:s5+s21], $0x20, s11, s21, $0xb8;
	[tilespmem:$0x10440] =	vst v63  }
0x55: {  	s11 =	simm.s32 $0x1500;
	s14 =	simm.s32 $0x9400  }
0x56: {  	[tilespmem:s14], [sflag:$0x3] =	stream.indirect.gather [hbm4b:s5+s21], $0x20, s11, s21, $0xb8;
	[tilespmem:$0x10440] =	vst v63  }
0x57: {  	s11 =	simm.s32 $0x1600;
	s14 =	simm.s32 $0x9800  }
0x58: {  	[tilespmem:s14], [sflag:$0x3] =	stream.indirect.gather [hbm4b:s5+s21], $0x20, s11, s21, $0xb8;
	[tilespmem:$0x10440] =	vst v63  }
0x59: {  	s11 =	simm.s32 $0x1700;
	s14 =	simm.s32 $0x9C00  }
0x5a: {  	[tilespmem:s14], [sflag:$0x3] =	stream.indirect.gather [hbm4b:s5+s21], $0x20, s11, s21, $0xb8;
	[tilespmem:$0x10440] =	vst v63  }
0x5b: {  	s11 =	simm.s32 $0x1800;
	s14 =	simm.s32 $0xA000  }
0x5c: {  	[tilespmem:s14], [sflag:$0x3] =	stream.indirect.gather [hbm4b:s5+s21], $0x20, s11, s21, $0xb8;
	[tilespmem:$0x10440] =	vst v63  }
0x5d: {  	s11 =	simm.s32 $0x1900;
	s14 =	simm.s32 $0xA400  }
0x5e: {  	[tilespmem:s14], [sflag:$0x3] =	stream.indirect.gather [hbm4b:s5+s21], $0x20, s11, s21, $0xb8;
	[tilespmem:$0x10440] =	vst v63  }
0x5f: {  	s11 =	simm.s32 $0x1A00;
	s14 =	simm.s32 $0xA800  }
0x60: {  	[tilespmem:s14], [sflag:$0x3] =	stream.indirect.gather [hbm4b:s5+s21], $0x20, s11, s21, $0xb8;
	[tilespmem:$0x10440] =	vst v63  }
0x61: {  	s11 =	simm.s32 $0x1B00;
	s14 =	simm.s32 $0xAC00  }
0x62: {  	[tilespmem:s14], [sflag:$0x3] =	stream.indirect.gather [hbm4b:s5+s21], $0x20, s11, s21, $0xb8;
	[tilespmem:$0x10440] =	vst v63  }
0x63: {  	s11 =	simm.s32 $0x1C00;
	s14 =	simm.s32 $0xB000  }
0x64: {  	[tilespmem:s14], [sflag:$0x3] =	stream.indirect.gather [hbm4b:s5+s21], $0x20, s11, s21, $0xb8;
	[tilespmem:$0x10440] =	vst v63  }
0x65: {  	s11 =	simm.s32 $0x1D00;
	s14 =	simm.s32 $0xB400  }
0x66: {  	[tilespmem:s14], [sflag:$0x3] =	stream.indirect.gather [hbm4b:s5+s21], $0x20, s11, s21, $0xb8;
	[tilespmem:$0x10440] =	vst v63  }
0x67: {  	s11 =	simm.s32 $0x1E00;
	s14 =	simm.s32 $0xB800  }
0x68: {  	[tilespmem:s14], [sflag:$0x3] =	stream.indirect.gather [hbm4b:s5+s21], $0x20, s11, s21, $0xb8;
	[tilespmem:$0x10440] =	vst v63  }
0x69: {  	s11 =	simm.s32 $0x1F00;
	s14 =	simm.s32 $0xBC00  }
0x6a: {  	[tilespmem:s14], [sflag:$0x3] =	stream.indirect.gather [hbm4b:s5+s21], $0x20, s11, s21, $0xb8;
	[tilespmem:$0x10440] =	vst v63  }
0x6b: {  	_ =	swait.ge [sflag:s7], $0x400  }
0x6c: {  	[sflag:s7] =	ssyncset.done $0x0  }
0x6d: {  	[sflag:s7] =	ssyncadd.s32 $0xFFFFFC00  }
0x6e: {  	_ =	swait.ge [sflag:s7], $0x400  }
0x6f: {  	[sflag:s7] =	ssyncset.done $0x0  }
0x70: {  	[sflag:s7] =	ssyncadd.s32 $0xFFFFFC00  }
0x71: {  	_ =	swait.ge [sflag:s7], $0x400  }
0x72: {  	[sflag:s7] =	ssyncset.done $0x0  }
0x73: {  	[sflag:s7] =	ssyncadd.s32 $0xFFFFFC00  }
0x74: {  	_ =	swait.ge [sflag:s7], $0x400  }
0x75: {  	[sflag:s7] =	ssyncset.done $0x0  }
0x76: {  	[sflag:s7] =	ssyncadd.s32 $0xFFFFFC00  }
0x77: {  	_ =	swait.ge [sflag:s7], $0x400  }
0x78: {  	[sflag:s7] =	ssyncset.done $0x0  }
0x79: {  	[sflag:s7] =	ssyncadd.s32 $0xFFFFFC00  }
0x7a: {  	_ =	swait.ge [sflag:s7], $0x400  }
0x7b: {  	[sflag:s7] =	ssyncset.done $0x0  }
0x7c: {  	[sflag:s7] =	ssyncadd.s32 $0xFFFFFC00  }
0x7d: {  	_ =	swait.ge [sflag:s7], $0x400  }
0x7e: {  	[sflag:s7] =	ssyncset.done $0x0  }
0x7f: {  	[sflag:s7] =	ssyncadd.s32 $0xFFFFFC00  }
0x80: {  	_ =	swait.ge [sflag:s7], $0x400  }
0x81: {  	[sflag:s7] =	ssyncset.done $0x0  }
0x82: {  	[sflag:s7] =	ssyncadd.s32 $0xFFFFFC00  }
0x83: {  	_ =	swait.ge [sflag:s7], $0x400  }
0x84: {  	[sflag:s7] =	ssyncset.done $0x0  }
0x85: {  	[sflag:s7] =	ssyncadd.s32 $0xFFFFFC00  }
0x86: {  	_ =	swait.ge [sflag:s7], $0x400  }
0x87: {  	[sflag:s7] =	ssyncset.done $0x0  }
0x88: {  	[sflag:s7] =	ssyncadd.s32 $0xFFFFFC00  }
0x89: {  	_ =	swait.ge [sflag:s7], $0x400  }
0x8a: {  	[sflag:s7] =	ssyncset.done $0x0  }
0x8b: {  	[sflag:s7] =	ssyncadd.s32 $0xFFFFFC00  }
0x8c: {  	_ =	swait.ge [sflag:s7], $0x400  }
0x8d: {  	[sflag:s7] =	ssyncset.done $0x0  }
0x8e: {  	[sflag:s7] =	ssyncadd.s32 $0xFFFFFC00  }
0x8f: {  	_ =	swait.ge [sflag:s7], $0x400  }
0x90: {  	[sflag:s7] =	ssyncset.done $0x0  }
0x91: {  	[sflag:s7] =	ssyncadd.s32 $0xFFFFFC00  }
0x92: {  	_ =	swait.ge [sflag:s7], $0x400  }
0x93: {  	[sflag:s7] =	ssyncset.done $0x0  }
0x94: {  	[sflag:s7] =	ssyncadd.s32 $0xFFFFFC00  }
0x95: {  	_ =	swait.ge [sflag:s7], $0x400  }
0x96: {  	[sflag:s7] =	ssyncset.done $0x0  }
0x97: {  	[sflag:s7] =	ssyncadd.s32 $0xFFFFFC00  }
0x98: {  	_ =	swait.ge [sflag:s7], $0x400  }
0x99: {  	[sflag:s7] =	ssyncset.done $0x0  }
0x9a: {  	[sflag:s7] =	ssyncadd.s32 $0xFFFFFC00  }
0x9b: {  	[tilespmem:s2], [sflag:$0x4] =	stream.indirect.gather.add.f32 [hbm:s5], $0x20, s21, s21, $0xb8;
	[tilespmem:$0x10440] =	vst v63  }
0x9c: {  	s14 =	simm.s32 $0x40  }
0x9d: {  	[tilespmem:s2], [sflag:$0x4] =	stream.indirect.gather.add.f32 [hbm:s5], $0x20, s14, s21, $0xb8;
	[tilespmem:$0x10440] =	vst v63  }
0x9e: {  	s14 =	simm.s32 $0x60  }
0x9f: {  	[tilespmem:s2], [sflag:$0x4] =	stream.indirect.gather.add.f32 [hbm:s5], $0x20, s14, s21, $0xb8;
	[tilespmem:$0x10440] =	vst v63  }
0xa0: {  	s14 =	simm.s32 $0x80  }
0xa1: {  	[tilespmem:s2], [sflag:$0x4] =	stream.indirect.gather.add.f32 [hbm:s5], $0x20, s14, s21, $0xb8;
	[tilespmem:$0x10440] =	vst v63  }
0xa2: {  	s14 =	simm.s32 $0xA0  }
0xa3: {  	[tilespmem:s2], [sflag:$0x4] =	stream.indirect.gather.add.f32 [hbm:s5], $0x20, s14, s21, $0xb8;
	[tilespmem:$0x10440] =	vst v63  }
0xa4: {  	s14 =	simm.s32 $0xC0  }
0xa5: {  	[tilespmem:s2], [sflag:$0x4] =	stream.indirect.gather.add.f32 [hbm:s5], $0x20, s14, s21, $0xb8;
	[tilespmem:$0x10440] =	vst v63  }
0xa6: {  	s11 =	simm.s32 $0x120  }
0xa7: {  	[tilespmem:s22], [sflag:$0x4] =	stream.indirect.gather.add.f32 [hbm:s5], $0x20, s11, s21, $0xb8;
	[tilespmem:$0x10440] =	vst v63  }
0xa8: {  	s14 =	simm.s32 $0x140  }
0xa9: {  	[tilespmem:s22], [sflag:$0x4] =	stream.indirect.gather.add.f32 [hbm:s5], $0x20, s14, s21, $0xb8;
	[tilespmem:$0x10440] =	vst v63  }
0xaa: {  	s11 =	simm.s32 $0x160  }
0xab: {  	[tilespmem:s22], [sflag:$0x4] =	stream.indirect.gather.add.f32 [hbm:s5], $0x20, s11, s21, $0xb8;
	[tilespmem:$0x10440] =	vst v63  }
0xac: {  	s14 =	simm.s32 $0x180  }
0xad: {  	[tilespmem:s22], [sflag:$0x4] =	stream.indirect.gather.add.f32 [hbm:s5], $0x20, s14, s21, $0xb8;
	[tilespmem:$0x10440] =	vst v63  }
0xae: {  	s11 =	simm.s32 $0x1A0  }
0xaf: {  	[tilespmem:s22], [sflag:$0x4] =	stream.indirect.gather.add.f32 [hbm:s5], $0x20, s11, s21, $0xb8;
	[tilespmem:$0x10440] =	vst v63  }
0xb0: {  	s14 =	simm.s32 $0x1C0  }
0xb1: {  	[tilespmem:s22], [sflag:$0x4] =	stream.indirect.gather.add.f32 [hbm:s5], $0x20, s14, s21, $0xb8;
	[tilespmem:$0x10440] =	vst v63  }
0xb2: {  	s11 =	simm.s32 $0x220  }
0xb3: {  	[tilespmem:s24], [sflag:$0x4] =	stream.indirect.gather.add.f32 [hbm:s5], $0x20, s11, s21, $0xb8;
	[tilespmem:$0x10440] =	vst v63  }
0xb4: {  	s14 =	simm.s32 $0x240  }
0xb5: {  	[tilespmem:s24], [sflag:$0x4] =	stream.indirect.gather.add.f32 [hbm:s5], $0x20, s14, s21, $0xb8;
	[tilespmem:$0x10440] =	vst v63  }
0xb6: {  	s22 =	simm.s32 $0x260  }
0xb7: {  	[tilespmem:s24], [sflag:$0x4] =	stream.indirect.gather.add.f32 [hbm:s5], $0x20, s22, s21, $0xb8;
	[tilespmem:$0x10440] =	vst v63  }
0xb8: {  	s11 =	simm.s32 $0x280  }
0xb9: {  	[tilespmem:s24], [sflag:$0x4] =	stream.indirect.gather.add.f32 [hbm:s5], $0x20, s11, s21, $0xb8;
	[tilespmem:$0x10440] =	vst v63  }
0xba: {  	s14 =	simm.s32 $0x2A0  }
0xbb: {  	[tilespmem:s24], [sflag:$0x4] =	stream.indirect.gather.add.f32 [hbm:s5], $0x20, s14, s21, $0xb8;
	[tilespmem:$0x10440] =	vst v63  }
0xbc: {  	s22 =	simm.s32 $0x2C0  }
0xbd: {  	[tilespmem:s24], [sflag:$0x4] =	stream.indirect.gather.add.f32 [hbm:s5], $0x20, s22, s21, $0xb8;
	[tilespmem:$0x10440] =	vst v63  }
0xbe: {  	s11 =	simm.s32 $0x320  }
0xbf: {  	[tilespmem:s26], [sflag:$0x4] =	stream.indirect.gather.add.f32 [hbm:s5], $0x20, s11, s21, $0xb8;
	[tilespmem:$0x10440] =	vst v63  }
0xc0: {  	s14 =	simm.s32 $0x340  }
0xc1: {  	[tilespmem:s26], [sflag:$0x4] =	stream.indirect.gather.add.f32 [hbm:s5], $0x20, s14, s21, $0xb8;
	[tilespmem:$0x10440] =	vst v63  }
0xc2: {  	s22 =	simm.s32 $0x360  }
0xc3: {  	[tilespmem:s26], [sflag:$0x4] =	stream.indirect.gather.add.f32 [hbm:s5], $0x20, s22, s21, $0xb8;
	[tilespmem:$0x10440] =	vst v63  }
0xc4: {  	s24 =	simm.s32 $0x380  }
0xc5: {  	[tilespmem:s26], [sflag:$0x4] =	stream.indirect.gather.add.f32 [hbm:s5], $0x20, s24, s21, $0xb8;
	[tilespmem:$0x10440] =	vst v63  }
0xc6: {  	s11 =	simm.s32 $0x3A0  }
0xc7: {  	[tilespmem:s26], [sflag:$0x4] =	stream.indirect.gather.add.f32 [hbm:s5], $0x20, s11, s21, $0xb8;
	[tilespmem:$0x10440] =	vst v63  }
0xc8: {  	s14 =	simm.s32 $0x3C0  }
0xc9: {  	[tilespmem:s26], [sflag:$0x4] =	stream.indirect.gather.add.f32 [hbm:s5], $0x20, s14, s21, $0xb8;
	[tilespmem:$0x10440] =	vst v63  }
0xca: {  	s22 =	simm.s32 $0x420  }
0xcb: {  	[tilespmem:s29], [sflag:$0x4] =	stream.indirect.gather.add.f32 [hbm:s5], $0x20, s22, s21, $0xb8;
	[tilespmem:$0x10440] =	vst v63  }
0xcc: {  	s24 =	simm.s32 $0x440  }
0xcd: {  	[tilespmem:s29], [sflag:$0x4] =	stream.indirect.gather.add.f32 [hbm:s5], $0x20, s24, s21, $0xb8;
	[tilespmem:$0x10440] =	vst v63  }
0xce: {  	s26 =	simm.s32 $0x460  }
0xcf: {  	[tilespmem:s29], [sflag:$0x4] =	stream.indirect.gather.add.f32 [hbm:s5], $0x20, s26, s21, $0xb8;
	[tilespmem:$0x10440] =	vst v63  }
0xd0: {  	s11 =	simm.s32 $0x480  }
0xd1: {  	[tilespmem:s29], [sflag:$0x4] =	stream.indirect.gather.add.f32 [hbm:s5], $0x20, s11, s21, $0xb8;
	[tilespmem:$0x10440] =	vst v63  }
0xd2: {  	s14 =	simm.s32 $0x4A0  }
0xd3: {  	[tilespmem:s29], [sflag:$0x4] =	stream.indirect.gather.add.f32 [hbm:s5], $0x20, s14, s21, $0xb8;
	[tilespmem:$0x10440] =	vst v63  }
0xd4: {  	s22 =	simm.s32 $0x4C0  }
0xd5: {  	[tilespmem:s29], [sflag:$0x4] =	stream.indirect.gather.add.f32 [hbm:s5], $0x20, s22, s21, $0xb8;
	[tilespmem:$0x10440] =	vst v63  }
0xd6: {  	s24 =	simm.s32 $0x520  }
0xd7: {  	[tilespmem:s31], [sflag:$0x4] =	stream.indirect.gather.add.f32 [hbm:s5], $0x20, s24, s21, $0xb8;
	[tilespmem:$0x10440] =	vst v63  }
0xd8: {  	s26 =	simm.s32 $0x540  }
0xd9: {  	[tilespmem:s31], [sflag:$0x4] =	stream.indirect.gather.add.f32 [hbm:s5], $0x20, s26, s21, $0xb8;
	[tilespmem:$0x10440] =	vst v63  }
0xda: {  	s29 =	simm.s32 $0x560  }
0xdb: {  	[tilespmem:s31], [sflag:$0x4] =	stream.indirect.gather.add.f32 [hbm:s5], $0x20, s29, s21, $0xb8;
	[tilespmem:$0x10440] =	vst v63  }
0xdc: {  	s11 =	simm.s32 $0x580  }
0xdd: {  	[tilespmem:s31], [sflag:$0x4] =	stream.indirect.gather.add.f32 [hbm:s5], $0x20, s11, s21, $0xb8;
	[tilespmem:$0x10440] =	vst v63  }
0xde: {  	s14 =	simm.s32 $0x5A0  }
0xdf: {  	[tilespmem:s31], [sflag:$0x4] =	stream.indirect.gather.add.f32 [hbm:s5], $0x20, s14, s21, $0xb8;
	[tilespmem:$0x10440] =	vst v63  }
0xe0: {  	s22 =	simm.s32 $0x5C0  }
0xe1: {  	[tilespmem:s31], [sflag:$0x4] =	stream.indirect.gather.add.f32 [hbm:s5], $0x20, s22, s21, $0xb8;
	[tilespmem:$0x10440] =	vst v63  }
0xe2: {  	s24 =	simm.s32 $0x620  }
0xe3: {  	[tilespmem:s17], [sflag:$0x4] =	stream.indirect.gather.add.f32 [hbm:s5], $0x20, s24, s21, $0xb8;
	[tilespmem:$0x10440] =	vst v63  }
0xe4: {  	s26 =	simm.s32 $0x640  }
0xe5: {  	[tilespmem:s17], [sflag:$0x4] =	stream.indirect.gather.add.f32 [hbm:s5], $0x20, s26, s21, $0xb8;
	[tilespmem:$0x10440] =	vst v63  }
0xe6: {  	s29 =	simm.s32 $0x660  }
0xe7: {  	[tilespmem:s17], [sflag:$0x4] =	stream.indirect.gather.add.f32 [hbm:s5], $0x20, s29, s21, $0xb8;
	[tilespmem:$0x10440] =	vst v63  }
0xe8: {  	s31 =	simm.s32 $0x680  }
0xe9: {  	[tilespmem:s17], [sflag:$0x4] =	stream.indirect.gather.add.f32 [hbm:s5], $0x20, s31, s21, $0xb8;
	[tilespmem:$0x10440] =	vst v63  }
0xea: {  	s11 =	simm.s32 $0x6A0  }
0xeb: {  	[tilespmem:s17], [sflag:$0x4] =	stream.indirect.gather.add.f32 [hbm:s5], $0x20, s11, s21, $0xb8;
	[tilespmem:$0x10440] =	vst v63  }
0xec: {  	s14 =	simm.s32 $0x6C0  }
0xed: {  	[tilespmem:s17], [sflag:$0x4] =	stream.indirect.gather.add.f32 [hbm:s5], $0x20, s14, s21, $0xb8;
	[tilespmem:$0x10440] =	vst v63  }
0xee: {  	s22 =	simm.s32 $0x720  }
0xef: {  	[tilespmem:s19], [sflag:$0x4] =	stream.indirect.gather.add.f32 [hbm:s5], $0x20, s22, s21, $0xb8;
	[tilespmem:$0x10440] =	vst v63  }
0xf0: {  	s24 =	simm.s32 $0x740  }
0xf1: {  	[tilespmem:s19], [sflag:$0x4] =	stream.indirect.gather.add.f32 [hbm:s5], $0x20, s24, s21, $0xb8;
	[tilespmem:$0x10440] =	vst v63  }
0xf2: {  	s26 =	simm.s32 $0x760  }
0xf3: {  	[tilespmem:s19], [sflag:$0x4] =	stream.indirect.gather.add.f32 [hbm:s5], $0x20, s26, s21, $0xb8;
	[tilespmem:$0x10440] =	vst v63  }
0xf4: {  	s29 =	simm.s32 $0x780  }
0xf5: {  	[tilespmem:s19], [sflag:$0x4] =	stream.indirect.gather.add.f32 [hbm:s5], $0x20, s29, s21, $0xb8;
	[tilespmem:$0x10440] =	vst v63  }
0xf6: {  	s31 =	simm.s32 $0x7A0  }
0xf7: {  	[tilespmem:s19], [sflag:$0x4] =	stream.indirect.gather.add.f32 [hbm:s5], $0x20, s31, s21, $0xb8;
	[tilespmem:$0x10440] =	vst v63  }
0xf8: {  	s11 =	simm.s32 $0x7C0  }
0xf9: {  	[tilespmem:s19], [sflag:$0x4] =	stream.indirect.gather.add.f32 [hbm:s5], $0x20, s11, s21, $0xb8;
	[tilespmem:$0x10440] =	vst v63  }
0xfa: {  	s14 =	simm.s32 $0x820  }
0xfb: {  	[tilespmem:s25], [sflag:$0x4] =	stream.indirect.gather.add.f32 [hbm:s5], $0x20, s14, s21, $0xb8;
	[tilespmem:$0x10440] =	vst v63  }
0xfc: {  	s22 =	simm.s32 $0x840  }
0xfd: {  	[tilespmem:s25], [sflag:$0x4] =	stream.indirect.gather.add.f32 [hbm:s5], $0x20, s22, s21, $0xb8;
	[tilespmem:$0x10440] =	vst v63  }
0xfe: {  	s24 =	simm.s32 $0x860  }
0xff: {  	[tilespmem:s25], [sflag:$0x4] =	stream.indirect.gather.add.f32 [hbm:s5], $0x20, s24, s21, $0xb8;
	[tilespmem:$0x10440] =	vst v63  }
0x100: {  	s26 =	simm.s32 $0x880  }
0x101: {  	[tilespmem:s25], [sflag:$0x4] =	stream.indirect.gather.add.f32 [hbm:s5], $0x20, s26, s21, $0xb8;
	[tilespmem:$0x10440] =	vst v63  }
0x102: {  	s29 =	simm.s32 $0x8A0  }
0x103: {  	[tilespmem:s25], [sflag:$0x4] =	stream.indirect.gather.add.f32 [hbm:s5], $0x20, s29, s21, $0xb8;
	[tilespmem:$0x10440] =	vst v63  }
0x104: {  	s31 =	simm.s32 $0x8C0  }
0x105: {  	[tilespmem:s25], [sflag:$0x4] =	stream.indirect.gather.add.f32 [hbm:s5], $0x20, s31, s21, $0xb8;
	[tilespmem:$0x10440] =	vst v63  }
0x106: {  	s11 =	simm.s32 $0x920  }
0x107: {  	[tilespmem:s30], [sflag:$0x4] =	stream.indirect.gather.add.f32 [hbm:s5], $0x20, s11, s21, $0xb8;
	[tilespmem:$0x10440] =	vst v63  }
0x108: {  	s14 =	simm.s32 $0x940  }
0x109: {  	[tilespmem:s30], [sflag:$0x4] =	stream.indirect.gather.add.f32 [hbm:s5], $0x20, s14, s21, $0xb8;
	[tilespmem:$0x10440] =	vst v63  }
0x10a: {  	s22 =	simm.s32 $0x960  }
0x10b: {  	[tilespmem:s30], [sflag:$0x4] =	stream.indirect.gather.add.f32 [hbm:s5], $0x20, s22, s21, $0xb8;
	[tilespmem:$0x10440] =	vst v63  }
0x10c: {  	s24 =	simm.s32 $0x980  }
0x10d: {  	[tilespmem:s30], [sflag:$0x4] =	stream.indirect.gather.add.f32 [hbm:s5], $0x20, s24, s21, $0xb8;
	[tilespmem:$0x10440] =	vst v63  }
0x10e: {  	s26 =	simm.s32 $0x9A0  }
0x10f: {  	[tilespmem:s30], [sflag:$0x4] =	stream.indirect.gather.add.f32 [hbm:s5], $0x20, s26, s21, $0xb8;
	[tilespmem:$0x10440] =	vst v63  }
0x110: {  	s29 =	simm.s32 $0x9C0  }
0x111: {  	[tilespmem:s30], [sflag:$0x4] =	stream.indirect.gather.add.f32 [hbm:s5], $0x20, s29, s21, $0xb8;
	[tilespmem:$0x10440] =	vst v63  }
0x112: {  	s31 =	simm.s32 $0xA20  }
0x113: {  	[tilespmem:s15], [sflag:$0x4] =	stream.indirect.gather.add.f32 [hbm:s5], $0x20, s31, s21, $0xb8;
	[tilespmem:$0x10440] =	vst v63  }
0x114: {  	s11 =	simm.s32 $0xA40  }
0x115: {  	[tilespmem:s15], [sflag:$0x4] =	stream.indirect.gather.add.f32 [hbm:s5], $0x20, s11, s21, $0xb8;
	[tilespmem:$0x10440] =	vst v63  }
0x116: {  	s14 =	simm.s32 $0xA60  }
0x117: {  	[tilespmem:s15], [sflag:$0x4] =	stream.indirect.gather.add.f32 [hbm:s5], $0x20, s14, s21, $0xb8;
	[tilespmem:$0x10440] =	vst v63  }
0x118: {  	s22 =	simm.s32 $0xA80  }
0x119: {  	[tilespmem:s15], [sflag:$0x4] =	stream.indirect.gather.add.f32 [hbm:s5], $0x20, s22, s21, $0xb8;
	[tilespmem:$0x10440] =	vst v63  }
0x11a: {  	s24 =	simm.s32 $0xAA0  }
0x11b: {  	[tilespmem:s15], [sflag:$0x4] =	stream.indirect.gather.add.f32 [hbm:s5], $0x20, s24, s21, $0xb8;
	[tilespmem:$0x10440] =	vst v63  }
0x11c: {  	s26 =	simm.s32 $0xAC0  }
0x11d: {  	[tilespmem:s15], [sflag:$0x4] =	stream.indirect.gather.add.f32 [hbm:s5], $0x20, s26, s21, $0xb8;
	[tilespmem:$0x10440] =	vst v63  }
0x11e: {  	s29 =	simm.s32 $0xB20  }
0x11f: {  	[tilespmem:s23], [sflag:$0x4] =	stream.indirect.gather.add.f32 [hbm:s5], $0x20, s29, s21, $0xb8;
	[tilespmem:$0x10440] =	vst v63  }
0x120: {  	s31 =	simm.s32 $0xB40  }
0x121: {  	[tilespmem:s23], [sflag:$0x4] =	stream.indirect.gather.add.f32 [hbm:s5], $0x20, s31, s21, $0xb8;
	[tilespmem:$0x10440] =	vst v63  }
0x122: {  	s11 =	simm.s32 $0xB60  }
0x123: {  	[tilespmem:s23], [sflag:$0x4] =	stream.indirect.gather.add.f32 [hbm:s5], $0x20, s11, s21, $0xb8;
	[tilespmem:$0x10440] =	vst v63  }
0x124: {  	s14 =	simm.s32 $0xB80  }
0x125: {  	[tilespmem:s23], [sflag:$0x4] =	stream.indirect.gather.add.f32 [hbm:s5], $0x20, s14, s21, $0xb8;
	[tilespmem:$0x10440] =	vst v63  }
0x126: {  	s22 =	simm.s32 $0xBA0  }
0x127: {  	[tilespmem:s23], [sflag:$0x4] =	stream.indirect.gather.add.f32 [hbm:s5], $0x20, s22, s21, $0xb8;
	[tilespmem:$0x10440] =	vst v63  }
0x128: {  	s24 =	simm.s32 $0xBC0  }
0x129: {  	[tilespmem:s23], [sflag:$0x4] =	stream.indirect.gather.add.f32 [hbm:s5], $0x20, s24, s21, $0xb8;
	[tilespmem:$0x10440] =	vst v63  }
0x12a: {  	s26 =	simm.s32 $0xC20  }
0x12b: {  	[tilespmem:s0], [sflag:$0x4] =	stream.indirect.gather.add.f32 [hbm:s5], $0x20, s26, s21, $0xb8;
	[tilespmem:$0x10440] =	vst v63  }
0x12c: {  	s29 =	simm.s32 $0xC40  }
0x12d: {  	[tilespmem:s0], [sflag:$0x4] =	stream.indirect.gather.add.f32 [hbm:s5], $0x20, s29, s21, $0xb8;
	[tilespmem:$0x10440] =	vst v63  }
0x12e: {  	s31 =	simm.s32 $0xC60  }
0x12f: {  	[tilespmem:s0], [sflag:$0x4] =	stream.indirect.gather.add.f32 [hbm:s5], $0x20, s31, s21, $0xb8;
	[tilespmem:$0x10440] =	vst v63  }
0x130: {  	s11 =	simm.s32 $0xC80  }
0x131: {  	[tilespmem:s0], [sflag:$0x4] =	stream.indirect.gather.add.f32 [hbm:s5], $0x20, s11, s21, $0xb8;
	[tilespmem:$0x10440] =	vst v63  }
0x132: {  	s14 =	simm.s32 $0xCA0  }
0x133: {  	[tilespmem:s0], [sflag:$0x4] =	stream.indirect.gather.add.f32 [hbm:s5], $0x20, s14, s21, $0xb8;
	[tilespmem:$0x10440] =	vst v63  }
0x134: {  	s22 =	simm.s32 $0xCC0  }
0x135: {  	[tilespmem:s0], [sflag:$0x4] =	stream.indirect.gather.add.f32 [hbm:s5], $0x20, s22, s21, $0xb8;
	[tilespmem:$0x10440] =	vst v63  }
0x136: {  	s24 =	simm.s32 $0xD20  }
0x137: {  	[tilespmem:s28], [sflag:$0x4] =	stream.indirect.gather.add.f32 [hbm:s5], $0x20, s24, s21, $0xb8;
	[tilespmem:$0x10440] =	vst v63  }
0x138: {  	s26 =	simm.s32 $0xD40  }
0x139: {  	[tilespmem:s28], [sflag:$0x4] =	stream.indirect.gather.add.f32 [hbm:s5], $0x20, s26, s21, $0xb8;
	[tilespmem:$0x10440] =	vst v63  }
0x13a: {  	s29 =	simm.s32 $0xD60  }
0x13b: {  	[tilespmem:s28], [sflag:$0x4] =	stream.indirect.gather.add.f32 [hbm:s5], $0x20, s29, s21, $0xb8;
	[tilespmem:$0x10440] =	vst v63  }
0x13c: {  	s31 =	simm.s32 $0xD80  }
0x13d: {  	[tilespmem:s28], [sflag:$0x4] =	stream.indirect.gather.add.f32 [hbm:s5], $0x20, s31, s21, $0xb8;
	[tilespmem:$0x10440] =	vst v63  }
0x13e: {  	s11 =	simm.s32 $0xDA0  }
0x13f: {  	[tilespmem:s28], [sflag:$0x4] =	stream.indirect.gather.add.f32 [hbm:s5], $0x20, s11, s21, $0xb8;
	[tilespmem:$0x10440] =	vst v63  }
0x140: {  	s14 =	simm.s32 $0xDC0  }
0x141: {  	[tilespmem:s28], [sflag:$0x4] =	stream.indirect.gather.add.f32 [hbm:s5], $0x20, s14, s21, $0xb8;
	[tilespmem:$0x10440] =	vst v63  }
0x142: {  	s22 =	simm.s32 $0xE20  }
0x143: {  	[tilespmem:s18], [sflag:$0x4] =	stream.indirect.gather.add.f32 [hbm:s5], $0x20, s22, s21, $0xb8;
	[tilespmem:$0x10440] =	vst v63  }
0x144: {  	s24 =	simm.s32 $0xE40  }
0x145: {  	[tilespmem:s18], [sflag:$0x4] =	stream.indirect.gather.add.f32 [hbm:s5], $0x20, s24, s21, $0xb8;
	[tilespmem:$0x10440] =	vst v63  }
0x146: {  	s26 =	simm.s32 $0xE60  }
0x147: {  	[tilespmem:s18], [sflag:$0x4] =	stream.indirect.gather.add.f32 [hbm:s5], $0x20, s26, s21, $0xb8;
	[tilespmem:$0x10440] =	vst v63  }
0x148: {  	s29 =	simm.s32 $0xE80  }
0x149: {  	[tilespmem:s18], [sflag:$0x4] =	stream.indirect.gather.add.f32 [hbm:s5], $0x20, s29, s21, $0xb8;
	[tilespmem:$0x10440] =	vst v63  }
0x14a: {  	s31 =	simm.s32 $0xEA0  }
0x14b: {  	[tilespmem:s18], [sflag:$0x4] =	stream.indirect.gather.add.f32 [hbm:s5], $0x20, s31, s21, $0xb8;
	[tilespmem:$0x10440] =	vst v63  }
0x14c: {  	s11 =	simm.s32 $0xEC0  }
0x14d: {  	[tilespmem:s18], [sflag:$0x4] =	stream.indirect.gather.add.f32 [hbm:s5], $0x20, s11, s21, $0xb8;
	[tilespmem:$0x10440] =	vst v63  }
0x14e: {  	s14 =	simm.s32 $0xF20  }
0x14f: {  	[tilespmem:s16], [sflag:$0x4] =	stream.indirect.gather.add.f32 [hbm:s5], $0x20, s14, s21, $0xb8;
	[tilespmem:$0x10440] =	vst v63  }
0x150: {  	s22 =	simm.s32 $0xF40  }
0x151: {  	[tilespmem:s16], [sflag:$0x4] =	stream.indirect.gather.add.f32 [hbm:s5], $0x20, s22, s21, $0xb8;
	[tilespmem:$0x10440] =	vst v63  }
0x152: {  	s24 =	simm.s32 $0xF60  }
0x153: {  	[tilespmem:s16], [sflag:$0x4] =	stream.indirect.gather.add.f32 [hbm:s5], $0x20, s24, s21, $0xb8;
	[tilespmem:$0x10440] =	vst v63  }
0x154: {  	s26 =	simm.s32 $0xF80  }
0x155: {  	[tilespmem:s16], [sflag:$0x4] =	stream.indirect.gather.add.f32 [hbm:s5], $0x20, s26, s21, $0xb8;
	[tilespmem:$0x10440] =	vst v63  }
0x156: {  	s29 =	simm.s32 $0xFA0  }
0x157: {  	[tilespmem:s16], [sflag:$0x4] =	stream.indirect.gather.add.f32 [hbm:s5], $0x20, s29, s21, $0xb8;
	[tilespmem:$0x10440] =	vst v63  }
0x158: {  	s31 =	simm.s32 $0xFC0;
	s14 =	simm.s32 $0x0  }
0x159: {  	[tilespmem:s16], [sflag:$0x4] =	stream.indirect.gather.add.f32 [hbm:s5], $0x20, s31, s21, $0xb8;
	[tilespmem:$0x10440] =	vst v63  }
.LBB2_2:
0x15a: {  	p0 =	sgt.u32 s14, $0x1C  }
.Ltmp0:
0x15b: {  	_ = 	snop;
	(pc) =	sbr.rel @p0 .LBB2_4-.Ltmp0, $1  }
0x15c: {  	_ =	sdelay $0x3  }
0x15d: {  	s11 =	sadd.s32 $0x3, s14  }
0x15e: {  	s22 =	sshll.u32 s11, $0x4  }
0x15f: {  	s22 =	sadd.s32 s6, s22  }
0x160: {  	s11 =	sand.u32 $0x3, s11;
	s24 =	sshll.u32 s22, $0x5  }
.Ltmp1:
0x161: {  	s26 =	sshll.u32 s11, $0xC;
	s24 =	sand.u32 $0x1FFFFE00, s24;
	(pc) =	sbr.rel .LBB2_7-.Ltmp1, $4  }
0x162: {  	s11 =	sshll.u32 s11, $0x4;
	s22 =	sshrl.u32 s22, $0x3;
	s24 =	sadd.s32 s3, s24  }
0x163: {  	[tilespmem:s26], [sflag:$0x1] =	stream.linear.gather [hbm4b:s24+s1], $0x1000, $0x38;
	[tilespmem:$0x10440] =	vst v63  }
0x164: {  	s11 =	sor.u32 $0x10400, s11;
	s22 =	sadd.s32 s4, s22  }
0x165: {  	[tilespmem:s11], [sflag:$0x1] =	stream.linear.gather [hbm4b:s22+s1], $0x10, $0x38;
	[tilespmem:$0x10440] =	vst v63  }
.LBB2_4:
0x166: {  	p0 =	seq.s32 s14, $0x1F  }
.Ltmp2:
0x167: {  	_ = 	snop;
	(pc) =	sbr.rel @p0 .LBB2_5-.Ltmp2, $1  }
0x168: {  	_ =	sdelay $0x3  }
0x169: {  	p0 =	sne.s32 s14, $0x1D  }
.Ltmp3:
0x16a: {  	_ = 	snop;
	(pc) =	sbr.rel @p0 .LBB2_8-.Ltmp3, $1  }
0x16b: {  	_ =	sdelay $0x3  }
.LBB2_7:
0x16c: {  	s11 =	sadd.s32 $0x2, s14  }
0x16d: {  	s22 =	smul.u32 $0xAB, s11;
	_ =	sdelay $0x1  }
0x16e: {  	s22 =	sshrl.u32 s22, $0x9  }
0x16f: {  	s22 =	sand.u32 $0x7F, s22  }
0x170: {  	_ =	swait.ge [sflag:s20], $0x1000;
	s24 =	sand.u32 $0x1, s14;
	s22 =	smul.u32 $0x3, s22  }
0x171: {  	[sflag:s20] =	ssyncset.done $0x0;
	p0 =	seq.s32 s24, $0x1  }
0x172: {  	s24 =	simm.s32 $0x3;
	[sflag:s20] =	ssyncadd.s32 $0xFFFFF000;
	s22 =	ssub.s32 s11, s22  }
0x173: {  	s24 =	simm.s32 @!p0 $0x2;
	_ =	swait.ge [sflag:s20], $0x10;
	s22 =	sand.u32 $0xFF, s22  }
0x174: {  	[sflag:s20] =	ssyncset.done $0x0;
	s11 =	sshll.u32 s11, $0xC;
	s22 =	sshll.u32 s22, $0xE  }
0x175: {  	[sflag:s20] =	ssyncadd.s32 $0xFFFFFFF0;
	s11 =	sand.u32 $0x3000, s11;
	s26 =	sadd.s32 $0x4000, s22  }
0x176: {  	[tilespmem:s26], [sflag:s24] =	stream.indirect.gather [hbm4b:s5+s21], $0x20, s11, s21, $0xb8;
	[tilespmem:$0x10440] =	vst v63  }
0x177: {  	s29 =	sor.u32 $0x100, s11;
	s31 =	sadd.s32 $0x4400, s22  }
0x178: {  	[tilespmem:s31], [sflag:s24] =	stream.indirect.gather [hbm4b:s5+s21], $0x20, s29, s21, $0xb8;
	[tilespmem:$0x10440] =	vst v63  }
0x179: {  	s2 =	sadd.s32 $0x4800, s22;
	s31 =	sor.u32 $0x200, s11  }
0x17a: {  	[tilespmem:s2], [sflag:s24] =	stream.indirect.gather [hbm4b:s5+s21], $0x20, s31, s21, $0xb8;
	[tilespmem:$0x10440] =	vst v63  }
0x17b: {  	s2 =	sadd.s32 $0x4C00, s22;
	s31 =	sor.u32 $0x300, s11  }
0x17c: {  	[tilespmem:s2], [sflag:s24] =	stream.indirect.gather [hbm4b:s5+s21], $0x20, s31, s21, $0xb8;
	[tilespmem:$0x10440] =	vst v63  }
0x17d: {  	s2 =	sadd.s32 $0x5000, s22;
	s31 =	sor.u32 $0x400, s11  }
0x17e: {  	[tilespmem:s2], [sflag:s24] =	stream.indirect.gather [hbm4b:s5+s21], $0x20, s31, s21, $0xb8;
	[tilespmem:$0x10440] =	vst v63  }
0x17f: {  	s2 =	sadd.s32 $0x5400, s22;
	s31 =	sor.u32 $0x500, s11  }
0x180: {  	[tilespmem:s2], [sflag:s24] =	stream.indirect.gather [hbm4b:s5+s21], $0x20, s31, s21, $0xb8;
	[tilespmem:$0x10440] =	vst v63  }
0x181: {  	s2 =	sadd.s32 $0x5800, s22;
	s31 =	sor.u32 $0x600, s11  }
0x182: {  	[tilespmem:s2], [sflag:s24] =	stream.indirect.gather [hbm4b:s5+s21], $0x20, s31, s21, $0xb8;
	[tilespmem:$0x10440] =	vst v63  }
0x183: {  	s2 =	sadd.s32 $0x5C00, s22;
	s31 =	sor.u32 $0x700, s11  }
0x184: {  	[tilespmem:s2], [sflag:s24] =	stream.indirect.gather [hbm4b:s5+s21], $0x20, s31, s21, $0xb8;
	[tilespmem:$0x10440] =	vst v63  }
0x185: {  	s2 =	sadd.s32 $0x6000, s22;
	s31 =	sor.u32 $0x800, s11  }
0x186: {  	[tilespmem:s2], [sflag:s24] =	stream.indirect.gather [hbm4b:s5+s21], $0x20, s31, s21, $0xb8;
	[tilespmem:$0x10440] =	vst v63  }
0x187: {  	s2 =	sadd.s32 $0x6400, s22;
	s31 =	sor.u32 $0x900, s11  }
0x188: {  	[tilespmem:s2], [sflag:s24] =	stream.indirect.gather [hbm4b:s5+s21], $0x20, s31, s21, $0xb8;
	[tilespmem:$0x10440] =	vst v63  }
0x189: {  	s2 =	sadd.s32 $0x6800, s22;
	s31 =	sor.u32 $0xA00, s11  }
0x18a: {  	[tilespmem:s2], [sflag:s24] =	stream.indirect.gather [hbm4b:s5+s21], $0x20, s31, s21, $0xb8;
	[tilespmem:$0x10440] =	vst v63  }
0x18b: {  	s2 =	sadd.s32 $0x6C00, s22;
	s31 =	sor.u32 $0xB00, s11  }
0x18c: {  	[tilespmem:s2], [sflag:s24] =	stream.indirect.gather [hbm4b:s5+s21], $0x20, s31, s21, $0xb8;
	[tilespmem:$0x10440] =	vst v63  }
0x18d: {  	s2 =	sadd.s32 $0x7000, s22;
	s31 =	sor.u32 $0xC00, s11  }
0x18e: {  	[tilespmem:s2], [sflag:s24] =	stream.indirect.gather [hbm4b:s5+s21], $0x20, s31, s21, $0xb8;
	[tilespmem:$0x10440] =	vst v63  }
0x18f: {  	s2 =	sadd.s32 $0x7400, s22;
	s31 =	sor.u32 $0xD00, s11  }
0x190: {  	[tilespmem:s2], [sflag:s24] =	stream.indirect.gather [hbm4b:s5+s21], $0x20, s31, s21, $0xb8;
	[tilespmem:$0x10440] =	vst v63  }
0x191: {  	s2 =	sadd.s32 $0x7800, s22;
	s31 =	sor.u32 $0xE00, s11  }
0x192: {  	[tilespmem:s2], [sflag:s24] =	stream.indirect.gather [hbm4b:s5+s21], $0x20, s31, s21, $0xb8;
	[tilespmem:$0x10440] =	vst v63  }
0x193: {  	s22 =	sadd.s32 $0x7C00, s22;
	s11 =	sor.u32 $0xF00, s11  }
0x194: {  	[tilespmem:s22], [sflag:s24] =	stream.indirect.gather [hbm4b:s5+s21], $0x20, s11, s21, $0xb8;
	[tilespmem:$0x10440] =	vst v63  }
.LBB2_8:
0x195: {  	s11 =	sadd.s32 $0x1, s14  }
0x196: {  	s22 =	smulhi.u32 $0xAAAAAAAB, s11;
	_ =	sdelay $0x1  }
0x197: {  	s22 =	sshrl.u32 s22, $0x1  }
0x198: {  	s26 =	smul.u32 $0x3, s22;
	s22 =	sand.u32 $0x1, s14  }
0x199: {  	p0 =	seq.s32 s22, $0x0  }
.Ltmp4:
0x19a: {  	_ = 	snop;
	(pc) =	sbr.rel @!p0 .LBB2_9-.Ltmp4, $2  }
0x19b: {  	_ =	sdelay $0x2  }
0x19c: {  	s24 =	sand.u32 $0x3, s11;
	s26 =	ssub.s32 s11, s26  }
0x19d: {  	_ =	swait.ge [sflag:s8], $0x400  }
0x19e: {  	[sflag:s8] =	ssyncset.done $0x0  }
0x19f: {  	[sflag:s8] =	ssyncadd.s32 $0xFFFFFC00  }
0x1a0: {  	_ =	swait.ge [sflag:s8], $0x400  }
0x1a1: {  	[sflag:s8] =	ssyncset.done $0x0  }
0x1a2: {  	[sflag:s8] =	ssyncadd.s32 $0xFFFFFC00  }
0x1a3: {  	_ =	swait.ge [sflag:s8], $0x400  }
0x1a4: {  	[sflag:s8] =	ssyncset.done $0x0  }
0x1a5: {  	[sflag:s8] =	ssyncadd.s32 $0xFFFFFC00  }
0x1a6: {  	_ =	swait.ge [sflag:s8], $0x400  }
0x1a7: {  	[sflag:s8] =	ssyncset.done $0x0  }
0x1a8: {  	[sflag:s8] =	ssyncadd.s32 $0xFFFFFC00  }
0x1a9: {  	_ =	swait.ge [sflag:s8], $0x400  }
0x1aa: {  	[sflag:s8] =	ssyncset.done $0x0  }
0x1ab: {  	[sflag:s8] =	ssyncadd.s32 $0xFFFFFC00  }
0x1ac: {  	_ =	swait.ge [sflag:s8], $0x400  }
0x1ad: {  	[sflag:s8] =	ssyncset.done $0x0  }
0x1ae: {  	[sflag:s8] =	ssyncadd.s32 $0xFFFFFC00  }
0x1af: {  	_ =	swait.ge [sflag:s8], $0x400  }
0x1b0: {  	[sflag:s8] =	ssyncset.done $0x0  }
0x1b1: {  	[sflag:s8] =	ssyncadd.s32 $0xFFFFFC00  }
0x1b2: {  	_ =	swait.ge [sflag:s8], $0x400  }
0x1b3: {  	[sflag:s8] =	ssyncset.done $0x0  }
0x1b4: {  	[sflag:s8] =	ssyncadd.s32 $0xFFFFFC00  }
0x1b5: {  	_ =	swait.ge [sflag:s8], $0x400  }
0x1b6: {  	[sflag:s8] =	ssyncset.done $0x0  }
0x1b7: {  	[sflag:s8] =	ssyncadd.s32 $0xFFFFFC00  }
0x1b8: {  	_ =	swait.ge [sflag:s8], $0x400  }
0x1b9: {  	[sflag:s8] =	ssyncset.done $0x0  }
0x1ba: {  	[sflag:s8] =	ssyncadd.s32 $0xFFFFFC00  }
0x1bb: {  	_ =	swait.ge [sflag:s8], $0x400  }
0x1bc: {  	[sflag:s8] =	ssyncset.done $0x0  }
0x1bd: {  	[sflag:s8] =	ssyncadd.s32 $0xFFFFFC00  }
0x1be: {  	_ =	swait.ge [sflag:s8], $0x400  }
0x1bf: {  	[sflag:s8] =	ssyncset.done $0x0  }
0x1c0: {  	[sflag:s8] =	ssyncadd.s32 $0xFFFFFC00  }
0x1c1: {  	_ =	swait.ge [sflag:s8], $0x400  }
0x1c2: {  	[sflag:s8] =	ssyncset.done $0x0  }
0x1c3: {  	[sflag:s8] =	ssyncadd.s32 $0xFFFFFC00  }
0x1c4: {  	_ =	swait.ge [sflag:s8], $0x400  }
0x1c5: {  	[sflag:s8] =	ssyncset.done $0x0  }
0x1c6: {  	[sflag:s8] =	ssyncadd.s32 $0xFFFFFC00  }
0x1c7: {  	_ =	swait.ge [sflag:s8], $0x400  }
0x1c8: {  	[sflag:s8] =	ssyncset.done $0x0  }
0x1c9: {  	[sflag:s8] =	ssyncadd.s32 $0xFFFFFC00  }
0x1ca: {  	s26 =	sshll.u32 s26, $0xE;
	_ =	swait.ge [sflag:s8], $0x400  }
0x1cb: {  	s24 =	sshll.u32 s24, $0xC;
	s26 =	sand.u32 $0x3FFFC000, s26;
	[sflag:s8] =	ssyncset.done $0x0  }
0x1cc: {  	s29 =	sor.u32 $0x20, s24;
	s26 =	sadd.s32 $0x4000, s26;
	[sflag:s8] =	ssyncadd.s32 $0xFFFFFC00  }
0x1cd: {  	[tilespmem:s26], [sflag:$0x5] =	stream.indirect.gather.add.f32 [hbm:s5], $0x20, s29, s21, $0xb8;
	[tilespmem:$0x10440] =	vst v63  }
0x1ce: {  	s29 =	sor.u32 $0x40, s24  }
0x1cf: {  	[tilespmem:s26], [sflag:$0x5] =	stream.indirect.gather.add.f32 [hbm:s5], $0x20, s29, s21, $0xb8;
	[tilespmem:$0x10440] =	vst v63  }
0x1d0: {  	s29 =	sor.u32 $0x60, s24  }
0x1d1: {  	[tilespmem:s26], [sflag:$0x5] =	stream.indirect.gather.add.f32 [hbm:s5], $0x20, s29, s21, $0xb8;
	[tilespmem:$0x10440] =	vst v63  }
0x1d2: {  	s29 =	sor.u32 $0x80, s24  }
0x1d3: {  	[tilespmem:s26], [sflag:$0x5] =	stream.indirect.gather.add.f32 [hbm:s5], $0x20, s29, s21, $0xb8;
	[tilespmem:$0x10440] =	vst v63  }
.Ltmp5:
0x1d4: {  	s29 =	sor.u32 $0xA0, s24;
	(pc) =	sbr.rel .LBB2_11-.Ltmp5, $4  }
0x1d5: {  	[tilespmem:s26], [sflag:$0x5] =	stream.indirect.gather.add.f32 [hbm:s5], $0x20, s29, s21, $0xb8;
	[tilespmem:$0x10440] =	vst v63  }
0x1d6: {  	s29 =	sor.u32 $0xC0, s24  }
0x1d7: {  	[tilespmem:s26], [sflag:$0x5] =	stream.indirect.gather.add.f32 [hbm:s5], $0x20, s29, s21, $0xb8;
	[tilespmem:$0x10440] =	vst v63  }
0x1d8: {  	s29 =	simm.s32 $0x5  }
.LBB2_9:
0x1d9: {  	_ =	swait.ge [sflag:s7], $0x400  }
0x1da: {  	[sflag:s7] =	ssyncset.done $0x0  }
0x1db: {  	[sflag:s7] =	ssyncadd.s32 $0xFFFFFC00  }
0x1dc: {  	_ =	swait.ge [sflag:s7], $0x400  }
0x1dd: {  	[sflag:s7] =	ssyncset.done $0x0  }
0x1de: {  	[sflag:s7] =	ssyncadd.s32 $0xFFFFFC00  }
0x1df: {  	_ =	swait.ge [sflag:s7], $0x400  }
0x1e0: {  	[sflag:s7] =	ssyncset.done $0x0  }
0x1e1: {  	[sflag:s7] =	ssyncadd.s32 $0xFFFFFC00  }
0x1e2: {  	_ =	swait.ge [sflag:s7], $0x400  }
0x1e3: {  	[sflag:s7] =	ssyncset.done $0x0  }
0x1e4: {  	[sflag:s7] =	ssyncadd.s32 $0xFFFFFC00  }
0x1e5: {  	_ =	swait.ge [sflag:s7], $0x400  }
0x1e6: {  	[sflag:s7] =	ssyncset.done $0x0  }
0x1e7: {  	[sflag:s7] =	ssyncadd.s32 $0xFFFFFC00  }
0x1e8: {  	_ =	swait.ge [sflag:s7], $0x400  }
0x1e9: {  	[sflag:s7] =	ssyncset.done $0x0  }
0x1ea: {  	[sflag:s7] =	ssyncadd.s32 $0xFFFFFC00  }
0x1eb: {  	_ =	swait.ge [sflag:s7], $0x400  }
0x1ec: {  	[sflag:s7] =	ssyncset.done $0x0  }
0x1ed: {  	[sflag:s7] =	ssyncadd.s32 $0xFFFFFC00  }
0x1ee: {  	_ =	swait.ge [sflag:s7], $0x400  }
0x1ef: {  	[sflag:s7] =	ssyncset.done $0x0  }
0x1f0: {  	[sflag:s7] =	ssyncadd.s32 $0xFFFFFC00  }
0x1f1: {  	_ =	swait.ge [sflag:s7], $0x400  }
0x1f2: {  	[sflag:s7] =	ssyncset.done $0x0  }
0x1f3: {  	[sflag:s7] =	ssyncadd.s32 $0xFFFFFC00  }
0x1f4: {  	_ =	swait.ge [sflag:s7], $0x400  }
0x1f5: {  	[sflag:s7] =	ssyncset.done $0x0  }
0x1f6: {  	[sflag:s7] =	ssyncadd.s32 $0xFFFFFC00  }
0x1f7: {  	_ =	swait.ge [sflag:s7], $0x400  }
0x1f8: {  	[sflag:s7] =	ssyncset.done $0x0  }
0x1f9: {  	[sflag:s7] =	ssyncadd.s32 $0xFFFFFC00  }
0x1fa: {  	_ =	swait.ge [sflag:s7], $0x400  }
0x1fb: {  	[sflag:s7] =	ssyncset.done $0x0  }
0x1fc: {  	[sflag:s7] =	ssyncadd.s32 $0xFFFFFC00  }
0x1fd: {  	_ =	swait.ge [sflag:s7], $0x400  }
0x1fe: {  	[sflag:s7] =	ssyncset.done $0x0  }
0x1ff: {  	[sflag:s7] =	ssyncadd.s32 $0xFFFFFC00  }
0x200: {  	_ =	swait.ge [sflag:s7], $0x400  }
0x201: {  	[sflag:s7] =	ssyncset.done $0x0  }
0x202: {  	[sflag:s7] =	ssyncadd.s32 $0xFFFFFC00  }
0x203: {  	_ =	swait.ge [sflag:s7], $0x400  }
0x204: {  	[sflag:s7] =	ssyncset.done $0x0  }
0x205: {  	[sflag:s7] =	ssyncadd.s32 $0xFFFFFC00  }
0x206: {  	s26 =	sshll.u32 s26, $0xE;
	_ =	swait.ge [sflag:s7], $0x400  }
0x207: {  	s24 =	sshll.u32 s24, $0xC;
	s26 =	sand.u32 $0x3FFFC000, s26;
	[sflag:s7] =	ssyncset.done $0x0  }
0x208: {  	s29 =	sor.u32 $0x20, s24;
	s26 =	sadd.s32 $0x4000, s26;
	[sflag:s7] =	ssyncadd.s32 $0xFFFFFC00  }
0x209: {  	[tilespmem:s26], [sflag:$0x4] =	stream.indirect.gather.add.f32 [hbm:s5], $0x20, s29, s21, $0xb8;
	[tilespmem:$0x10440] =	vst v63  }
0x20a: {  	s29 =	sor.u32 $0x40, s24  }
0x20b: {  	[tilespmem:s26], [sflag:$0x4] =	stream.indirect.gather.add.f32 [hbm:s5], $0x20, s29, s21, $0xb8;
	[tilespmem:$0x10440] =	vst v63  }
0x20c: {  	s29 =	sor.u32 $0x60, s24  }
0x20d: {  	[tilespmem:s26], [sflag:$0x4] =	stream.indirect.gather.add.f32 [hbm:s5], $0x20, s29, s21, $0xb8;
	[tilespmem:$0x10440] =	vst v63  }
0x20e: {  	s29 =	sor.u32 $0x80, s24  }
0x20f: {  	[tilespmem:s26], [sflag:$0x4] =	stream.indirect.gather.add.f32 [hbm:s5], $0x20, s29, s21, $0xb8;
	[tilespmem:$0x10440] =	vst v63  }
0x210: {  	s29 =	sor.u32 $0xA0, s24  }
0x211: {  	[tilespmem:s26], [sflag:$0x4] =	stream.indirect.gather.add.f32 [hbm:s5], $0x20, s29, s21, $0xb8;
	[tilespmem:$0x10440] =	vst v63  }
0x212: {  	s29 =	sor.u32 $0xC0, s24  }
0x213: {  	[tilespmem:s26], [sflag:$0x4] =	stream.indirect.gather.add.f32 [hbm:s5], $0x20, s29, s21, $0xb8;
	[tilespmem:$0x10440] =	vst v63  }
0x214: {  	s29 =	simm.s32 $0x4  }
.LBB2_11:
0x215: {  	s31 =	sadd.s32 $0x400, s26;
	s2 =	sadd.s32 $0x120, s24  }
0x216: {  	[tilespmem:s31], [sflag:s29] =	stream.indirect.gather.add.f32 [hbm:s5], $0x20, s2, s21, $0xb8;
	[tilespmem:$0x10440] =	vst v63  }
0x217: {  	s2 =	sadd.s32 $0x140, s24  }
0x218: {  	[tilespmem:s31], [sflag:s29] =	stream.indirect.gather.add.f32 [hbm:s5], $0x20, s2, s21, $0xb8;
	[tilespmem:$0x10440] =	vst v63  }
0x219: {  	s2 =	sadd.s32 $0x160, s24  }
0x21a: {  	[tilespmem:s31], [sflag:s29] =	stream.indirect.gather.add.f32 [hbm:s5], $0x20, s2, s21, $0xb8;
	[tilespmem:$0x10440] =	vst v63  }
0x21b: {  	s2 =	sadd.s32 $0x180, s24  }
0x21c: {  	[tilespmem:s31], [sflag:s29] =	stream.indirect.gather.add.f32 [hbm:s5], $0x20, s2, s21, $0xb8;
	[tilespmem:$0x10440] =	vst v63  }
0x21d: {  	s2 =	sadd.s32 $0x1A0, s24  }
0x21e: {  	[tilespmem:s31], [sflag:s29] =	stream.indirect.gather.add.f32 [hbm:s5], $0x20, s2, s21, $0xb8;
	[tilespmem:$0x10440] =	vst v63  }
0x21f: {  	s2 =	sadd.s32 $0x1C0, s24  }
0x220: {  	[tilespmem:s31], [sflag:s29] =	stream.indirect.gather.add.f32 [hbm:s5], $0x20, s2, s21, $0xb8;
	[tilespmem:$0x10440] =	vst v63  }
0x221: {  	s2 =	sadd.s32 $0x800, s26;
	s31 =	sadd.s32 $0x220, s24  }
0x222: {  	[tilespmem:s2], [sflag:s29] =	stream.indirect.gather.add.f32 [hbm:s5], $0x20, s31, s21, $0xb8;
	[tilespmem:$0x10440] =	vst v63  }
0x223: {  	s31 =	sadd.s32 $0x240, s24  }
0x224: {  	[tilespmem:s2], [sflag:s29] =	stream.indirect.gather.add.f32 [hbm:s5], $0x20, s31, s21, $0xb8;
	[tilespmem:$0x10440] =	vst v63  }
0x225: {  	s31 =	sadd.s32 $0x260, s24  }
0x226: {  	[tilespmem:s2], [sflag:s29] =	stream.indirect.gather.add.f32 [hbm:s5], $0x20, s31, s21, $0xb8;
	[tilespmem:$0x10440] =	vst v63  }
0x227: {  	s31 =	sadd.s32 $0x280, s24  }
0x228: {  	[tilespmem:s2], [sflag:s29] =	stream.indirect.gather.add.f32 [hbm:s5], $0x20, s31, s21, $0xb8;
	[tilespmem:$0x10440] =	vst v63  }
0x229: {  	s31 =	sadd.s32 $0x2A0, s24  }
0x22a: {  	[tilespmem:s2], [sflag:s29] =	stream.indirect.gather.add.f32 [hbm:s5], $0x20, s31, s21, $0xb8;
	[tilespmem:$0x10440] =	vst v63  }
0x22b: {  	s31 =	sadd.s32 $0x2C0, s24  }
0x22c: {  	[tilespmem:s2], [sflag:s29] =	stream.indirect.gather.add.f32 [hbm:s5], $0x20, s31, s21, $0xb8;
	[tilespmem:$0x10440] =	vst v63  }
0x22d: {  	s2 =	sadd.s32 $0xC00, s26;
	s31 =	sadd.s32 $0x320, s24  }
0x22e: {  	[tilespmem:s2], [sflag:s29] =	stream.indirect.gather.add.f32 [hbm:s5], $0x20, s31, s21, $0xb8;
	[tilespmem:$0x10440] =	vst v63  }
0x22f: {  	s31 =	sadd.s32 $0x340, s24  }
0x230: {  	[tilespmem:s2], [sflag:s29] =	stream.indirect.gather.add.f32 [hbm:s5], $0x20, s31, s21, $0xb8;
	[tilespmem:$0x10440] =	vst v63  }
0x231: {  	s31 =	sadd.s32 $0x360, s24  }
0x232: {  	[tilespmem:s2], [sflag:s29] =	stream.indirect.gather.add.f32 [hbm:s5], $0x20, s31, s21, $0xb8;
	[tilespmem:$0x10440] =	vst v63  }
0x233: {  	s31 =	sadd.s32 $0x380, s24  }
0x234: {  	[tilespmem:s2], [sflag:s29] =	stream.indirect.gather.add.f32 [hbm:s5], $0x20, s31, s21, $0xb8;
	[tilespmem:$0x10440] =	vst v63  }
0x235: {  	s31 =	sadd.s32 $0x3A0, s24  }
0x236: {  	[tilespmem:s2], [sflag:s29] =	stream.indirect.gather.add.f32 [hbm:s5], $0x20, s31, s21, $0xb8;
	[tilespmem:$0x10440] =	vst v63  }
0x237: {  	s31 =	sadd.s32 $0x3C0, s24  }
0x238: {  	[tilespmem:s2], [sflag:s29] =	stream.indirect.gather.add.f32 [hbm:s5], $0x20, s31, s21, $0xb8;
	[tilespmem:$0x10440] =	vst v63  }
0x239: {  	s2 =	sadd.s32 $0x1000, s26;
	s31 =	sadd.s32 $0x420, s24  }
0x23a: {  	[tilespmem:s2], [sflag:s29] =	stream.indirect.gather.add.f32 [hbm:s5], $0x20, s31, s21, $0xb8;
	[tilespmem:$0x10440] =	vst v63  }
0x23b: {  	s31 =	sadd.s32 $0x440, s24  }
0x23c: {  	[tilespmem:s2], [sflag:s29] =	stream.indirect.gather.add.f32 [hbm:s5], $0x20, s31, s21, $0xb8;
	[tilespmem:$0x10440] =	vst v63  }
0x23d: {  	s31 =	sadd.s32 $0x460, s24  }
0x23e: {  	[tilespmem:s2], [sflag:s29] =	stream.indirect.gather.add.f32 [hbm:s5], $0x20, s31, s21, $0xb8;
	[tilespmem:$0x10440] =	vst v63  }
0x23f: {  	s31 =	sadd.s32 $0x480, s24  }
0x240: {  	[tilespmem:s2], [sflag:s29] =	stream.indirect.gather.add.f32 [hbm:s5], $0x20, s31, s21, $0xb8;
	[tilespmem:$0x10440] =	vst v63  }
0x241: {  	s31 =	sadd.s32 $0x4A0, s24  }
0x242: {  	[tilespmem:s2], [sflag:s29] =	stream.indirect.gather.add.f32 [hbm:s5], $0x20, s31, s21, $0xb8;
	[tilespmem:$0x10440] =	vst v63  }
0x243: {  	s31 =	sadd.s32 $0x4C0, s24  }
0x244: {  	[tilespmem:s2], [sflag:s29] =	stream.indirect.gather.add.f32 [hbm:s5], $0x20, s31, s21, $0xb8;
	[tilespmem:$0x10440] =	vst v63  }
0x245: {  	s2 =	sadd.s32 $0x1400, s26;
	s31 =	sadd.s32 $0x520, s24  }
0x246: {  	[tilespmem:s2], [sflag:s29] =	stream.indirect.gather.add.f32 [hbm:s5], $0x20, s31, s21, $0xb8;
	[tilespmem:$0x10440] =	vst v63  }
0x247: {  	s31 =	sadd.s32 $0x540, s24  }
0x248: {  	[tilespmem:s2], [sflag:s29] =	stream.indirect.gather.add.f32 [hbm:s5], $0x20, s31, s21, $0xb8;
	[tilespmem:$0x10440] =	vst v63  }
0x249: {  	s31 =	sadd.s32 $0x560, s24  }
0x24a: {  	[tilespmem:s2], [sflag:s29] =	stream.indirect.gather.add.f32 [hbm:s5], $0x20, s31, s21, $0xb8;
	[tilespmem:$0x10440] =	vst v63  }
0x24b: {  	s31 =	sadd.s32 $0x580, s24  }
0x24c: {  	[tilespmem:s2], [sflag:s29] =	stream.indirect.gather.add.f32 [hbm:s5], $0x20, s31, s21, $0xb8;
	[tilespmem:$0x10440] =	vst v63  }
0x24d: {  	s31 =	sadd.s32 $0x5A0, s24  }
0x24e: {  	[tilespmem:s2], [sflag:s29] =	stream.indirect.gather.add.f32 [hbm:s5], $0x20, s31, s21, $0xb8;
	[tilespmem:$0x10440] =	vst v63  }
0x24f: {  	s31 =	sadd.s32 $0x5C0, s24  }
0x250: {  	[tilespmem:s2], [sflag:s29] =	stream.indirect.gather.add.f32 [hbm:s5], $0x20, s31, s21, $0xb8;
	[tilespmem:$0x10440] =	vst v63  }
0x251: {  	s2 =	sadd.s32 $0x1800, s26;
	s31 =	sadd.s32 $0x620, s24  }
0x252: {  	[tilespmem:s2], [sflag:s29] =	stream.indirect.gather.add.f32 [hbm:s5], $0x20, s31, s21, $0xb8;
	[tilespmem:$0x10440] =	vst v63  }
0x253: {  	s31 =	sadd.s32 $0x640, s24  }
0x254: {  	[tilespmem:s2], [sflag:s29] =	stream.indirect.gather.add.f32 [hbm:s5], $0x20, s31, s21, $0xb8;
	[tilespmem:$0x10440] =	vst v63  }
0x255: {  	s31 =	sadd.s32 $0x660, s24  }
0x256: {  	[tilespmem:s2], [sflag:s29] =	stream.indirect.gather.add.f32 [hbm:s5], $0x20, s31, s21, $0xb8;
	[tilespmem:$0x10440] =	vst v63  }
0x257: {  	s31 =	sadd.s32 $0x680, s24  }
0x258: {  	[tilespmem:s2], [sflag:s29] =	stream.indirect.gather.add.f32 [hbm:s5], $0x20, s31, s21, $0xb8;
	[tilespmem:$0x10440] =	vst v63  }
0x259: {  	s31 =	sadd.s32 $0x6A0, s24  }
0x25a: {  	[tilespmem:s2], [sflag:s29] =	stream.indirect.gather.add.f32 [hbm:s5], $0x20, s31, s21, $0xb8;
	[tilespmem:$0x10440] =	vst v63  }
0x25b: {  	s31 =	sadd.s32 $0x6C0, s24  }
0x25c: {  	[tilespmem:s2], [sflag:s29] =	stream.indirect.gather.add.f32 [hbm:s5], $0x20, s31, s21, $0xb8;
	[tilespmem:$0x10440] =	vst v63  }
0x25d: {  	s2 =	sadd.s32 $0x1C00, s26;
	s31 =	sadd.s32 $0x720, s24  }
0x25e: {  	[tilespmem:s2], [sflag:s29] =	stream.indirect.gather.add.f32 [hbm:s5], $0x20, s31, s21, $0xb8;
	[tilespmem:$0x10440] =	vst v63  }
0x25f: {  	s31 =	sadd.s32 $0x740, s24  }
0x260: {  	[tilespmem:s2], [sflag:s29] =	stream.indirect.gather.add.f32 [hbm:s5], $0x20, s31, s21, $0xb8;
	[tilespmem:$0x10440] =	vst v63  }
0x261: {  	s31 =	sadd.s32 $0x760, s24  }
0x262: {  	[tilespmem:s2], [sflag:s29] =	stream.indirect.gather.add.f32 [hbm:s5], $0x20, s31, s21, $0xb8;
	[tilespmem:$0x10440] =	vst v63  }
0x263: {  	s31 =	sadd.s32 $0x780, s24  }
0x264: {  	[tilespmem:s2], [sflag:s29] =	stream.indirect.gather.add.f32 [hbm:s5], $0x20, s31, s21, $0xb8;
	[tilespmem:$0x10440] =	vst v63  }
0x265: {  	s31 =	sadd.s32 $0x7A0, s24  }
0x266: {  	[tilespmem:s2], [sflag:s29] =	stream.indirect.gather.add.f32 [hbm:s5], $0x20, s31, s21, $0xb8;
	[tilespmem:$0x10440] =	vst v63  }
0x267: {  	s31 =	sadd.s32 $0x7C0, s24  }
0x268: {  	[tilespmem:s2], [sflag:s29] =	stream.indirect.gather.add.f32 [hbm:s5], $0x20, s31, s21, $0xb8;
	[tilespmem:$0x10440] =	vst v63  }
0x269: {  	s2 =	sadd.s32 $0x2000, s26;
	s31 =	sadd.s32 $0x820, s24  }
0x26a: {  	[tilespmem:s2], [sflag:s29] =	stream.indirect.gather.add.f32 [hbm:s5], $0x20, s31, s21, $0xb8;
	[tilespmem:$0x10440] =	vst v63  }
0x26b: {  	s31 =	sadd.s32 $0x840, s24  }
0x26c: {  	[tilespmem:s2], [sflag:s29] =	stream.indirect.gather.add.f32 [hbm:s5], $0x20, s31, s21, $0xb8;
	[tilespmem:$0x10440] =	vst v63  }
0x26d: {  	s31 =	sadd.s32 $0x860, s24  }
0x26e: {  	[tilespmem:s2], [sflag:s29] =	stream.indirect.gather.add.f32 [hbm:s5], $0x20, s31, s21, $0xb8;
	[tilespmem:$0x10440] =	vst v63  }
0x26f: {  	s31 =	sadd.s32 $0x880, s24  }
0x270: {  	[tilespmem:s2], [sflag:s29] =	stream.indirect.gather.add.f32 [hbm:s5], $0x20, s31, s21, $0xb8;
	[tilespmem:$0x10440] =	vst v63  }
0x271: {  	s31 =	sadd.s32 $0x8A0, s24  }
0x272: {  	[tilespmem:s2], [sflag:s29] =	stream.indirect.gather.add.f32 [hbm:s5], $0x20, s31, s21, $0xb8;
	[tilespmem:$0x10440] =	vst v63  }
0x273: {  	s31 =	sadd.s32 $0x8C0, s24  }
0x274: {  	[tilespmem:s2], [sflag:s29] =	stream.indirect.gather.add.f32 [hbm:s5], $0x20, s31, s21, $0xb8;
	[tilespmem:$0x10440] =	vst v63  }
0x275: {  	s2 =	sadd.s32 $0x2400, s26;
	s31 =	sadd.s32 $0x920, s24  }
0x276: {  	[tilespmem:s2], [sflag:s29] =	stream.indirect.gather.add.f32 [hbm:s5], $0x20, s31, s21, $0xb8;
	[tilespmem:$0x10440] =	vst v63  }
0x277: {  	s31 =	sadd.s32 $0x940, s24  }
0x278: {  	[tilespmem:s2], [sflag:s29] =	stream.indirect.gather.add.f32 [hbm:s5], $0x20, s31, s21, $0xb8;
	[tilespmem:$0x10440] =	vst v63  }
0x279: {  	s31 =	sadd.s32 $0x960, s24  }
0x27a: {  	[tilespmem:s2], [sflag:s29] =	stream.indirect.gather.add.f32 [hbm:s5], $0x20, s31, s21, $0xb8;
	[tilespmem:$0x10440] =	vst v63  }
0x27b: {  	s31 =	sadd.s32 $0x980, s24  }
0x27c: {  	[tilespmem:s2], [sflag:s29] =	stream.indirect.gather.add.f32 [hbm:s5], $0x20, s31, s21, $0xb8;
	[tilespmem:$0x10440] =	vst v63  }
0x27d: {  	s31 =	sadd.s32 $0x9A0, s24  }
0x27e: {  	[tilespmem:s2], [sflag:s29] =	stream.indirect.gather.add.f32 [hbm:s5], $0x20, s31, s21, $0xb8;
	[tilespmem:$0x10440] =	vst v63  }
0x27f: {  	s31 =	sadd.s32 $0x9C0, s24  }
0x280: {  	[tilespmem:s2], [sflag:s29] =	stream.indirect.gather.add.f32 [hbm:s5], $0x20, s31, s21, $0xb8;
	[tilespmem:$0x10440] =	vst v63  }
0x281: {  	s2 =	sadd.s32 $0x2800, s26;
	s31 =	sadd.s32 $0xA20, s24  }
0x282: {  	[tilespmem:s2], [sflag:s29] =	stream.indirect.gather.add.f32 [hbm:s5], $0x20, s31, s21, $0xb8;
	[tilespmem:$0x10440] =	vst v63  }
0x283: {  	s31 =	sadd.s32 $0xA40, s24  }
0x284: {  	[tilespmem:s2], [sflag:s29] =	stream.indirect.gather.add.f32 [hbm:s5], $0x20, s31, s21, $0xb8;
	[tilespmem:$0x10440] =	vst v63  }
0x285: {  	s31 =	sadd.s32 $0xA60, s24  }
0x286: {  	[tilespmem:s2], [sflag:s29] =	stream.indirect.gather.add.f32 [hbm:s5], $0x20, s31, s21, $0xb8;
	[tilespmem:$0x10440] =	vst v63  }
0x287: {  	s31 =	sadd.s32 $0xA80, s24  }
0x288: {  	[tilespmem:s2], [sflag:s29] =	stream.indirect.gather.add.f32 [hbm:s5], $0x20, s31, s21, $0xb8;
	[tilespmem:$0x10440] =	vst v63  }
0x289: {  	s31 =	sadd.s32 $0xAA0, s24  }
0x28a: {  	[tilespmem:s2], [sflag:s29] =	stream.indirect.gather.add.f32 [hbm:s5], $0x20, s31, s21, $0xb8;
	[tilespmem:$0x10440] =	vst v63  }
0x28b: {  	s31 =	sadd.s32 $0xAC0, s24  }
0x28c: {  	[tilespmem:s2], [sflag:s29] =	stream.indirect.gather.add.f32 [hbm:s5], $0x20, s31, s21, $0xb8;
	[tilespmem:$0x10440] =	vst v63  }
0x28d: {  	s2 =	sadd.s32 $0x2C00, s26;
	s31 =	sadd.s32 $0xB20, s24  }
0x28e: {  	[tilespmem:s2], [sflag:s29] =	stream.indirect.gather.add.f32 [hbm:s5], $0x20, s31, s21, $0xb8;
	[tilespmem:$0x10440] =	vst v63  }
0x28f: {  	s31 =	sadd.s32 $0xB40, s24  }
0x290: {  	[tilespmem:s2], [sflag:s29] =	stream.indirect.gather.add.f32 [hbm:s5], $0x20, s31, s21, $0xb8;
	[tilespmem:$0x10440] =	vst v63  }
0x291: {  	s31 =	sadd.s32 $0xB60, s24  }
0x292: {  	[tilespmem:s2], [sflag:s29] =	stream.indirect.gather.add.f32 [hbm:s5], $0x20, s31, s21, $0xb8;
	[tilespmem:$0x10440] =	vst v63  }
0x293: {  	s31 =	sadd.s32 $0xB80, s24  }
0x294: {  	[tilespmem:s2], [sflag:s29] =	stream.indirect.gather.add.f32 [hbm:s5], $0x20, s31, s21, $0xb8;
	[tilespmem:$0x10440] =	vst v63  }
0x295: {  	s31 =	sadd.s32 $0xBA0, s24  }
0x296: {  	[tilespmem:s2], [sflag:s29] =	stream.indirect.gather.add.f32 [hbm:s5], $0x20, s31, s21, $0xb8;
	[tilespmem:$0x10440] =	vst v63  }
0x297: {  	s31 =	sadd.s32 $0xBC0, s24  }
0x298: {  	[tilespmem:s2], [sflag:s29] =	stream.indirect.gather.add.f32 [hbm:s5], $0x20, s31, s21, $0xb8;
	[tilespmem:$0x10440] =	vst v63  }
0x299: {  	s2 =	sadd.s32 $0x3000, s26;
	s31 =	sadd.s32 $0xC20, s24  }
0x29a: {  	[tilespmem:s2], [sflag:s29] =	stream.indirect.gather.add.f32 [hbm:s5], $0x20, s31, s21, $0xb8;
	[tilespmem:$0x10440] =	vst v63  }
0x29b: {  	s31 =	sadd.s32 $0xC40, s24  }
0x29c: {  	[tilespmem:s2], [sflag:s29] =	stream.indirect.gather.add.f32 [hbm:s5], $0x20, s31, s21, $0xb8;
	[tilespmem:$0x10440] =	vst v63  }
0x29d: {  	s31 =	sadd.s32 $0xC60, s24  }
0x29e: {  	[tilespmem:s2], [sflag:s29] =	stream.indirect.gather.add.f32 [hbm:s5], $0x20, s31, s21, $0xb8;
	[tilespmem:$0x10440] =	vst v63  }
0x29f: {  	s31 =	sadd.s32 $0xC80, s24  }
0x2a0: {  	[tilespmem:s2], [sflag:s29] =	stream.indirect.gather.add.f32 [hbm:s5], $0x20, s31, s21, $0xb8;
	[tilespmem:$0x10440] =	vst v63  }
0x2a1: {  	s31 =	sadd.s32 $0xCA0, s24  }
0x2a2: {  	[tilespmem:s2], [sflag:s29] =	stream.indirect.gather.add.f32 [hbm:s5], $0x20, s31, s21, $0xb8;
	[tilespmem:$0x10440] =	vst v63  }
0x2a3: {  	s31 =	sadd.s32 $0xCC0, s24  }
0x2a4: {  	[tilespmem:s2], [sflag:s29] =	stream.indirect.gather.add.f32 [hbm:s5], $0x20, s31, s21, $0xb8;
	[tilespmem:$0x10440] =	vst v63  }
0x2a5: {  	s2 =	sadd.s32 $0x3400, s26;
	s31 =	sadd.s32 $0xD20, s24  }
0x2a6: {  	[tilespmem:s2], [sflag:s29] =	stream.indirect.gather.add.f32 [hbm:s5], $0x20, s31, s21, $0xb8;
	[tilespmem:$0x10440] =	vst v63  }
0x2a7: {  	s31 =	sadd.s32 $0xD40, s24  }
0x2a8: {  	[tilespmem:s2], [sflag:s29] =	stream.indirect.gather.add.f32 [hbm:s5], $0x20, s31, s21, $0xb8;
	[tilespmem:$0x10440] =	vst v63  }
0x2a9: {  	s31 =	sadd.s32 $0xD60, s24  }
0x2aa: {  	[tilespmem:s2], [sflag:s29] =	stream.indirect.gather.add.f32 [hbm:s5], $0x20, s31, s21, $0xb8;
	[tilespmem:$0x10440] =	vst v63  }
0x2ab: {  	s31 =	sadd.s32 $0xD80, s24  }
0x2ac: {  	[tilespmem:s2], [sflag:s29] =	stream.indirect.gather.add.f32 [hbm:s5], $0x20, s31, s21, $0xb8;
	[tilespmem:$0x10440] =	vst v63  }
0x2ad: {  	s31 =	sadd.s32 $0xDA0, s24  }
0x2ae: {  	[tilespmem:s2], [sflag:s29] =	stream.indirect.gather.add.f32 [hbm:s5], $0x20, s31, s21, $0xb8;
	[tilespmem:$0x10440] =	vst v63  }
0x2af: {  	s31 =	sadd.s32 $0xDC0, s24  }
0x2b0: {  	[tilespmem:s2], [sflag:s29] =	stream.indirect.gather.add.f32 [hbm:s5], $0x20, s31, s21, $0xb8;
	[tilespmem:$0x10440] =	vst v63  }
0x2b1: {  	s2 =	sadd.s32 $0x3800, s26;
	s31 =	sadd.s32 $0xE20, s24  }
0x2b2: {  	[tilespmem:s2], [sflag:s29] =	stream.indirect.gather.add.f32 [hbm:s5], $0x20, s31, s21, $0xb8;
	[tilespmem:$0x10440] =	vst v63  }
0x2b3: {  	s31 =	sadd.s32 $0xE40, s24  }
0x2b4: {  	[tilespmem:s2], [sflag:s29] =	stream.indirect.gather.add.f32 [hbm:s5], $0x20, s31, s21, $0xb8;
	[tilespmem:$0x10440] =	vst v63  }
0x2b5: {  	s31 =	sadd.s32 $0xE60, s24  }
0x2b6: {  	[tilespmem:s2], [sflag:s29] =	stream.indirect.gather.add.f32 [hbm:s5], $0x20, s31, s21, $0xb8;
	[tilespmem:$0x10440] =	vst v63  }
0x2b7: {  	s31 =	sadd.s32 $0xE80, s24  }
0x2b8: {  	[tilespmem:s2], [sflag:s29] =	stream.indirect.gather.add.f32 [hbm:s5], $0x20, s31, s21, $0xb8;
	[tilespmem:$0x10440] =	vst v63  }
0x2b9: {  	s31 =	sadd.s32 $0xEA0, s24  }
0x2ba: {  	[tilespmem:s2], [sflag:s29] =	stream.indirect.gather.add.f32 [hbm:s5], $0x20, s31, s21, $0xb8;
	[tilespmem:$0x10440] =	vst v63  }
0x2bb: {  	s31 =	sadd.s32 $0xEC0, s24  }
0x2bc: {  	[tilespmem:s2], [sflag:s29] =	stream.indirect.gather.add.f32 [hbm:s5], $0x20, s31, s21, $0xb8;
	[tilespmem:$0x10440] =	vst v63  }
0x2bd: {  	s2 =	sadd.s32 $0x3C00, s26;
	s31 =	sadd.s32 $0xF20, s24  }
0x2be: {  	[tilespmem:s2], [sflag:s29] =	stream.indirect.gather.add.f32 [hbm:s5], $0x20, s31, s21, $0xb8;
	[tilespmem:$0x10440] =	vst v63  }
0x2bf: {  	s31 =	sadd.s32 $0xF40, s24  }
0x2c0: {  	[tilespmem:s2], [sflag:s29] =	stream.indirect.gather.add.f32 [hbm:s5], $0x20, s31, s21, $0xb8;
	[tilespmem:$0x10440] =	vst v63  }
0x2c1: {  	s31 =	sadd.s32 $0xF60, s24  }
0x2c2: {  	[tilespmem:s2], [sflag:s29] =	stream.indirect.gather.add.f32 [hbm:s5], $0x20, s31, s21, $0xb8;
	[tilespmem:$0x10440] =	vst v63  }
0x2c3: {  	s31 =	sadd.s32 $0xF80, s24  }
0x2c4: {  	[tilespmem:s2], [sflag:s29] =	stream.indirect.gather.add.f32 [hbm:s5], $0x20, s31, s21, $0xb8;
	[tilespmem:$0x10440] =	vst v63  }
0x2c5: {  	s31 =	sadd.s32 $0xFA0, s24  }
0x2c6: {  	[tilespmem:s2], [sflag:s29] =	stream.indirect.gather.add.f32 [hbm:s5], $0x20, s31, s21, $0xb8;
	[tilespmem:$0x10440] =	vst v63  }
0x2c7: {  	s26 =	sadd.s32 $0xFC0, s24;
	s31 =	smulhi.u32 $0xAAAAAAAB, s14  }
0x2c8: {  	[tilespmem:s2], [sflag:s29] =	stream.indirect.gather.add.f32 [hbm:s5], $0x20, s26, s21, $0xb8;
	[tilespmem:$0x10440] =	vst v63  }
0x2c9: {  	s29 =	sshrl.u32 s31, $0x1;
	s31 =	sand.u32 $0x1, s14  }
0x2ca: {  	p1 =	seq.s32 s31, $0x1  }
.Ltmp6:
0x2cb: {  	_ = 	snop;
	(pc) =	sbr.rel @p1 .LBB2_15-.Ltmp6, $3  }
0x2cc: {  	_ = 	snop  }
0x2cd: {  	s2 =	smul.u32 $0x3, s29;
	_ =	sdelay $0x1  }
0x2ce: {  	s26 =	simm.s32 $0x10;
	s24 =	ssub.s32 s14, s2  }
0x2cf: {  	_ =	swait.ge [sflag:s9], $0x400  }
0x2d0: {  	[sflag:s9] =	ssyncset.done $0x0  }
0x2d1: {  	[sflag:s9] =	ssyncadd.s32 $0xFFFFFC00  }
0x2d2: {  	_ =	swait.ge [sflag:s9], $0x400  }
0x2d3: {  	[sflag:s9] =	ssyncset.done $0x0  }
0x2d4: {  	[sflag:s9] =	ssyncadd.s32 $0xFFFFFC00  }
0x2d5: {  	_ =	swait.ge [sflag:s9], $0x400  }
0x2d6: {  	[sflag:s9] =	ssyncset.done $0x0  }
0x2d7: {  	[sflag:s9] =	ssyncadd.s32 $0xFFFFFC00  }
0x2d8: {  	_ =	swait.ge [sflag:s9], $0x400  }
0x2d9: {  	[sflag:s9] =	ssyncset.done $0x0  }
0x2da: {  	[sflag:s9] =	ssyncadd.s32 $0xFFFFFC00  }
0x2db: {  	_ =	swait.ge [sflag:s9], $0x400  }
0x2dc: {  	[sflag:s9] =	ssyncset.done $0x0  }
0x2dd: {  	[sflag:s9] =	ssyncadd.s32 $0xFFFFFC00  }
0x2de: {  	_ =	swait.ge [sflag:s9], $0x400  }
0x2df: {  	s22 =	sadd.s32 $0xFFFFFFFF, s26;
	[sflag:s9] =	ssyncset.done $0x0  }
.LBB2_13:
0x2e0: {  	p1 =	sne.s32 s22, $0x1;
	s22 =	sadd.s32 $0xFFFFFFFF, s22;
	[sflag:s9] =	ssyncadd.s32 $0xFFFFFC00  }
0x2e1: {  	_ =	swait.ge [sflag:s9], $0x400  }
0x2e2: {  	[sflag:s9] =	ssyncset.done $0x0  }
0x2e3: {  	[sflag:s9] =	ssyncadd.s32 $0xFFFFFC00  }
0x2e4: {  	_ =	swait.ge [sflag:s9], $0x400  }
0x2e5: {  	[sflag:s9] =	ssyncset.done $0x0  }
0x2e6: {  	[sflag:s9] =	ssyncadd.s32 $0xFFFFFC00  }
0x2e7: {  	_ =	swait.ge [sflag:s9], $0x400  }
0x2e8: {  	[sflag:s9] =	ssyncset.done $0x0  }
0x2e9: {  	[sflag:s9] =	ssyncadd.s32 $0xFFFFFC00  }
0x2ea: {  	_ =	swait.ge [sflag:s9], $0x400  }
0x2eb: {  	[sflag:s9] =	ssyncset.done $0x0  }
0x2ec: {  	[sflag:s9] =	ssyncadd.s32 $0xFFFFFC00  }
.Ltmp7:
0x2ed: {  	_ =	swait.ge [sflag:s9], $0x400;
	(pc) =	sbr.rel @p1 .LBB2_13-.Ltmp7, $4  }
0x2ee: {  	[sflag:s9] =	ssyncset.done $0x0  }
0x2ef: {  	[sflag:s9] =	ssyncadd.s32 $0xFFFFFC00  }
0x2f0: {  	_ =	swait.ge [sflag:s9], $0x400  }
0x2f1: {  	[sflag:s9] =	ssyncset.done $0x0  }
.Ltmp8:
0x2f2: {  	(pc) =	sbr.rel @p0 .LBB2_18-.Ltmp8, $4  }
.Ltmp9:
0x2f3: {  	(pc) =	sbr.rel @!p0 .LBB2_15-.Ltmp9, $4  }
0x2f4: {  	_ = 	snop  }
0x2f5: {  	_ = 	snop  }
0x2f6: {  	[sflag:s9] =	ssyncadd.s32 $0xFFFFFC00;
	s22 =	simm.s32 $0x1;
	s26 =	simm.s32 $0x0  }
0x2f7: {  	_ = 	snop  }
.LBB2_5:
0x2f8: {  	s22 =	simm.s32 $0x1;
	s11 =	simm.s32 $0x20;
	s24 =	simm.s32 $0x1  }
.LBB2_15:
0x2f9: {  	_ =	swait.ge [sflag:s10], $0x400  }
0x2fa: {  	[sflag:s10] =	ssyncset.done $0x0  }
0x2fb: {  	[sflag:s10] =	ssyncadd.s32 $0xFFFFFC00  }
0x2fc: {  	_ =	swait.ge [sflag:s10], $0x400  }
0x2fd: {  	[sflag:s10] =	ssyncset.done $0x0  }
0x2fe: {  	[sflag:s10] =	ssyncadd.s32 $0xFFFFFC00  }
0x2ff: {  	_ =	swait.ge [sflag:s10], $0x400  }
0x300: {  	[sflag:s10] =	ssyncset.done $0x0  }
0x301: {  	[sflag:s10] =	ssyncadd.s32 $0xFFFFFC00  }
0x302: {  	_ =	swait.ge [sflag:s10], $0x400  }
0x303: {  	[sflag:s10] =	ssyncset.done $0x0  }
0x304: {  	[sflag:s10] =	ssyncadd.s32 $0xFFFFFC00  }
0x305: {  	_ =	swait.ge [sflag:s10], $0x400  }
0x306: {  	[sflag:s10] =	ssyncset.done $0x0  }
0x307: {  	[sflag:s10] =	ssyncadd.s32 $0xFFFFFC00  }
0x308: {  	_ =	swait.ge [sflag:s10], $0x400  }
0x309: {  	s26 =	simm.s32 $0xF;
	[sflag:s10] =	ssyncset.done $0x0  }
.LBB2_16:
0x30a: {  	p0 =	sne.s32 s26, $0x1;
	s26 =	sadd.s32 $0xFFFFFFFF, s26;
	[sflag:s10] =	ssyncadd.s32 $0xFFFFFC00  }
0x30b: {  	_ =	swait.ge [sflag:s10], $0x400  }
0x30c: {  	[sflag:s10] =	ssyncset.done $0x0  }
0x30d: {  	[sflag:s10] =	ssyncadd.s32 $0xFFFFFC00  }
0x30e: {  	_ =	swait.ge [sflag:s10], $0x400  }
0x30f: {  	[sflag:s10] =	ssyncset.done $0x0  }
0x310: {  	[sflag:s10] =	ssyncadd.s32 $0xFFFFFC00  }
0x311: {  	_ =	swait.ge [sflag:s10], $0x400  }
0x312: {  	[sflag:s10] =	ssyncset.done $0x0  }
0x313: {  	[sflag:s10] =	ssyncadd.s32 $0xFFFFFC00  }
0x314: {  	_ =	swait.ge [sflag:s10], $0x400  }
0x315: {  	[sflag:s10] =	ssyncset.done $0x0  }
0x316: {  	[sflag:s10] =	ssyncadd.s32 $0xFFFFFC00  }
.Ltmp10:
0x317: {  	_ =	swait.ge [sflag:s10], $0x400;
	(pc) =	sbr.rel @p0 .LBB2_16-.Ltmp10, $4  }
0x318: {  	[sflag:s10] =	ssyncset.done $0x0  }
0x319: {  	[sflag:s10] =	ssyncadd.s32 $0xFFFFFC00  }
0x31a: {  	_ =	swait.ge [sflag:s10], $0x400  }
0x31b: {  	[sflag:s10] =	ssyncset.done $0x0  }
0x31c: {  	[sflag:s10] =	ssyncadd.s32 $0xFFFFFC00;
	s26 =	sshll.u32 s22, $0xB  }
.LBB2_18:
0x31d: {  	p0 =	slt.u32 s14, $0x2  }
0x31e: {  	s2 =	simm.s32 @!p0 $0x6  }
0x31f: {  	s22 =	sshll.u32 s24, $0xE;
	_ =	swait.ge @!p0 [sflag:s2], $0x200  }
0x320: {  	s22 =	sand.u32 $0x3FFFC000, s22;
	[sflag:s2] =	ssyncset.done @!p0 $0x0  }
0x321: {  	s24 =	sadd.s32 $0x4200, s22;
	[sflag:s2] =	ssyncadd.s32 @!p0 $0xFFFFFE00  }
0x322: {  	v32 =	vld [tilespmem:s24+$0x1C0]  }
0x323: {  	v33 =	vld [tilespmem:s24+$0x1E0]  }
0x324: {  	v35 =	vld [tilespmem:s24+$0x180]  }
0x325: {  	v36 =	vld [tilespmem:s24+$0x1A0]  }
0x326: {  	v37 =	vld [tilespmem:s24+$0x140]  }
0x327: {  	v38 =	vld [tilespmem:s24+$0x160]  }
0x328: {  	v39 =	vld [tilespmem:s24+$0x100]  }
0x329: {  	v40 =	vld [tilespmem:s24+$0x120]  }
0x32a: {  	v41 =	vld [tilespmem:s24+$0xC0]  }
0x32b: {  	v42 =	vld [tilespmem:s24+$0xE0]  }
0x32c: {  	v43 =	vld [tilespmem:s24+$0x80]  }
0x32d: {  	v44 =	vld [tilespmem:s24+$0xA0]  }
0x32e: {  	v45 =	vld [tilespmem:s24+$0x40]  }
0x32f: {  	v46 =	vld [tilespmem:s24+$0x60]  }
0x330: {  	v47 =	vld [tilespmem:s24+$0x0]  }
0x331: {  	v48 =	vld [tilespmem:s24+$0x20]  }
0x332: {  	v49 =	vld [tilespmem:s24+$0xFFFFFFC0]  }
0x333: {  	v50 =	vld [tilespmem:s24+$0xFFFFFFE0]  }
0x334: {  	v51 =	vld [tilespmem:s24+$0xFFFFFF80]  }
0x335: {  	v52 =	vld [tilespmem:s24+$0xFFFFFFA0]  }
0x336: {  	v53 =	vld [tilespmem:s24+$0xFFFFFF40]  }
0x337: {  	v54 =	vld [tilespmem:s24+$0xFFFFFF60]  }
0x338: {  	v55 =	vld [tilespmem:s24+$0xFFFFFF00]  }
0x339: {  	v56 =	vld [tilespmem:s24+$0xFFFFFF20]  }
0x33a: {  	v57 =	vld [tilespmem:s24+$0xFFFFFEC0]  }
0x33b: {  	v58 =	vld [tilespmem:s24+$0xFFFFFEE0]  }
0x33c: {  	v59 =	vld [tilespmem:s24+$0xFFFFFE80]  }
0x33d: {  	v60 =	vld [tilespmem:s24+$0xFFFFFEA0]  }
0x33e: {  	v61 =	vld [tilespmem:s24+$0xFFFFFE40]  }
0x33f: {  	v62 =	vld [tilespmem:s24+$0xFFFFFE60]  }
0x340: {  	v1 =	vld [tilespmem:s24+$0xFFFFFE00]  }
0x341: {  	s31 =	sshrl.u32 s26, $0x2;
	v2 =	vld [tilespmem:s24+$0xFFFFFE20]  }
0x342: {  	s22 =	sor.u32 $0x10000, s31;
	v63 =	vld [tilespmem:s24+$0xFFFFFE30]  }
0x343: {  	s26 =	simm.s32 $0x0;
	s29 =	simm.s32 $0x80;
	v34 =	vmov s22;
	v3 =	vld [tilespmem:s24+$0xFFFFFE10]  }
.LBB2_19:
0x344: {  	p0 =	sne.s32 s29, $0x780;
	v4 =	vld [tilespmem:s24+$0xFFFFFE70]  }
0x345: {  	v5 =	vld [tilespmem:s24+$0xFFFFFE50]  }
0x346: {  	v6 =	vld [tilespmem:s24+$0xFFFFFEB0]  }
0x347: {  	v1 =	vadd.f32 $0.0e+00, v1;
	v2 =	vadd.f32 $0.0e+00, v2;
	v7 =	vld [tilespmem:s24+$0xFFFFFE90]  }
0x348: {  	v63 =	vadd.f32 $0.0e+00, v63;
	v3 =	vadd.f32 $0.0e+00, v3;
	v0 =	vld [tilespmem:s24+$0xFFFFFEF0]  }
0x349: {  	v1 =	vadd.f32 v61, v1;
	v2 =	vadd.f32 v62, v2;
	v61 =	vld [tilespmem:s24+$0xFFFFFED0]  }
0x34a: {  	v4 =	vadd.f32 v4, v63;
	v3 =	vadd.f32 v5, v3;
	v5 =	vld [tilespmem:s24+$0xFFFFFF30]  }
0x34b: {  	v1 =	vadd.f32 v59, v1;
	v2 =	vadd.f32 v60, v2;
	v59 =	vld [tilespmem:s24+$0xFFFFFF10]  }
0x34c: {  	v4 =	vadd.f32 v6, v4;
	v3 =	vadd.f32 v7, v3;
	v6 =	vld [tilespmem:s24+$0xFFFFFF70]  }
0x34d: {  	v1 =	vadd.f32 v57, v1;
	v2 =	vadd.f32 v58, v2;
	v7 =	vld [tilespmem:s24+$0xFFFFFF50]  }
0x34e: {  	v0 =	vadd.f32 v0, v4;
	v3 =	vadd.f32 v61, v3;
	v4 =	vld [tilespmem:s24+$0xFFFFFFB0]  }
0x34f: {  	v1 =	vadd.f32 v55, v1;
	v2 =	vadd.f32 v56, v2;
	v55 =	vld [tilespmem:s24+$0xFFFFFF90]  }
0x350: {  	v0 =	vadd.f32 v5, v0;
	v3 =	vadd.f32 v59, v3;
	v5 =	vld [tilespmem:s24+$0xFFFFFFF0]  }
0x351: {  	v1 =	vadd.f32 v53, v1;
	v2 =	vadd.f32 v54, v2;
	v53 =	vld [tilespmem:s24+$0xFFFFFFD0]  }
0x352: {  	v0 =	vadd.f32 v6, v0;
	v3 =	vadd.f32 v7, v3;
	v6 =	vld [tilespmem:s24+$0x30]  }
0x353: {  	v1 =	vadd.f32 v51, v1;
	v2 =	vadd.f32 v52, v2;
	v7 =	vld [tilespmem:s24+$0x10]  }
0x354: {  	v0 =	vadd.f32 v4, v0;
	v3 =	vadd.f32 v55, v3;
	v4 =	vld [tilespmem:s24+$0x70]  }
0x355: {  	v1 =	vadd.f32 v49, v1;
	v2 =	vadd.f32 v50, v2;
	v49 =	vld [tilespmem:s24+$0x50]  }
0x356: {  	v0 =	vadd.f32 v5, v0;
	v3 =	vadd.f32 v53, v3;
	v5 =	vld [tilespmem:s24+$0xB0]  }
0x357: {  	v1 =	vadd.f32 v47, v1;
	v2 =	vadd.f32 v48, v2;
	v47 =	vld [tilespmem:s24+$0x90]  }
0x358: {  	v0 =	vadd.f32 v6, v0;
	v3 =	vadd.f32 v7, v3;
	v6 =	vld [tilespmem:s24+$0xF0]  }
0x359: {  	v1 =	vadd.f32 v45, v1;
	v2 =	vadd.f32 v46, v2;
	v7 =	vld [tilespmem:s24+$0xD0]  }
0x35a: {  	v0 =	vadd.f32 v4, v0;
	v3 =	vadd.f32 v49, v3;
	v4 =	vld [tilespmem:s24+$0x130]  }
0x35b: {  	v1 =	vadd.f32 v43, v1;
	v2 =	vadd.f32 v44, v2;
	v43 =	vld [tilespmem:s24+$0x110]  }
0x35c: {  	v0 =	vadd.f32 v5, v0;
	v3 =	vadd.f32 v47, v3;
	v5 =	vld [tilespmem:s24+$0x170]  }
0x35d: {  	v1 =	vadd.f32 v41, v1;
	v2 =	vadd.f32 v42, v2;
	v41 =	vld [tilespmem:s24+$0x150]  }
0x35e: {  	v0 =	vadd.f32 v6, v0;
	v3 =	vadd.f32 v7, v3;
	v6 =	vld [tilespmem:s24+$0x1B0]  }
0x35f: {  	v1 =	vadd.f32 v39, v1;
	v2 =	vadd.f32 v40, v2;
	v7 =	vld [tilespmem:s24+$0x190]  }
0x360: {  	v0 =	vadd.f32 v4, v0;
	v3 =	vadd.f32 v43, v3;
	v4 =	vld [tilespmem:s24+$0x1F0]  }
0x361: {  	v1 =	vadd.f32 v37, v1;
	v2 =	vadd.f32 v38, v2;
	v37 =	vld [tilespmem:s24+$0x1D0]  }
0x362: {  	v0 =	vadd.f32 v5, v0;
	v3 =	vadd.f32 v41, v3  }
0x363: {  	v1 =	vadd.f32 v35, v1;
	v2 =	vadd.f32 v36, v2  }
0x364: {  	v0 =	vadd.f32 v6, v0;
	v3 =	vadd.f32 v7, v3  }
0x365: {  	v1 =	vadd.f32 v32, v1;
	v2 =	vadd.f32 v33, v2  }
0x366: {  	v0 =	vadd.f32 v4, v0;
	v3 =	vadd.f32 v37, v3  }
0x367: {  	v1 =	vadd.f32 v2, v1  }
0x368: {  	s2 =	sshra.s32 s26, $0x2;
	s26 =	smov.u32 s29;
	v0 =	vadd.f32 v0, v3  }
0x369: {  	[tilespmem:v34+s2+$0x0 ss:$0x1] =	vst.idx.msk $0xffff, v1  }
0x36a: {  	s24 =	sadd.s32 $0x400, s24;
	[tilespmem:v34+s2+$0x10 ss:$0x1] =	vst.idx.msk $0xffff, v0  }
0x36b: {  	v32 =	vld [tilespmem:s24+$0x1C0]  }
0x36c: {  	v33 =	vld [tilespmem:s24+$0x1E0]  }
0x36d: {  	v35 =	vld [tilespmem:s24+$0x180]  }
0x36e: {  	v36 =	vld [tilespmem:s24+$0x1A0]  }
0x36f: {  	v37 =	vld [tilespmem:s24+$0x140]  }
0x370: {  	v38 =	vld [tilespmem:s24+$0x160]  }
0x371: {  	v39 =	vld [tilespmem:s24+$0x100]  }
0x372: {  	v40 =	vld [tilespmem:s24+$0x120]  }
0x373: {  	v41 =	vld [tilespmem:s24+$0xC0]  }
0x374: {  	v42 =	vld [tilespmem:s24+$0xE0]  }
0x375: {  	v43 =	vld [tilespmem:s24+$0x80]  }
0x376: {  	v44 =	vld [tilespmem:s24+$0xA0]  }
0x377: {  	v45 =	vld [tilespmem:s24+$0x40]  }
0x378: {  	v46 =	vld [tilespmem:s24+$0x60]  }
0x379: {  	v47 =	vld [tilespmem:s24+$0x0]  }
0x37a: {  	v48 =	vld [tilespmem:s24+$0x20]  }
0x37b: {  	v49 =	vld [tilespmem:s24+$0xFFFFFFC0]  }
0x37c: {  	v50 =	vld [tilespmem:s24+$0xFFFFFFE0]  }
0x37d: {  	v51 =	vld [tilespmem:s24+$0xFFFFFF80]  }
0x37e: {  	v52 =	vld [tilespmem:s24+$0xFFFFFFA0]  }
0x37f: {  	v53 =	vld [tilespmem:s24+$0xFFFFFF40]  }
0x380: {  	v54 =	vld [tilespmem:s24+$0xFFFFFF60]  }
0x381: {  	v55 =	vld [tilespmem:s24+$0xFFFFFF00]  }
0x382: {  	v56 =	vld [tilespmem:s24+$0xFFFFFF20]  }
0x383: {  	v57 =	vld [tilespmem:s24+$0xFFFFFEC0]  }
0x384: {  	v58 =	vld [tilespmem:s24+$0xFFFFFEE0]  }
0x385: {  	v59 =	vld [tilespmem:s24+$0xFFFFFE80]  }
0x386: {  	v60 =	vld [tilespmem:s24+$0xFFFFFEA0]  }
0x387: {  	v61 =	vld [tilespmem:s24+$0xFFFFFE40]  }
.Ltmp11:
0x388: {  	v62 =	vld [tilespmem:s24+$0xFFFFFE60];
	(pc) =	sbr.rel @p0 .LBB2_19-.Ltmp11, $4  }
0x389: {  	v1 =	vld [tilespmem:s24+$0xFFFFFE00]  }
0x38a: {  	v2 =	vld [tilespmem:s24+$0xFFFFFE20]  }
0x38b: {  	v63 =	vld [tilespmem:s24+$0xFFFFFE30]  }
0x38c: {  	s29 =	sadd.s32 $0x80, s29;
	v3 =	vld [tilespmem:s24+$0xFFFFFE10]  }
0x38d: {  	v0 =	vld [tilespmem:s24+$0xFFFFFE70]  }
0x38e: {  	v4 =	vld [tilespmem:s24+$0xFFFFFE50]  }
0x38f: {  	v5 =	vld [tilespmem:s24+$0xFFFFFEB0]  }
0x390: {  	v6 =	vld [tilespmem:s24+$0xFFFFFE90];
	v1 =	vadd.f32 $0.0e+00, v1;
	v2 =	vadd.f32 $0.0e+00, v2  }
0x391: {  	v7 =	vadd.f32 $0.0e+00, v63;
	v63 =	vld [tilespmem:s24+$0xFFFFFEF0];
	v3 =	vadd.f32 $0.0e+00, v3  }
0x392: {  	v1 =	vadd.f32 v61, v1;
	v61 =	vld [tilespmem:s24+$0xFFFFFED0];
	v2 =	vadd.f32 v62, v2  }
0x393: {  	v0 =	vadd.f32 v0, v7;
	v7 =	vld [tilespmem:s24+$0xFFFFFF10];
	v3 =	vadd.f32 v4, v3  }
0x394: {  	v1 =	vadd.f32 v59, v1;
	v4 =	vld [tilespmem:s24+$0xFFFFFF30];
	v2 =	vadd.f32 v60, v2  }
0x395: {  	v60 =	vld [tilespmem:s24+$0xFFFFFF70];
	v0 =	vadd.f32 v5, v0;
	v3 =	vadd.f32 v6, v3  }
0x396: {  	v1 =	vadd.f32 v57, v1;
	v2 =	vadd.f32 v58, v2;
	v6 =	vld [tilespmem:s24+$0xFFFFFF50]  }
0x397: {  	v62 =	vld [tilespmem:s24+$0xFFFFFFB0];
	v0 =	vadd.f32 v63, v0;
	v3 =	vadd.f32 v61, v3  }
0x398: {  	v1 =	vadd.f32 v55, v1;
	v63 =	vld [tilespmem:s24+$0xFFFFFF90];
	v2 =	vadd.f32 v56, v2  }
0x399: {  	v58 =	vld [tilespmem:s24+$0xFFFFFFF0];
	v0 =	vadd.f32 v4, v0;
	v3 =	vadd.f32 v7, v3  }
0x39a: {  	v1 =	vadd.f32 v53, v1;
	v2 =	vadd.f32 v54, v2;
	v7 =	vld [tilespmem:s24+$0xFFFFFFD0]  }
0x39b: {  	v59 =	vld [tilespmem:s24+$0x30];
	v0 =	vadd.f32 v60, v0;
	v3 =	vadd.f32 v6, v3  }
0x39c: {  	v1 =	vadd.f32 v51, v1;
	v2 =	vadd.f32 v52, v2;
	v6 =	vld [tilespmem:s24+$0x10]  }
0x39d: {  	v61 =	vld [tilespmem:s24+$0x50];
	v0 =	vadd.f32 v62, v0;
	v3 =	vadd.f32 v63, v3  }
0x39e: {  	v60 =	vld [tilespmem:s24+$0x70];
	v1 =	vadd.f32 v49, v1;
	v2 =	vadd.f32 v50, v2  }
0x39f: {  	v62 =	vld [tilespmem:s24+$0xB0];
	v0 =	vadd.f32 v58, v0;
	v3 =	vadd.f32 v7, v3  }
0x3a0: {  	v1 =	vadd.f32 v47, v1;
	v2 =	vadd.f32 v48, v2;
	v7 =	vld [tilespmem:s24+$0x90]  }
0x3a1: {  	v63 =	vld [tilespmem:s24+$0xF0];
	v0 =	vadd.f32 v59, v0;
	v3 =	vadd.f32 v6, v3  }
0x3a2: {  	v1 =	vadd.f32 v45, v1;
	v2 =	vadd.f32 v46, v2;
	v6 =	vld [tilespmem:s24+$0xD0]  }
0x3a3: {  	v49 =	vld [tilespmem:s24+$0x110];
	v0 =	vadd.f32 v60, v0;
	v3 =	vadd.f32 v61, v3  }
0x3a4: {  	v48 =	vld [tilespmem:s24+$0x130];
	v1 =	vadd.f32 v43, v1;
	v2 =	vadd.f32 v44, v2  }
0x3a5: {  	v50 =	vld [tilespmem:s24+$0x170];
	v0 =	vadd.f32 v62, v0;
	v3 =	vadd.f32 v7, v3  }
0x3a6: {  	v1 =	vadd.f32 v41, v1;
	v2 =	vadd.f32 v42, v2;
	v7 =	vld [tilespmem:s24+$0x150]  }
0x3a7: {  	v51 =	vld [tilespmem:s24+$0x1B0];
	v0 =	vadd.f32 v63, v0;
	v3 =	vadd.f32 v6, v3  }
0x3a8: {  	v1 =	vadd.f32 v39, v1;
	v2 =	vadd.f32 v40, v2;
	v6 =	vld [tilespmem:s24+$0x190]  }
0x3a9: {  	v53 =	vld [tilespmem:s24+$0x1D0];
	v0 =	vadd.f32 v48, v0;
	v3 =	vadd.f32 v49, v3  }
0x3aa: {  	v52 =	vld [tilespmem:s24+$0x1F0];
	v1 =	vadd.f32 v37, v1;
	v2 =	vadd.f32 v38, v2  }
0x3ab: {  	v0 =	vadd.f32 v50, v0;
	v3 =	vadd.f32 v7, v3  }
0x3ac: {  	v1 =	vadd.f32 v35, v1;
	v2 =	vadd.f32 v36, v2  }
0x3ad: {  	v0 =	vadd.f32 v51, v0;
	v3 =	vadd.f32 v6, v3  }
0x3ae: {  	v1 =	vadd.f32 v32, v1;
	v2 =	vadd.f32 v33, v2  }
0x3af: {  	v0 =	vadd.f32 v52, v0;
	v3 =	vadd.f32 v53, v3  }
0x3b0: {  	v1 =	vadd.f32 v2, v1  }
0x3b1: {  	s2 =	sshra.s32 s26, $0x2;
	v0 =	vadd.f32 v0, v3  }
0x3b2: {  	s26 =	sshll.u32 s14, $0x4;
	[tilespmem:v34+s2+$0x0 ss:$0x1] =	vst.idx.msk $0xffff, v1  }
0x3b3: {  	s29 =	sand.u32 $0x30, s26;
	[tilespmem:v34+s2+$0x10 ss:$0x1] =	vst.idx.msk $0xffff, v0  }
0x3b4: {  	v0 =	vld [tilespmem:s29+$0x10400];
	_ =	sdelay $0x1  }
0x3b5: {  	v54 =	vld [tilespmem:$0x1FFF0];
	_ =	sdelay $0x2  }
0x3b6: {  	(erf) = vrcp.f32 v0;
	_ =	sdelay $0x3  }
0x3b7: {  	v57 =	vld [tilespmem:$0x1FF80]  }
0x3b8: {  	v55 =	vld.idx.msk [tilespmem:v54+s22+$0x0], $0xffff;
	_ =	sdelay $0x3  }
0x3b9: {  	v56 =	vpop (erf)  }
0x3ba: {  	v0 =	vmul.f32 v56, v55;
	_ =	sdelay $0x1  }
0x3bb: {  	v58 =	vld [tilespmem:$0x1FF90];
	[tilespmem:v54+s22+$0x0] =	vst.idx.msk $0xffff, v0  }
0x3bc: {  	v0 =	vld.idx.msk [tilespmem:v57+s22+$0x0], $0xffff;
	_ =	sdelay $0x4  }
0x3bd: {  	v0 =	vmul.f32 v0, v56;
	_ =	sdelay $0x1  }
0x3be: {  	v59 =	vld [tilespmem:$0x1FFA0];
	[tilespmem:v57+s22+$0x0] =	vst.idx.msk $0xffff, v0  }
0x3bf: {  	v0 =	vld.idx.msk [tilespmem:v58+s22+$0x0], $0xffff;
	_ =	sdelay $0x4  }
0x3c0: {  	v0 =	vmul.f32 v0, v56;
	_ =	sdelay $0x1  }
0x3c1: {  	v60 =	vld [tilespmem:$0x1FFB0];
	[tilespmem:v58+s22+$0x0] =	vst.idx.msk $0xffff, v0  }
0x3c2: {  	v0 =	vld.idx.msk [tilespmem:v59+s22+$0x0], $0xffff;
	_ =	sdelay $0x4  }
0x3c3: {  	v0 =	vmul.f32 v0, v56;
	_ =	sdelay $0x1  }
0x3c4: {  	v61 =	vld [tilespmem:$0x1FFC0];
	[tilespmem:v59+s22+$0x0] =	vst.idx.msk $0xffff, v0  }
0x3c5: {  	v0 =	vld.idx.msk [tilespmem:v60+s22+$0x0], $0xffff;
	_ =	sdelay $0x4  }
0x3c6: {  	v0 =	vmul.f32 v0, v56;
	_ =	sdelay $0x1  }
0x3c7: {  	v62 =	vld [tilespmem:$0x1FFD0];
	[tilespmem:v60+s22+$0x0] =	vst.idx.msk $0xffff, v0  }
0x3c8: {  	v0 =	vld.idx.msk [tilespmem:v61+s22+$0x0], $0xffff;
	_ =	sdelay $0x4  }
0x3c9: {  	v0 =	vmul.f32 v0, v56;
	_ =	sdelay $0x1  }
0x3ca: {  	v63 =	vld [tilespmem:$0x1FFE0];
	[tilespmem:v61+s22+$0x0] =	vst.idx.msk $0xffff, v0  }
0x3cb: {  	v0 =	vld.idx.msk [tilespmem:v62+s22+$0x0], $0xffff;
	_ =	sdelay $0x4  }
0x3cc: {  	v0 =	vmul.f32 v0, v56;
	_ =	sdelay $0x1  }
0x3cd: {  	[tilespmem:v62+s22+$0x0] =	vst.idx.msk $0xffff, v0  }
0x3ce: {  	v0 =	vld.idx.msk [tilespmem:v63+s22+$0x0], $0xffff;
	_ =	sdelay $0x4  }
0x3cf: {  	v0 =	vmul.f32 v0, v56;
	_ =	sdelay $0x1  }
0x3d0: {  	[tilespmem:v63+s22+$0x0] =	vst.idx.msk $0xffff, v0  }
0x3d1: {  	v0 =	vld.idx.msk [tilespmem:v8+s22+$0x0], $0xffff;
	_ =	sdelay $0x4  }
0x3d2: {  	v0 =	vmul.f32 v0, v56;
	_ =	sdelay $0x1  }
0x3d3: {  	[tilespmem:v8+s22+$0x0] =	vst.idx.msk $0xffff, v0  }
0x3d4: {  	v0 =	vld.idx.msk [tilespmem:v9+s22+$0x0], $0xffff;
	_ =	sdelay $0x4  }
0x3d5: {  	v0 =	vmul.f32 v0, v56;
	_ =	sdelay $0x1  }
0x3d6: {  	[tilespmem:v9+s22+$0x0] =	vst.idx.msk $0xffff, v0  }
0x3d7: {  	v0 =	vld.idx.msk [tilespmem:v10+s22+$0x0], $0xffff;
	_ =	sdelay $0x4  }
0x3d8: {  	v0 =	vmul.f32 v0, v56;
	_ =	sdelay $0x1  }
0x3d9: {  	[tilespmem:v10+s22+$0x0] =	vst.idx.msk $0xffff, v0  }
0x3da: {  	v0 =	vld.idx.msk [tilespmem:v11+s22+$0x0], $0xffff;
	_ =	sdelay $0x4  }
0x3db: {  	v0 =	vmul.f32 v0, v56;
	_ =	sdelay $0x1  }
0x3dc: {  	[tilespmem:v11+s22+$0x0] =	vst.idx.msk $0xffff, v0  }
0x3dd: {  	v0 =	vld.idx.msk [tilespmem:v12+s22+$0x0], $0xffff;
	_ =	sdelay $0x4  }
0x3de: {  	v0 =	vmul.f32 v0, v56;
	_ =	sdelay $0x1  }
0x3df: {  	[tilespmem:v12+s22+$0x0] =	vst.idx.msk $0xffff, v0  }
0x3e0: {  	v0 =	vld.idx.msk [tilespmem:v13+s22+$0x0], $0xffff;
	_ =	sdelay $0x4  }
0x3e1: {  	v0 =	vmul.f32 v0, v56;
	_ =	sdelay $0x1  }
0x3e2: {  	[tilespmem:v13+s22+$0x0] =	vst.idx.msk $0xffff, v0  }
0x3e3: {  	v0 =	vld.idx.msk [tilespmem:v14+s22+$0x0], $0xffff;
	_ =	sdelay $0x4  }
0x3e4: {  	v0 =	vmul.f32 v0, v56;
	_ =	sdelay $0x1  }
0x3e5: {  	[tilespmem:v14+s22+$0x0] =	vst.idx.msk $0xffff, v0  }
0x3e6: {  	v0 =	vld.idx.msk [tilespmem:v15+s22+$0x0], $0xffff;
	_ =	sdelay $0x4  }
0x3e7: {  	v0 =	vmul.f32 v0, v56;
	_ =	sdelay $0x1  }
0x3e8: {  	[tilespmem:v15+s22+$0x0] =	vst.idx.msk $0xffff, v0  }
0x3e9: {  	v0 =	vld.idx.msk [tilespmem:v16+s22+$0x0], $0xffff;
	_ =	sdelay $0x4  }
0x3ea: {  	v0 =	vmul.f32 v0, v56;
	_ =	sdelay $0x1  }
0x3eb: {  	[tilespmem:v16+s22+$0x0] =	vst.idx.msk $0xffff, v0  }
0x3ec: {  	v0 =	vld.idx.msk [tilespmem:v17+s22+$0x0], $0xffff;
	_ =	sdelay $0x4  }
0x3ed: {  	v0 =	vmul.f32 v0, v56;
	_ =	sdelay $0x1  }
0x3ee: {  	[tilespmem:v17+s22+$0x0] =	vst.idx.msk $0xffff, v0  }
0x3ef: {  	v0 =	vld.idx.msk [tilespmem:v18+s22+$0x0], $0xffff;
	_ =	sdelay $0x4  }
0x3f0: {  	v0 =	vmul.f32 v0, v56;
	_ =	sdelay $0x1  }
0x3f1: {  	[tilespmem:v18+s22+$0x0] =	vst.idx.msk $0xffff, v0  }
0x3f2: {  	v0 =	vld.idx.msk [tilespmem:v19+s22+$0x0], $0xffff;
	_ =	sdelay $0x4  }
0x3f3: {  	v0 =	vmul.f32 v0, v56;
	_ =	sdelay $0x1  }
0x3f4: {  	[tilespmem:v19+s22+$0x0] =	vst.idx.msk $0xffff, v0  }
0x3f5: {  	v0 =	vld.idx.msk [tilespmem:v20+s22+$0x0], $0xffff;
	_ =	sdelay $0x4  }
0x3f6: {  	v0 =	vmul.f32 v0, v56;
	_ =	sdelay $0x1  }
0x3f7: {  	[tilespmem:v20+s22+$0x0] =	vst.idx.msk $0xffff, v0  }
0x3f8: {  	v0 =	vld.idx.msk [tilespmem:v21+s22+$0x0], $0xffff;
	_ =	sdelay $0x4  }
0x3f9: {  	v0 =	vmul.f32 v0, v56;
	_ =	sdelay $0x1  }
0x3fa: {  	[tilespmem:v21+s22+$0x0] =	vst.idx.msk $0xffff, v0  }
0x3fb: {  	v0 =	vld.idx.msk [tilespmem:v22+s22+$0x0], $0xffff;
	_ =	sdelay $0x4  }
0x3fc: {  	v0 =	vmul.f32 v0, v56;
	_ =	sdelay $0x1  }
0x3fd: {  	[tilespmem:v22+s22+$0x0] =	vst.idx.msk $0xffff, v0  }
0x3fe: {  	v0 =	vld.idx.msk [tilespmem:v23+s22+$0x0], $0xffff;
	_ =	sdelay $0x4  }
0x3ff: {  	v0 =	vmul.f32 v0, v56;
	_ =	sdelay $0x1  }
0x400: {  	[tilespmem:v23+s22+$0x0] =	vst.idx.msk $0xffff, v0  }
0x401: {  	v0 =	vld.idx.msk [tilespmem:v24+s22+$0x0], $0xffff;
	_ =	sdelay $0x4  }
0x402: {  	v0 =	vmul.f32 v0, v56;
	_ =	sdelay $0x1  }
0x403: {  	[tilespmem:v24+s22+$0x0] =	vst.idx.msk $0xffff, v0  }
0x404: {  	v0 =	vld.idx.msk [tilespmem:v25+s22+$0x0], $0xffff;
	_ =	sdelay $0x4  }
0x405: {  	v0 =	vmul.f32 v0, v56;
	_ =	sdelay $0x1  }
0x406: {  	[tilespmem:v25+s22+$0x0] =	vst.idx.msk $0xffff, v0  }
0x407: {  	v0 =	vld.idx.msk [tilespmem:v26+s22+$0x0], $0xffff;
	_ =	sdelay $0x4  }
0x408: {  	v0 =	vmul.f32 v0, v56;
	_ =	sdelay $0x1  }
0x409: {  	[tilespmem:v26+s22+$0x0] =	vst.idx.msk $0xffff, v0  }
0x40a: {  	v0 =	vld.idx.msk [tilespmem:v27+s22+$0x0], $0xffff;
	_ =	sdelay $0x4  }
0x40b: {  	v0 =	vmul.f32 v0, v56;
	_ =	sdelay $0x1  }
0x40c: {  	[tilespmem:v27+s22+$0x0] =	vst.idx.msk $0xffff, v0  }
0x40d: {  	v0 =	vld.idx.msk [tilespmem:v28+s22+$0x0], $0xffff;
	_ =	sdelay $0x4  }
0x40e: {  	v0 =	vmul.f32 v0, v56;
	_ =	sdelay $0x1  }
0x40f: {  	[tilespmem:v28+s22+$0x0] =	vst.idx.msk $0xffff, v0  }
0x410: {  	v0 =	vld.idx.msk [tilespmem:v29+s22+$0x0], $0xffff;
	_ =	sdelay $0x4  }
0x411: {  	v0 =	vmul.f32 v0, v56;
	_ =	sdelay $0x1  }
0x412: {  	[tilespmem:v29+s22+$0x0] =	vst.idx.msk $0xffff, v0  }
0x413: {  	v0 =	vld.idx.msk [tilespmem:v30+s22+$0x0], $0xffff;
	_ =	sdelay $0x4  }
0x414: {  	v0 =	vmul.f32 v0, v56;
	_ =	sdelay $0x1  }
0x415: {  	[tilespmem:v30+s22+$0x0] =	vst.idx.msk $0xffff, v0  }
0x416: {  	v0 =	vld.idx.msk [tilespmem:v31+s22+$0x0], $0xffff;
	_ =	sdelay $0x2  }
0x417: {  	p0 =	sne.s32 s11, $0x20  }
.Ltmp12:
0x418: {  	_ = 	snop;
	(pc) =	sbr.rel @p0 .LBB2_2-.Ltmp12, $4  }
0x419: {  	v0 =	vmul.f32 v0, v56  }
0x41a: {  	s31 =	sshll.u32 s14, $0x6  }
0x41b: {  	s14 =	smov.u32 s11;
	s2 =	sadd.s32 s31, s13;
	[tilespmem:v31+s22+$0x0] =	vst.idx.msk $0xffff, v0  }
0x41c: {  	[hbm4b:s2+s1] =	stream.linear.scatter [tilespmem:s22], [sflag:$0x6], $0x200, $0x38;
	[tilespmem:$0x10440] =	vst v63  }
0x41d: {  	s11 =	simm.s32 $0x6  }
0x41e: {  	_ =	swait.ge [sflag:s11], $0x200  }
0x41f: {  	[sflag:s11] =	ssyncset.done $0x0  }
0x420: {  	[sflag:s11] =	ssyncadd.s32 $0xFFFFFE00  }
0x421: {  	_ =	swait.ge [sflag:s11], $0x200  }
0x422: {  	s12 =	sadd.s32 $0x1, s12;
	s2 =	rddreg [dreg:$0x9]  }
0x423: {  	p0 =	sne.s32 s12, s2  }
.Ltmp13:
0x424: {  	_ = 	snop;
	(pc) =	sbr.rel @p0 .LBB2_1-.Ltmp13, $3  }
0x425: {  	_ =	sdelay $0x1  }
0x426: {  	[sflag:s11] =	ssyncset.done $0x0  }
0x427: {  	[sflag:s11] =	ssyncadd.s32 $0xFFFFFE00  }
0x428: {  	_ =	sfence.sel $0x180000  }
0x429: {  	[bflag:$0x0] =	sbarrier.arrive $0xFFFF  }
0x42a: {  	_ =	strace $0x9000004A  }
0x42b: {  	s0 =	stileid.u32;
	[bflag:$0x2] =	sbarrier.arrive $0xFFFF  }
0x42c: {  	p0 =	sne.s32 s0, $0x0;
	s0 =	rddreg [dreg:$0x2]  }
0x42d: {  	s0 =	sadd.s32 @!p0 $0x100000, s0  }
0x42e: {  	[sflag:s0] =	ssyncadd.tile.s32 @!p0 $0x1;
	_ =	shalt  }
.Lfunc_end2:
_tile_overlayer_lowered:
.L_overlay_start_2:
0x42f: {  	(tag) =	ssettag $0x2  }
0x430: {  	s0 =	rddreg [dreg:$0x0];
	s2 =	stileid.u32  }
0x431: {  	s1 =	rddreg [dreg:$0x1];
	p0 =	sne.s32 s2, $0x0  }
0x432: {  	s3 =	rddreg [dreg:$0x2];
	[bflag:$0x3] =	sbarrier.arrive $0xFFFF;
	s2 =	simm.s32 @!p0 $0x1C07  }
0x433: {  	[timem:s3], [sflag:s2] =	dma.local @!p0 [hbm:s0], s1  }
0x434: {  	s0 =	simm.s32 @!p0 $0x7  }
0x435: {  	_ =	swait.ge @!p0 [sflag:s0], s1  }
0x436: {  	s1 =	ssub.s32 @!p0 $0x0, s1;
	[sflag:s0] =	ssyncset.done @!p0 $0x0  }
0x437: {  	[sflag:s0] =	ssyncadd.s32 @!p0 s1  }
0x438: {  	[bflag:$0x3] =	sbarrier.arrive $0xFFFF  }
0x439: {  	_ =	shalt  }

// kernel: sparse-core-data-format-call.cloned.1.call-start
scs
called_computation_lowered:
.L_overlay_start_0:
0x0: {  	s2 =	sld [smem:$0x3FD9]  }
0x1: {  	s3 =	sld [smem:$0x3FFE];
	_ =	sdelay $0x1  }
0x2: {  	s1 =	srdreg.scid  }
0x3: {  	s0 =	sand.u32 $0x1, s1  }
0x4: {  	s18 =	sshll.u32 s0, $0xA;
	s2 =	sadd.s32 s3, s2  }
0x5: {  	s2 =	sadd.s32 s2, s18  }
0x6: {  	[smem:$0x3FC6] =	sst s2  }
0x7: {  	_ = 	snop  }
0x8: {  	s2 =	sld [smem:$0x3FC8];
	(tm) =	ssettm $0x1  }
0x9: {  	s19 =	sld [smem:$0x3FFB];
	_ =	sdelay $0x3  }
0xa: {  	_ =	strace s19  }
0xb: {  	s3 =	sld [smem:$0x3FFC];
	_ =	sdelay $0x3  }
0xc: {  	_ =	strace s3  }
0xd: {  	s3 =	sld [smem:$0x3FFD];
	_ =	sdelay $0x3  }
0xe: {  	_ =	strace s3  }
0xf: {  	_ =	strace $0x8FFFFFFF  }
0x10: {  	s20 =	sld [smem:$0x3FDB];
	_ =	sdelay $0x1  }
0x11: {  	s4 =	simm.s32 $_scs_section_size  }
0x12: {  	s5 =	simm.s32 $_size__tile_overlayer_lowered;
	s6 =	simm.s32 $_tile_overlayer_lowered  }
0x13: {  	s23 =	simm.s32 $0x1BFF;
	s22 =	sshll.u32 s6, $0x1;
	s3 =	sadd.s32 s4, s20  }
0x14: {  	s7 =	simm.s32 $0x0;
	s21 =	sshll.u32 s5, $0x1;
	s5 =	sadd.s32 s22, s3  }
0x15: {  	[timem:s7], [sflag:s23] =	dma.local [hbm:s5], s21  }
0x16: {  	_ =	swait.ge [sflag:s23], s21  }
0x17: {  	s4 =	ssub.s32 $0x0, s21;
	[sflag:s23] =	ssyncset.done $0x0  }
0x18: {  	[sflag:s23] =	ssyncadd.s32 s4;
	_ =	sdelay $0x1  }
0x19: {  	s24 =	simm.s32 $0x1B8B  }
0x1a: {  	_ =	swait.ge [sflag:s24], $0x1  }
0x1b: {  	[sflag:s24] =	ssyncset.done $0x0  }
0x1c: {  	s26 =	simm.s32 $0x1B8E;
	s25 =	sld [smem:$0x3FFE];
	[sflag:s24] =	ssyncadd.s32 $0xFFFFFFFF  }
0x1d: {  	s27 =	simm.s32 $execute0_lowered;
	[smem:$0x3FD2] =	sst s26  }
0x1e: {  	s5 =	sshll.u32 s27, $0x1;
	_ =	strace $0x80000046;
	[dreg:$0x1] =	wrdreg $0xFFFFFFFF  }
0x1f: {  	s28 =	simm.s32 $_size_execute0_lowered;
	s3 =	sadd.s32 s3, s5;
	[dreg:$0x0] =	wrdreg $0x0  }
0x20: {  	s5 =	sshll.u32 s28, $0x1;
	[dreg:$0x2] =	wrdreg s3  }
0x21: {  	[dreg:$0x3] =	wrdreg s5  }
0x22: {  	[dreg:$0x4] =	wrdreg $0xC0  }
0x23: {  	_ =	task [dreg:s7], $0x5FFFF  }
0x24: {  	[dreg:$0x1] =	wrdreg $0xFFFFFFFF  }
0x25: {  	[dreg:$0x0] =	wrdreg $0x60  }
0x26: {  	[dreg:$0x2] =	wrdreg s2  }
0x27: {  	[dreg:$0x3] =	wrdreg s25  }
0x28: {  	[dreg:$0x4] =	wrdreg $0x9  }
0x29: {  	_ =	task.clear_ibuf [dreg:s7], $0x5FFFF;
	_ =	strace $0x90000046  }
0x2a: {  	s29 =	simm.s32 $0x9;
	_ =	strace $0x80000048  }
0x2b: {  	_ =	swait.ge [sflag:s29], $0x1  }
0x2c: {  	[sflag:s29] =	ssyncadd.s32 $0xFFFFFFFF  }
0x2d: {  	_ =	strace $0x90000048  }
0x2e: {  	_ =	sfence  }
0x2f: {  	s30 =	sld [smem:$0x0];
	_ =	sdelay $0x2  }
0x30: {  	s31 =	sshll.u32 s1, $0xD;
	s1 =	sshrl.u32 s1, $0x2  }
0x31: {  	s3 =	sand.u32 $0x4000, s31;
	s1 =	sadd.s32 s1, s30  }
0x32: {  	s0 =	sor.u32 s3, s0;
	s1 =	sshll.u32 s1, $0x11  }
0x33: {  	s0 =	sor.u32 s1, s0  }
0x34: {  	s0 =	sadd.s32 $0x8F2B, s0  }
0x35: {  	[sflag:s0] =	ssyncadd.remote.s32 $0x1  }
0x36: {  	_ =	sfence.sel $0xFFFF  }
0x37: {  	[dreg:$0x0] =	wrdreg $0xFFFFFFFF;
	(pc) =	sbr.abs _section_cstart, $3  }
0x38: {  	[dreg:$0x1] =	wrdreg $0xFFFFFFFF  }
0x39: {  	_ =	task.clear_ibuf [dreg:s7], $0x2FFFF;
	_ =	strace $0x9FFFFFFF  }
0x3a: {  	(tm) =	ssettm $0x7FFFFFFF  }
0x3b: {  	_ =	shalt  }
tec
execute0_lowered:
.L_overlay_start_1:
0x0: {  	(tag) =	ssettag $0x1  }
0x1: {  	s0 =	srdreg.scid;
	s2 =	rddreg [dreg:$0x0]  }
0x2: {  	s5 =	rddreg [dreg:$0x1];
	s1 =	stileid.u32  }
0x3: {  	s4 =	simm.s32 $0x1;
	s6 =	simm.s32 $0x2;
	s15 =	simm.s32 $0x0  }
0x4: {  	p0 =	por $0x0, $0x0;
	s8 =	simm.s32 $0x80;
	s0 =	sshll.u32 s0, $0x4  }
0x5: {  	s14 =	simm.s32 $0x0;
	s9 =	simm.s32 $0x0;
	s3 =	sand.u32 $0x10, s0  }
.Ltmp0:
0x6: {  	s10 =	simm.s32 $0x0;
	s3 =	sor.u32 s1, s3;
	(pc) =	sbr.rel .LBB1_1-.Ltmp0, $4  }
0x7: {  	s0 =	rddreg [dreg:$0x2];
	_ =	strace $0x80000047;
	s3 =	sshll.u32 s3, $0x7  }
0x8: {  	s12 =	simm.s32 $0x0;
	[sflag:s4] =	ssyncpa.u1 $0x0;
	s7 =	ssub.s32 $0xF4200, s3  }
0x9: {  	s13 =	simm.s32 $0x0;
	[sflag:s6] =	ssyncpa.u1 $0x0;
	s6 =	sshrl.u32 s7, $0xC  }
0xa: {  	s5 =	sadd.s32 $0xE00, s5;
	s11 =	smov.u32 s3;
	s7 =	sadd.s32 $0x2, s6  }
.LBB1_5:
0xb: {  	p1 =	slt.u32 s13, $0x2  }
0xc: {  	s17 =	smov.u32 s15;
	p2 =	sgt.s32 @!p1 s15, $0xF41C0;
	s16 =	sshra.s32 @!p1 s15, $0x1F  }
0xd: {  	p3 =	sgt.s32 @!p1 s14, $0x60;
	s18 =	sshra.s32 @!p1 s14, $0x1F;
	p2 =	por !p2, p1  }
0xe: {  	s15 =	sand.u32 @!p1 s16, s15;
	p3 =	por !p3, p1;
	s16 =	smov.u32 s14  }
0xf: {  	s14 =	sand.u32 @!p1 s18, s14;
	s17 =	simm.s32 @p2 $0xF41C0;
	s16 =	simm.s32 @p3 $0x60  }
0x10: {  	s15 =	ssub.s32 @!p1 s17, s15;
	s14 =	ssub.s32 @!p1 s16, s14  }
0x11: {  	s18 =	smov.u32 s12;
	s16 =	sadd.s32 @!p1 $0xFFF0BE40, s15;
	s17 =	sadd.s32 @!p1 $0xFFFFFFA0, s14  }
0x12: {  	s15 =	ssub.s32 @!p1 $0xF4240, s15;
	p2 =	sgt.s32 @!p1 s16, $0x7F;
	p3 =	sgt.s32 @!p1 s17, $0x1F  }
0x13: {  	s14 =	ssub.s32 @!p1 $0x80, s14;
	p2 =	por !p2, p1;
	p3 =	por !p3, p1  }
0x14: {  	s16 =	sadd.s32 $0x1000, s11;
	s15 =	simm.s32 @!p2 $0x0;
	s14 =	simm.s32 @!p3 $0x0  }
0x15: {  	p2 =	sgt.s32 s16, $0xF423F;
	s14 =	smul.u32 @!p1 s14, s15;
	s15 =	sadd.s32 $0x20, s12  }
0x16: {  	s18 =	smov.u32 @p2 s15  }
0x17: {  	s16 =	smov.u32 @p2 s3;
	p2 =	sgt.s32 s18, $0x1F  }
0x18: {  	s18 =	simm.s32 @p2 $0x0;
	p2 =	sne.s32 s13, s7  }
.Ltmp1:
0x19: {  	p0 =	por !p0, !p0;
	s17 =	simm.s32 @!p1 $0x2;
	(pc) =	sbr.rel @!p2 .LBB1_6-.Ltmp1, $4  }
0x1a: {  	s15 =	smov.u32 s9;
	s9 =	smov.u32 s11;
	s14 =	sand.u32 @!p1 $0x3FFFFFFF, s14  }
0x1b: {  	s11 =	smov.u32 s16;
	_ =	swait.ge @!p1 [sflag:s17], s14;
	s19 =	ssub.s32 @!p1 $0x0, s14  }
0x1c: {  	s14 =	smov.u32 s10;
	s13 =	sadd.s32 $0x1, s13;
	[sflag:s17] =	ssyncset.done @!p1 $0x0  }
0x1d: {  	s10 =	smov.u32 s12;
	s12 =	smov.u32 s18;
	[sflag:s17] =	ssyncadd.s32 @!p1 s19  }
.LBB1_1:
0x1e: {  	p1 =	sgt.u32 s13, s6  }
0x1f: {  	s16 =	sshrl.u32 @!p1 s12, $0x3  }
0x20: {  	s17 =	sshll.u32 @!p1 s11, $0x3;
	s16 =	smul.u32 @!p1 $0x7A1400, s16  }
0x21: {  	s18 =	sshll.u32 @!p1 s12, $0x7;
	s17 =	sand.u32 @!p1 $0xFFFFFC00, s17  }
0x22: {  	s16 =	sadd.s32 @!p1 s16, s17;
	s17 =	sand.u32 @!p1 $0x380, s18  }
0x23: {  	s18 =	sand.u32 @!p1 $0x7F, s11;
	s16 =	sor.u32 @!p1 s17, s16  }
0x24: {  	s17 =	sor.u32 @!p1 s18, s16  }
0x25: {  	s18 =	smulhi.u32 @!p1 $0x218D6287, s17;
	_ =	sdelay $0x1  }
0x26: {  	s16 =	smulhi.u32 @!p1 $0x218D6287, s16;
	s18 =	sshrl.u32 @!p1 s18, $0x11  }
0x27: {  	s18 =	smul.u32 @!p1 $0xF4280, s18  }
0x28: {  	s19 =	sxor.u32 @!p1 $0xFFFFFFFF, s13;
	s16 =	sshrl.u32 @!p1 s16, $0x11  }
0x29: {  	s19 =	sshll.u32 @!p1 s19, $0xC;
	s16 =	sand.u32 @!p1 $0x1F, s16;
	s17 =	ssub.s32 @!p1 s17, s18  }
0x2a: {  	s16 =	smul.u32 @!p1 $0x1E850, s16;
	s18 =	sshrl.u32 @!p1 s17, $0x3;
	s17 =	sand.u32 @!p1 $0x7, s17  }
0x2b: {  	s19 =	sand.u32 @!p1 $0x1000, s19;
	s18 =	sadd.s32 @!p1 s2, s18;
	s17 =	sshll.u32 @!p1 s17, $0x12  }
0x2c: {  	s16 =	sadd.s32 @!p1 s16, s18;
	s17 =	sor.u32 @!p1 $0x400, s17;
	s18 =	simm.s32 @!p1 $0x7A1400  }
0x2d: {  	[tilespmem:s19], [sflag:$0x1] =	stream.strided.gather @!p1 [hbm4b:s16+s17], $0x1000, s18, s17, $0x38;
	[tilespmem:$0x4100] =	vst v63  }
0x2e: {  	p1 =	seq.s32 s13, $0x0  }
0x2f: {  	p2 =	sge.u32 @!p1 s13, s7  }
0x30: {  	p1 =	por p1, p2  }
.Ltmp2:
0x31: {  	_ = 	snop;
	(pc) =	sbr.rel @p1 .LBB1_5-.Ltmp2, $1  }
0x32: {  	_ =	sdelay $0x3  }
0x33: {  	s16 =	simm.s32 $0x1  }
0x34: {  	_ =	swait.ge [sflag:s4], $0x1000;
	s16 =	simm.s32 @!p0 $0x0  }
0x35: {  	[sflag:s4] =	ssyncset.done $0x0;
	s17 =	sshll.u32 s16, $0xC  }
0x36: {  	[sflag:s4] =	ssyncadd.s32 $0xFFFFF000;
	s17 =	sor.u32 $0x40, s17  }
0x37: {  	s16 =	smul.u32 $0x4200, s16;
	v0 =	vld [tilespmem:s17+$0x30]  }
0x38: {  	v1 =	vld [tilespmem:s17+$0xFFFFFFD0]  }
0x39: {  	s16 =	sshrl.u32 s16, $0x2;
	v5 =	vld [tilespmem:s17+$0xFFFFFFE0]  }
0x3a: {  	v6 =	vld [tilespmem:s17+$0xFFFFFFF0];
	s19 =	sor.u32 $0x2000, s16  }
0x3b: {  	s31 =	sand.u32 $0x1, s13;
	v4 =	vld [tilespmem:s17+$0x0];
	s18 =	sadd.s32 $0x0, s19  }
0x3c: {  	v3 =	vld [tilespmem:s17+$0x10];
	s16 =	smul.u32 $0x4200, s31;
	[tilespmem:s18+$0xE70 ss:$0x21] =	vst.msk $0xffff, v0  }
0x3d: {  	v2 =	vld [tilespmem:s17+$0x20];
	[tilespmem:s18+$0x210 ss:$0x21] =	vst.msk $0xffff, v1  }
0x3e: {  	s16 =	sshrl.u32 s16, $0x2;
	v1 =	vld [tilespmem:s17+$0xFFFFFFC0];
	[tilespmem:s18+$0x420 ss:$0x21] =	vst.msk $0xffff, v5;
	s17 =	sadd.s32 $0x80, s17  }
0x3f: {  	s20 =	simm.s32 $0x4;
	s21 =	simm.s32 $0x8;
	s16 =	sor.u32 $0x2000, s16;
	[tilespmem:s18+$0x630 ss:$0x21] =	vst.msk $0xffff, v6;
	v0 =	vld [tilespmem:s17+$0x30]  }
.LBB1_3:
0x40: {  	p1 =	sne.s32 s21, $0x7C;
	v5 =	vld [tilespmem:s17+$0xFFFFFFD0];
	[tilespmem:s18+$0x840 ss:$0x21] =	vst.msk $0xffff, v4  }
0x41: {  	v6 =	vld [tilespmem:s17+$0xFFFFFFE0];
	[tilespmem:s18+$0xA50 ss:$0x21] =	vst.msk $0xffff, v3  }
0x42: {  	s22 =	sshra.s32 s20, $0x2;
	s20 =	smov.u32 s21;
	v7 =	vld [tilespmem:s17+$0xFFFFFFF0];
	[tilespmem:s18+$0xC60 ss:$0x21] =	vst.msk $0xffff, v2  }
.Ltmp3:
0x43: {  	v4 =	vld [tilespmem:s17+$0x0];
	[tilespmem:s18+$0x0 ss:$0x21] =	vst.msk $0xffff, v1;
	s18 =	sadd.s32 s22, s19;
	(pc) =	sbr.rel @p1 .LBB1_3-.Ltmp3, $4  }
0x44: {  	v3 =	vld [tilespmem:s17+$0x10];
	[tilespmem:s18+$0xE70 ss:$0x21] =	vst.msk $0xffff, v0  }
0x45: {  	[tilespmem:s18+$0x210 ss:$0x21] =	vst.msk $0xffff, v5;
	v2 =	vld [tilespmem:s17+$0x20]  }
0x46: {  	v1 =	vld [tilespmem:s17+$0xFFFFFFC0];
	[tilespmem:s18+$0x420 ss:$0x21] =	vst.msk $0xffff, v6;
	s17 =	sadd.s32 $0x80, s17  }
0x47: {  	s21 =	sadd.s32 $0x4, s21;
	v0 =	vld [tilespmem:s17+$0x30];
	[tilespmem:s18+$0x630 ss:$0x21] =	vst.msk $0xffff, v7  }
0x48: {  	s21 =	sshll.u32 s9, $0x7;
	s22 =	sshll.u32 s10, $0x3;
	s20 =	sshra.s32 s20, $0x2  }
0x49: {  	p1 =	sgt.s32 s9, $0xF41C0;
	s30 =	sshra.s32 s9, $0x1F;
	s25 =	sshra.s32 s10, $0x1F  }
0x4a: {  	v5 =	vld [tilespmem:s17+$0xFFFFFFD0];
	s28 =	sshrl.u32 s10, $0x3;
	s23 =	sand.u32 $0xFFFFFC00, s21;
	s22 =	sand.u32 $0xFFFFFC00, s22  }
0x4b: {  	[tilespmem:s18+$0x840 ss:$0x21] =	vst.msk $0xffff, v4;
	v58 =	vld [tilespmem:s17+$0xFFFFFFE0];
	s21 =	sand.u32 $0x380, s21;
	s19 =	sadd.s32 s20, s19;
	s22 =	sadd.s32 s22, s23  }
0x4c: {  	v59 =	vld [tilespmem:s17+$0xFFFFFFF0];
	[tilespmem:s18+$0xA50 ss:$0x21] =	vst.msk $0xffff, v3;
	s29 =	sor.u32 s21, s22;
	s21 =	smov.u32 s9;
	s22 =	sand.u32 s30, s9  }
0x4d: {  	v60 =	vld [tilespmem:s17+$0x0];
	[tilespmem:s18+$0xC60 ss:$0x21] =	vst.msk $0xffff, v2;
	s30 =	sand.u32 $0x7, s10;
	s20 =	sshrl.u32 s29, $0x7;
	s21 =	simm.s32 @!p1 $0xF41C0  }
0x4e: {  	v61 =	vld [tilespmem:s17+$0x10];
	[tilespmem:s18+$0x0 ss:$0x21] =	vst.msk $0xffff, v1;
	p1 =	sgt.s32 s10, $0x60;
	s24 =	ssub.s32 s21, s22;
	s21 =	smov.u32 s10  }
0x4f: {  	v62 =	vld [tilespmem:s17+$0x20];
	[tilespmem:s19+$0xE70 ss:$0x21] =	vst.msk $0xffff, v0;
	s31 =	smulhi.u32 $0x218DEF5, s20;
	s22 =	sand.u32 s25, s10;
	s21 =	simm.s32 @!p1 $0x60  }
0x50: {  	v63 =	vld [tilespmem:s17+$0xFFFFFFC0];
	[tilespmem:s19+$0x210 ss:$0x21] =	vst.msk $0xffff, v5;
	s26 =	sadd.s32 $0xFFF0BE40, s24;
	s17 =	ssub.s32 $0xF4240, s24;
	s21 =	ssub.s32 s21, s22  }
0x51: {  	[tilespmem:s19+$0x420 ss:$0x21] =	vst.msk $0xffff, v58;
	s23 =	sshrl.u32 s31, $0xD;
	p1 =	sgt.s32 s26, $0x7F;
	s27 =	sadd.s32 $0xFFFFFFA0, s21  }
0x52: {  	[tilespmem:s19+$0x630 ss:$0x21] =	vst.msk $0xffff, v59;
	s23 =	smul.u32 $0xF4240, s23;
	s18 =	ssub.s32 $0x80, s21;
	p2 =	sgt.s32 s27, $0x1F  }
.Ltmp4:
0x53: {  	[tilespmem:s19+$0x840 ss:$0x21] =	vst.msk $0xffff, v60;
	s17 =	simm.s32 @p1 $0x0;
	s18 =	simm.s32 @p2 $0x0;
	(pc) =	sbr.rel .LBB1_5-.Ltmp4, $4  }
0x54: {  	s29 =	sand.u32 $0xF, s28;
	[tilespmem:s19+$0xA50 ss:$0x21] =	vst.msk $0xffff, v61;
	s20 =	ssub.s32 s20, s23;
	s17 =	smul.u32 s18, s17  }
0x55: {  	[tilespmem:s19+$0xC60 ss:$0x21] =	vst.msk $0xffff, v62;
	s21 =	sshll.u32 s30, $0x12;
	s20 =	sshll.u32 s20, $0x4;
	s18 =	sadd.s32 s5, s29  }
0x56: {  	[tilespmem:s19+$0x0 ss:$0x21] =	vst.msk $0xffff, v63;
	s31 =	sor.u32 $0x20, s21;
	s18 =	sadd.s32 s20, s18;
	s17 =	sand.u32 $0x3FFFFFFF, s17  }
0x57: {  	[hbm4b:s18+s31] =	stream.strided.scatter [tilespmem:s16], [sflag:$0x2], s17, s8, s31, $0x10;
	[tilespmem:$0x4100] =	vst v63  }
.LBB1_6:
0x58: {  	_ =	sfence.sel $0x180000  }
0x59: {  	s2 =	simm.s32 $0x1;
	[bflag:$0x0] =	sbarrier.arrive $0xFFFF  }
0x5a: {  	s31 =	simm.s32 $0x2;
	[sflag:s2] =	ssyncpa.u1 $0x1  }
0x5b: {  	[sflag:s31] =	ssyncpa.u1 $0x1  }
0x5c: {  	p0 =	sne.s32 s1, $0x0;
	_ =	strace $0x90000047  }
0x5d: {  	s0 =	sadd.s32 @!p0 $0x100000, s0;
	[bflag:$0x2] =	sbarrier.arrive $0xFFFF  }
0x5e: {  	[sflag:s0] =	ssyncadd.tile.s32 @!p0 $0x1;
	_ =	shalt  }
.Lfunc_end1:
_tile_overlayer_lowered:
.L_overlay_start_2:
0x5f: {  	(tag) =	ssettag $0x2  }
0x60: {  	s0 =	rddreg [dreg:$0x0];
	s2 =	stileid.u32  }
0x61: {  	s1 =	rddreg [dreg:$0x1];
	p0 =	sne.s32 s2, $0x0  }
0x62: {  	s3 =	rddreg [dreg:$0x2];
	[bflag:$0x3] =	sbarrier.arrive $0xFFFF;
	s2 =	simm.s32 @!p0 $0x1C01  }
0x63: {  	[timem:s3], [sflag:s2] =	dma.local @!p0 [hbm:s0], s1  }
0x64: {  	s0 =	simm.s32 @!p0 $0x1  }
0x65: {  	_ =	swait.ge @!p0 [sflag:s0], s1  }
0x66: {  	s1 =	ssub.s32 @!p0 $0x0, s1;
	[sflag:s0] =	ssyncset.done @!p0 $0x0  }
0x67: {  	[sflag:s0] =	ssyncadd.s32 @!p0 s1  }
0x68: {  	[bflag:$0x3] =	sbarrier.arrive $0xFFFF  }
0x69: {  	_ =	shalt  }

</sc_bundles>
